<compile_context>
chip_gen: v7x
topology: tpu7x:2x2x1
jax: 0.10.2.dev20260603
libtpu: 0.0.44.dev20260713+nightly
codegen_flags: <defaults>
</compile_context>

<pallas_src>
import functools

import jax
import jax.numpy as jnp
from jax import lax
from jax.experimental import pallas as pl
from jax.experimental.pallas import tpu as pltpu
from jax.experimental.pallas import tpu_sc as plsc

NC = 2
NS = 16
L = 16
NW = NC * NS
CW = 512
MCAP = 3072
RING = 64


def kernel(target_nodes, context_nodes, embeddings, context_embeddings):
    B = target_nodes.shape[0]
    N, D = embeddings.shape
    NT = (N + 127) // 128
    RMAX0 = ((N + 127) // 128) * 128 - CW
    BPW = B // NW

    mesh = plsc.VectorSubcoreMesh(core_axis_name="c", subcore_axis_name="s")

    @functools.partial(
        pl.kernel,
        mesh=mesh,
        compiler_params=pltpu.CompilerParams(needs_layout_passes=False),
        out_type=jax.ShapeDtypeStruct((B, 2 * D), jnp.float32),
        scratch_types=[
            pltpu.VMEM((B,), jnp.int32),
            pltpu.VMEM((B,), jnp.int32),
            pltpu.VMEM((MCAP,), jnp.int32),
            pltpu.VMEM((MCAP,), jnp.int32),
            pltpu.VMEM((MCAP,), jnp.int32),
            pltpu.VMEM((MCAP,), jnp.int32),
            pltpu.VMEM((2, D, CW), jnp.float32),
            pltpu.VMEM((RING * D,), jnp.float32),
            pltpu.SemaphoreType.DMA,
            pltpu.SemaphoreType.DMA,
            pltpu.SemaphoreType.DMA,
        ],
    )
    def gather_kernel(tgt_hbm, ctx_hbm, embt_hbm, cembt_hbm, stag_hbm,
                      tval_v, cval_v, mr0_v, me0_v, mr1_v, me1_v, win, ring,
                      sem0, sem1, ssem):
        wid = lax.axis_index("s") * NC + lax.axis_index("c")
        t_lo = (wid * NT) // NW
        t_hi = ((wid + 1) * NT) // NW
        lo_abs = t_lo * 128
        hi_abs = jnp.minimum(t_hi * 128, N)
        nch = (hi_abs - lo_abs + CW - 1) // CW

        iot = lax.iota(jnp.int32, L)

        def start_win(tab_hbm, cc, p):
            r0c = pl.multiple_of(
                jnp.minimum(lo_abs + cc * CW, RMAX0), 128)
            for q in range(D // 8):
                src = tab_hbm.at[pl.ds(q * 8, 8), pl.ds(r0c, CW)]

                @pl.when(p == 0)
                def _():
                    pltpu.async_copy(src, win.at[0, pl.ds(q * 8, 8),
                                                 pl.ds(0, CW)], sem0)

                @pl.when(p == 1)
                def _():
                    pltpu.async_copy(src, win.at[1, pl.ds(q * 8, 8),
                                                 pl.ds(0, CW)], sem1)

        start_win(embt_hbm, 0, 0)

        pltpu.sync_copy(tgt_hbm, tval_v)
        pltpu.sync_copy(ctx_hbm, cval_v)

        def mk_scan(val_v, mr_v, me_v):
            def scan_body(g, cur):
                v = val_v[pl.ds(g * L, L)]
                pos = g * L + iot
                m = (v >= lo_abs) & (v < hi_abs)
                plsc.store_compressed(mr_v.at[pl.ds(cur, L)], v, mask=m)
                plsc.store_compressed(me_v.at[pl.ds(cur, L)], pos, mask=m)
                return cur + plsc.all_reduce_population_count(m)[0]
            return scan_body

        cnt_t = lax.fori_loop(0, B // L, mk_scan(tval_v, mr0_v, me0_v), 0)
        cnt_c = lax.fori_loop(0, B // L, mk_scan(cval_v, mr1_v, me1_v), 0)

        def run_pass(tab_hbm, mr_v, me_v, cnt, colbase, mc0):
            mg = (cnt + L - 1) // L

            def chunk_body(cc, mc):
                p = cc % 2
                chunk_lo = lo_abs + cc * CW
                chunk_hi = jnp.minimum(chunk_lo + CW, hi_abs)
                r0c = jnp.minimum(chunk_lo, RMAX0)

                @pl.when(cc + 1 < nch)
                def _():
                    start_win(tab_hbm, cc + 1, 1 - p)

                @pl.when(p == 0)
                def _():
                    pltpu.make_async_copy(
                        tab_hbm.at[pl.ds(0, D), pl.ds(0, CW)],
                        win.at[0], sem0).wait()

                @pl.when(p == 1)
                def _():
                    pltpu.make_async_copy(
                        tab_hbm.at[pl.ds(0, D), pl.ds(0, CW)],
                        win.at[1], sem1).wait()

                psplat = jnp.full((L,), p, jnp.int32)

                def grp_body(m, mc):
                    mr = mr_v[pl.ds(m * L, L)]
                    me = me_v[pl.ds(m * L, L)]
                    valid = iot < (cnt - m * L)
                    inch = (mr >= chunk_lo) & (mr < chunk_hi) & valid
                    ranks = plsc.cumsum(inch.astype(jnp.int32))
                    slots = (mc + ranks - 1) % RING

                    def ext_cond(carry):
                        mask, _ = carry
                        return plsc.all_reduce_population_count(mask)[0] > 0

                    def ext_body(carry):
                        mask, mcc = carry
                        k = plsc.all_reduce_ffs(mask)[0]
                        ksp = jnp.full((L,), k, jnp.int32)
                        r_k = jnp.take(mr, ksp)[0]
                        e_k = jnp.take(me, ksp)[0]
                        slot = jnp.take(slots, ksp)[0]
                        col = r_k - r0c
                        csp = jnp.full((L,), col, jnp.int32)
                        for j in range(D // L):
                            g = plsc.load_gather(
                                win, [psplat, iot + j * L, csp])
                            ring[pl.ds(slot * D + j * L, L)] = g

                        @pl.when(mcc >= RING)
                        def _():
                            pltpu.make_async_copy(
                                stag_hbm.at[0, pl.ds(0, D)],
                                ring.at[pl.ds(0, D)], ssem).wait()

                        pltpu.async_copy(
                            ring.at[pl.ds(slot * D, D)],
                            stag_hbm.at[e_k, pl.ds(colbase, D)], ssem)
                        return mask & (iot != k), mcc + 1

                    @pl.when(plsc.all_reduce_population_count(inch)[0] > 0)
                    def _():
                        lax.while_loop(ext_cond, ext_body, (inch, mc))

                    return mc + plsc.all_reduce_population_count(inch)[0]

                return lax.fori_loop(0, mg, grp_body, mc)

            return lax.fori_loop(0, nch, chunk_body, mc0)

        mc = run_pass(embt_hbm, mr0_v, me0_v, cnt_t, 0, 0)
        start_win(cembt_hbm, 0, 0)
        mc = run_pass(cembt_hbm, mr1_v, me1_v, cnt_c, D, mc)

        def fdrain(i, carry):
            @pl.when(i < jnp.minimum(mc, RING))
            def _():
                pltpu.make_async_copy(
                    stag_hbm.at[0, pl.ds(0, D)],
                    ring.at[pl.ds(0, D)], ssem).wait()
            return carry

        lax.fori_loop(0, RING, fdrain, 0)

    @functools.partial(
        pl.kernel,
        mesh=mesh,
        compiler_params=pltpu.CompilerParams(needs_layout_passes=False),
        out_type=jax.ShapeDtypeStruct((B,), jnp.float32),
        scratch_types=[
            pltpu.VMEM((BPW, 2 * D), jnp.float32),
            pltpu.VMEM((BPW,), jnp.float32),
            pltpu.SemaphoreType.DMA,
        ],
    )
    def dot_kernel(stag_hbm, out_hbm, rows_v, out_v, sem):
        wid = lax.axis_index("s") * NC + lax.axis_index("c")
        base = wid * BPW
        pltpu.async_copy(
            stag_hbm.at[pl.ds(base, BPW), pl.ds(0, 2 * D)], rows_v,
            sem).wait()
        lane = lax.iota(jnp.int32, L)

        def g_body(g, carry):
            res = jnp.zeros((L,), jnp.float32)
            for k in range(L):
                row = g * L + k
                acc = (rows_v[row, pl.ds(0, L)]
                       * rows_v[row, pl.ds(D, L)])
                for j in range(1, D // L):
                    acc = acc + (rows_v[row, pl.ds(j * L, L)]
                                 * rows_v[row, pl.ds(D + j * L, L)])
                res = jnp.where(lane == k, jnp.sum(acc), res)
            out_v[pl.ds(g * L, L)] = 1.0 / (1.0 + jnp.exp(-res))
            return carry

        lax.fori_loop(0, BPW // L, g_body, 0)
        pltpu.sync_copy(out_v, out_hbm.at[pl.ds(base, BPW)])

    staging = gather_kernel(target_nodes, context_nodes,
                            embeddings.T, context_embeddings.T)
    return dot_kernel(staging)

# --- scband reference (transcript-rebuilt; emitter-appended) ---
"""Pipeline reference for scband-transaction-graph-embedding-67284957659167 (READ-ONLY COPY).

The authoritative reference and input builder live on the scoring server;
editing this copy changes nothing except your own understanding.
"""

import jax, jax.numpy as jnp
import numpy as np

NUM_NODES = 1000000
EMBED_DIM = 64
BATCH = 16384

def setup_inputs(seed: int = 0) -> dict:
    key = jax.random.key(seed)
    k1, k2, k3, k4 = jax.random.split(key, 4)
    target_nodes = jax.random.randint(k1, (BATCH,), 0, NUM_NODES, dtype=jnp.int64 if jax.config.jax_enable_x64 else jnp.int32).astype(jnp.int32)
    context_nodes = jax.random.randint(k2, (BATCH,), 0, NUM_NODES, dtype=jnp.int64 if jax.config.jax_enable_x64 else jnp.int32).astype(jnp.int32)
    embeddings = jax.random.normal(k3, (NUM_NODES, EMBED_DIM), dtype=jnp.float32)
    context_embeddings = jax.random.normal(k4, (NUM_NODES, EMBED_DIM), dtype=jnp.float32)
    return {
        "target_nodes": target_nodes,
        "context_nodes": context_nodes,
        "embeddings": embeddings,
        "context_embeddings": context_embeddings,
    }

def reference(target_nodes, context_nodes, embeddings, context_embeddings):
    target_embeds = jnp.take(embeddings, target_nodes, axis=0)
    context_embeds = jnp.take(context_embeddings, context_nodes, axis=0)
    dot_product = jnp.sum(target_embeds * context_embeds, axis=1)
    return jax.nn.sigmoid(dot_product)

if __name__ == "__main__":
    import jax
    _d = setup_inputs()
    print(jax.jit(kernel)(*tuple(_d.values())))

</pallas_src>

<mosaic_0001>
#map = affine_map<(d0, d1) -> (0)>
#map1 = affine_map<(d0, d1) -> (0, 0)>
module attributes {stable_mosaic.version = 14 : i64} {
  func.func @gather_kernel(%arg0: i32, %arg1: i32, %arg2: memref<16384xi32, #tpu.memory_space<hbm>>, %arg3: memref<16384xi32, #tpu.memory_space<hbm>>, %arg4: memref<64x1000000xf32, #tpu.memory_space<hbm>>, %arg5: memref<64x1000000xf32, #tpu.memory_space<hbm>>, %arg6: memref<16384x128xf32, #tpu.memory_space<hbm>>, %arg7: memref<16384xi32, #tpu.memory_space<vmem>>, %arg8: memref<16384xi32, #tpu.memory_space<vmem>>, %arg9: memref<3072xi32, #tpu.memory_space<vmem>>, %arg10: memref<3072xi32, #tpu.memory_space<vmem>>, %arg11: memref<3072xi32, #tpu.memory_space<vmem>>, %arg12: memref<3072xi32, #tpu.memory_space<vmem>>, %arg13: memref<2x64x512xf32, #tpu.memory_space<vmem>>, %arg14: memref<4096xf32, #tpu.memory_space<vmem>>, %arg15: memref<!tpu.dma_semaphore, #tpu.memory_space<semaphore_mem>>, %arg16: memref<!tpu.dma_semaphore, #tpu.memory_space<semaphore_mem>>, %arg17: memref<!tpu.dma_semaphore, #tpu.memory_space<semaphore_mem>>) attributes {dimension_semantics = [#tpu.dimension_semantics<core_parallel>, #tpu.dimension_semantics<subcore_parallel>], iteration_bounds = array<i64: 2, 16>, scalar_prefetch = 0 : i64, scratch_operands = 11 : i64, tpu.core_type = #tpu.core_type<sc_vector_subcore>, window_params = [{transform_indices = #map}, {transform_indices = #map}, {transform_indices = #map1}, {transform_indices = #map1}, {transform_indices = #map1}]} {
    %mul3A = arith.constant 2 : i32
    %mul3A_0 = arith.muli %arg1, %mul3A : i32
    %add3A = arith.addi %mul3A_0, %arg0 : i32
    %mul3A_1 = arith.constant 7813 : i32
    %mul3A_2 = arith.muli %add3A, %mul3A_1 : i32
    %jit3A = arith.constant 32 : i32
    %div3A = arith.divsi %mul3A_2, %jit3A : i32
    %sign3A = arith.constant 0 : i32
    %sign3A_3 = arith.cmpi sgt, %mul3A_2, %sign3A : i32
    %sign3A_4 = arith.extui %sign3A_3 : i1 to i32
    %sign3A_5 = arith.constant 0 : i32
    %sign3A_6 = arith.cmpi slt, %mul3A_2, %sign3A_5 : i32
    %sign3A_7 = arith.extui %sign3A_6 : i1 to i32
    %sign3A_8 = arith.subi %sign3A_4, %sign3A_7 : i32
    %sign3A_9 = arith.constant 0 : i32
    %sign3A_10 = arith.cmpi sgt, %jit3A, %sign3A_9 : i32
    %sign3A_11 = arith.extui %sign3A_10 : i1 to i32
    %sign3A_12 = arith.constant 0 : i32
    %sign3A_13 = arith.cmpi slt, %jit3A, %sign3A_12 : i32
    %sign3A_14 = arith.extui %sign3A_13 : i1 to i32
    %sign3A_15 = arith.subi %sign3A_11, %sign3A_14 : i32
    %ne3A = arith.cmpi ne, %sign3A_8, %sign3A_15 : i32
    %rem3A = arith.remsi %mul3A_2, %jit3A : i32
    %ne3A_16 = arith.constant 0 : i32
    %ne3A_17 = arith.cmpi ne, %rem3A, %ne3A_16 : i32
    %and3A = arith.andi %ne3A, %ne3A_17 : i1
    %sub3A = arith.constant 1 : i32
    %sub3A_18 = arith.subi %div3A, %sub3A : i32
    %select_n3A = arith.select %and3A, %sub3A_18, %div3A : i32
    %add3A_19 = arith.constant 1 : i32
    %add3A_20 = arith.addi %add3A, %add3A_19 : i32
    %mul3A_21 = arith.constant 7813 : i32
    %mul3A_22 = arith.muli %add3A_20, %mul3A_21 : i32
    %jit3A_23 = arith.constant 32 : i32
    %div3A_24 = arith.divsi %mul3A_22, %jit3A_23 : i32
    %sign3A_25 = arith.constant 0 : i32
    %sign3A_26 = arith.cmpi sgt, %mul3A_22, %sign3A_25 : i32
    %sign3A_27 = arith.extui %sign3A_26 : i1 to i32
    %sign3A_28 = arith.constant 0 : i32
    %sign3A_29 = arith.cmpi slt, %mul3A_22, %sign3A_28 : i32
    %sign3A_30 = arith.extui %sign3A_29 : i1 to i32
    %sign3A_31 = arith.subi %sign3A_27, %sign3A_30 : i32
    %sign3A_32 = arith.constant 0 : i32
    %sign3A_33 = arith.cmpi sgt, %jit3A_23, %sign3A_32 : i32
    %sign3A_34 = arith.extui %sign3A_33 : i1 to i32
    %sign3A_35 = arith.constant 0 : i32
    %sign3A_36 = arith.cmpi slt, %jit3A_23, %sign3A_35 : i32
    %sign3A_37 = arith.extui %sign3A_36 : i1 to i32
    %sign3A_38 = arith.subi %sign3A_34, %sign3A_37 : i32
    %ne3A_39 = arith.cmpi ne, %sign3A_31, %sign3A_38 : i32
    %rem3A_40 = arith.remsi %mul3A_22, %jit3A_23 : i32
    %ne3A_41 = arith.constant 0 : i32
    %ne3A_42 = arith.cmpi ne, %rem3A_40, %ne3A_41 : i32
    %and3A_43 = arith.andi %ne3A_39, %ne3A_42 : i1
    %sub3A_44 = arith.constant 1 : i32
    %sub3A_45 = arith.subi %div3A_24, %sub3A_44 : i32
    %select_n3A_46 = arith.select %and3A_43, %sub3A_45, %div3A_24 : i32
    %mul3A_47 = arith.constant 128 : i32
    %mul3A_48 = arith.muli %select_n3A, %mul3A_47 : i32
    %mul3A_49 = arith.constant 128 : i32
    %mul3A_50 = arith.muli %select_n3A_46, %mul3A_49 : i32
    %min3A = arith.constant 1000000 : i32
    %min3A_51 = arith.minsi %mul3A_50, %min3A : i32
    %sub3A_52 = arith.subi %min3A_51, %mul3A_48 : i32
    %add3A_53 = arith.constant 512 : i32
    %add3A_54 = arith.addi %sub3A_52, %add3A_53 : i32
    %sub3A_55 = arith.constant 1 : i32
    %sub3A_56 = arith.subi %add3A_54, %sub3A_55 : i32
    %jit3A_57 = arith.constant 512 : i32
    %div3A_58 = arith.divsi %sub3A_56, %jit3A_57 : i32
    %sign3A_59 = arith.constant 0 : i32
    %sign3A_60 = arith.cmpi sgt, %sub3A_56, %sign3A_59 : i32
    %sign3A_61 = arith.extui %sign3A_60 : i1 to i32
    %sign3A_62 = arith.constant 0 : i32
    %sign3A_63 = arith.cmpi slt, %sub3A_56, %sign3A_62 : i32
    %sign3A_64 = arith.extui %sign3A_63 : i1 to i32
    %sign3A_65 = arith.subi %sign3A_61, %sign3A_64 : i32
    %sign3A_66 = arith.constant 0 : i32
    %sign3A_67 = arith.cmpi sgt, %jit3A_57, %sign3A_66 : i32
    %sign3A_68 = arith.extui %sign3A_67 : i1 to i32
    %sign3A_69 = arith.constant 0 : i32
    %sign3A_70 = arith.cmpi slt, %jit3A_57, %sign3A_69 : i32
    %sign3A_71 = arith.extui %sign3A_70 : i1 to i32
    %sign3A_72 = arith.subi %sign3A_68, %sign3A_71 : i32
    %ne3A_73 = arith.cmpi ne, %sign3A_65, %sign3A_72 : i32
    %rem3A_74 = arith.remsi %sub3A_56, %jit3A_57 : i32
    %ne3A_75 = arith.constant 0 : i32
    %ne3A_76 = arith.cmpi ne, %rem3A_74, %ne3A_75 : i32
    %and3A_77 = arith.andi %ne3A_73, %ne3A_76 : i1
    %sub3A_78 = arith.constant 1 : i32
    %sub3A_79 = arith.subi %div3A_58, %sub3A_78 : i32
    %select_n3A_80 = arith.select %and3A_77, %sub3A_79, %div3A_58 : i32
    %iota3A = tpu.iota {dimensions = array<i32: 0>} : vector<16xi32>
    %add3A_81 = arith.constant 0 : i32
    %add3A_82 = arith.addi %mul3A_48, %add3A_81 : i32
    %min3A_83 = arith.constant 999552 : i32
    %min3A_84 = arith.minsi %add3A_82, %min3A_83 : i32
    %multiple_of3A = tpu.assume_multiple %min3A_84, 128 : i32
    %dma_start3A = arith.constant 0 : i32
    %dma_start3A_85 = arith.constant 0 : i32
    %dma_start3A_86 = arith.constant 0 : i32
    %dma_start3A_87 = tpu.memref_slice %arg13[%dma_start3A, %dma_start3A_85, %dma_start3A_86] : memref<2x64x512xf32, #tpu.memory_space<vmem>> -> memref<1x8x512xf32, #tpu.memory_space<vmem>>
    %dma_start3A_88 = tpu.memref_squeeze %dma_start3A_87 : memref<1x8x512xf32, #tpu.memory_space<vmem>> -> memref<8x512xf32, #tpu.memory_space<vmem>>
    %dma_start3A_89 = arith.constant 0 : i32
    %dma_start3A_90 = tpu.memref_slice %arg4[%dma_start3A_89, %multiple_of3A] : memref<64x1000000xf32, #tpu.memory_space<hbm>> -> memref<8x512xf32, #tpu.memory_space<hbm>>
    %dma_start3A_91 = arith.constant 0 : i32
    %dma_start3A_92 = arith.constant 0 : i32
    %dma_start3A_93 = tpu.memref_slice %arg13[%dma_start3A, %dma_start3A_91, %dma_start3A_92] : memref<2x64x512xf32, #tpu.memory_space<vmem>> -> memref<1x8x512xf32, #tpu.memory_space<vmem>>
    %dma_start3A_94 = tpu.memref_squeeze %dma_start3A_93 : memref<1x8x512xf32, #tpu.memory_space<vmem>> -> memref<8x512xf32, #tpu.memory_space<vmem>>
    %dma_start3A_95 = arith.constant 0 : i32
    %dma_start3A_96 = tpu.memref_slice %arg4[%dma_start3A_95, %multiple_of3A] : memref<64x1000000xf32, #tpu.memory_space<hbm>> -> memref<8x512xf32, #tpu.memory_space<hbm>>
    tpu.enqueue_dma source(%dma_start3A_96 : memref<8x512xf32, #tpu.memory_space<hbm>>) target(%dma_start3A_94 : memref<8x512xf32, #tpu.memory_space<vmem>>) target_semaphore(%arg15 : memref<!tpu.dma_semaphore, #tpu.memory_space<semaphore_mem>>)
    %dma_start3A_97 = arith.constant 0 : i32
    %dma_start3A_98 = arith.constant 8 : i32
    %dma_start3A_99 = arith.constant 0 : i32
    %dma_start3A_100 = tpu.memref_slice %arg13[%dma_start3A_97, %dma_start3A_98, %dma_start3A_99] : memref<2x64x512xf32, #tpu.memory_space<vmem>> -> memref<1x8x512xf32, #tpu.memory_space<vmem>>
    %dma_start3A_101 = tpu.memref_squeeze %dma_start3A_100 : memref<1x8x512xf32, #tpu.memory_space<vmem>> -> memref<8x512xf32, #tpu.memory_space<vmem>>
    %dma_start3A_102 = arith.constant 8 : i32
    %dma_start3A_103 = tpu.memref_slice %arg4[%dma_start3A_102, %multiple_of3A] : memref<64x1000000xf32, #tpu.memory_space<hbm>> -> memref<8x512xf32, #tpu.memory_space<hbm>>
    %dma_start3A_104 = arith.constant 8 : i32
    %dma_start3A_105 = arith.constant 0 : i32
    %dma_start3A_106 = tpu.memref_slice %arg13[%dma_start3A_97, %dma_start3A_104, %dma_start3A_105] : memref<2x64x512xf32, #tpu.memory_space<vmem>> -> memref<1x8x512xf32, #tpu.memory_space<vmem>>
    %dma_start3A_107 = tpu.memref_squeeze %dma_start3A_106 : memref<1x8x512xf32, #tpu.memory_space<vmem>> -> memref<8x512xf32, #tpu.memory_space<vmem>>
    %dma_start3A_108 = arith.constant 8 : i32
    %dma_start3A_109 = tpu.memref_slice %arg4[%dma_start3A_108, %multiple_of3A] : memref<64x1000000xf32, #tpu.memory_space<hbm>> -> memref<8x512xf32, #tpu.memory_space<hbm>>
    tpu.enqueue_dma source(%dma_start3A_109 : memref<8x512xf32, #tpu.memory_space<hbm>>) target(%dma_start3A_107 : memref<8x512xf32, #tpu.memory_space<vmem>>) target_semaphore(%arg15 : memref<!tpu.dma_semaphore, #tpu.memory_space<semaphore_mem>>)
    %dma_start3A_110 = arith.constant 0 : i32
    %dma_start3A_111 = arith.constant 16 : i32
    %dma_start3A_112 = arith.constant 0 : i32
    %dma_start3A_113 = tpu.memref_slice %arg13[%dma_start3A_110, %dma_start3A_111, %dma_start3A_112] : memref<2x64x512xf32, #tpu.memory_space<vmem>> -> memref<1x8x512xf32, #tpu.memory_space<vmem>>
    %dma_start3A_114 = tpu.memref_squeeze %dma_start3A_113 : memref<1x8x512xf32, #tpu.memory_space<vmem>> -> memref<8x512xf32, #tpu.memory_space<vmem>>
    %dma_start3A_115 = arith.constant 16 : i32
    %dma_start3A_116 = tpu.memref_slice %arg4[%dma_start3A_115, %multiple_of3A] : memref<64x1000000xf32, #tpu.memory_space<hbm>> -> memref<8x512xf32, #tpu.memory_space<hbm>>
    %dma_start3A_117 = arith.constant 16 : i32
    %dma_start3A_118 = arith.constant 0 : i32
    %dma_start3A_119 = tpu.memref_slice %arg13[%dma_start3A_110, %dma_start3A_117, %dma_start3A_118] : memref<2x64x512xf32, #tpu.memory_space<vmem>> -> memref<1x8x512xf32, #tpu.memory_space<vmem>>
    %dma_start3A_120 = tpu.memref_squeeze %dma_start3A_119 : memref<1x8x512xf32, #tpu.memory_space<vmem>> -> memref<8x512xf32, #tpu.memory_space<vmem>>
    %dma_start3A_121 = arith.constant 16 : i32
    %dma_start3A_122 = tpu.memref_slice %arg4[%dma_start3A_121, %multiple_of3A] : memref<64x1000000xf32, #tpu.memory_space<hbm>> -> memref<8x512xf32, #tpu.memory_space<hbm>>
    tpu.enqueue_dma source(%dma_start3A_122 : memref<8x512xf32, #tpu.memory_space<hbm>>) target(%dma_start3A_120 : memref<8x512xf32, #tpu.memory_space<vmem>>) target_semaphore(%arg15 : memref<!tpu.dma_semaphore, #tpu.memory_space<semaphore_mem>>)
    %dma_start3A_123 = arith.constant 0 : i32
    %dma_start3A_124 = arith.constant 24 : i32
    %dma_start3A_125 = arith.constant 0 : i32
    %dma_start3A_126 = tpu.memref_slice %arg13[%dma_start3A_123, %dma_start3A_124, %dma_start3A_125] : memref<2x64x512xf32, #tpu.memory_space<vmem>> -> memref<1x8x512xf32, #tpu.memory_space<vmem>>
    %dma_start3A_127 = tpu.memref_squeeze %dma_start3A_126 : memref<1x8x512xf32, #tpu.memory_space<vmem>> -> memref<8x512xf32, #tpu.memory_space<vmem>>
    %dma_start3A_128 = arith.constant 24 : i32
    %dma_start3A_129 = tpu.memref_slice %arg4[%dma_start3A_128, %multiple_of3A] : memref<64x1000000xf32, #tpu.memory_space<hbm>> -> memref<8x512xf32, #tpu.memory_space<hbm>>
    %dma_start3A_130 = arith.constant 24 : i32
    %dma_start3A_131 = arith.constant 0 : i32
    %dma_start3A_132 = tpu.memref_slice %arg13[%dma_start3A_123, %dma_start3A_130, %dma_start3A_131] : memref<2x64x512xf32, #tpu.memory_space<vmem>> -> memref<1x8x512xf32, #tpu.memory_space<vmem>>
    %dma_start3A_133 = tpu.memref_squeeze %dma_start3A_132 : memref<1x8x512xf32, #tpu.memory_space<vmem>> -> memref<8x512xf32, #tpu.memory_space<vmem>>
    %dma_start3A_134 = arith.constant 24 : i32
    %dma_start3A_135 = tpu.memref_slice %arg4[%dma_start3A_134, %multiple_of3A] : memref<64x1000000xf32, #tpu.memory_space<hbm>> -> memref<8x512xf32, #tpu.memory_space<hbm>>
    tpu.enqueue_dma source(%dma_start3A_135 : memref<8x512xf32, #tpu.memory_space<hbm>>) target(%dma_start3A_133 : memref<8x512xf32, #tpu.memory_space<vmem>>) target_semaphore(%arg15 : memref<!tpu.dma_semaphore, #tpu.memory_space<semaphore_mem>>)
    %dma_start3A_136 = arith.constant 0 : i32
    %dma_start3A_137 = arith.constant 32 : i32
    %dma_start3A_138 = arith.constant 0 : i32
    %dma_start3A_139 = tpu.memref_slice %arg13[%dma_start3A_136, %dma_start3A_137, %dma_start3A_138] : memref<2x64x512xf32, #tpu.memory_space<vmem>> -> memref<1x8x512xf32, #tpu.memory_space<vmem>>
    %dma_start3A_140 = tpu.memref_squeeze %dma_start3A_139 : memref<1x8x512xf32, #tpu.memory_space<vmem>> -> memref<8x512xf32, #tpu.memory_space<vmem>>
    %dma_start3A_141 = arith.constant 32 : i32
    %dma_start3A_142 = tpu.memref_slice %arg4[%dma_start3A_141, %multiple_of3A] : memref<64x1000000xf32, #tpu.memory_space<hbm>> -> memref<8x512xf32, #tpu.memory_space<hbm>>
    %dma_start3A_143 = arith.constant 32 : i32
    %dma_start3A_144 = arith.constant 0 : i32
    %dma_start3A_145 = tpu.memref_slice %arg13[%dma_start3A_136, %dma_start3A_143, %dma_start3A_144] : memref<2x64x512xf32, #tpu.memory_space<vmem>> -> memref<1x8x512xf32, #tpu.memory_space<vmem>>
    %dma_start3A_146 = tpu.memref_squeeze %dma_start3A_145 : memref<1x8x512xf32, #tpu.memory_space<vmem>> -> memref<8x512xf32, #tpu.memory_space<vmem>>
    %dma_start3A_147 = arith.constant 32 : i32
    %dma_start3A_148 = tpu.memref_slice %arg4[%dma_start3A_147, %multiple_of3A] : memref<64x1000000xf32, #tpu.memory_space<hbm>> -> memref<8x512xf32, #tpu.memory_space<hbm>>
    tpu.enqueue_dma source(%dma_start3A_148 : memref<8x512xf32, #tpu.memory_space<hbm>>) target(%dma_start3A_146 : memref<8x512xf32, #tpu.memory_space<vmem>>) target_semaphore(%arg15 : memref<!tpu.dma_semaphore, #tpu.memory_space<semaphore_mem>>)
    %dma_start3A_149 = arith.constant 0 : i32
    %dma_start3A_150 = arith.constant 40 : i32
    %dma_start3A_151 = arith.constant 0 : i32
    %dma_start3A_152 = tpu.memref_slice %arg13[%dma_start3A_149, %dma_start3A_150, %dma_start3A_151] : memref<2x64x512xf32, #tpu.memory_space<vmem>> -> memref<1x8x512xf32, #tpu.memory_space<vmem>>
    %dma_start3A_153 = tpu.memref_squeeze %dma_start3A_152 : memref<1x8x512xf32, #tpu.memory_space<vmem>> -> memref<8x512xf32, #tpu.memory_space<vmem>>
    %dma_start3A_154 = arith.constant 40 : i32
    %dma_start3A_155 = tpu.memref_slice %arg4[%dma_start3A_154, %multiple_of3A] : memref<64x1000000xf32, #tpu.memory_space<hbm>> -> memref<8x512xf32, #tpu.memory_space<hbm>>
    %dma_start3A_156 = arith.constant 40 : i32
    %dma_start3A_157 = arith.constant 0 : i32
    %dma_start3A_158 = tpu.memref_slice %arg13[%dma_start3A_149, %dma_start3A_156, %dma_start3A_157] : memref<2x64x512xf32, #tpu.memory_space<vmem>> -> memref<1x8x512xf32, #tpu.memory_space<vmem>>
    %dma_start3A_159 = tpu.memref_squeeze %dma_start3A_158 : memref<1x8x512xf32, #tpu.memory_space<vmem>> -> memref<8x512xf32, #tpu.memory_space<vmem>>
    %dma_start3A_160 = arith.constant 40 : i32
    %dma_start3A_161 = tpu.memref_slice %arg4[%dma_start3A_160, %multiple_of3A] : memref<64x1000000xf32, #tpu.memory_space<hbm>> -> memref<8x512xf32, #tpu.memory_space<hbm>>
    tpu.enqueue_dma source(%dma_start3A_161 : memref<8x512xf32, #tpu.memory_space<hbm>>) target(%dma_start3A_159 : memref<8x512xf32, #tpu.memory_space<vmem>>) target_semaphore(%arg15 : memref<!tpu.dma_semaphore, #tpu.memory_space<semaphore_mem>>)
    %dma_start3A_162 = arith.constant 0 : i32
    %dma_start3A_163 = arith.constant 48 : i32
    %dma_start3A_164 = arith.constant 0 : i32
    %dma_start3A_165 = tpu.memref_slice %arg13[%dma_start3A_162, %dma_start3A_163, %dma_start3A_164] : memref<2x64x512xf32, #tpu.memory_space<vmem>> -> memref<1x8x512xf32, #tpu.memory_space<vmem>>
    %dma_start3A_166 = tpu.memref_squeeze %dma_start3A_165 : memref<1x8x512xf32, #tpu.memory_space<vmem>> -> memref<8x512xf32, #tpu.memory_space<vmem>>
    %dma_start3A_167 = arith.constant 48 : i32
    %dma_start3A_168 = tpu.memref_slice %arg4[%dma_start3A_167, %multiple_of3A] : memref<64x1000000xf32, #tpu.memory_space<hbm>> -> memref<8x512xf32, #tpu.memory_space<hbm>>
    %dma_start3A_169 = arith.constant 48 : i32
    %dma_start3A_170 = arith.constant 0 : i32
    %dma_start3A_171 = tpu.memref_slice %arg13[%dma_start3A_162, %dma_start3A_169, %dma_start3A_170] : memref<2x64x512xf32, #tpu.memory_space<vmem>> -> memref<1x8x512xf32, #tpu.memory_space<vmem>>
    %dma_start3A_172 = tpu.memref_squeeze %dma_start3A_171 : memref<1x8x512xf32, #tpu.memory_space<vmem>> -> memref<8x512xf32, #tpu.memory_space<vmem>>
    %dma_start3A_173 = arith.constant 48 : i32
    %dma_start3A_174 = tpu.memref_slice %arg4[%dma_start3A_173, %multiple_of3A] : memref<64x1000000xf32, #tpu.memory_space<hbm>> -> memref<8x512xf32, #tpu.memory_space<hbm>>
    tpu.enqueue_dma source(%dma_start3A_174 : memref<8x512xf32, #tpu.memory_space<hbm>>) target(%dma_start3A_172 : memref<8x512xf32, #tpu.memory_space<vmem>>) target_semaphore(%arg15 : memref<!tpu.dma_semaphore, #tpu.memory_space<semaphore_mem>>)
    %dma_start3A_175 = arith.constant 0 : i32
    %dma_start3A_176 = arith.constant 56 : i32
    %dma_start3A_177 = arith.constant 0 : i32
    %dma_start3A_178 = tpu.memref_slice %arg13[%dma_start3A_175, %dma_start3A_176, %dma_start3A_177] : memref<2x64x512xf32, #tpu.memory_space<vmem>> -> memref<1x8x512xf32, #tpu.memory_space<vmem>>
    %dma_start3A_179 = tpu.memref_squeeze %dma_start3A_178 : memref<1x8x512xf32, #tpu.memory_space<vmem>> -> memref<8x512xf32, #tpu.memory_space<vmem>>
    %dma_start3A_180 = arith.constant 56 : i32
    %dma_start3A_181 = tpu.memref_slice %arg4[%dma_start3A_180, %multiple_of3A] : memref<64x1000000xf32, #tpu.memory_space<hbm>> -> memref<8x512xf32, #tpu.memory_space<hbm>>
    %dma_start3A_182 = arith.constant 56 : i32
    %dma_start3A_183 = arith.constant 0 : i32
    %dma_start3A_184 = tpu.memref_slice %arg13[%dma_start3A_175, %dma_start3A_182, %dma_start3A_183] : memref<2x64x512xf32, #tpu.memory_space<vmem>> -> memref<1x8x512xf32, #tpu.memory_space<vmem>>
    %dma_start3A_185 = tpu.memref_squeeze %dma_start3A_184 : memref<1x8x512xf32, #tpu.memory_space<vmem>> -> memref<8x512xf32, #tpu.memory_space<vmem>>
    %dma_start3A_186 = arith.constant 56 : i32
    %dma_start3A_187 = tpu.memref_slice %arg4[%dma_start3A_186, %multiple_of3A] : memref<64x1000000xf32, #tpu.memory_space<hbm>> -> memref<8x512xf32, #tpu.memory_space<hbm>>
    tpu.enqueue_dma source(%dma_start3A_187 : memref<8x512xf32, #tpu.memory_space<hbm>>) target(%dma_start3A_185 : memref<8x512xf32, #tpu.memory_space<vmem>>) target_semaphore(%arg15 : memref<!tpu.dma_semaphore, #tpu.memory_space<semaphore_mem>>)
    "tpu.region"() ({
      %run_scoped3A = tpu.sem_alloc : memref<!tpu.dma_semaphore, #tpu.memory_space<semaphore_mem>>
      tpu.enqueue_dma source(%arg2 : memref<16384xi32, #tpu.memory_space<hbm>>) target(%arg7 : memref<16384xi32, #tpu.memory_space<vmem>>) target_semaphore(%run_scoped3A : memref<!tpu.dma_semaphore, #tpu.memory_space<semaphore_mem>>)
      tpu.wait_dma2 semaphore(%run_scoped3A : memref<!tpu.dma_semaphore, #tpu.memory_space<semaphore_mem>>) src(%arg2 : memref<16384xi32, #tpu.memory_space<hbm>>) dst(%arg7 : memref<16384xi32, #tpu.memory_space<vmem>>)
      tpu.yield
    }) : () -> ()
    "tpu.region"() ({
      %run_scoped3A = tpu.sem_alloc : memref<!tpu.dma_semaphore, #tpu.memory_space<semaphore_mem>>
      tpu.enqueue_dma source(%arg3 : memref<16384xi32, #tpu.memory_space<hbm>>) target(%arg8 : memref<16384xi32, #tpu.memory_space<vmem>>) target_semaphore(%run_scoped3A : memref<!tpu.dma_semaphore, #tpu.memory_space<semaphore_mem>>)
      tpu.wait_dma2 semaphore(%run_scoped3A : memref<!tpu.dma_semaphore, #tpu.memory_space<semaphore_mem>>) src(%arg3 : memref<16384xi32, #tpu.memory_space<hbm>>) dst(%arg8 : memref<16384xi32, #tpu.memory_space<vmem>>)
      tpu.yield
    }) : () -> ()
    %scan3A = arith.constant 0 : i32
    %scan3A_188 = arith.constant 0 : i32
    %scan3A_189 = arith.constant 1024 : i32
    %scan3A_190 = arith.addi %scan3A_188, %scan3A_189 : i32
    %scan3A_191 = arith.constant 1 : i32
    %scan3A_192 = scf.for %scan3A_394 = %scan3A_188 to %scan3A_190 step %scan3A_191 iter_args(%scan3A_395 = %scan3A) -> (i32)  : i32 {
      %mul3A_396 = arith.constant 16 : i32
      %mul3A_397 = arith.muli %scan3A_394, %mul3A_396 : i32
      %get3A = arith.index_cast %mul3A_397 : i32 to index
      %get3A_398 = tpu.vector_load %arg7[%get3A] {strides = array<i32>} : memref<16384xi32, #tpu.memory_space<vmem>>, vector<16xi32>,
      %mul3A_399 = arith.constant 16 : i32
      %mul3A_400 = arith.muli %scan3A_394, %mul3A_399 : i32
      %add3A_401 = vector.broadcast %mul3A_400 : i32 to vector<16xi32>
      %add3A_402 = arith.addi %add3A_401, %iota3A : vector<16xi32>
      %ge3A = vector.broadcast %mul3A_48 : i32 to vector<16xi32>
      %ge3A_403 = arith.cmpi sge, %get3A_398, %ge3A : vector<16xi32>
      %lt3A = vector.broadcast %min3A_51 : i32 to vector<16xi32>
      %lt3A_404 = arith.cmpi slt, %get3A_398, %lt3A : vector<16xi32>
      %and3A_405 = arith.andi %ge3A_403, %lt3A_404 : vector<16xi1>
      %swap3A = arith.index_cast %scan3A_395 : i32 to index
      %swap3A_406 = tpu.vector_load %arg9[%swap3A] masked %and3A_405 {strides = array<i32>} : memref<3072xi32, #tpu.memory_space<vmem>>, vector<16xi32>, vector<16xi1>
      tpu.vector_store %arg9[%swap3A], %get3A_398 masked %and3A_405 {strides = array<i32>} : memref<3072xi32, #tpu.memory_space<vmem>>, vector<16xi32>, vector<16xi1>
      %swap3A_407 = arith.index_cast %scan3A_395 : i32 to index
      %swap3A_408 = tpu.vector_load %arg10[%swap3A_407] masked %and3A_405 {strides = array<i32>} : memref<3072xi32, #tpu.memory_space<vmem>>, vector<16xi32>, vector<16xi1>
      tpu.vector_store %arg10[%swap3A_407], %add3A_402 masked %and3A_405 {strides = array<i32>} : memref<3072xi32, #tpu.memory_space<vmem>>, vector<16xi32>, vector<16xi1>
      %all_reduce_population_count3A = tpu.all_reduce %and3A_405 {dim = 0 : i64, kind = #tpu.reduction_kind<sum>} : vector<16xi1> -> vector<16xi32>
      %slice3A = vector.extract_strided_slice %all_reduce_population_count3A {offsets = [0], sizes = [1], strides = [1]} : vector<16xi32> to vector<1xi32>
      %squeeze3A = vector.extract %slice3A[0] : i32 from vector<1xi32>
      %add3A_409 = arith.addi %scan3A_395, %squeeze3A : i32
      scf.yield %add3A_409 : i32
    }
    %scan3A_193 = arith.constant 1024 : i32
    %scan3A_194 = arith.constant 0 : i32
    %scan3A_195 = arith.constant 0 : i32
    %scan3A_196 = arith.constant 1024 : i32
    %scan3A_197 = arith.addi %scan3A_195, %scan3A_196 : i32
    %scan3A_198 = arith.constant 1 : i32
    %scan3A_199 = scf.for %scan3A_394 = %scan3A_195 to %scan3A_197 step %scan3A_198 iter_args(%scan3A_395 = %scan3A_194) -> (i32)  : i32 {
      %mul3A_396 = arith.constant 16 : i32
      %mul3A_397 = arith.muli %scan3A_394, %mul3A_396 : i32
      %get3A = arith.index_cast %mul3A_397 : i32 to index
      %get3A_398 = tpu.vector_load %arg8[%get3A] {strides = array<i32>} : memref<16384xi32, #tpu.memory_space<vmem>>, vector<16xi32>,
      %mul3A_399 = arith.constant 16 : i32
      %mul3A_400 = arith.muli %scan3A_394, %mul3A_399 : i32
      %add3A_401 = vector.broadcast %mul3A_400 : i32 to vector<16xi32>
      %add3A_402 = arith.addi %add3A_401, %iota3A : vector<16xi32>
      %ge3A = vector.broadcast %mul3A_48 : i32 to vector<16xi32>
      %ge3A_403 = arith.cmpi sge, %get3A_398, %ge3A : vector<16xi32>
      %lt3A = vector.broadcast %min3A_51 : i32 to vector<16xi32>
      %lt3A_404 = arith.cmpi slt, %get3A_398, %lt3A : vector<16xi32>
      %and3A_405 = arith.andi %ge3A_403, %lt3A_404 : vector<16xi1>
      %swap3A = arith.index_cast %scan3A_395 : i32 to index
      %swap3A_406 = tpu.vector_load %arg11[%swap3A] masked %and3A_405 {strides = array<i32>} : memref<3072xi32, #tpu.memory_space<vmem>>, vector<16xi32>, vector<16xi1>
      tpu.vector_store %arg11[%swap3A], %get3A_398 masked %and3A_405 {strides = array<i32>} : memref<3072xi32, #tpu.memory_space<vmem>>, vector<16xi32>, vector<16xi1>
      %swap3A_407 = arith.index_cast %scan3A_395 : i32 to index
      %swap3A_408 = tpu.vector_load %arg12[%swap3A_407] masked %and3A_405 {strides = array<i32>} : memref<3072xi32, #tpu.memory_space<vmem>>, vector<16xi32>, vector<16xi1>
      tpu.vector_store %arg12[%swap3A_407], %add3A_402 masked %and3A_405 {strides = array<i32>} : memref<3072xi32, #tpu.memory_space<vmem>>, vector<16xi32>, vector<16xi1>
      %all_reduce_population_count3A = tpu.all_reduce %and3A_405 {dim = 0 : i64, kind = #tpu.reduction_kind<sum>} : vector<16xi1> -> vector<16xi32>
      %slice3A = vector.extract_strided_slice %all_reduce_population_count3A {offsets = [0], sizes = [1], strides = [1]} : vector<16xi32> to vector<1xi32>
      %squeeze3A = vector.extract %slice3A[0] : i32 from vector<1xi32>
      %add3A_409 = arith.addi %scan3A_395, %squeeze3A : i32
      scf.yield %add3A_409 : i32
    }
    %scan3A_200 = arith.constant 1024 : i32
    %add3A_201 = arith.constant 16 : i32
    %add3A_202 = arith.addi %scan3A_192, %add3A_201 : i32
    %sub3A_203 = arith.constant 1 : i32
    %sub3A_204 = arith.subi %add3A_202, %sub3A_203 : i32
    %jit3A_205 = arith.constant 16 : i32
    %div3A_206 = arith.divsi %sub3A_204, %jit3A_205 : i32
    %sign3A_207 = arith.constant 0 : i32
    %sign3A_208 = arith.cmpi sgt, %sub3A_204, %sign3A_207 : i32
    %sign3A_209 = arith.extui %sign3A_208 : i1 to i32
    %sign3A_210 = arith.constant 0 : i32
    %sign3A_211 = arith.cmpi slt, %sub3A_204, %sign3A_210 : i32
    %sign3A_212 = arith.extui %sign3A_211 : i1 to i32
    %sign3A_213 = arith.subi %sign3A_209, %sign3A_212 : i32
    %sign3A_214 = arith.constant 0 : i32
    %sign3A_215 = arith.cmpi sgt, %jit3A_205, %sign3A_214 : i32
    %sign3A_216 = arith.extui %sign3A_215 : i1 to i32
    %sign3A_217 = arith.constant 0 : i32
    %sign3A_218 = arith.cmpi slt, %jit3A_205, %sign3A_217 : i32
    %sign3A_219 = arith.extui %sign3A_218 : i1 to i32
    %sign3A_220 = arith.subi %sign3A_216, %sign3A_219 : i32
    %ne3A_221 = arith.cmpi ne, %sign3A_213, %sign3A_220 : i32
    %rem3A_222 = arith.remsi %sub3A_204, %jit3A_205 : i32
    %ne3A_223 = arith.constant 0 : i32
    %ne3A_224 = arith.cmpi ne, %rem3A_222, %ne3A_223 : i32
    %and3A_225 = arith.andi %ne3A_221, %ne3A_224 : i1
    %sub3A_226 = arith.constant 1 : i32
    %sub3A_227 = arith.subi %div3A_206, %sub3A_226 : i32
    %select_n3A_228 = arith.select %and3A_225, %sub3A_227, %div3A_206 : i32
    %while3A = arith.constant 0 : i32
    %while3A_229 = arith.constant 0 : i32
    %while3A_230 = arith.subi %select_n3A_80, %while3A : i32
    %while3A_231 = arith.addi %while3A, %while3A_230 : i32
    %while3A_232 = arith.constant 1 : i32
    %while3A_233 = arith.divsi %while3A_230, %while3A_232 : i32
    %while3A_234 = arith.muli %while3A_233, %while3A_232 : i32
    %while3A_235 = arith.addi %while3A, %while3A_234 : i32
    %while3A_236 = arith.constant 1 : i32
    %while3A_237 = scf.for %while3A_394 = %while3A to %while3A_235 step %while3A_236 iter_args(%while3A_395 = %while3A_229) -> (i32)  : i32 {
      %jit3A_396 = arith.constant 2 : i32
      %eq3A = arith.constant 0 : i32
      %eq3A_397 = arith.cmpi eq, %jit3A_396, %eq3A : i32
      %jit3A_398 = arith.constant 1 : i32
      %select_n3A_399 = arith.select %eq3A_397, %jit3A_398, %jit3A_396 : i32
      %rem3A_400 = arith.remsi %while3A_394, %select_n3A_399 : i32
      %ne3A_401 = arith.constant 0 : i32
      %ne3A_402 = arith.cmpi ne, %rem3A_400, %ne3A_401 : i32
      %lt3A = arith.constant 0 : i32
      %lt3A_403 = arith.cmpi slt, %rem3A_400, %lt3A : i32
      %lt3A_404 = arith.constant 0 : i32
      %lt3A_405 = arith.cmpi slt, %select_n3A_399, %lt3A_404 : i32
      %ne3A_406 = arith.xori %lt3A_403, %lt3A_405 : i1
      %and3A_407 = arith.andi %ne3A_406, %ne3A_402 : i1
      %add3A_408 = arith.addi %rem3A_400, %select_n3A_399 : i32
      %select_n3A_409 = arith.select %and3A_407, %add3A_408, %rem3A_400 : i32
      %mul3A_410 = arith.constant 512 : i32
      %mul3A_411 = arith.muli %while3A_394, %mul3A_410 : i32
      %add3A_412 = arith.addi %mul3A_48, %mul3A_411 : i32
      %add3A_413 = arith.constant 512 : i32
      %add3A_414 = arith.addi %add3A_412, %add3A_413 : i32
      %min3A_415 = arith.minsi %add3A_414, %min3A_51 : i32
      %min3A_416 = arith.constant 999552 : i32
      %min3A_417 = arith.minsi %add3A_412, %min3A_416 : i32
      %add3A_418 = arith.constant 1 : i32
      %add3A_419 = arith.addi %while3A_394, %add3A_418 : i32
      %lt3A_420 = arith.cmpi slt, %add3A_419, %select_n3A_80 : i32
      %convert_element_type3A = arith.extui %lt3A_420 : i1 to i32
      %cond3A = arith.constant 0 : i32
      %cond3A_421 = arith.cmpi ne, %convert_element_type3A, %cond3A : i32
      scf.if %cond3A_421 {
        %add3A_443 = arith.constant 1 : i32
        %add3A_444 = arith.addi %while3A_394, %add3A_443 : i32
        %sub3A_445 = arith.constant 1 : i32
        %sub3A_446 = arith.subi %sub3A_445, %select_n3A_409 : i32
        %mul3A_447 = arith.constant 512 : i32
        %mul3A_448 = arith.muli %add3A_444, %mul3A_447 : i32
        %add3A_449 = arith.addi %mul3A_48, %mul3A_448 : i32
        %min3A_450 = arith.constant 999552 : i32
        %min3A_451 = arith.minsi %add3A_449, %min3A_450 : i32
        %multiple_of3A_452 = tpu.assume_multiple %min3A_451, 128 : i32
        %eq3A_453 = arith.constant 0 : i32
        %eq3A_454 = arith.cmpi eq, %sub3A_446, %eq3A_453 : i32
        %convert_element_type3A_455 = arith.extui %eq3A_454 : i1 to i32
        %cond3A_456 = arith.constant 0 : i32
        %cond3A_457 = arith.cmpi ne, %convert_element_type3A_455, %cond3A_456 : i32
        scf.if %cond3A_457 {
          %dma_start3A_533 = arith.constant 0 : i32
          %dma_start3A_534 = arith.constant 0 : i32
          %dma_start3A_535 = arith.constant 0 : i32
          %dma_start3A_536 = tpu.memref_slice %arg13[%dma_start3A_533, %dma_start3A_534, %dma_start3A_535] : memref<2x64x512xf32, #tpu.memory_space<vmem>> -> memref<1x8x512xf32, #tpu.memory_space<vmem>>
          %dma_start3A_537 = tpu.memref_squeeze %dma_start3A_536 : memref<1x8x512xf32, #tpu.memory_space<vmem>> -> memref<8x512xf32, #tpu.memory_space<vmem>>
          %dma_start3A_538 = arith.constant 0 : i32
          %dma_start3A_539 = tpu.memref_slice %arg4[%dma_start3A_538, %multiple_of3A_452] : memref<64x1000000xf32, #tpu.memory_space<hbm>> -> memref<8x512xf32, #tpu.memory_space<hbm>>
          %dma_start3A_540 = arith.constant 0 : i32
          %dma_start3A_541 = arith.constant 0 : i32
          %dma_start3A_542 = tpu.memref_slice %arg13[%dma_start3A_533, %dma_start3A_540, %dma_start3A_541] : memref<2x64x512xf32, #tpu.memory_space<vmem>> -> memref<1x8x512xf32, #tpu.memory_space<vmem>>
          %dma_start3A_543 = tpu.memref_squeeze %dma_start3A_542 : memref<1x8x512xf32, #tpu.memory_space<vmem>> -> memref<8x512xf32, #tpu.memory_space<vmem>>
          %dma_start3A_544 = arith.constant 0 : i32
          %dma_start3A_545 = tpu.memref_slice %arg4[%dma_start3A_544, %multiple_of3A_452] : memref<64x1000000xf32, #tpu.memory_space<hbm>> -> memref<8x512xf32, #tpu.memory_space<hbm>>
          tpu.enqueue_dma source(%dma_start3A_545 : memref<8x512xf32, #tpu.memory_space<hbm>>) target(%dma_start3A_543 : memref<8x512xf32, #tpu.memory_space<vmem>>) target_semaphore(%arg15 : memref<!tpu.dma_semaphore, #tpu.memory_space<semaphore_mem>>)
        } else {
        }
        %eq3A_458 = arith.constant 1 : i32
        %eq3A_459 = arith.cmpi eq, %sub3A_446, %eq3A_458 : i32
        %convert_element_type3A_460 = arith.extui %eq3A_459 : i1 to i32
        %cond3A_461 = arith.constant 0 : i32
        %cond3A_462 = arith.cmpi ne, %convert_element_type3A_460, %cond3A_461 : i32
        scf.if %cond3A_462 {
          %dma_start3A_533 = arith.constant 1 : i32
          %dma_start3A_534 = arith.constant 0 : i32
          %dma_start3A_535 = arith.constant 0 : i32
          %dma_start3A_536 = tpu.memref_slice %arg13[%dma_start3A_533, %dma_start3A_534, %dma_start3A_535] : memref<2x64x512xf32, #tpu.memory_space<vmem>> -> memref<1x8x512xf32, #tpu.memory_space<vmem>>
          %dma_start3A_537 = tpu.memref_squeeze %dma_start3A_536 : memref<1x8x512xf32, #tpu.memory_space<vmem>> -> memref<8x512xf32, #tpu.memory_space<vmem>>
          %dma_start3A_538 = arith.constant 0 : i32
          %dma_start3A_539 = tpu.memref_slice %arg4[%dma_start3A_538, %multiple_of3A_452] : memref<64x1000000xf32, #tpu.memory_space<hbm>> -> memref<8x512xf32, #tpu.memory_space<hbm>>
          %dma_start3A_540 = arith.constant 0 : i32
          %dma_start3A_541 = arith.constant 0 : i32
          %dma_start3A_542 = tpu.memref_slice %arg13[%dma_start3A_533, %dma_start3A_540, %dma_start3A_541] : memref<2x64x512xf32, #tpu.memory_space<vmem>> -> memref<1x8x512xf32, #tpu.memory_space<vmem>>
          %dma_start3A_543 = tpu.memref_squeeze %dma_start3A_542 : memref<1x8x512xf32, #tpu.memory_space<vmem>> -> memref<8x512xf32, #tpu.memory_space<vmem>>
          %dma_start3A_544 = arith.constant 0 : i32
          %dma_start3A_545 = tpu.memref_slice %arg4[%dma_start3A_544, %multiple_of3A_452] : memref<64x1000000xf32, #tpu.memory_space<hbm>> -> memref<8x512xf32, #tpu.memory_space<hbm>>
          tpu.enqueue_dma source(%dma_start3A_545 : memref<8x512xf32, #tpu.memory_space<hbm>>) target(%dma_start3A_543 : memref<8x512xf32, #tpu.memory_space<vmem>>) target_semaphore(%arg16 : memref<!tpu.dma_semaphore, #tpu.memory_space<semaphore_mem>>)
        } else {
        }
        %eq3A_463 = arith.constant 0 : i32
        %eq3A_464 = arith.cmpi eq, %sub3A_446, %eq3A_463 : i32
        %convert_element_type3A_465 = arith.extui %eq3A_464 : i1 to i32
        %cond3A_466 = arith.constant 0 : i32
        %cond3A_467 = arith.cmpi ne, %convert_element_type3A_465, %cond3A_466 : i32
        scf.if %cond3A_467 {
          %dma_start3A_533 = arith.constant 0 : i32
          %dma_start3A_534 = arith.constant 8 : i32
          %dma_start3A_535 = arith.constant 0 : i32
          %dma_start3A_536 = tpu.memref_slice %arg13[%dma_start3A_533, %dma_start3A_534, %dma_start3A_535] : memref<2x64x512xf32, #tpu.memory_space<vmem>> -> memref<1x8x512xf32, #tpu.memory_space<vmem>>
          %dma_start3A_537 = tpu.memref_squeeze %dma_start3A_536 : memref<1x8x512xf32, #tpu.memory_space<vmem>> -> memref<8x512xf32, #tpu.memory_space<vmem>>
          %dma_start3A_538 = arith.constant 8 : i32
          %dma_start3A_539 = tpu.memref_slice %arg4[%dma_start3A_538, %multiple_of3A_452] : memref<64x1000000xf32, #tpu.memory_space<hbm>> -> memref<8x512xf32, #tpu.memory_space<hbm>>
          %dma_start3A_540 = arith.constant 8 : i32
          %dma_start3A_541 = arith.constant 0 : i32
          %dma_start3A_542 = tpu.memref_slice %arg13[%dma_start3A_533, %dma_start3A_540, %dma_start3A_541] : memref<2x64x512xf32, #tpu.memory_space<vmem>> -> memref<1x8x512xf32, #tpu.memory_space<vmem>>
          %dma_start3A_543 = tpu.memref_squeeze %dma_start3A_542 : memref<1x8x512xf32, #tpu.memory_space<vmem>> -> memref<8x512xf32, #tpu.memory_space<vmem>>
          %dma_start3A_544 = arith.constant 8 : i32
          %dma_start3A_545 = tpu.memref_slice %arg4[%dma_start3A_544, %multiple_of3A_452] : memref<64x1000000xf32, #tpu.memory_space<hbm>> -> memref<8x512xf32, #tpu.memory_space<hbm>>
          tpu.enqueue_dma source(%dma_start3A_545 : memref<8x512xf32, #tpu.memory_space<hbm>>) target(%dma_start3A_543 : memref<8x512xf32, #tpu.memory_space<vmem>>) target_semaphore(%arg15 : memref<!tpu.dma_semaphore, #tpu.memory_space<semaphore_mem>>)
        } else {
        }
        %eq3A_468 = arith.constant 1 : i32
        %eq3A_469 = arith.cmpi eq, %sub3A_446, %eq3A_468 : i32
        %convert_element_type3A_470 = arith.extui %eq3A_469 : i1 to i32
        %cond3A_471 = arith.constant 0 : i32
        %cond3A_472 = arith.cmpi ne, %convert_element_type3A_470, %cond3A_471 : i32
        scf.if %cond3A_472 {
          %dma_start3A_533 = arith.constant 1 : i32
          %dma_start3A_534 = arith.constant 8 : i32
          %dma_start3A_535 = arith.constant 0 : i32
          %dma_start3A_536 = tpu.memref_slice %arg13[%dma_start3A_533, %dma_start3A_534, %dma_start3A_535] : memref<2x64x512xf32, #tpu.memory_space<vmem>> -> memref<1x8x512xf32, #tpu.memory_space<vmem>>
          %dma_start3A_537 = tpu.memref_squeeze %dma_start3A_536 : memref<1x8x512xf32, #tpu.memory_space<vmem>> -> memref<8x512xf32, #tpu.memory_space<vmem>>
          %dma_start3A_538 = arith.constant 8 : i32
          %dma_start3A_539 = tpu.memref_slice %arg4[%dma_start3A_538, %multiple_of3A_452] : memref<64x1000000xf32, #tpu.memory_space<hbm>> -> memref<8x512xf32, #tpu.memory_space<hbm>>
          %dma_start3A_540 = arith.constant 8 : i32
          %dma_start3A_541 = arith.constant 0 : i32
          %dma_start3A_542 = tpu.memref_slice %arg13[%dma_start3A_533, %dma_start3A_540, %dma_start3A_541] : memref<2x64x512xf32, #tpu.memory_space<vmem>> -> memref<1x8x512xf32, #tpu.memory_space<vmem>>
          %dma_start3A_543 = tpu.memref_squeeze %dma_start3A_542 : memref<1x8x512xf32, #tpu.memory_space<vmem>> -> memref<8x512xf32, #tpu.memory_space<vmem>>
          %dma_start3A_544 = arith.constant 8 : i32
          %dma_start3A_545 = tpu.memref_slice %arg4[%dma_start3A_544, %multiple_of3A_452] : memref<64x1000000xf32, #tpu.memory_space<hbm>> -> memref<8x512xf32, #tpu.memory_space<hbm>>
          tpu.enqueue_dma source(%dma_start3A_545 : memref<8x512xf32, #tpu.memory_space<hbm>>) target(%dma_start3A_543 : memref<8x512xf32, #tpu.memory_space<vmem>>) target_semaphore(%arg16 : memref<!tpu.dma_semaphore, #tpu.memory_space<semaphore_mem>>)
        } else {
        }
        %eq3A_473 = arith.constant 0 : i32
        %eq3A_474 = arith.cmpi eq, %sub3A_446, %eq3A_473 : i32
        %convert_element_type3A_475 = arith.extui %eq3A_474 : i1 to i32
        %cond3A_476 = arith.constant 0 : i32
        %cond3A_477 = arith.cmpi ne, %convert_element_type3A_475, %cond3A_476 : i32
        scf.if %cond3A_477 {
          %dma_start3A_533 = arith.constant 0 : i32
          %dma_start3A_534 = arith.constant 16 : i32
          %dma_start3A_535 = arith.constant 0 : i32
          %dma_start3A_536 = tpu.memref_slice %arg13[%dma_start3A_533, %dma_start3A_534, %dma_start3A_535] : memref<2x64x512xf32, #tpu.memory_space<vmem>> -> memref<1x8x512xf32, #tpu.memory_space<vmem>>
          %dma_start3A_537 = tpu.memref_squeeze %dma_start3A_536 : memref<1x8x512xf32, #tpu.memory_space<vmem>> -> memref<8x512xf32, #tpu.memory_space<vmem>>
          %dma_start3A_538 = arith.constant 16 : i32
          %dma_start3A_539 = tpu.memref_slice %arg4[%dma_start3A_538, %multiple_of3A_452] : memref<64x1000000xf32, #tpu.memory_space<hbm>> -> memref<8x512xf32, #tpu.memory_space<hbm>>
          %dma_start3A_540 = arith.constant 16 : i32
          %dma_start3A_541 = arith.constant 0 : i32
          %dma_start3A_542 = tpu.memref_slice %arg13[%dma_start3A_533, %dma_start3A_540, %dma_start3A_541] : memref<2x64x512xf32, #tpu.memory_space<vmem>> -> memref<1x8x512xf32, #tpu.memory_space<vmem>>
          %dma_start3A_543 = tpu.memref_squeeze %dma_start3A_542 : memref<1x8x512xf32, #tpu.memory_space<vmem>> -> memref<8x512xf32, #tpu.memory_space<vmem>>
          %dma_start3A_544 = arith.constant 16 : i32
          %dma_start3A_545 = tpu.memref_slice %arg4[%dma_start3A_544, %multiple_of3A_452] : memref<64x1000000xf32, #tpu.memory_space<hbm>> -> memref<8x512xf32, #tpu.memory_space<hbm>>
          tpu.enqueue_dma source(%dma_start3A_545 : memref<8x512xf32, #tpu.memory_space<hbm>>) target(%dma_start3A_543 : memref<8x512xf32, #tpu.memory_space<vmem>>) target_semaphore(%arg15 : memref<!tpu.dma_semaphore, #tpu.memory_space<semaphore_mem>>)
        } else {
        }
        %eq3A_478 = arith.constant 1 : i32
        %eq3A_479 = arith.cmpi eq, %sub3A_446, %eq3A_478 : i32
        %convert_element_type3A_480 = arith.extui %eq3A_479 : i1 to i32
        %cond3A_481 = arith.constant 0 : i32
        %cond3A_482 = arith.cmpi ne, %convert_element_type3A_480, %cond3A_481 : i32
        scf.if %cond3A_482 {
          %dma_start3A_533 = arith.constant 1 : i32
          %dma_start3A_534 = arith.constant 16 : i32
          %dma_start3A_535 = arith.constant 0 : i32
          %dma_start3A_536 = tpu.memref_slice %arg13[%dma_start3A_533, %dma_start3A_534, %dma_start3A_535] : memref<2x64x512xf32, #tpu.memory_space<vmem>> -> memref<1x8x512xf32, #tpu.memory_space<vmem>>
          %dma_start3A_537 = tpu.memref_squeeze %dma_start3A_536 : memref<1x8x512xf32, #tpu.memory_space<vmem>> -> memref<8x512xf32, #tpu.memory_space<vmem>>
          %dma_start3A_538 = arith.constant 16 : i32
          %dma_start3A_539 = tpu.memref_slice %arg4[%dma_start3A_538, %multiple_of3A_452] : memref<64x1000000xf32, #tpu.memory_space<hbm>> -> memref<8x512xf32, #tpu.memory_space<hbm>>
          %dma_start3A_540 = arith.constant 16 : i32
          %dma_start3A_541 = arith.constant 0 : i32
          %dma_start3A_542 = tpu.memref_slice %arg13[%dma_start3A_533, %dma_start3A_540, %dma_start3A_541] : memref<2x64x512xf32, #tpu.memory_space<vmem>> -> memref<1x8x512xf32, #tpu.memory_space<vmem>>
          %dma_start3A_543 = tpu.memref_squeeze %dma_start3A_542 : memref<1x8x512xf32, #tpu.memory_space<vmem>> -> memref<8x512xf32, #tpu.memory_space<vmem>>
          %dma_start3A_544 = arith.constant 16 : i32
          %dma_start3A_545 = tpu.memref_slice %arg4[%dma_start3A_544, %multiple_of3A_452] : memref<64x1000000xf32, #tpu.memory_space<hbm>> -> memref<8x512xf32, #tpu.memory_space<hbm>>
          tpu.enqueue_dma source(%dma_start3A_545 : memref<8x512xf32, #tpu.memory_space<hbm>>) target(%dma_start3A_543 : memref<8x512xf32, #tpu.memory_space<vmem>>) target_semaphore(%arg16 : memref<!tpu.dma_semaphore, #tpu.memory_space<semaphore_mem>>)
        } else {
        }
        %eq3A_483 = arith.constant 0 : i32
        %eq3A_484 = arith.cmpi eq, %sub3A_446, %eq3A_483 : i32
        %convert_element_type3A_485 = arith.extui %eq3A_484 : i1 to i32
        %cond3A_486 = arith.constant 0 : i32
        %cond3A_487 = arith.cmpi ne, %convert_element_type3A_485, %cond3A_486 : i32
        scf.if %cond3A_487 {
          %dma_start3A_533 = arith.constant 0 : i32
          %dma_start3A_534 = arith.constant 24 : i32
          %dma_start3A_535 = arith.constant 0 : i32
          %dma_start3A_536 = tpu.memref_slice %arg13[%dma_start3A_533, %dma_start3A_534, %dma_start3A_535] : memref<2x64x512xf32, #tpu.memory_space<vmem>> -> memref<1x8x512xf32, #tpu.memory_space<vmem>>
          %dma_start3A_537 = tpu.memref_squeeze %dma_start3A_536 : memref<1x8x512xf32, #tpu.memory_space<vmem>> -> memref<8x512xf32, #tpu.memory_space<vmem>>
          %dma_start3A_538 = arith.constant 24 : i32
          %dma_start3A_539 = tpu.memref_slice %arg4[%dma_start3A_538, %multiple_of3A_452] : memref<64x1000000xf32, #tpu.memory_space<hbm>> -> memref<8x512xf32, #tpu.memory_space<hbm>>
          %dma_start3A_540 = arith.constant 24 : i32
          %dma_start3A_541 = arith.constant 0 : i32
          %dma_start3A_542 = tpu.memref_slice %arg13[%dma_start3A_533, %dma_start3A_540, %dma_start3A_541] : memref<2x64x512xf32, #tpu.memory_space<vmem>> -> memref<1x8x512xf32, #tpu.memory_space<vmem>>
          %dma_start3A_543 = tpu.memref_squeeze %dma_start3A_542 : memref<1x8x512xf32, #tpu.memory_space<vmem>> -> memref<8x512xf32, #tpu.memory_space<vmem>>
          %dma_start3A_544 = arith.constant 24 : i32
          %dma_start3A_545 = tpu.memref_slice %arg4[%dma_start3A_544, %multiple_of3A_452] : memref<64x1000000xf32, #tpu.memory_space<hbm>> -> memref<8x512xf32, #tpu.memory_space<hbm>>
          tpu.enqueue_dma source(%dma_start3A_545 : memref<8x512xf32, #tpu.memory_space<hbm>>) target(%dma_start3A_543 : memref<8x512xf32, #tpu.memory_space<vmem>>) target_semaphore(%arg15 : memref<!tpu.dma_semaphore, #tpu.memory_space<semaphore_mem>>)
        } else {
        }
        %eq3A_488 = arith.constant 1 : i32
        %eq3A_489 = arith.cmpi eq, %sub3A_446, %eq3A_488 : i32
        %convert_element_type3A_490 = arith.extui %eq3A_489 : i1 to i32
        %cond3A_491 = arith.constant 0 : i32
        %cond3A_492 = arith.cmpi ne, %convert_element_type3A_490, %cond3A_491 : i32
        scf.if %cond3A_492 {
          %dma_start3A_533 = arith.constant 1 : i32
          %dma_start3A_534 = arith.constant 24 : i32
          %dma_start3A_535 = arith.constant 0 : i32
          %dma_start3A_536 = tpu.memref_slice %arg13[%dma_start3A_533, %dma_start3A_534, %dma_start3A_535] : memref<2x64x512xf32, #tpu.memory_space<vmem>> -> memref<1x8x512xf32, #tpu.memory_space<vmem>>
          %dma_start3A_537 = tpu.memref_squeeze %dma_start3A_536 : memref<1x8x512xf32, #tpu.memory_space<vmem>> -> memref<8x512xf32, #tpu.memory_space<vmem>>
          %dma_start3A_538 = arith.constant 24 : i32
          %dma_start3A_539 = tpu.memref_slice %arg4[%dma_start3A_538, %multiple_of3A_452] : memref<64x1000000xf32, #tpu.memory_space<hbm>> -> memref<8x512xf32, #tpu.memory_space<hbm>>
          %dma_start3A_540 = arith.constant 24 : i32
          %dma_start3A_541 = arith.constant 0 : i32
          %dma_start3A_542 = tpu.memref_slice %arg13[%dma_start3A_533, %dma_start3A_540, %dma_start3A_541] : memref<2x64x512xf32, #tpu.memory_space<vmem>> -> memref<1x8x512xf32, #tpu.memory_space<vmem>>
          %dma_start3A_543 = tpu.memref_squeeze %dma_start3A_542 : memref<1x8x512xf32, #tpu.memory_space<vmem>> -> memref<8x512xf32, #tpu.memory_space<vmem>>
          %dma_start3A_544 = arith.constant 24 : i32
          %dma_start3A_545 = tpu.memref_slice %arg4[%dma_start3A_544, %multiple_of3A_452] : memref<64x1000000xf32, #tpu.memory_space<hbm>> -> memref<8x512xf32, #tpu.memory_space<hbm>>
          tpu.enqueue_dma source(%dma_start3A_545 : memref<8x512xf32, #tpu.memory_space<hbm>>) target(%dma_start3A_543 : memref<8x512xf32, #tpu.memory_space<vmem>>) target_semaphore(%arg16 : memref<!tpu.dma_semaphore, #tpu.memory_space<semaphore_mem>>)
        } else {
        }
        %eq3A_493 = arith.constant 0 : i32
        %eq3A_494 = arith.cmpi eq, %sub3A_446, %eq3A_493 : i32
        %convert_element_type3A_495 = arith.extui %eq3A_494 : i1 to i32
        %cond3A_496 = arith.constant 0 : i32
        %cond3A_497 = arith.cmpi ne, %convert_element_type3A_495, %cond3A_496 : i32
        scf.if %cond3A_497 {
          %dma_start3A_533 = arith.constant 0 : i32
          %dma_start3A_534 = arith.constant 32 : i32
          %dma_start3A_535 = arith.constant 0 : i32
          %dma_start3A_536 = tpu.memref_slice %arg13[%dma_start3A_533, %dma_start3A_534, %dma_start3A_535] : memref<2x64x512xf32, #tpu.memory_space<vmem>> -> memref<1x8x512xf32, #tpu.memory_space<vmem>>
          %dma_start3A_537 = tpu.memref_squeeze %dma_start3A_536 : memref<1x8x512xf32, #tpu.memory_space<vmem>> -> memref<8x512xf32, #tpu.memory_space<vmem>>
          %dma_start3A_538 = arith.constant 32 : i32
          %dma_start3A_539 = tpu.memref_slice %arg4[%dma_start3A_538, %multiple_of3A_452] : memref<64x1000000xf32, #tpu.memory_space<hbm>> -> memref<8x512xf32, #tpu.memory_space<hbm>>
          %dma_start3A_540 = arith.constant 32 : i32
          %dma_start3A_541 = arith.constant 0 : i32
          %dma_start3A_542 = tpu.memref_slice %arg13[%dma_start3A_533, %dma_start3A_540, %dma_start3A_541] : memref<2x64x512xf32, #tpu.memory_space<vmem>> -> memref<1x8x512xf32, #tpu.memory_space<vmem>>
          %dma_start3A_543 = tpu.memref_squeeze %dma_start3A_542 : memref<1x8x512xf32, #tpu.memory_space<vmem>> -> memref<8x512xf32, #tpu.memory_space<vmem>>
          %dma_start3A_544 = arith.constant 32 : i32
          %dma_start3A_545 = tpu.memref_slice %arg4[%dma_start3A_544, %multiple_of3A_452] : memref<64x1000000xf32, #tpu.memory_space<hbm>> -> memref<8x512xf32, #tpu.memory_space<hbm>>
          tpu.enqueue_dma source(%dma_start3A_545 : memref<8x512xf32, #tpu.memory_space<hbm>>) target(%dma_start3A_543 : memref<8x512xf32, #tpu.memory_space<vmem>>) target_semaphore(%arg15 : memref<!tpu.dma_semaphore, #tpu.memory_space<semaphore_mem>>)
        } else {
        }
        %eq3A_498 = arith.constant 1 : i32
        %eq3A_499 = arith.cmpi eq, %sub3A_446, %eq3A_498 : i32
        %convert_element_type3A_500 = arith.extui %eq3A_499 : i1 to i32
        %cond3A_501 = arith.constant 0 : i32
        %cond3A_502 = arith.cmpi ne, %convert_element_type3A_500, %cond3A_501 : i32
        scf.if %cond3A_502 {
          %dma_start3A_533 = arith.constant 1 : i32
          %dma_start3A_534 = arith.constant 32 : i32
          %dma_start3A_535 = arith.constant 0 : i32
          %dma_start3A_536 = tpu.memref_slice %arg13[%dma_start3A_533, %dma_start3A_534, %dma_start3A_535] : memref<2x64x512xf32, #tpu.memory_space<vmem>> -> memref<1x8x512xf32, #tpu.memory_space<vmem>>
          %dma_start3A_537 = tpu.memref_squeeze %dma_start3A_536 : memref<1x8x512xf32, #tpu.memory_space<vmem>> -> memref<8x512xf32, #tpu.memory_space<vmem>>
          %dma_start3A_538 = arith.constant 32 : i32
          %dma_start3A_539 = tpu.memref_slice %arg4[%dma_start3A_538, %multiple_of3A_452] : memref<64x1000000xf32, #tpu.memory_space<hbm>> -> memref<8x512xf32, #tpu.memory_space<hbm>>
          %dma_start3A_540 = arith.constant 32 : i32
          %dma_start3A_541 = arith.constant 0 : i32
          %dma_start3A_542 = tpu.memref_slice %arg13[%dma_start3A_533, %dma_start3A_540, %dma_start3A_541] : memref<2x64x512xf32, #tpu.memory_space<vmem>> -> memref<1x8x512xf32, #tpu.memory_space<vmem>>
          %dma_start3A_543 = tpu.memref_squeeze %dma_start3A_542 : memref<1x8x512xf32, #tpu.memory_space<vmem>> -> memref<8x512xf32, #tpu.memory_space<vmem>>
          %dma_start3A_544 = arith.constant 32 : i32
          %dma_start3A_545 = tpu.memref_slice %arg4[%dma_start3A_544, %multiple_of3A_452] : memref<64x1000000xf32, #tpu.memory_space<hbm>> -> memref<8x512xf32, #tpu.memory_space<hbm>>
          tpu.enqueue_dma source(%dma_start3A_545 : memref<8x512xf32, #tpu.memory_space<hbm>>) target(%dma_start3A_543 : memref<8x512xf32, #tpu.memory_space<vmem>>) target_semaphore(%arg16 : memref<!tpu.dma_semaphore, #tpu.memory_space<semaphore_mem>>)
        } else {
        }
        %eq3A_503 = arith.constant 0 : i32
        %eq3A_504 = arith.cmpi eq, %sub3A_446, %eq3A_503 : i32
        %convert_element_type3A_505 = arith.extui %eq3A_504 : i1 to i32
        %cond3A_506 = arith.constant 0 : i32
        %cond3A_507 = arith.cmpi ne, %convert_element_type3A_505, %cond3A_506 : i32
        scf.if %cond3A_507 {
          %dma_start3A_533 = arith.constant 0 : i32
          %dma_start3A_534 = arith.constant 40 : i32
          %dma_start3A_535 = arith.constant 0 : i32
          %dma_start3A_536 = tpu.memref_slice %arg13[%dma_start3A_533, %dma_start3A_534, %dma_start3A_535] : memref<2x64x512xf32, #tpu.memory_space<vmem>> -> memref<1x8x512xf32, #tpu.memory_space<vmem>>
          %dma_start3A_537 = tpu.memref_squeeze %dma_start3A_536 : memref<1x8x512xf32, #tpu.memory_space<vmem>> -> memref<8x512xf32, #tpu.memory_space<vmem>>
          %dma_start3A_538 = arith.constant 40 : i32
          %dma_start3A_539 = tpu.memref_slice %arg4[%dma_start3A_538, %multiple_of3A_452] : memref<64x1000000xf32, #tpu.memory_space<hbm>> -> memref<8x512xf32, #tpu.memory_space<hbm>>
          %dma_start3A_540 = arith.constant 40 : i32
          %dma_start3A_541 = arith.constant 0 : i32
          %dma_start3A_542 = tpu.memref_slice %arg13[%dma_start3A_533, %dma_start3A_540, %dma_start3A_541] : memref<2x64x512xf32, #tpu.memory_space<vmem>> -> memref<1x8x512xf32, #tpu.memory_space<vmem>>
          %dma_start3A_543 = tpu.memref_squeeze %dma_start3A_542 : memref<1x8x512xf32, #tpu.memory_space<vmem>> -> memref<8x512xf32, #tpu.memory_space<vmem>>
          %dma_start3A_544 = arith.constant 40 : i32
          %dma_start3A_545 = tpu.memref_slice %arg4[%dma_start3A_544, %multiple_of3A_452] : memref<64x1000000xf32, #tpu.memory_space<hbm>> -> memref<8x512xf32, #tpu.memory_space<hbm>>
          tpu.enqueue_dma source(%dma_start3A_545 : memref<8x512xf32, #tpu.memory_space<hbm>>) target(%dma_start3A_543 : memref<8x512xf32, #tpu.memory_space<vmem>>) target_semaphore(%arg15 : memref<!tpu.dma_semaphore, #tpu.memory_space<semaphore_mem>>)
        } else {
        }
        %eq3A_508 = arith.constant 1 : i32
        %eq3A_509 = arith.cmpi eq, %sub3A_446, %eq3A_508 : i32
        %convert_element_type3A_510 = arith.extui %eq3A_509 : i1 to i32
        %cond3A_511 = arith.constant 0 : i32
        %cond3A_512 = arith.cmpi ne, %convert_element_type3A_510, %cond3A_511 : i32
        scf.if %cond3A_512 {
          %dma_start3A_533 = arith.constant 1 : i32
          %dma_start3A_534 = arith.constant 40 : i32
          %dma_start3A_535 = arith.constant 0 : i32
          %dma_start3A_536 = tpu.memref_slice %arg13[%dma_start3A_533, %dma_start3A_534, %dma_start3A_535] : memref<2x64x512xf32, #tpu.memory_space<vmem>> -> memref<1x8x512xf32, #tpu.memory_space<vmem>>
          %dma_start3A_537 = tpu.memref_squeeze %dma_start3A_536 : memref<1x8x512xf32, #tpu.memory_space<vmem>> -> memref<8x512xf32, #tpu.memory_space<vmem>>
          %dma_start3A_538 = arith.constant 40 : i32
          %dma_start3A_539 = tpu.memref_slice %arg4[%dma_start3A_538, %multiple_of3A_452] : memref<64x1000000xf32, #tpu.memory_space<hbm>> -> memref<8x512xf32, #tpu.memory_space<hbm>>
          %dma_start3A_540 = arith.constant 40 : i32
          %dma_start3A_541 = arith.constant 0 : i32
          %dma_start3A_542 = tpu.memref_slice %arg13[%dma_start3A_533, %dma_start3A_540, %dma_start3A_541] : memref<2x64x512xf32, #tpu.memory_space<vmem>> -> memref<1x8x512xf32, #tpu.memory_space<vmem>>
          %dma_start3A_543 = tpu.memref_squeeze %dma_start3A_542 : memref<1x8x512xf32, #tpu.memory_space<vmem>> -> memref<8x512xf32, #tpu.memory_space<vmem>>
          %dma_start3A_544 = arith.constant 40 : i32
          %dma_start3A_545 = tpu.memref_slice %arg4[%dma_start3A_544, %multiple_of3A_452] : memref<64x1000000xf32, #tpu.memory_space<hbm>> -> memref<8x512xf32, #tpu.memory_space<hbm>>
          tpu.enqueue_dma source(%dma_start3A_545 : memref<8x512xf32, #tpu.memory_space<hbm>>) target(%dma_start3A_543 : memref<8x512xf32, #tpu.memory_space<vmem>>) target_semaphore(%arg16 : memref<!tpu.dma_semaphore, #tpu.memory_space<semaphore_mem>>)
        } else {
        }
        %eq3A_513 = arith.constant 0 : i32
        %eq3A_514 = arith.cmpi eq, %sub3A_446, %eq3A_513 : i32
        %convert_element_type3A_515 = arith.extui %eq3A_514 : i1 to i32
        %cond3A_516 = arith.constant 0 : i32
        %cond3A_517 = arith.cmpi ne, %convert_element_type3A_515, %cond3A_516 : i32
        scf.if %cond3A_517 {
          %dma_start3A_533 = arith.constant 0 : i32
          %dma_start3A_534 = arith.constant 48 : i32
          %dma_start3A_535 = arith.constant 0 : i32
          %dma_start3A_536 = tpu.memref_slice %arg13[%dma_start3A_533, %dma_start3A_534, %dma_start3A_535] : memref<2x64x512xf32, #tpu.memory_space<vmem>> -> memref<1x8x512xf32, #tpu.memory_space<vmem>>
          %dma_start3A_537 = tpu.memref_squeeze %dma_start3A_536 : memref<1x8x512xf32, #tpu.memory_space<vmem>> -> memref<8x512xf32, #tpu.memory_space<vmem>>
          %dma_start3A_538 = arith.constant 48 : i32
          %dma_start3A_539 = tpu.memref_slice %arg4[%dma_start3A_538, %multiple_of3A_452] : memref<64x1000000xf32, #tpu.memory_space<hbm>> -> memref<8x512xf32, #tpu.memory_space<hbm>>
          %dma_start3A_540 = arith.constant 48 : i32
          %dma_start3A_541 = arith.constant 0 : i32
          %dma_start3A_542 = tpu.memref_slice %arg13[%dma_start3A_533, %dma_start3A_540, %dma_start3A_541] : memref<2x64x512xf32, #tpu.memory_space<vmem>> -> memref<1x8x512xf32, #tpu.memory_space<vmem>>
          %dma_start3A_543 = tpu.memref_squeeze %dma_start3A_542 : memref<1x8x512xf32, #tpu.memory_space<vmem>> -> memref<8x512xf32, #tpu.memory_space<vmem>>
          %dma_start3A_544 = arith.constant 48 : i32
          %dma_start3A_545 = tpu.memref_slice %arg4[%dma_start3A_544, %multiple_of3A_452] : memref<64x1000000xf32, #tpu.memory_space<hbm>> -> memref<8x512xf32, #tpu.memory_space<hbm>>
          tpu.enqueue_dma source(%dma_start3A_545 : memref<8x512xf32, #tpu.memory_space<hbm>>) target(%dma_start3A_543 : memref<8x512xf32, #tpu.memory_space<vmem>>) target_semaphore(%arg15 : memref<!tpu.dma_semaphore, #tpu.memory_space<semaphore_mem>>)
        } else {
        }
        %eq3A_518 = arith.constant 1 : i32
        %eq3A_519 = arith.cmpi eq, %sub3A_446, %eq3A_518 : i32
        %convert_element_type3A_520 = arith.extui %eq3A_519 : i1 to i32
        %cond3A_521 = arith.constant 0 : i32
        %cond3A_522 = arith.cmpi ne, %convert_element_type3A_520, %cond3A_521 : i32
        scf.if %cond3A_522 {
          %dma_start3A_533 = arith.constant 1 : i32
          %dma_start3A_534 = arith.constant 48 : i32
          %dma_start3A_535 = arith.constant 0 : i32
          %dma_start3A_536 = tpu.memref_slice %arg13[%dma_start3A_533, %dma_start3A_534, %dma_start3A_535] : memref<2x64x512xf32, #tpu.memory_space<vmem>> -> memref<1x8x512xf32, #tpu.memory_space<vmem>>
          %dma_start3A_537 = tpu.memref_squeeze %dma_start3A_536 : memref<1x8x512xf32, #tpu.memory_space<vmem>> -> memref<8x512xf32, #tpu.memory_space<vmem>>
          %dma_start3A_538 = arith.constant 48 : i32
          %dma_start3A_539 = tpu.memref_slice %arg4[%dma_start3A_538, %multiple_of3A_452] : memref<64x1000000xf32, #tpu.memory_space<hbm>> -> memref<8x512xf32, #tpu.memory_space<hbm>>
          %dma_start3A_540 = arith.constant 48 : i32
          %dma_start3A_541 = arith.constant 0 : i32
          %dma_start3A_542 = tpu.memref_slice %arg13[%dma_start3A_533, %dma_start3A_540, %dma_start3A_541] : memref<2x64x512xf32, #tpu.memory_space<vmem>> -> memref<1x8x512xf32, #tpu.memory_space<vmem>>
          %dma_start3A_543 = tpu.memref_squeeze %dma_start3A_542 : memref<1x8x512xf32, #tpu.memory_space<vmem>> -> memref<8x512xf32, #tpu.memory_space<vmem>>
          %dma_start3A_544 = arith.constant 48 : i32
          %dma_start3A_545 = tpu.memref_slice %arg4[%dma_start3A_544, %multiple_of3A_452] : memref<64x1000000xf32, #tpu.memory_space<hbm>> -> memref<8x512xf32, #tpu.memory_space<hbm>>
          tpu.enqueue_dma source(%dma_start3A_545 : memref<8x512xf32, #tpu.memory_space<hbm>>) target(%dma_start3A_543 : memref<8x512xf32, #tpu.memory_space<vmem>>) target_semaphore(%arg16 : memref<!tpu.dma_semaphore, #tpu.memory_space<semaphore_mem>>)
        } else {
        }
        %eq3A_523 = arith.constant 0 : i32
        %eq3A_524 = arith.cmpi eq, %sub3A_446, %eq3A_523 : i32
        %convert_element_type3A_525 = arith.extui %eq3A_524 : i1 to i32
        %cond3A_526 = arith.constant 0 : i32
        %cond3A_527 = arith.cmpi ne, %convert_element_type3A_525, %cond3A_526 : i32
        scf.if %cond3A_527 {
          %dma_start3A_533 = arith.constant 0 : i32
          %dma_start3A_534 = arith.constant 56 : i32
          %dma_start3A_535 = arith.constant 0 : i32
          %dma_start3A_536 = tpu.memref_slice %arg13[%dma_start3A_533, %dma_start3A_534, %dma_start3A_535] : memref<2x64x512xf32, #tpu.memory_space<vmem>> -> memref<1x8x512xf32, #tpu.memory_space<vmem>>
          %dma_start3A_537 = tpu.memref_squeeze %dma_start3A_536 : memref<1x8x512xf32, #tpu.memory_space<vmem>> -> memref<8x512xf32, #tpu.memory_space<vmem>>
          %dma_start3A_538 = arith.constant 56 : i32
          %dma_start3A_539 = tpu.memref_slice %arg4[%dma_start3A_538, %multiple_of3A_452] : memref<64x1000000xf32, #tpu.memory_space<hbm>> -> memref<8x512xf32, #tpu.memory_space<hbm>>
          %dma_start3A_540 = arith.constant 56 : i32
          %dma_start3A_541 = arith.constant 0 : i32
          %dma_start3A_542 = tpu.memref_slice %arg13[%dma_start3A_533, %dma_start3A_540, %dma_start3A_541] : memref<2x64x512xf32, #tpu.memory_space<vmem>> -> memref<1x8x512xf32, #tpu.memory_space<vmem>>
          %dma_start3A_543 = tpu.memref_squeeze %dma_start3A_542 : memref<1x8x512xf32, #tpu.memory_space<vmem>> -> memref<8x512xf32, #tpu.memory_space<vmem>>
          %dma_start3A_544 = arith.constant 56 : i32
          %dma_start3A_545 = tpu.memref_slice %arg4[%dma_start3A_544, %multiple_of3A_452] : memref<64x1000000xf32, #tpu.memory_space<hbm>> -> memref<8x512xf32, #tpu.memory_space<hbm>>
          tpu.enqueue_dma source(%dma_start3A_545 : memref<8x512xf32, #tpu.memory_space<hbm>>) target(%dma_start3A_543 : memref<8x512xf32, #tpu.memory_space<vmem>>) target_semaphore(%arg15 : memref<!tpu.dma_semaphore, #tpu.memory_space<semaphore_mem>>)
        } else {
        }
        %eq3A_528 = arith.constant 1 : i32
        %eq3A_529 = arith.cmpi eq, %sub3A_446, %eq3A_528 : i32
        %convert_element_type3A_530 = arith.extui %eq3A_529 : i1 to i32
        %cond3A_531 = arith.constant 0 : i32
        %cond3A_532 = arith.cmpi ne, %convert_element_type3A_530, %cond3A_531 : i32
        scf.if %cond3A_532 {
          %dma_start3A_533 = arith.constant 1 : i32
          %dma_start3A_534 = arith.constant 56 : i32
          %dma_start3A_535 = arith.constant 0 : i32
          %dma_start3A_536 = tpu.memref_slice %arg13[%dma_start3A_533, %dma_start3A_534, %dma_start3A_535] : memref<2x64x512xf32, #tpu.memory_space<vmem>> -> memref<1x8x512xf32, #tpu.memory_space<vmem>>
          %dma_start3A_537 = tpu.memref_squeeze %dma_start3A_536 : memref<1x8x512xf32, #tpu.memory_space<vmem>> -> memref<8x512xf32, #tpu.memory_space<vmem>>
          %dma_start3A_538 = arith.constant 56 : i32
          %dma_start3A_539 = tpu.memref_slice %arg4[%dma_start3A_538, %multiple_of3A_452] : memref<64x1000000xf32, #tpu.memory_space<hbm>> -> memref<8x512xf32, #tpu.memory_space<hbm>>
          %dma_start3A_540 = arith.constant 56 : i32
          %dma_start3A_541 = arith.constant 0 : i32
          %dma_start3A_542 = tpu.memref_slice %arg13[%dma_start3A_533, %dma_start3A_540, %dma_start3A_541] : memref<2x64x512xf32, #tpu.memory_space<vmem>> -> memref<1x8x512xf32, #tpu.memory_space<vmem>>
          %dma_start3A_543 = tpu.memref_squeeze %dma_start3A_542 : memref<1x8x512xf32, #tpu.memory_space<vmem>> -> memref<8x512xf32, #tpu.memory_space<vmem>>
          %dma_start3A_544 = arith.constant 56 : i32
          %dma_start3A_545 = tpu.memref_slice %arg4[%dma_start3A_544, %multiple_of3A_452] : memref<64x1000000xf32, #tpu.memory_space<hbm>> -> memref<8x512xf32, #tpu.memory_space<hbm>>
          tpu.enqueue_dma source(%dma_start3A_545 : memref<8x512xf32, #tpu.memory_space<hbm>>) target(%dma_start3A_543 : memref<8x512xf32, #tpu.memory_space<vmem>>) target_semaphore(%arg16 : memref<!tpu.dma_semaphore, #tpu.memory_space<semaphore_mem>>)
        } else {
        }
      } else {
      }
      %eq3A_422 = arith.constant 0 : i32
      %eq3A_423 = arith.cmpi eq, %select_n3A_409, %eq3A_422 : i32
      %convert_element_type3A_424 = arith.extui %eq3A_423 : i1 to i32
      %cond3A_425 = arith.constant 0 : i32
      %cond3A_426 = arith.cmpi ne, %convert_element_type3A_424, %cond3A_425 : i32
      scf.if %cond3A_426 {
        %dma_wait3A = arith.constant 0 : i32
        %dma_wait3A_443 = arith.constant 0 : i32
        %dma_wait3A_444 = arith.constant 0 : i32
        %dma_wait3A_445 = tpu.memref_slice %arg13[%dma_wait3A, %dma_wait3A_443, %dma_wait3A_444] : memref<2x64x512xf32, #tpu.memory_space<vmem>> -> memref<1x64x512xf32, #tpu.memory_space<vmem>>
        %dma_wait3A_446 = tpu.memref_squeeze %dma_wait3A_445 : memref<1x64x512xf32, #tpu.memory_space<vmem>> -> memref<64x512xf32, #tpu.memory_space<vmem>>
        %dma_wait3A_447 = arith.constant 0 : i32
        %dma_wait3A_448 = arith.constant 0 : i32
        %dma_wait3A_449 = tpu.memref_slice %arg4[%dma_wait3A_447, %dma_wait3A_448] : memref<64x1000000xf32, #tpu.memory_space<hbm>> -> memref<64x512xf32, #tpu.memory_space<hbm>>
        %dma_wait3A_450 = arith.constant 0 : i32
        %dma_wait3A_451 = arith.constant 0 : i32
        %dma_wait3A_452 = tpu.memref_slice %arg13[%dma_wait3A, %dma_wait3A_450, %dma_wait3A_451] : memref<2x64x512xf32, #tpu.memory_space<vmem>> -> memref<1x64x512xf32, #tpu.memory_space<vmem>>
        %dma_wait3A_453 = tpu.memref_squeeze %dma_wait3A_452 : memref<1x64x512xf32, #tpu.memory_space<vmem>> -> memref<64x512xf32, #tpu.memory_space<vmem>>
        %dma_wait3A_454 = arith.constant 0 : i32
        %dma_wait3A_455 = arith.constant 0 : i32
        %dma_wait3A_456 = tpu.memref_slice %arg4[%dma_wait3A_454, %dma_wait3A_455] : memref<64x1000000xf32, #tpu.memory_space<hbm>> -> memref<64x512xf32, #tpu.memory_space<hbm>>
        tpu.wait_dma2 semaphore(%arg15 : memref<!tpu.dma_semaphore, #tpu.memory_space<semaphore_mem>>) src(%dma_wait3A_456 : memref<64x512xf32, #tpu.memory_space<hbm>>) dst(%dma_wait3A_453 : memref<64x512xf32, #tpu.memory_space<vmem>>)
      } else {
      }
      %eq3A_427 = arith.constant 1 : i32
      %eq3A_428 = arith.cmpi eq, %select_n3A_409, %eq3A_427 : i32
      %convert_element_type3A_429 = arith.extui %eq3A_428 : i1 to i32
      %cond3A_430 = arith.constant 0 : i32
      %cond3A_431 = arith.cmpi ne, %convert_element_type3A_429, %cond3A_430 : i32
      scf.if %cond3A_431 {
        %dma_wait3A = arith.constant 1 : i32
        %dma_wait3A_443 = arith.constant 0 : i32
        %dma_wait3A_444 = arith.constant 0 : i32
        %dma_wait3A_445 = tpu.memref_slice %arg13[%dma_wait3A, %dma_wait3A_443, %dma_wait3A_444] : memref<2x64x512xf32, #tpu.memory_space<vmem>> -> memref<1x64x512xf32, #tpu.memory_space<vmem>>
        %dma_wait3A_446 = tpu.memref_squeeze %dma_wait3A_445 : memref<1x64x512xf32, #tpu.memory_space<vmem>> -> memref<64x512xf32, #tpu.memory_space<vmem>>
        %dma_wait3A_447 = arith.constant 0 : i32
        %dma_wait3A_448 = arith.constant 0 : i32
        %dma_wait3A_449 = tpu.memref_slice %arg4[%dma_wait3A_447, %dma_wait3A_448] : memref<64x1000000xf32, #tpu.memory_space<hbm>> -> memref<64x512xf32, #tpu.memory_space<hbm>>
        %dma_wait3A_450 = arith.constant 0 : i32
        %dma_wait3A_451 = arith.constant 0 : i32
        %dma_wait3A_452 = tpu.memref_slice %arg13[%dma_wait3A, %dma_wait3A_450, %dma_wait3A_451] : memref<2x64x512xf32, #tpu.memory_space<vmem>> -> memref<1x64x512xf32, #tpu.memory_space<vmem>>
        %dma_wait3A_453 = tpu.memref_squeeze %dma_wait3A_452 : memref<1x64x512xf32, #tpu.memory_space<vmem>> -> memref<64x512xf32, #tpu.memory_space<vmem>>
        %dma_wait3A_454 = arith.constant 0 : i32
        %dma_wait3A_455 = arith.constant 0 : i32
        %dma_wait3A_456 = tpu.memref_slice %arg4[%dma_wait3A_454, %dma_wait3A_455] : memref<64x1000000xf32, #tpu.memory_space<hbm>> -> memref<64x512xf32, #tpu.memory_space<hbm>>
        tpu.wait_dma2 semaphore(%arg16 : memref<!tpu.dma_semaphore, #tpu.memory_space<semaphore_mem>>) src(%dma_wait3A_456 : memref<64x512xf32, #tpu.memory_space<hbm>>) dst(%dma_wait3A_453 : memref<64x512xf32, #tpu.memory_space<vmem>>)
      } else {
      }
      %broadcast_in_dim3A = vector.broadcast %select_n3A_409 : i32 to vector<16xi32>
      %while3A_432 = arith.constant 0 : i32
      %while3A_433 = arith.subi %select_n3A_228, %while3A_432 : i32
      %while3A_434 = arith.addi %while3A_432, %while3A_433 : i32
      %while3A_435 = arith.constant 1 : i32
      %while3A_436 = arith.divsi %while3A_433, %while3A_435 : i32
      %while3A_437 = arith.muli %while3A_436, %while3A_435 : i32
      %while3A_438 = arith.addi %while3A_432, %while3A_437 : i32
      %while3A_439 = arith.constant 1 : i32
      %while3A_440 = scf.for %while3A_443 = %while3A_432 to %while3A_438 step %while3A_439 iter_args(%while3A_444 = %while3A_395) -> (i32)  : i32 {
        %mul3A_445 = arith.constant 16 : i32
        %mul3A_446 = arith.muli %while3A_443, %mul3A_445 : i32
        %get3A = arith.index_cast %mul3A_446 : i32 to index
        %get3A_447 = tpu.vector_load %arg9[%get3A] {strides = array<i32>} : memref<3072xi32, #tpu.memory_space<vmem>>, vector<16xi32>,
        %mul3A_448 = arith.constant 16 : i32
        %mul3A_449 = arith.muli %while3A_443, %mul3A_448 : i32
        %get3A_450 = arith.index_cast %mul3A_449 : i32 to index
        %get3A_451 = tpu.vector_load %arg10[%get3A_450] {strides = array<i32>} : memref<3072xi32, #tpu.memory_space<vmem>>, vector<16xi32>,
        %mul3A_452 = arith.constant 16 : i32
        %mul3A_453 = arith.muli %while3A_443, %mul3A_452 : i32
        %sub3A_454 = arith.subi %scan3A_192, %mul3A_453 : i32
        %lt3A_455 = vector.broadcast %sub3A_454 : i32 to vector<16xi32>
        %lt3A_456 = arith.cmpi slt, %iota3A, %lt3A_455 : vector<16xi32>
        %ge3A = vector.broadcast %add3A_412 : i32 to vector<16xi32>
        %ge3A_457 = arith.cmpi sge, %get3A_447, %ge3A : vector<16xi32>
        %lt3A_458 = vector.broadcast %min3A_415 : i32 to vector<16xi32>
        %lt3A_459 = arith.cmpi slt, %get3A_447, %lt3A_458 : vector<16xi32>
        %and3A_460 = arith.andi %ge3A_457, %lt3A_459 : vector<16xi1>
        %and3A_461 = arith.andi %and3A_460, %lt3A_456 : vector<16xi1>
        %convert_element_type3A_462 = arith.extui %and3A_461 : vector<16xi1> to vector<16xi32>
        %broadcast_in_dim3A_463 = arith.constant true
        %broadcast_in_dim3A_464 = vector.broadcast %broadcast_in_dim3A_463 : i1 to vector<16xi1>
        %masked_cumsum3A = tpu.scan <sum>, %convert_element_type3A_462 masked %broadcast_in_dim3A_464 : vector<16xi32>, vector<16xi1> -> vector<16xi32>
        %add3A_465 = vector.broadcast %while3A_444 : i32 to vector<16xi32>
        %add3A_466 = arith.addi %add3A_465, %masked_cumsum3A : vector<16xi32>
        %sub3A_467 = arith.constant 1 : i32
        %sub3A_468 = vector.broadcast %sub3A_467 : i32 to vector<16xi32>
        %sub3A_469 = arith.subi %add3A_466, %sub3A_468 : vector<16xi32>
        %jit3A_470 = arith.constant 64 : i32
        %eq3A_471 = arith.constant 0 : i32
        %eq3A_472 = arith.cmpi eq, %jit3A_470, %eq3A_471 : i32
        %jit3A_473 = arith.constant 1 : i32
        %select_n3A_474 = arith.select %eq3A_472, %jit3A_473, %jit3A_470 : i32
        %rem3A_475 = vector.broadcast %select_n3A_474 : i32 to vector<16xi32>
        %rem3A_476 = arith.remsi %sub3A_469, %rem3A_475 : vector<16xi32>
        %ne3A_477 = arith.constant 0 : i32
        %ne3A_478 = vector.broadcast %ne3A_477 : i32 to vector<16xi32>
        %ne3A_479 = arith.cmpi ne, %rem3A_476, %ne3A_478 : vector<16xi32>
        %lt3A_480 = arith.constant 0 : i32
        %lt3A_481 = vector.broadcast %lt3A_480 : i32 to vector<16xi32>
        %lt3A_482 = arith.cmpi slt, %rem3A_476, %lt3A_481 : vector<16xi32>
        %lt3A_483 = arith.constant 0 : i32
        %lt3A_484 = arith.cmpi slt, %select_n3A_474, %lt3A_483 : i32
        %ne3A_485 = vector.broadcast %lt3A_484 : i1 to vector<16xi1>
        %ne3A_486 = vector.broadcast %ne3A_485 : vector<16xi1> to vector<16xi1>
        %ne3A_487 = arith.xori %lt3A_482, %ne3A_486 : vector<16xi1>
        %and3A_488 = arith.andi %ne3A_487, %ne3A_479 : vector<16xi1>
        %add3A_489 = vector.broadcast %select_n3A_474 : i32 to vector<16xi32>
        %add3A_490 = arith.addi %rem3A_476, %add3A_489 : vector<16xi32>
        %select_n3A_491 = arith.select %and3A_488, %add3A_490, %rem3A_476 : vector<16xi1>, vector<16xi32>
        %all_reduce_population_count3A = tpu.all_reduce %and3A_461 {dim = 0 : i64, kind = #tpu.reduction_kind<sum>} : vector<16xi1> -> vector<16xi32>
        %slice3A = vector.extract_strided_slice %all_reduce_population_count3A {offsets = [0], sizes = [1], strides = [1]} : vector<16xi32> to vector<1xi32>
        %squeeze3A = vector.extract %slice3A[0] : i32 from vector<1xi32>
        %gt3A = arith.constant 0 : i32
        %gt3A_492 = arith.cmpi sgt, %squeeze3A, %gt3A : i32
        %convert_element_type3A_493 = arith.extui %gt3A_492 : i1 to i32
        %cond3A_494 = arith.constant 0 : i32
        %cond3A_495 = arith.cmpi ne, %convert_element_type3A_493, %cond3A_494 : i32
        scf.if %cond3A_495 {
          %while3A_500:2 = scf.while (%while3A_501 = %and3A_461, %while3A_502 = %while3A_444) : (vector<16xi1>, i32) -> (vector<16xi1>, i32) {
            %all_reduce_population_count3A_503 = tpu.all_reduce %while3A_501 {dim = 0 : i64, kind = #tpu.reduction_kind<sum>} : vector<16xi1> -> vector<16xi32>
            %slice3A_504 = vector.extract_strided_slice %all_reduce_population_count3A_503 {offsets = [0], sizes = [1], strides = [1]} : vector<16xi32> to vector<1xi32>
            %squeeze3A_505 = vector.extract %slice3A_504[0] : i32 from vector<1xi32>
            %gt3A_506 = arith.constant 0 : i32
            %gt3A_507 = arith.cmpi sgt, %squeeze3A_505, %gt3A_506 : i32
            scf.condition(%gt3A_507) %while3A_501, %while3A_502 : vector<16xi1>, i32
          } do {
          ^bb0(%while3A_501: vector<16xi1>, %while3A_502: i32):
            %all_reduce_ffs3A = tpu.all_reduce %while3A_501 {dim = 0 : i64, kind = #tpu.reduction_kind<find_first_set>} : vector<16xi1> -> vector<16xi32>
            %slice3A_503 = vector.extract_strided_slice %all_reduce_ffs3A {offsets = [0], sizes = [1], strides = [1]} : vector<16xi32> to vector<1xi32>
            %squeeze3A_504 = vector.extract %slice3A_503[0] : i32 from vector<1xi32>
            %broadcast_in_dim3A_505 = vector.broadcast %squeeze3A_504 : i32 to vector<16xi32>
            %lt3A_506 = arith.constant 0 : i32
            %lt3A_507 = vector.broadcast %lt3A_506 : i32 to vector<16xi32>
            %lt3A_508 = arith.cmpi slt, %broadcast_in_dim3A_505, %lt3A_507 : vector<16xi32>
            %add3A_509 = arith.constant 16 : i32
            %add3A_510 = vector.broadcast %add3A_509 : i32 to vector<16xi32>
            %add3A_511 = arith.addi %broadcast_in_dim3A_505, %add3A_510 : vector<16xi32>
            %select_n3A_512 = arith.select %lt3A_508, %add3A_511, %broadcast_in_dim3A_505 : vector<16xi1>, vector<16xi32>
            %broadcast_in_dim3A_513 = vector.shape_cast %select_n3A_512 : vector<16xi32> to vector<16x1xi32>
            %gather3A = vector.shape_cast %broadcast_in_dim3A_513 : vector<16x1xi32> to vector<16xi32>
            %gather3A_514 = tpu.dynamic_gather %get3A_447[%gather3A] in [0] : vector<16xi32>, vector<16xi32> -> vector<16xi32>
            %slice3A_515 = vector.extract_strided_slice %gather3A_514 {offsets = [0], sizes = [1], strides = [1]} : vector<16xi32> to vector<1xi32>
            %squeeze3A_516 = vector.extract %slice3A_515[0] : i32 from vector<1xi32>
            %lt3A_517 = arith.constant 0 : i32
            %lt3A_518 = vector.broadcast %lt3A_517 : i32 to vector<16xi32>
            %lt3A_519 = arith.cmpi slt, %broadcast_in_dim3A_505, %lt3A_518 : vector<16xi32>
            %add3A_520 = arith.constant 16 : i32
            %add3A_521 = vector.broadcast %add3A_520 : i32 to vector<16xi32>
            %add3A_522 = arith.addi %broadcast_in_dim3A_505, %add3A_521 : vector<16xi32>
            %select_n3A_523 = arith.select %lt3A_519, %add3A_522, %broadcast_in_dim3A_505 : vector<16xi1>, vector<16xi32>
            %broadcast_in_dim3A_524 = vector.shape_cast %select_n3A_523 : vector<16xi32> to vector<16x1xi32>
            %gather3A_525 = vector.shape_cast %broadcast_in_dim3A_524 : vector<16x1xi32> to vector<16xi32>
            %gather3A_526 = tpu.dynamic_gather %get3A_451[%gather3A_525] in [0] : vector<16xi32>, vector<16xi32> -> vector<16xi32>
            %slice3A_527 = vector.extract_strided_slice %gather3A_526 {offsets = [0], sizes = [1], strides = [1]} : vector<16xi32> to vector<1xi32>
            %squeeze3A_528 = vector.extract %slice3A_527[0] : i32 from vector<1xi32>
            %lt3A_529 = arith.constant 0 : i32
            %lt3A_530 = vector.broadcast %lt3A_529 : i32 to vector<16xi32>
            %lt3A_531 = arith.cmpi slt, %broadcast_in_dim3A_505, %lt3A_530 : vector<16xi32>
            %add3A_532 = arith.constant 16 : i32
            %add3A_533 = vector.broadcast %add3A_532 : i32 to vector<16xi32>
            %add3A_534 = arith.addi %broadcast_in_dim3A_505, %add3A_533 : vector<16xi32>
            %select_n3A_535 = arith.select %lt3A_531, %add3A_534, %broadcast_in_dim3A_505 : vector<16xi1>, vector<16xi32>
            %broadcast_in_dim3A_536 = vector.shape_cast %select_n3A_535 : vector<16xi32> to vector<16x1xi32>
            %gather3A_537 = vector.shape_cast %broadcast_in_dim3A_536 : vector<16x1xi32> to vector<16xi32>
            %gather3A_538 = tpu.dynamic_gather %select_n3A_491[%gather3A_537] in [0] : vector<16xi32>, vector<16xi32> -> vector<16xi32>
            %slice3A_539 = vector.extract_strided_slice %gather3A_538 {offsets = [0], sizes = [1], strides = [1]} : vector<16xi32> to vector<1xi32>
            %squeeze3A_540 = vector.extract %slice3A_539[0] : i32 from vector<1xi32>
            %sub3A_541 = arith.subi %squeeze3A_516, %min3A_417 : i32
            %broadcast_in_dim3A_542 = vector.broadcast %sub3A_541 : i32 to vector<16xi32>
            %add3A_543 = arith.constant 0 : i32
            %add3A_544 = vector.broadcast %add3A_543 : i32 to vector<16xi32>
            %add3A_545 = arith.addi %iota3A, %add3A_544 : vector<16xi32>
            %gather3A_546 = tpu.vector_load_idx %arg13[%broadcast_in_dim3A, %add3A_545, %broadcast_in_dim3A_542] : memref<2x64x512xf32, #tpu.memory_space<vmem>>[vector<16xi32>, vector<16xi32>, vector<16xi32>], vector<16xf32>,
            %mul3A_547 = arith.constant 64 : i32
            %mul3A_548 = arith.muli %squeeze3A_540, %mul3A_547 : i32
            %add3A_549 = arith.constant 0 : i32
            %add3A_550 = arith.addi %mul3A_548, %add3A_549 : i32
            %swap3A = arith.index_cast %add3A_550 : i32 to index
            %swap3A_551 = tpu.vector_load %arg14[%swap3A] {strides = array<i32>} : memref<4096xf32, #tpu.memory_space<vmem>>, vector<16xf32>,
            tpu.vector_store %arg14[%swap3A], %gather3A_546 {strides = array<i32>} : memref<4096xf32, #tpu.memory_space<vmem>>, vector<16xf32>,
            %add3A_552 = arith.constant 16 : i32
            %add3A_553 = vector.broadcast %add3A_552 : i32 to vector<16xi32>
            %add3A_554 = arith.addi %iota3A, %add3A_553 : vector<16xi32>
            %gather3A_555 = tpu.vector_load_idx %arg13[%broadcast_in_dim3A, %add3A_554, %broadcast_in_dim3A_542] : memref<2x64x512xf32, #tpu.memory_space<vmem>>[vector<16xi32>, vector<16xi32>, vector<16xi32>], vector<16xf32>,
            %mul3A_556 = arith.constant 64 : i32
            %mul3A_557 = arith.muli %squeeze3A_540, %mul3A_556 : i32
            %add3A_558 = arith.constant 16 : i32
            %add3A_559 = arith.addi %mul3A_557, %add3A_558 : i32
            %swap3A_560 = arith.index_cast %add3A_559 : i32 to index
            %swap3A_561 = tpu.vector_load %arg14[%swap3A_560] {strides = array<i32>} : memref<4096xf32, #tpu.memory_space<vmem>>, vector<16xf32>,
            tpu.vector_store %arg14[%swap3A_560], %gather3A_555 {strides = array<i32>} : memref<4096xf32, #tpu.memory_space<vmem>>, vector<16xf32>,
            %add3A_562 = arith.constant 32 : i32
            %add3A_563 = vector.broadcast %add3A_562 : i32 to vector<16xi32>
            %add3A_564 = arith.addi %iota3A, %add3A_563 : vector<16xi32>
            %gather3A_565 = tpu.vector_load_idx %arg13[%broadcast_in_dim3A, %add3A_564, %broadcast_in_dim3A_542] : memref<2x64x512xf32, #tpu.memory_space<vmem>>[vector<16xi32>, vector<16xi32>, vector<16xi32>], vector<16xf32>,
            %mul3A_566 = arith.constant 64 : i32
            %mul3A_567 = arith.muli %squeeze3A_540, %mul3A_566 : i32
            %add3A_568 = arith.constant 32 : i32
            %add3A_569 = arith.addi %mul3A_567, %add3A_568 : i32
            %swap3A_570 = arith.index_cast %add3A_569 : i32 to index
            %swap3A_571 = tpu.vector_load %arg14[%swap3A_570] {strides = array<i32>} : memref<4096xf32, #tpu.memory_space<vmem>>, vector<16xf32>,
            tpu.vector_store %arg14[%swap3A_570], %gather3A_565 {strides = array<i32>} : memref<4096xf32, #tpu.memory_space<vmem>>, vector<16xf32>,
            %add3A_572 = arith.constant 48 : i32
            %add3A_573 = vector.broadcast %add3A_572 : i32 to vector<16xi32>
            %add3A_574 = arith.addi %iota3A, %add3A_573 : vector<16xi32>
            %gather3A_575 = tpu.vector_load_idx %arg13[%broadcast_in_dim3A, %add3A_574, %broadcast_in_dim3A_542] : memref<2x64x512xf32, #tpu.memory_space<vmem>>[vector<16xi32>, vector<16xi32>, vector<16xi32>], vector<16xf32>,
            %mul3A_576 = arith.constant 64 : i32
            %mul3A_577 = arith.muli %squeeze3A_540, %mul3A_576 : i32
            %add3A_578 = arith.constant 48 : i32
            %add3A_579 = arith.addi %mul3A_577, %add3A_578 : i32
            %swap3A_580 = arith.index_cast %add3A_579 : i32 to index
            %swap3A_581 = tpu.vector_load %arg14[%swap3A_580] {strides = array<i32>} : memref<4096xf32, #tpu.memory_space<vmem>>, vector<16xf32>,
            tpu.vector_store %arg14[%swap3A_580], %gather3A_575 {strides = array<i32>} : memref<4096xf32, #tpu.memory_space<vmem>>, vector<16xf32>,
            %ge3A_582 = arith.constant 64 : i32
            %ge3A_583 = arith.cmpi sge, %while3A_502, %ge3A_582 : i32
            %convert_element_type3A_584 = arith.extui %ge3A_583 : i1 to i32
            %cond3A_585 = arith.constant 0 : i32
            %cond3A_586 = arith.cmpi ne, %convert_element_type3A_584, %cond3A_585 : i32
            scf.if %cond3A_586 {
              %dma_wait3A = arith.constant 0 : i32
              %dma_wait3A_602 = arith.constant 0 : i32
              %dma_wait3A_603 = tpu.memref_slice %arg14[%dma_wait3A_602] : memref<4096xf32, #tpu.memory_space<vmem>> -> memref<64xf32, #tpu.memory_space<vmem>>
              %dma_wait3A_604 = arith.constant 0 : i32
              %dma_wait3A_605 = tpu.memref_slice %arg6[%dma_wait3A, %dma_wait3A_604] : memref<16384x128xf32, #tpu.memory_space<hbm>> -> memref<1x64xf32, #tpu.memory_space<hbm>>
              %dma_wait3A_606 = tpu.memref_squeeze %dma_wait3A_605 : memref<1x64xf32, #tpu.memory_space<hbm>> -> memref<64xf32, #tpu.memory_space<hbm>>
              %dma_wait3A_607 = arith.constant 0 : i32
              %dma_wait3A_608 = tpu.memref_slice %arg14[%dma_wait3A_607] : memref<4096xf32, #tpu.memory_space<vmem>> -> memref<64xf32, #tpu.memory_space<vmem>>
              %dma_wait3A_609 = arith.constant 0 : i32
              %dma_wait3A_610 = tpu.memref_slice %arg6[%dma_wait3A, %dma_wait3A_609] : memref<16384x128xf32, #tpu.memory_space<hbm>> -> memref<1x64xf32, #tpu.memory_space<hbm>>
              %dma_wait3A_611 = tpu.memref_squeeze %dma_wait3A_610 : memref<1x64xf32, #tpu.memory_space<hbm>> -> memref<64xf32, #tpu.memory_space<hbm>>
              tpu.wait_dma2 semaphore(%arg17 : memref<!tpu.dma_semaphore, #tpu.memory_space<semaphore_mem>>) src(%dma_wait3A_611 : memref<64xf32, #tpu.memory_space<hbm>>) dst(%dma_wait3A_608 : memref<64xf32, #tpu.memory_space<vmem>>)
            } else {
            }
            %mul3A_587 = arith.constant 64 : i32
            %mul3A_588 = arith.muli %squeeze3A_540, %mul3A_587 : i32
            %dma_start3A_589 = tpu.memref_slice %arg14[%mul3A_588] : memref<4096xf32, #tpu.memory_space<vmem>> -> memref<64xf32, #tpu.memory_space<vmem>>
            %dma_start3A_590 = arith.constant 0 : i32
            %dma_start3A_591 = tpu.memref_slice %arg6[%squeeze3A_528, %dma_start3A_590] : memref<16384x128xf32, #tpu.memory_space<hbm>> -> memref<1x64xf32, #tpu.memory_space<hbm>>
            %dma_start3A_592 = tpu.memref_squeeze %dma_start3A_591 : memref<1x64xf32, #tpu.memory_space<hbm>> -> memref<64xf32, #tpu.memory_space<hbm>>
            %dma_start3A_593 = arith.constant 0 : i32
            %dma_start3A_594 = tpu.memref_slice %arg6[%squeeze3A_528, %dma_start3A_593] : memref<16384x128xf32, #tpu.memory_space<hbm>> -> memref<1x64xf32, #tpu.memory_space<hbm>>
            %dma_start3A_595 = tpu.memref_squeeze %dma_start3A_594 : memref<1x64xf32, #tpu.memory_space<hbm>> -> memref<64xf32, #tpu.memory_space<hbm>>
            %dma_start3A_596 = tpu.memref_slice %arg14[%mul3A_588] : memref<4096xf32, #tpu.memory_space<vmem>> -> memref<64xf32, #tpu.memory_space<vmem>>
            tpu.enqueue_dma source(%dma_start3A_596 : memref<64xf32, #tpu.memory_space<vmem>>) target(%dma_start3A_595 : memref<64xf32, #tpu.memory_space<hbm>>) target_semaphore(%arg17 : memref<!tpu.dma_semaphore, #tpu.memory_space<semaphore_mem>>)
            %ne3A_597 = vector.broadcast %squeeze3A_504 : i32 to vector<16xi32>
            %ne3A_598 = arith.cmpi ne, %iota3A, %ne3A_597 : vector<16xi32>
            %and3A_599 = arith.andi %while3A_501, %ne3A_598 : vector<16xi1>
            %add3A_600 = arith.constant 1 : i32
            %add3A_601 = arith.addi %while3A_502, %add3A_600 : i32
            scf.yield %and3A_599, %add3A_601 : vector<16xi1>, i32
          }
        } else {
        }
        %all_reduce_population_count3A_496 = tpu.all_reduce %and3A_461 {dim = 0 : i64, kind = #tpu.reduction_kind<sum>} : vector<16xi1> -> vector<16xi32>
        %slice3A_497 = vector.extract_strided_slice %all_reduce_population_count3A_496 {offsets = [0], sizes = [1], strides = [1]} : vector<16xi32> to vector<1xi32>
        %squeeze3A_498 = vector.extract %slice3A_497[0] : i32 from vector<1xi32>
        %add3A_499 = arith.addi %while3A_444, %squeeze3A_498 : i32
        scf.yield %add3A_499 : i32
      }
      %while3A_441 = arith.constant 1 : i32
      %while3A_442 = scf.for %while3A_443 = %while3A_438 to %while3A_434 step %while3A_441 iter_args(%while3A_444 = %while3A_440) -> (i32)  : i32 {
        %mul3A_445 = arith.constant 16 : i32
        %mul3A_446 = arith.muli %while3A_443, %mul3A_445 : i32
        %get3A = arith.index_cast %mul3A_446 : i32 to index
        %get3A_447 = tpu.vector_load %arg9[%get3A] {strides = array<i32>} : memref<3072xi32, #tpu.memory_space<vmem>>, vector<16xi32>,
        %mul3A_448 = arith.constant 16 : i32
        %mul3A_449 = arith.muli %while3A_443, %mul3A_448 : i32
        %get3A_450 = arith.index_cast %mul3A_449 : i32 to index
        %get3A_451 = tpu.vector_load %arg10[%get3A_450] {strides = array<i32>} : memref<3072xi32, #tpu.memory_space<vmem>>, vector<16xi32>,
        %mul3A_452 = arith.constant 16 : i32
        %mul3A_453 = arith.muli %while3A_443, %mul3A_452 : i32
        %sub3A_454 = arith.subi %scan3A_192, %mul3A_453 : i32
        %lt3A_455 = vector.broadcast %sub3A_454 : i32 to vector<16xi32>
        %lt3A_456 = arith.cmpi slt, %iota3A, %lt3A_455 : vector<16xi32>
        %ge3A = vector.broadcast %add3A_412 : i32 to vector<16xi32>
        %ge3A_457 = arith.cmpi sge, %get3A_447, %ge3A : vector<16xi32>
        %lt3A_458 = vector.broadcast %min3A_415 : i32 to vector<16xi32>
        %lt3A_459 = arith.cmpi slt, %get3A_447, %lt3A_458 : vector<16xi32>
        %and3A_460 = arith.andi %ge3A_457, %lt3A_459 : vector<16xi1>
        %and3A_461 = arith.andi %and3A_460, %lt3A_456 : vector<16xi1>
        %convert_element_type3A_462 = arith.extui %and3A_461 : vector<16xi1> to vector<16xi32>
        %broadcast_in_dim3A_463 = arith.constant true
        %broadcast_in_dim3A_464 = vector.broadcast %broadcast_in_dim3A_463 : i1 to vector<16xi1>
        %masked_cumsum3A = tpu.scan <sum>, %convert_element_type3A_462 masked %broadcast_in_dim3A_464 : vector<16xi32>, vector<16xi1> -> vector<16xi32>
        %add3A_465 = vector.broadcast %while3A_444 : i32 to vector<16xi32>
        %add3A_466 = arith.addi %add3A_465, %masked_cumsum3A : vector<16xi32>
        %sub3A_467 = arith.constant 1 : i32
        %sub3A_468 = vector.broadcast %sub3A_467 : i32 to vector<16xi32>
        %sub3A_469 = arith.subi %add3A_466, %sub3A_468 : vector<16xi32>
        %jit3A_470 = arith.constant 64 : i32
        %eq3A_471 = arith.constant 0 : i32
        %eq3A_472 = arith.cmpi eq, %jit3A_470, %eq3A_471 : i32
        %jit3A_473 = arith.constant 1 : i32
        %select_n3A_474 = arith.select %eq3A_472, %jit3A_473, %jit3A_470 : i32
        %rem3A_475 = vector.broadcast %select_n3A_474 : i32 to vector<16xi32>
        %rem3A_476 = arith.remsi %sub3A_469, %rem3A_475 : vector<16xi32>
        %ne3A_477 = arith.constant 0 : i32
        %ne3A_478 = vector.broadcast %ne3A_477 : i32 to vector<16xi32>
        %ne3A_479 = arith.cmpi ne, %rem3A_476, %ne3A_478 : vector<16xi32>
        %lt3A_480 = arith.constant 0 : i32
        %lt3A_481 = vector.broadcast %lt3A_480 : i32 to vector<16xi32>
        %lt3A_482 = arith.cmpi slt, %rem3A_476, %lt3A_481 : vector<16xi32>
        %lt3A_483 = arith.constant 0 : i32
        %lt3A_484 = arith.cmpi slt, %select_n3A_474, %lt3A_483 : i32
        %ne3A_485 = vector.broadcast %lt3A_484 : i1 to vector<16xi1>
        %ne3A_486 = vector.broadcast %ne3A_485 : vector<16xi1> to vector<16xi1>
        %ne3A_487 = arith.xori %lt3A_482, %ne3A_486 : vector<16xi1>
        %and3A_488 = arith.andi %ne3A_487, %ne3A_479 : vector<16xi1>
        %add3A_489 = vector.broadcast %select_n3A_474 : i32 to vector<16xi32>
        %add3A_490 = arith.addi %rem3A_476, %add3A_489 : vector<16xi32>
        %select_n3A_491 = arith.select %and3A_488, %add3A_490, %rem3A_476 : vector<16xi1>, vector<16xi32>
        %all_reduce_population_count3A = tpu.all_reduce %and3A_461 {dim = 0 : i64, kind = #tpu.reduction_kind<sum>} : vector<16xi1> -> vector<16xi32>
        %slice3A = vector.extract_strided_slice %all_reduce_population_count3A {offsets = [0], sizes = [1], strides = [1]} : vector<16xi32> to vector<1xi32>
        %squeeze3A = vector.extract %slice3A[0] : i32 from vector<1xi32>
        %gt3A = arith.constant 0 : i32
        %gt3A_492 = arith.cmpi sgt, %squeeze3A, %gt3A : i32
        %convert_element_type3A_493 = arith.extui %gt3A_492 : i1 to i32
        %cond3A_494 = arith.constant 0 : i32
        %cond3A_495 = arith.cmpi ne, %convert_element_type3A_493, %cond3A_494 : i32
        scf.if %cond3A_495 {
          %while3A_500:2 = scf.while (%while3A_501 = %and3A_461, %while3A_502 = %while3A_444) : (vector<16xi1>, i32) -> (vector<16xi1>, i32) {
            %all_reduce_population_count3A_503 = tpu.all_reduce %while3A_501 {dim = 0 : i64, kind = #tpu.reduction_kind<sum>} : vector<16xi1> -> vector<16xi32>
            %slice3A_504 = vector.extract_strided_slice %all_reduce_population_count3A_503 {offsets = [0], sizes = [1], strides = [1]} : vector<16xi32> to vector<1xi32>
            %squeeze3A_505 = vector.extract %slice3A_504[0] : i32 from vector<1xi32>
            %gt3A_506 = arith.constant 0 : i32
            %gt3A_507 = arith.cmpi sgt, %squeeze3A_505, %gt3A_506 : i32
            scf.condition(%gt3A_507) %while3A_501, %while3A_502 : vector<16xi1>, i32
          } do {
          ^bb0(%while3A_501: vector<16xi1>, %while3A_502: i32):
            %all_reduce_ffs3A = tpu.all_reduce %while3A_501 {dim = 0 : i64, kind = #tpu.reduction_kind<find_first_set>} : vector<16xi1> -> vector<16xi32>
            %slice3A_503 = vector.extract_strided_slice %all_reduce_ffs3A {offsets = [0], sizes = [1], strides = [1]} : vector<16xi32> to vector<1xi32>
            %squeeze3A_504 = vector.extract %slice3A_503[0] : i32 from vector<1xi32>
            %broadcast_in_dim3A_505 = vector.broadcast %squeeze3A_504 : i32 to vector<16xi32>
            %lt3A_506 = arith.constant 0 : i32
            %lt3A_507 = vector.broadcast %lt3A_506 : i32 to vector<16xi32>
            %lt3A_508 = arith.cmpi slt, %broadcast_in_dim3A_505, %lt3A_507 : vector<16xi32>
            %add3A_509 = arith.constant 16 : i32
            %add3A_510 = vector.broadcast %add3A_509 : i32 to vector<16xi32>
            %add3A_511 = arith.addi %broadcast_in_dim3A_505, %add3A_510 : vector<16xi32>
            %select_n3A_512 = arith.select %lt3A_508, %add3A_511, %broadcast_in_dim3A_505 : vector<16xi1>, vector<16xi32>
            %broadcast_in_dim3A_513 = vector.shape_cast %select_n3A_512 : vector<16xi32> to vector<16x1xi32>
            %gather3A = vector.shape_cast %broadcast_in_dim3A_513 : vector<16x1xi32> to vector<16xi32>
            %gather3A_514 = tpu.dynamic_gather %get3A_447[%gather3A] in [0] : vector<16xi32>, vector<16xi32> -> vector<16xi32>
            %slice3A_515 = vector.extract_strided_slice %gather3A_514 {offsets = [0], sizes = [1], strides = [1]} : vector<16xi32> to vector<1xi32>
            %squeeze3A_516 = vector.extract %slice3A_515[0] : i32 from vector<1xi32>
            %lt3A_517 = arith.constant 0 : i32
            %lt3A_518 = vector.broadcast %lt3A_517 : i32 to vector<16xi32>
            %lt3A_519 = arith.cmpi slt, %broadcast_in_dim3A_505, %lt3A_518 : vector<16xi32>
            %add3A_520 = arith.constant 16 : i32
            %add3A_521 = vector.broadcast %add3A_520 : i32 to vector<16xi32>
            %add3A_522 = arith.addi %broadcast_in_dim3A_505, %add3A_521 : vector<16xi32>
            %select_n3A_523 = arith.select %lt3A_519, %add3A_522, %broadcast_in_dim3A_505 : vector<16xi1>, vector<16xi32>
            %broadcast_in_dim3A_524 = vector.shape_cast %select_n3A_523 : vector<16xi32> to vector<16x1xi32>
            %gather3A_525 = vector.shape_cast %broadcast_in_dim3A_524 : vector<16x1xi32> to vector<16xi32>
            %gather3A_526 = tpu.dynamic_gather %get3A_451[%gather3A_525] in [0] : vector<16xi32>, vector<16xi32> -> vector<16xi32>
            %slice3A_527 = vector.extract_strided_slice %gather3A_526 {offsets = [0], sizes = [1], strides = [1]} : vector<16xi32> to vector<1xi32>
            %squeeze3A_528 = vector.extract %slice3A_527[0] : i32 from vector<1xi32>
            %lt3A_529 = arith.constant 0 : i32
            %lt3A_530 = vector.broadcast %lt3A_529 : i32 to vector<16xi32>
            %lt3A_531 = arith.cmpi slt, %broadcast_in_dim3A_505, %lt3A_530 : vector<16xi32>
            %add3A_532 = arith.constant 16 : i32
            %add3A_533 = vector.broadcast %add3A_532 : i32 to vector<16xi32>
            %add3A_534 = arith.addi %broadcast_in_dim3A_505, %add3A_533 : vector<16xi32>
            %select_n3A_535 = arith.select %lt3A_531, %add3A_534, %broadcast_in_dim3A_505 : vector<16xi1>, vector<16xi32>
            %broadcast_in_dim3A_536 = vector.shape_cast %select_n3A_535 : vector<16xi32> to vector<16x1xi32>
            %gather3A_537 = vector.shape_cast %broadcast_in_dim3A_536 : vector<16x1xi32> to vector<16xi32>
            %gather3A_538 = tpu.dynamic_gather %select_n3A_491[%gather3A_537] in [0] : vector<16xi32>, vector<16xi32> -> vector<16xi32>
            %slice3A_539 = vector.extract_strided_slice %gather3A_538 {offsets = [0], sizes = [1], strides = [1]} : vector<16xi32> to vector<1xi32>
            %squeeze3A_540 = vector.extract %slice3A_539[0] : i32 from vector<1xi32>
            %sub3A_541 = arith.subi %squeeze3A_516, %min3A_417 : i32
            %broadcast_in_dim3A_542 = vector.broadcast %sub3A_541 : i32 to vector<16xi32>
            %add3A_543 = arith.constant 0 : i32
            %add3A_544 = vector.broadcast %add3A_543 : i32 to vector<16xi32>
            %add3A_545 = arith.addi %iota3A, %add3A_544 : vector<16xi32>
            %gather3A_546 = tpu.vector_load_idx %arg13[%broadcast_in_dim3A, %add3A_545, %broadcast_in_dim3A_542] : memref<2x64x512xf32, #tpu.memory_space<vmem>>[vector<16xi32>, vector<16xi32>, vector<16xi32>], vector<16xf32>,
            %mul3A_547 = arith.constant 64 : i32
            %mul3A_548 = arith.muli %squeeze3A_540, %mul3A_547 : i32
            %add3A_549 = arith.constant 0 : i32
            %add3A_550 = arith.addi %mul3A_548, %add3A_549 : i32
            %swap3A = arith.index_cast %add3A_550 : i32 to index
            %swap3A_551 = tpu.vector_load %arg14[%swap3A] {strides = array<i32>} : memref<4096xf32, #tpu.memory_space<vmem>>, vector<16xf32>,
            tpu.vector_store %arg14[%swap3A], %gather3A_546 {strides = array<i32>} : memref<4096xf32, #tpu.memory_space<vmem>>, vector<16xf32>,
            %add3A_552 = arith.constant 16 : i32
            %add3A_553 = vector.broadcast %add3A_552 : i32 to vector<16xi32>
            %add3A_554 = arith.addi %iota3A, %add3A_553 : vector<16xi32>
            %gather3A_555 = tpu.vector_load_idx %arg13[%broadcast_in_dim3A, %add3A_554, %broadcast_in_dim3A_542] : memref<2x64x512xf32, #tpu.memory_space<vmem>>[vector<16xi32>, vector<16xi32>, vector<16xi32>], vector<16xf32>,
            %mul3A_556 = arith.constant 64 : i32
            %mul3A_557 = arith.muli %squeeze3A_540, %mul3A_556 : i32
            %add3A_558 = arith.constant 16 : i32
            %add3A_559 = arith.addi %mul3A_557, %add3A_558 : i32
            %swap3A_560 = arith.index_cast %add3A_559 : i32 to index
            %swap3A_561 = tpu.vector_load %arg14[%swap3A_560] {strides = array<i32>} : memref<4096xf32, #tpu.memory_space<vmem>>, vector<16xf32>,
            tpu.vector_store %arg14[%swap3A_560], %gather3A_555 {strides = array<i32>} : memref<4096xf32, #tpu.memory_space<vmem>>, vector<16xf32>,
            %add3A_562 = arith.constant 32 : i32
            %add3A_563 = vector.broadcast %add3A_562 : i32 to vector<16xi32>
            %add3A_564 = arith.addi %iota3A, %add3A_563 : vector<16xi32>
            %gather3A_565 = tpu.vector_load_idx %arg13[%broadcast_in_dim3A, %add3A_564, %broadcast_in_dim3A_542] : memref<2x64x512xf32, #tpu.memory_space<vmem>>[vector<16xi32>, vector<16xi32>, vector<16xi32>], vector<16xf32>,
            %mul3A_566 = arith.constant 64 : i32
            %mul3A_567 = arith.muli %squeeze3A_540, %mul3A_566 : i32
            %add3A_568 = arith.constant 32 : i32
            %add3A_569 = arith.addi %mul3A_567, %add3A_568 : i32
            %swap3A_570 = arith.index_cast %add3A_569 : i32 to index
            %swap3A_571 = tpu.vector_load %arg14[%swap3A_570] {strides = array<i32>} : memref<4096xf32, #tpu.memory_space<vmem>>, vector<16xf32>,
            tpu.vector_store %arg14[%swap3A_570], %gather3A_565 {strides = array<i32>} : memref<4096xf32, #tpu.memory_space<vmem>>, vector<16xf32>,
            %add3A_572 = arith.constant 48 : i32
            %add3A_573 = vector.broadcast %add3A_572 : i32 to vector<16xi32>
            %add3A_574 = arith.addi %iota3A, %add3A_573 : vector<16xi32>
            %gather3A_575 = tpu.vector_load_idx %arg13[%broadcast_in_dim3A, %add3A_574, %broadcast_in_dim3A_542] : memref<2x64x512xf32, #tpu.memory_space<vmem>>[vector<16xi32>, vector<16xi32>, vector<16xi32>], vector<16xf32>,
            %mul3A_576 = arith.constant 64 : i32
            %mul3A_577 = arith.muli %squeeze3A_540, %mul3A_576 : i32
            %add3A_578 = arith.constant 48 : i32
            %add3A_579 = arith.addi %mul3A_577, %add3A_578 : i32
            %swap3A_580 = arith.index_cast %add3A_579 : i32 to index
            %swap3A_581 = tpu.vector_load %arg14[%swap3A_580] {strides = array<i32>} : memref<4096xf32, #tpu.memory_space<vmem>>, vector<16xf32>,
            tpu.vector_store %arg14[%swap3A_580], %gather3A_575 {strides = array<i32>} : memref<4096xf32, #tpu.memory_space<vmem>>, vector<16xf32>,
            %ge3A_582 = arith.constant 64 : i32
            %ge3A_583 = arith.cmpi sge, %while3A_502, %ge3A_582 : i32
            %convert_element_type3A_584 = arith.extui %ge3A_583 : i1 to i32
            %cond3A_585 = arith.constant 0 : i32
            %cond3A_586 = arith.cmpi ne, %convert_element_type3A_584, %cond3A_585 : i32
            scf.if %cond3A_586 {
              %dma_wait3A = arith.constant 0 : i32
              %dma_wait3A_602 = arith.constant 0 : i32
              %dma_wait3A_603 = tpu.memref_slice %arg14[%dma_wait3A_602] : memref<4096xf32, #tpu.memory_space<vmem>> -> memref<64xf32, #tpu.memory_space<vmem>>
              %dma_wait3A_604 = arith.constant 0 : i32
              %dma_wait3A_605 = tpu.memref_slice %arg6[%dma_wait3A, %dma_wait3A_604] : memref<16384x128xf32, #tpu.memory_space<hbm>> -> memref<1x64xf32, #tpu.memory_space<hbm>>
              %dma_wait3A_606 = tpu.memref_squeeze %dma_wait3A_605 : memref<1x64xf32, #tpu.memory_space<hbm>> -> memref<64xf32, #tpu.memory_space<hbm>>
              %dma_wait3A_607 = arith.constant 0 : i32
              %dma_wait3A_608 = tpu.memref_slice %arg14[%dma_wait3A_607] : memref<4096xf32, #tpu.memory_space<vmem>> -> memref<64xf32, #tpu.memory_space<vmem>>
              %dma_wait3A_609 = arith.constant 0 : i32
              %dma_wait3A_610 = tpu.memref_slice %arg6[%dma_wait3A, %dma_wait3A_609] : memref<16384x128xf32, #tpu.memory_space<hbm>> -> memref<1x64xf32, #tpu.memory_space<hbm>>
              %dma_wait3A_611 = tpu.memref_squeeze %dma_wait3A_610 : memref<1x64xf32, #tpu.memory_space<hbm>> -> memref<64xf32, #tpu.memory_space<hbm>>
              tpu.wait_dma2 semaphore(%arg17 : memref<!tpu.dma_semaphore, #tpu.memory_space<semaphore_mem>>) src(%dma_wait3A_611 : memref<64xf32, #tpu.memory_space<hbm>>) dst(%dma_wait3A_608 : memref<64xf32, #tpu.memory_space<vmem>>)
            } else {
            }
            %mul3A_587 = arith.constant 64 : i32
            %mul3A_588 = arith.muli %squeeze3A_540, %mul3A_587 : i32
            %dma_start3A_589 = tpu.memref_slice %arg14[%mul3A_588] : memref<4096xf32, #tpu.memory_space<vmem>> -> memref<64xf32, #tpu.memory_space<vmem>>
            %dma_start3A_590 = arith.constant 0 : i32
            %dma_start3A_591 = tpu.memref_slice %arg6[%squeeze3A_528, %dma_start3A_590] : memref<16384x128xf32, #tpu.memory_space<hbm>> -> memref<1x64xf32, #tpu.memory_space<hbm>>
            %dma_start3A_592 = tpu.memref_squeeze %dma_start3A_591 : memref<1x64xf32, #tpu.memory_space<hbm>> -> memref<64xf32, #tpu.memory_space<hbm>>
            %dma_start3A_593 = arith.constant 0 : i32
            %dma_start3A_594 = tpu.memref_slice %arg6[%squeeze3A_528, %dma_start3A_593] : memref<16384x128xf32, #tpu.memory_space<hbm>> -> memref<1x64xf32, #tpu.memory_space<hbm>>
            %dma_start3A_595 = tpu.memref_squeeze %dma_start3A_594 : memref<1x64xf32, #tpu.memory_space<hbm>> -> memref<64xf32, #tpu.memory_space<hbm>>
            %dma_start3A_596 = tpu.memref_slice %arg14[%mul3A_588] : memref<4096xf32, #tpu.memory_space<vmem>> -> memref<64xf32, #tpu.memory_space<vmem>>
            tpu.enqueue_dma source(%dma_start3A_596 : memref<64xf32, #tpu.memory_space<vmem>>) target(%dma_start3A_595 : memref<64xf32, #tpu.memory_space<hbm>>) target_semaphore(%arg17 : memref<!tpu.dma_semaphore, #tpu.memory_space<semaphore_mem>>)
            %ne3A_597 = vector.broadcast %squeeze3A_504 : i32 to vector<16xi32>
            %ne3A_598 = arith.cmpi ne, %iota3A, %ne3A_597 : vector<16xi32>
            %and3A_599 = arith.andi %while3A_501, %ne3A_598 : vector<16xi1>
            %add3A_600 = arith.constant 1 : i32
            %add3A_601 = arith.addi %while3A_502, %add3A_600 : i32
            scf.yield %and3A_599, %add3A_601 : vector<16xi1>, i32
          }
        } else {
        }
        %all_reduce_population_count3A_496 = tpu.all_reduce %and3A_461 {dim = 0 : i64, kind = #tpu.reduction_kind<sum>} : vector<16xi1> -> vector<16xi32>
        %slice3A_497 = vector.extract_strided_slice %all_reduce_population_count3A_496 {offsets = [0], sizes = [1], strides = [1]} : vector<16xi32> to vector<1xi32>
        %squeeze3A_498 = vector.extract %slice3A_497[0] : i32 from vector<1xi32>
        %add3A_499 = arith.addi %while3A_444, %squeeze3A_498 : i32
        scf.yield %add3A_499 : i32
      }
      scf.yield %while3A_442 : i32
    }
    %while3A_238 = arith.constant 1 : i32
    %while3A_239 = scf.for %while3A_394 = %while3A_235 to %while3A_231 step %while3A_238 iter_args(%while3A_395 = %while3A_237) -> (i32)  : i32 {
      %jit3A_396 = arith.constant 2 : i32
      %eq3A = arith.constant 0 : i32
      %eq3A_397 = arith.cmpi eq, %jit3A_396, %eq3A : i32
      %jit3A_398 = arith.constant 1 : i32
      %select_n3A_399 = arith.select %eq3A_397, %jit3A_398, %jit3A_396 : i32
      %rem3A_400 = arith.remsi %while3A_394, %select_n3A_399 : i32
      %ne3A_401 = arith.constant 0 : i32
      %ne3A_402 = arith.cmpi ne, %rem3A_400, %ne3A_401 : i32
      %lt3A = arith.constant 0 : i32
      %lt3A_403 = arith.cmpi slt, %rem3A_400, %lt3A : i32
      %lt3A_404 = arith.constant 0 : i32
      %lt3A_405 = arith.cmpi slt, %select_n3A_399, %lt3A_404 : i32
      %ne3A_406 = arith.xori %lt3A_403, %lt3A_405 : i1
      %and3A_407 = arith.andi %ne3A_406, %ne3A_402 : i1
      %add3A_408 = arith.addi %rem3A_400, %select_n3A_399 : i32
      %select_n3A_409 = arith.select %and3A_407, %add3A_408, %rem3A_400 : i32
      %mul3A_410 = arith.constant 512 : i32
      %mul3A_411 = arith.muli %while3A_394, %mul3A_410 : i32
      %add3A_412 = arith.addi %mul3A_48, %mul3A_411 : i32
      %add3A_413 = arith.constant 512 : i32
      %add3A_414 = arith.addi %add3A_412, %add3A_413 : i32
      %min3A_415 = arith.minsi %add3A_414, %min3A_51 : i32
      %min3A_416 = arith.constant 999552 : i32
      %min3A_417 = arith.minsi %add3A_412, %min3A_416 : i32
      %add3A_418 = arith.constant 1 : i32
      %add3A_419 = arith.addi %while3A_394, %add3A_418 : i32
      %lt3A_420 = arith.cmpi slt, %add3A_419, %select_n3A_80 : i32
      %convert_element_type3A = arith.extui %lt3A_420 : i1 to i32
      %cond3A = arith.constant 0 : i32
      %cond3A_421 = arith.cmpi ne, %convert_element_type3A, %cond3A : i32
      scf.if %cond3A_421 {
        %add3A_443 = arith.constant 1 : i32
        %add3A_444 = arith.addi %while3A_394, %add3A_443 : i32
        %sub3A_445 = arith.constant 1 : i32
        %sub3A_446 = arith.subi %sub3A_445, %select_n3A_409 : i32
        %mul3A_447 = arith.constant 512 : i32
        %mul3A_448 = arith.muli %add3A_444, %mul3A_447 : i32
        %add3A_449 = arith.addi %mul3A_48, %mul3A_448 : i32
        %min3A_450 = arith.constant 999552 : i32
        %min3A_451 = arith.minsi %add3A_449, %min3A_450 : i32
        %multiple_of3A_452 = tpu.assume_multiple %min3A_451, 128 : i32
        %eq3A_453 = arith.constant 0 : i32
        %eq3A_454 = arith.cmpi eq, %sub3A_446, %eq3A_453 : i32
        %convert_element_type3A_455 = arith.extui %eq3A_454 : i1 to i32
        %cond3A_456 = arith.constant 0 : i32
        %cond3A_457 = arith.cmpi ne, %convert_element_type3A_455, %cond3A_456 : i32
        scf.if %cond3A_457 {
          %dma_start3A_533 = arith.constant 0 : i32
          %dma_start3A_534 = arith.constant 0 : i32
          %dma_start3A_535 = arith.constant 0 : i32
          %dma_start3A_536 = tpu.memref_slice %arg13[%dma_start3A_533, %dma_start3A_534, %dma_start3A_535] : memref<2x64x512xf32, #tpu.memory_space<vmem>> -> memref<1x8x512xf32, #tpu.memory_space<vmem>>
          %dma_start3A_537 = tpu.memref_squeeze %dma_start3A_536 : memref<1x8x512xf32, #tpu.memory_space<vmem>> -> memref<8x512xf32, #tpu.memory_space<vmem>>
          %dma_start3A_538 = arith.constant 0 : i32
          %dma_start3A_539 = tpu.memref_slice %arg4[%dma_start3A_538, %multiple_of3A_452] : memref<64x1000000xf32, #tpu.memory_space<hbm>> -> memref<8x512xf32, #tpu.memory_space<hbm>>
          %dma_start3A_540 = arith.constant 0 : i32
          %dma_start3A_541 = arith.constant 0 : i32
          %dma_start3A_542 = tpu.memref_slice %arg13[%dma_start3A_533, %dma_start3A_540, %dma_start3A_541] : memref<2x64x512xf32, #tpu.memory_space<vmem>> -> memref<1x8x512xf32, #tpu.memory_space<vmem>>
          %dma_start3A_543 = tpu.memref_squeeze %dma_start3A_542 : memref<1x8x512xf32, #tpu.memory_space<vmem>> -> memref<8x512xf32, #tpu.memory_space<vmem>>
          %dma_start3A_544 = arith.constant 0 : i32
          %dma_start3A_545 = tpu.memref_slice %arg4[%dma_start3A_544, %multiple_of3A_452] : memref<64x1000000xf32, #tpu.memory_space<hbm>> -> memref<8x512xf32, #tpu.memory_space<hbm>>
          tpu.enqueue_dma source(%dma_start3A_545 : memref<8x512xf32, #tpu.memory_space<hbm>>) target(%dma_start3A_543 : memref<8x512xf32, #tpu.memory_space<vmem>>) target_semaphore(%arg15 : memref<!tpu.dma_semaphore, #tpu.memory_space<semaphore_mem>>)
        } else {
        }
        %eq3A_458 = arith.constant 1 : i32
        %eq3A_459 = arith.cmpi eq, %sub3A_446, %eq3A_458 : i32
        %convert_element_type3A_460 = arith.extui %eq3A_459 : i1 to i32
        %cond3A_461 = arith.constant 0 : i32
        %cond3A_462 = arith.cmpi ne, %convert_element_type3A_460, %cond3A_461 : i32
        scf.if %cond3A_462 {
          %dma_start3A_533 = arith.constant 1 : i32
          %dma_start3A_534 = arith.constant 0 : i32
          %dma_start3A_535 = arith.constant 0 : i32
          %dma_start3A_536 = tpu.memref_slice %arg13[%dma_start3A_533, %dma_start3A_534, %dma_start3A_535] : memref<2x64x512xf32, #tpu.memory_space<vmem>> -> memref<1x8x512xf32, #tpu.memory_space<vmem>>
          %dma_start3A_537 = tpu.memref_squeeze %dma_start3A_536 : memref<1x8x512xf32, #tpu.memory_space<vmem>> -> memref<8x512xf32, #tpu.memory_space<vmem>>
          %dma_start3A_538 = arith.constant 0 : i32
          %dma_start3A_539 = tpu.memref_slice %arg4[%dma_start3A_538, %multiple_of3A_452] : memref<64x1000000xf32, #tpu.memory_space<hbm>> -> memref<8x512xf32, #tpu.memory_space<hbm>>
          %dma_start3A_540 = arith.constant 0 : i32
          %dma_start3A_541 = arith.constant 0 : i32
          %dma_start3A_542 = tpu.memref_slice %arg13[%dma_start3A_533, %dma_start3A_540, %dma_start3A_541] : memref<2x64x512xf32, #tpu.memory_space<vmem>> -> memref<1x8x512xf32, #tpu.memory_space<vmem>>
          %dma_start3A_543 = tpu.memref_squeeze %dma_start3A_542 : memref<1x8x512xf32, #tpu.memory_space<vmem>> -> memref<8x512xf32, #tpu.memory_space<vmem>>
          %dma_start3A_544 = arith.constant 0 : i32
          %dma_start3A_545 = tpu.memref_slice %arg4[%dma_start3A_544, %multiple_of3A_452] : memref<64x1000000xf32, #tpu.memory_space<hbm>> -> memref<8x512xf32, #tpu.memory_space<hbm>>
          tpu.enqueue_dma source(%dma_start3A_545 : memref<8x512xf32, #tpu.memory_space<hbm>>) target(%dma_start3A_543 : memref<8x512xf32, #tpu.memory_space<vmem>>) target_semaphore(%arg16 : memref<!tpu.dma_semaphore, #tpu.memory_space<semaphore_mem>>)
        } else {
        }
        %eq3A_463 = arith.constant 0 : i32
        %eq3A_464 = arith.cmpi eq, %sub3A_446, %eq3A_463 : i32
        %convert_element_type3A_465 = arith.extui %eq3A_464 : i1 to i32
        %cond3A_466 = arith.constant 0 : i32
        %cond3A_467 = arith.cmpi ne, %convert_element_type3A_465, %cond3A_466 : i32
        scf.if %cond3A_467 {
          %dma_start3A_533 = arith.constant 0 : i32
          %dma_start3A_534 = arith.constant 8 : i32
          %dma_start3A_535 = arith.constant 0 : i32
          %dma_start3A_536 = tpu.memref_slice %arg13[%dma_start3A_533, %dma_start3A_534, %dma_start3A_535] : memref<2x64x512xf32, #tpu.memory_space<vmem>> -> memref<1x8x512xf32, #tpu.memory_space<vmem>>
          %dma_start3A_537 = tpu.memref_squeeze %dma_start3A_536 : memref<1x8x512xf32, #tpu.memory_space<vmem>> -> memref<8x512xf32, #tpu.memory_space<vmem>>
          %dma_start3A_538 = arith.constant 8 : i32
          %dma_start3A_539 = tpu.memref_slice %arg4[%dma_start3A_538, %multiple_of3A_452] : memref<64x1000000xf32, #tpu.memory_space<hbm>> -> memref<8x512xf32, #tpu.memory_space<hbm>>
          %dma_start3A_540 = arith.constant 8 : i32
          %dma_start3A_541 = arith.constant 0 : i32
          %dma_start3A_542 = tpu.memref_slice %arg13[%dma_start3A_533, %dma_start3A_540, %dma_start3A_541] : memref<2x64x512xf32, #tpu.memory_space<vmem>> -> memref<1x8x512xf32, #tpu.memory_space<vmem>>
          %dma_start3A_543 = tpu.memref_squeeze %dma_start3A_542 : memref<1x8x512xf32, #tpu.memory_space<vmem>> -> memref<8x512xf32, #tpu.memory_space<vmem>>
          %dma_start3A_544 = arith.constant 8 : i32
          %dma_start3A_545 = tpu.memref_slice %arg4[%dma_start3A_544, %multiple_of3A_452] : memref<64x1000000xf32, #tpu.memory_space<hbm>> -> memref<8x512xf32, #tpu.memory_space<hbm>>
          tpu.enqueue_dma source(%dma_start3A_545 : memref<8x512xf32, #tpu.memory_space<hbm>>) target(%dma_start3A_543 : memref<8x512xf32, #tpu.memory_space<vmem>>) target_semaphore(%arg15 : memref<!tpu.dma_semaphore, #tpu.memory_space<semaphore_mem>>)
        } else {
        }
        %eq3A_468 = arith.constant 1 : i32
        %eq3A_469 = arith.cmpi eq, %sub3A_446, %eq3A_468 : i32
        %convert_element_type3A_470 = arith.extui %eq3A_469 : i1 to i32
        %cond3A_471 = arith.constant 0 : i32
        %cond3A_472 = arith.cmpi ne, %convert_element_type3A_470, %cond3A_471 : i32
        scf.if %cond3A_472 {
          %dma_start3A_533 = arith.constant 1 : i32
          %dma_start3A_534 = arith.constant 8 : i32
          %dma_start3A_535 = arith.constant 0 : i32
          %dma_start3A_536 = tpu.memref_slice %arg13[%dma_start3A_533, %dma_start3A_534, %dma_start3A_535] : memref<2x64x512xf32, #tpu.memory_space<vmem>> -> memref<1x8x512xf32, #tpu.memory_space<vmem>>
          %dma_start3A_537 = tpu.memref_squeeze %dma_start3A_536 : memref<1x8x512xf32, #tpu.memory_space<vmem>> -> memref<8x512xf32, #tpu.memory_space<vmem>>
          %dma_start3A_538 = arith.constant 8 : i32
          %dma_start3A_539 = tpu.memref_slice %arg4[%dma_start3A_538, %multiple_of3A_452] : memref<64x1000000xf32, #tpu.memory_space<hbm>> -> memref<8x512xf32, #tpu.memory_space<hbm>>
          %dma_start3A_540 = arith.constant 8 : i32
          %dma_start3A_541 = arith.constant 0 : i32
          %dma_start3A_542 = tpu.memref_slice %arg13[%dma_start3A_533, %dma_start3A_540, %dma_start3A_541] : memref<2x64x512xf32, #tpu.memory_space<vmem>> -> memref<1x8x512xf32, #tpu.memory_space<vmem>>
          %dma_start3A_543 = tpu.memref_squeeze %dma_start3A_542 : memref<1x8x512xf32, #tpu.memory_space<vmem>> -> memref<8x512xf32, #tpu.memory_space<vmem>>
          %dma_start3A_544 = arith.constant 8 : i32
          %dma_start3A_545 = tpu.memref_slice %arg4[%dma_start3A_544, %multiple_of3A_452] : memref<64x1000000xf32, #tpu.memory_space<hbm>> -> memref<8x512xf32, #tpu.memory_space<hbm>>
          tpu.enqueue_dma source(%dma_start3A_545 : memref<8x512xf32, #tpu.memory_space<hbm>>) target(%dma_start3A_543 : memref<8x512xf32, #tpu.memory_space<vmem>>) target_semaphore(%arg16 : memref<!tpu.dma_semaphore, #tpu.memory_space<semaphore_mem>>)
        } else {
        }
        %eq3A_473 = arith.constant 0 : i32
        %eq3A_474 = arith.cmpi eq, %sub3A_446, %eq3A_473 : i32
        %convert_element_type3A_475 = arith.extui %eq3A_474 : i1 to i32
        %cond3A_476 = arith.constant 0 : i32
        %cond3A_477 = arith.cmpi ne, %convert_element_type3A_475, %cond3A_476 : i32
        scf.if %cond3A_477 {
          %dma_start3A_533 = arith.constant 0 : i32
          %dma_start3A_534 = arith.constant 16 : i32
          %dma_start3A_535 = arith.constant 0 : i32
          %dma_start3A_536 = tpu.memref_slice %arg13[%dma_start3A_533, %dma_start3A_534, %dma_start3A_535] : memref<2x64x512xf32, #tpu.memory_space<vmem>> -> memref<1x8x512xf32, #tpu.memory_space<vmem>>
          %dma_start3A_537 = tpu.memref_squeeze %dma_start3A_536 : memref<1x8x512xf32, #tpu.memory_space<vmem>> -> memref<8x512xf32, #tpu.memory_space<vmem>>
          %dma_start3A_538 = arith.constant 16 : i32
          %dma_start3A_539 = tpu.memref_slice %arg4[%dma_start3A_538, %multiple_of3A_452] : memref<64x1000000xf32, #tpu.memory_space<hbm>> -> memref<8x512xf32, #tpu.memory_space<hbm>>
          %dma_start3A_540 = arith.constant 16 : i32
          %dma_start3A_541 = arith.constant 0 : i32
          %dma_start3A_542 = tpu.memref_slice %arg13[%dma_start3A_533, %dma_start3A_540, %dma_start3A_541] : memref<2x64x512xf32, #tpu.memory_space<vmem>> -> memref<1x8x512xf32, #tpu.memory_space<vmem>>
          %dma_start3A_543 = tpu.memref_squeeze %dma_start3A_542 : memref<1x8x512xf32, #tpu.memory_space<vmem>> -> memref<8x512xf32, #tpu.memory_space<vmem>>
          %dma_start3A_544 = arith.constant 16 : i32
          %dma_start3A_545 = tpu.memref_slice %arg4[%dma_start3A_544, %multiple_of3A_452] : memref<64x1000000xf32, #tpu.memory_space<hbm>> -> memref<8x512xf32, #tpu.memory_space<hbm>>
          tpu.enqueue_dma source(%dma_start3A_545 : memref<8x512xf32, #tpu.memory_space<hbm>>) target(%dma_start3A_543 : memref<8x512xf32, #tpu.memory_space<vmem>>) target_semaphore(%arg15 : memref<!tpu.dma_semaphore, #tpu.memory_space<semaphore_mem>>)
        } else {
        }
        %eq3A_478 = arith.constant 1 : i32
        %eq3A_479 = arith.cmpi eq, %sub3A_446, %eq3A_478 : i32
        %convert_element_type3A_480 = arith.extui %eq3A_479 : i1 to i32
        %cond3A_481 = arith.constant 0 : i32
        %cond3A_482 = arith.cmpi ne, %convert_element_type3A_480, %cond3A_481 : i32
        scf.if %cond3A_482 {
          %dma_start3A_533 = arith.constant 1 : i32
          %dma_start3A_534 = arith.constant 16 : i32
          %dma_start3A_535 = arith.constant 0 : i32
          %dma_start3A_536 = tpu.memref_slice %arg13[%dma_start3A_533, %dma_start3A_534, %dma_start3A_535] : memref<2x64x512xf32, #tpu.memory_space<vmem>> -> memref<1x8x512xf32, #tpu.memory_space<vmem>>
          %dma_start3A_537 = tpu.memref_squeeze %dma_start3A_536 : memref<1x8x512xf32, #tpu.memory_space<vmem>> -> memref<8x512xf32, #tpu.memory_space<vmem>>
          %dma_start3A_538 = arith.constant 16 : i32
          %dma_start3A_539 = tpu.memref_slice %arg4[%dma_start3A_538, %multiple_of3A_452] : memref<64x1000000xf32, #tpu.memory_space<hbm>> -> memref<8x512xf32, #tpu.memory_space<hbm>>
          %dma_start3A_540 = arith.constant 16 : i32
          %dma_start3A_541 = arith.constant 0 : i32
          %dma_start3A_542 = tpu.memref_slice %arg13[%dma_start3A_533, %dma_start3A_540, %dma_start3A_541] : memref<2x64x512xf32, #tpu.memory_space<vmem>> -> memref<1x8x512xf32, #tpu.memory_space<vmem>>
          %dma_start3A_543 = tpu.memref_squeeze %dma_start3A_542 : memref<1x8x512xf32, #tpu.memory_space<vmem>> -> memref<8x512xf32, #tpu.memory_space<vmem>>
          %dma_start3A_544 = arith.constant 16 : i32
          %dma_start3A_545 = tpu.memref_slice %arg4[%dma_start3A_544, %multiple_of3A_452] : memref<64x1000000xf32, #tpu.memory_space<hbm>> -> memref<8x512xf32, #tpu.memory_space<hbm>>
          tpu.enqueue_dma source(%dma_start3A_545 : memref<8x512xf32, #tpu.memory_space<hbm>>) target(%dma_start3A_543 : memref<8x512xf32, #tpu.memory_space<vmem>>) target_semaphore(%arg16 : memref<!tpu.dma_semaphore, #tpu.memory_space<semaphore_mem>>)
        } else {
        }
        %eq3A_483 = arith.constant 0 : i32
        %eq3A_484 = arith.cmpi eq, %sub3A_446, %eq3A_483 : i32
        %convert_element_type3A_485 = arith.extui %eq3A_484 : i1 to i32
        %cond3A_486 = arith.constant 0 : i32
        %cond3A_487 = arith.cmpi ne, %convert_element_type3A_485, %cond3A_486 : i32
        scf.if %cond3A_487 {
          %dma_start3A_533 = arith.constant 0 : i32
          %dma_start3A_534 = arith.constant 24 : i32
          %dma_start3A_535 = arith.constant 0 : i32
          %dma_start3A_536 = tpu.memref_slice %arg13[%dma_start3A_533, %dma_start3A_534, %dma_start3A_535] : memref<2x64x512xf32, #tpu.memory_space<vmem>> -> memref<1x8x512xf32, #tpu.memory_space<vmem>>
          %dma_start3A_537 = tpu.memref_squeeze %dma_start3A_536 : memref<1x8x512xf32, #tpu.memory_space<vmem>> -> memref<8x512xf32, #tpu.memory_space<vmem>>
          %dma_start3A_538 = arith.constant 24 : i32
          %dma_start3A_539 = tpu.memref_slice %arg4[%dma_start3A_538, %multiple_of3A_452] : memref<64x1000000xf32, #tpu.memory_space<hbm>> -> memref<8x512xf32, #tpu.memory_space<hbm>>
          %dma_start3A_540 = arith.constant 24 : i32
          %dma_start3A_541 = arith.constant 0 : i32
          %dma_start3A_542 = tpu.memref_slice %arg13[%dma_start3A_533, %dma_start3A_540, %dma_start3A_541] : memref<2x64x512xf32, #tpu.memory_space<vmem>> -> memref<1x8x512xf32, #tpu.memory_space<vmem>>
          %dma_start3A_543 = tpu.memref_squeeze %dma_start3A_542 : memref<1x8x512xf32, #tpu.memory_space<vmem>> -> memref<8x512xf32, #tpu.memory_space<vmem>>
          %dma_start3A_544 = arith.constant 24 : i32
          %dma_start3A_545 = tpu.memref_slice %arg4[%dma_start3A_544, %multiple_of3A_452] : memref<64x1000000xf32, #tpu.memory_space<hbm>> -> memref<8x512xf32, #tpu.memory_space<hbm>>
          tpu.enqueue_dma source(%dma_start3A_545 : memref<8x512xf32, #tpu.memory_space<hbm>>) target(%dma_start3A_543 : memref<8x512xf32, #tpu.memory_space<vmem>>) target_semaphore(%arg15 : memref<!tpu.dma_semaphore, #tpu.memory_space<semaphore_mem>>)
        } else {
        }
        %eq3A_488 = arith.constant 1 : i32
        %eq3A_489 = arith.cmpi eq, %sub3A_446, %eq3A_488 : i32
        %convert_element_type3A_490 = arith.extui %eq3A_489 : i1 to i32
        %cond3A_491 = arith.constant 0 : i32
        %cond3A_492 = arith.cmpi ne, %convert_element_type3A_490, %cond3A_491 : i32
        scf.if %cond3A_492 {
          %dma_start3A_533 = arith.constant 1 : i32
          %dma_start3A_534 = arith.constant 24 : i32
          %dma_start3A_535 = arith.constant 0 : i32
          %dma_start3A_536 = tpu.memref_slice %arg13[%dma_start3A_533, %dma_start3A_534, %dma_start3A_535] : memref<2x64x512xf32, #tpu.memory_space<vmem>> -> memref<1x8x512xf32, #tpu.memory_space<vmem>>
          %dma_start3A_537 = tpu.memref_squeeze %dma_start3A_536 : memref<1x8x512xf32, #tpu.memory_space<vmem>> -> memref<8x512xf32, #tpu.memory_space<vmem>>
          %dma_start3A_538 = arith.constant 24 : i32
          %dma_start3A_539 = tpu.memref_slice %arg4[%dma_start3A_538, %multiple_of3A_452] : memref<64x1000000xf32, #tpu.memory_space<hbm>> -> memref<8x512xf32, #tpu.memory_space<hbm>>
          %dma_start3A_540 = arith.constant 24 : i32
          %dma_start3A_541 = arith.constant 0 : i32
          %dma_start3A_542 = tpu.memref_slice %arg13[%dma_start3A_533, %dma_start3A_540, %dma_start3A_541] : memref<2x64x512xf32, #tpu.memory_space<vmem>> -> memref<1x8x512xf32, #tpu.memory_space<vmem>>
          %dma_start3A_543 = tpu.memref_squeeze %dma_start3A_542 : memref<1x8x512xf32, #tpu.memory_space<vmem>> -> memref<8x512xf32, #tpu.memory_space<vmem>>
          %dma_start3A_544 = arith.constant 24 : i32
          %dma_start3A_545 = tpu.memref_slice %arg4[%dma_start3A_544, %multiple_of3A_452] : memref<64x1000000xf32, #tpu.memory_space<hbm>> -> memref<8x512xf32, #tpu.memory_space<hbm>>
          tpu.enqueue_dma source(%dma_start3A_545 : memref<8x512xf32, #tpu.memory_space<hbm>>) target(%dma_start3A_543 : memref<8x512xf32, #tpu.memory_space<vmem>>) target_semaphore(%arg16 : memref<!tpu.dma_semaphore, #tpu.memory_space<semaphore_mem>>)
        } else {
        }
        %eq3A_493 = arith.constant 0 : i32
        %eq3A_494 = arith.cmpi eq, %sub3A_446, %eq3A_493 : i32
        %convert_element_type3A_495 = arith.extui %eq3A_494 : i1 to i32
        %cond3A_496 = arith.constant 0 : i32
        %cond3A_497 = arith.cmpi ne, %convert_element_type3A_495, %cond3A_496 : i32
        scf.if %cond3A_497 {
          %dma_start3A_533 = arith.constant 0 : i32
          %dma_start3A_534 = arith.constant 32 : i32
          %dma_start3A_535 = arith.constant 0 : i32
          %dma_start3A_536 = tpu.memref_slice %arg13[%dma_start3A_533, %dma_start3A_534, %dma_start3A_535] : memref<2x64x512xf32, #tpu.memory_space<vmem>> -> memref<1x8x512xf32, #tpu.memory_space<vmem>>
          %dma_start3A_537 = tpu.memref_squeeze %dma_start3A_536 : memref<1x8x512xf32, #tpu.memory_space<vmem>> -> memref<8x512xf32, #tpu.memory_space<vmem>>
          %dma_start3A_538 = arith.constant 32 : i32
          %dma_start3A_539 = tpu.memref_slice %arg4[%dma_start3A_538, %multiple_of3A_452] : memref<64x1000000xf32, #tpu.memory_space<hbm>> -> memref<8x512xf32, #tpu.memory_space<hbm>>
          %dma_start3A_540 = arith.constant 32 : i32
          %dma_start3A_541 = arith.constant 0 : i32
          %dma_start3A_542 = tpu.memref_slice %arg13[%dma_start3A_533, %dma_start3A_540, %dma_start3A_541] : memref<2x64x512xf32, #tpu.memory_space<vmem>> -> memref<1x8x512xf32, #tpu.memory_space<vmem>>
          %dma_start3A_543 = tpu.memref_squeeze %dma_start3A_542 : memref<1x8x512xf32, #tpu.memory_space<vmem>> -> memref<8x512xf32, #tpu.memory_space<vmem>>
          %dma_start3A_544 = arith.constant 32 : i32
          %dma_start3A_545 = tpu.memref_slice %arg4[%dma_start3A_544, %multiple_of3A_452] : memref<64x1000000xf32, #tpu.memory_space<hbm>> -> memref<8x512xf32, #tpu.memory_space<hbm>>
          tpu.enqueue_dma source(%dma_start3A_545 : memref<8x512xf32, #tpu.memory_space<hbm>>) target(%dma_start3A_543 : memref<8x512xf32, #tpu.memory_space<vmem>>) target_semaphore(%arg15 : memref<!tpu.dma_semaphore, #tpu.memory_space<semaphore_mem>>)
        } else {
        }
        %eq3A_498 = arith.constant 1 : i32
        %eq3A_499 = arith.cmpi eq, %sub3A_446, %eq3A_498 : i32
        %convert_element_type3A_500 = arith.extui %eq3A_499 : i1 to i32
        %cond3A_501 = arith.constant 0 : i32
        %cond3A_502 = arith.cmpi ne, %convert_element_type3A_500, %cond3A_501 : i32
        scf.if %cond3A_502 {
          %dma_start3A_533 = arith.constant 1 : i32
          %dma_start3A_534 = arith.constant 32 : i32
          %dma_start3A_535 = arith.constant 0 : i32
          %dma_start3A_536 = tpu.memref_slice %arg13[%dma_start3A_533, %dma_start3A_534, %dma_start3A_535] : memref<2x64x512xf32, #tpu.memory_space<vmem>> -> memref<1x8x512xf32, #tpu.memory_space<vmem>>
          %dma_start3A_537 = tpu.memref_squeeze %dma_start3A_536 : memref<1x8x512xf32, #tpu.memory_space<vmem>> -> memref<8x512xf32, #tpu.memory_space<vmem>>
          %dma_start3A_538 = arith.constant 32 : i32
          %dma_start3A_539 = tpu.memref_slice %arg4[%dma_start3A_538, %multiple_of3A_452] : memref<64x1000000xf32, #tpu.memory_space<hbm>> -> memref<8x512xf32, #tpu.memory_space<hbm>>
          %dma_start3A_540 = arith.constant 32 : i32
          %dma_start3A_541 = arith.constant 0 : i32
          %dma_start3A_542 = tpu.memref_slice %arg13[%dma_start3A_533, %dma_start3A_540, %dma_start3A_541] : memref<2x64x512xf32, #tpu.memory_space<vmem>> -> memref<1x8x512xf32, #tpu.memory_space<vmem>>
          %dma_start3A_543 = tpu.memref_squeeze %dma_start3A_542 : memref<1x8x512xf32, #tpu.memory_space<vmem>> -> memref<8x512xf32, #tpu.memory_space<vmem>>
          %dma_start3A_544 = arith.constant 32 : i32
          %dma_start3A_545 = tpu.memref_slice %arg4[%dma_start3A_544, %multiple_of3A_452] : memref<64x1000000xf32, #tpu.memory_space<hbm>> -> memref<8x512xf32, #tpu.memory_space<hbm>>
          tpu.enqueue_dma source(%dma_start3A_545 : memref<8x512xf32, #tpu.memory_space<hbm>>) target(%dma_start3A_543 : memref<8x512xf32, #tpu.memory_space<vmem>>) target_semaphore(%arg16 : memref<!tpu.dma_semaphore, #tpu.memory_space<semaphore_mem>>)
        } else {
        }
        %eq3A_503 = arith.constant 0 : i32
        %eq3A_504 = arith.cmpi eq, %sub3A_446, %eq3A_503 : i32
        %convert_element_type3A_505 = arith.extui %eq3A_504 : i1 to i32
        %cond3A_506 = arith.constant 0 : i32
        %cond3A_507 = arith.cmpi ne, %convert_element_type3A_505, %cond3A_506 : i32
        scf.if %cond3A_507 {
          %dma_start3A_533 = arith.constant 0 : i32
          %dma_start3A_534 = arith.constant 40 : i32
          %dma_start3A_535 = arith.constant 0 : i32
          %dma_start3A_536 = tpu.memref_slice %arg13[%dma_start3A_533, %dma_start3A_534, %dma_start3A_535] : memref<2x64x512xf32, #tpu.memory_space<vmem>> -> memref<1x8x512xf32, #tpu.memory_space<vmem>>
          %dma_start3A_537 = tpu.memref_squeeze %dma_start3A_536 : memref<1x8x512xf32, #tpu.memory_space<vmem>> -> memref<8x512xf32, #tpu.memory_space<vmem>>
          %dma_start3A_538 = arith.constant 40 : i32
          %dma_start3A_539 = tpu.memref_slice %arg4[%dma_start3A_538, %multiple_of3A_452] : memref<64x1000000xf32, #tpu.memory_space<hbm>> -> memref<8x512xf32, #tpu.memory_space<hbm>>
          %dma_start3A_540 = arith.constant 40 : i32
          %dma_start3A_541 = arith.constant 0 : i32
          %dma_start3A_542 = tpu.memref_slice %arg13[%dma_start3A_533, %dma_start3A_540, %dma_start3A_541] : memref<2x64x512xf32, #tpu.memory_space<vmem>> -> memref<1x8x512xf32, #tpu.memory_space<vmem>>
          %dma_start3A_543 = tpu.memref_squeeze %dma_start3A_542 : memref<1x8x512xf32, #tpu.memory_space<vmem>> -> memref<8x512xf32, #tpu.memory_space<vmem>>
          %dma_start3A_544 = arith.constant 40 : i32
          %dma_start3A_545 = tpu.memref_slice %arg4[%dma_start3A_544, %multiple_of3A_452] : memref<64x1000000xf32, #tpu.memory_space<hbm>> -> memref<8x512xf32, #tpu.memory_space<hbm>>
          tpu.enqueue_dma source(%dma_start3A_545 : memref<8x512xf32, #tpu.memory_space<hbm>>) target(%dma_start3A_543 : memref<8x512xf32, #tpu.memory_space<vmem>>) target_semaphore(%arg15 : memref<!tpu.dma_semaphore, #tpu.memory_space<semaphore_mem>>)
        } else {
        }
        %eq3A_508 = arith.constant 1 : i32
        %eq3A_509 = arith.cmpi eq, %sub3A_446, %eq3A_508 : i32
        %convert_element_type3A_510 = arith.extui %eq3A_509 : i1 to i32
        %cond3A_511 = arith.constant 0 : i32
        %cond3A_512 = arith.cmpi ne, %convert_element_type3A_510, %cond3A_511 : i32
        scf.if %cond3A_512 {
          %dma_start3A_533 = arith.constant 1 : i32
          %dma_start3A_534 = arith.constant 40 : i32
          %dma_start3A_535 = arith.constant 0 : i32
          %dma_start3A_536 = tpu.memref_slice %arg13[%dma_start3A_533, %dma_start3A_534, %dma_start3A_535] : memref<2x64x512xf32, #tpu.memory_space<vmem>> -> memref<1x8x512xf32, #tpu.memory_space<vmem>>
          %dma_start3A_537 = tpu.memref_squeeze %dma_start3A_536 : memref<1x8x512xf32, #tpu.memory_space<vmem>> -> memref<8x512xf32, #tpu.memory_space<vmem>>
          %dma_start3A_538 = arith.constant 40 : i32
          %dma_start3A_539 = tpu.memref_slice %arg4[%dma_start3A_538, %multiple_of3A_452] : memref<64x1000000xf32, #tpu.memory_space<hbm>> -> memref<8x512xf32, #tpu.memory_space<hbm>>
          %dma_start3A_540 = arith.constant 40 : i32
          %dma_start3A_541 = arith.constant 0 : i32
          %dma_start3A_542 = tpu.memref_slice %arg13[%dma_start3A_533, %dma_start3A_540, %dma_start3A_541] : memref<2x64x512xf32, #tpu.memory_space<vmem>> -> memref<1x8x512xf32, #tpu.memory_space<vmem>>
          %dma_start3A_543 = tpu.memref_squeeze %dma_start3A_542 : memref<1x8x512xf32, #tpu.memory_space<vmem>> -> memref<8x512xf32, #tpu.memory_space<vmem>>
          %dma_start3A_544 = arith.constant 40 : i32
          %dma_start3A_545 = tpu.memref_slice %arg4[%dma_start3A_544, %multiple_of3A_452] : memref<64x1000000xf32, #tpu.memory_space<hbm>> -> memref<8x512xf32, #tpu.memory_space<hbm>>
          tpu.enqueue_dma source(%dma_start3A_545 : memref<8x512xf32, #tpu.memory_space<hbm>>) target(%dma_start3A_543 : memref<8x512xf32, #tpu.memory_space<vmem>>) target_semaphore(%arg16 : memref<!tpu.dma_semaphore, #tpu.memory_space<semaphore_mem>>)
        } else {
        }
        %eq3A_513 = arith.constant 0 : i32
        %eq3A_514 = arith.cmpi eq, %sub3A_446, %eq3A_513 : i32
        %convert_element_type3A_515 = arith.extui %eq3A_514 : i1 to i32
        %cond3A_516 = arith.constant 0 : i32
        %cond3A_517 = arith.cmpi ne, %convert_element_type3A_515, %cond3A_516 : i32
        scf.if %cond3A_517 {
          %dma_start3A_533 = arith.constant 0 : i32
          %dma_start3A_534 = arith.constant 48 : i32
          %dma_start3A_535 = arith.constant 0 : i32
          %dma_start3A_536 = tpu.memref_slice %arg13[%dma_start3A_533, %dma_start3A_534, %dma_start3A_535] : memref<2x64x512xf32, #tpu.memory_space<vmem>> -> memref<1x8x512xf32, #tpu.memory_space<vmem>>
          %dma_start3A_537 = tpu.memref_squeeze %dma_start3A_536 : memref<1x8x512xf32, #tpu.memory_space<vmem>> -> memref<8x512xf32, #tpu.memory_space<vmem>>
          %dma_start3A_538 = arith.constant 48 : i32
          %dma_start3A_539 = tpu.memref_slice %arg4[%dma_start3A_538, %multiple_of3A_452] : memref<64x1000000xf32, #tpu.memory_space<hbm>> -> memref<8x512xf32, #tpu.memory_space<hbm>>
          %dma_start3A_540 = arith.constant 48 : i32
          %dma_start3A_541 = arith.constant 0 : i32
          %dma_start3A_542 = tpu.memref_slice %arg13[%dma_start3A_533, %dma_start3A_540, %dma_start3A_541] : memref<2x64x512xf32, #tpu.memory_space<vmem>> -> memref<1x8x512xf32, #tpu.memory_space<vmem>>
          %dma_start3A_543 = tpu.memref_squeeze %dma_start3A_542 : memref<1x8x512xf32, #tpu.memory_space<vmem>> -> memref<8x512xf32, #tpu.memory_space<vmem>>
          %dma_start3A_544 = arith.constant 48 : i32
          %dma_start3A_545 = tpu.memref_slice %arg4[%dma_start3A_544, %multiple_of3A_452] : memref<64x1000000xf32, #tpu.memory_space<hbm>> -> memref<8x512xf32, #tpu.memory_space<hbm>>
          tpu.enqueue_dma source(%dma_start3A_545 : memref<8x512xf32, #tpu.memory_space<hbm>>) target(%dma_start3A_543 : memref<8x512xf32, #tpu.memory_space<vmem>>) target_semaphore(%arg15 : memref<!tpu.dma_semaphore, #tpu.memory_space<semaphore_mem>>)
        } else {
        }
        %eq3A_518 = arith.constant 1 : i32
        %eq3A_519 = arith.cmpi eq, %sub3A_446, %eq3A_518 : i32
        %convert_element_type3A_520 = arith.extui %eq3A_519 : i1 to i32
        %cond3A_521 = arith.constant 0 : i32
        %cond3A_522 = arith.cmpi ne, %convert_element_type3A_520, %cond3A_521 : i32
        scf.if %cond3A_522 {
          %dma_start3A_533 = arith.constant 1 : i32
          %dma_start3A_534 = arith.constant 48 : i32
          %dma_start3A_535 = arith.constant 0 : i32
          %dma_start3A_536 = tpu.memref_slice %arg13[%dma_start3A_533, %dma_start3A_534, %dma_start3A_535] : memref<2x64x512xf32, #tpu.memory_space<vmem>> -> memref<1x8x512xf32, #tpu.memory_space<vmem>>
          %dma_start3A_537 = tpu.memref_squeeze %dma_start3A_536 : memref<1x8x512xf32, #tpu.memory_space<vmem>> -> memref<8x512xf32, #tpu.memory_space<vmem>>
          %dma_start3A_538 = arith.constant 48 : i32
          %dma_start3A_539 = tpu.memref_slice %arg4[%dma_start3A_538, %multiple_of3A_452] : memref<64x1000000xf32, #tpu.memory_space<hbm>> -> memref<8x512xf32, #tpu.memory_space<hbm>>
          %dma_start3A_540 = arith.constant 48 : i32
          %dma_start3A_541 = arith.constant 0 : i32
          %dma_start3A_542 = tpu.memref_slice %arg13[%dma_start3A_533, %dma_start3A_540, %dma_start3A_541] : memref<2x64x512xf32, #tpu.memory_space<vmem>> -> memref<1x8x512xf32, #tpu.memory_space<vmem>>
          %dma_start3A_543 = tpu.memref_squeeze %dma_start3A_542 : memref<1x8x512xf32, #tpu.memory_space<vmem>> -> memref<8x512xf32, #tpu.memory_space<vmem>>
          %dma_start3A_544 = arith.constant 48 : i32
          %dma_start3A_545 = tpu.memref_slice %arg4[%dma_start3A_544, %multiple_of3A_452] : memref<64x1000000xf32, #tpu.memory_space<hbm>> -> memref<8x512xf32, #tpu.memory_space<hbm>>
          tpu.enqueue_dma source(%dma_start3A_545 : memref<8x512xf32, #tpu.memory_space<hbm>>) target(%dma_start3A_543 : memref<8x512xf32, #tpu.memory_space<vmem>>) target_semaphore(%arg16 : memref<!tpu.dma_semaphore, #tpu.memory_space<semaphore_mem>>)
        } else {
        }
        %eq3A_523 = arith.constant 0 : i32
        %eq3A_524 = arith.cmpi eq, %sub3A_446, %eq3A_523 : i32
        %convert_element_type3A_525 = arith.extui %eq3A_524 : i1 to i32
        %cond3A_526 = arith.constant 0 : i32
        %cond3A_527 = arith.cmpi ne, %convert_element_type3A_525, %cond3A_526 : i32
        scf.if %cond3A_527 {
          %dma_start3A_533 = arith.constant 0 : i32
          %dma_start3A_534 = arith.constant 56 : i32
          %dma_start3A_535 = arith.constant 0 : i32
          %dma_start3A_536 = tpu.memref_slice %arg13[%dma_start3A_533, %dma_start3A_534, %dma_start3A_535] : memref<2x64x512xf32, #tpu.memory_space<vmem>> -> memref<1x8x512xf32, #tpu.memory_space<vmem>>
          %dma_start3A_537 = tpu.memref_squeeze %dma_start3A_536 : memref<1x8x512xf32, #tpu.memory_space<vmem>> -> memref<8x512xf32, #tpu.memory_space<vmem>>
          %dma_start3A_538 = arith.constant 56 : i32
          %dma_start3A_539 = tpu.memref_slice %arg4[%dma_start3A_538, %multiple_of3A_452] : memref<64x1000000xf32, #tpu.memory_space<hbm>> -> memref<8x512xf32, #tpu.memory_space<hbm>>
          %dma_start3A_540 = arith.constant 56 : i32
          %dma_start3A_541 = arith.constant 0 : i32
          %dma_start3A_542 = tpu.memref_slice %arg13[%dma_start3A_533, %dma_start3A_540, %dma_start3A_541] : memref<2x64x512xf32, #tpu.memory_space<vmem>> -> memref<1x8x512xf32, #tpu.memory_space<vmem>>
          %dma_start3A_543 = tpu.memref_squeeze %dma_start3A_542 : memref<1x8x512xf32, #tpu.memory_space<vmem>> -> memref<8x512xf32, #tpu.memory_space<vmem>>
          %dma_start3A_544 = arith.constant 56 : i32
          %dma_start3A_545 = tpu.memref_slice %arg4[%dma_start3A_544, %multiple_of3A_452] : memref<64x1000000xf32, #tpu.memory_space<hbm>> -> memref<8x512xf32, #tpu.memory_space<hbm>>
          tpu.enqueue_dma source(%dma_start3A_545 : memref<8x512xf32, #tpu.memory_space<hbm>>) target(%dma_start3A_543 : memref<8x512xf32, #tpu.memory_space<vmem>>) target_semaphore(%arg15 : memref<!tpu.dma_semaphore, #tpu.memory_space<semaphore_mem>>)
        } else {
        }
        %eq3A_528 = arith.constant 1 : i32
        %eq3A_529 = arith.cmpi eq, %sub3A_446, %eq3A_528 : i32
        %convert_element_type3A_530 = arith.extui %eq3A_529 : i1 to i32
        %cond3A_531 = arith.constant 0 : i32
        %cond3A_532 = arith.cmpi ne, %convert_element_type3A_530, %cond3A_531 : i32
        scf.if %cond3A_532 {
          %dma_start3A_533 = arith.constant 1 : i32
          %dma_start3A_534 = arith.constant 56 : i32
          %dma_start3A_535 = arith.constant 0 : i32
          %dma_start3A_536 = tpu.memref_slice %arg13[%dma_start3A_533, %dma_start3A_534, %dma_start3A_535] : memref<2x64x512xf32, #tpu.memory_space<vmem>> -> memref<1x8x512xf32, #tpu.memory_space<vmem>>
          %dma_start3A_537 = tpu.memref_squeeze %dma_start3A_536 : memref<1x8x512xf32, #tpu.memory_space<vmem>> -> memref<8x512xf32, #tpu.memory_space<vmem>>
          %dma_start3A_538 = arith.constant 56 : i32
          %dma_start3A_539 = tpu.memref_slice %arg4[%dma_start3A_538, %multiple_of3A_452] : memref<64x1000000xf32, #tpu.memory_space<hbm>> -> memref<8x512xf32, #tpu.memory_space<hbm>>
          %dma_start3A_540 = arith.constant 56 : i32
          %dma_start3A_541 = arith.constant 0 : i32
          %dma_start3A_542 = tpu.memref_slice %arg13[%dma_start3A_533, %dma_start3A_540, %dma_start3A_541] : memref<2x64x512xf32, #tpu.memory_space<vmem>> -> memref<1x8x512xf32, #tpu.memory_space<vmem>>
          %dma_start3A_543 = tpu.memref_squeeze %dma_start3A_542 : memref<1x8x512xf32, #tpu.memory_space<vmem>> -> memref<8x512xf32, #tpu.memory_space<vmem>>
          %dma_start3A_544 = arith.constant 56 : i32
          %dma_start3A_545 = tpu.memref_slice %arg4[%dma_start3A_544, %multiple_of3A_452] : memref<64x1000000xf32, #tpu.memory_space<hbm>> -> memref<8x512xf32, #tpu.memory_space<hbm>>
          tpu.enqueue_dma source(%dma_start3A_545 : memref<8x512xf32, #tpu.memory_space<hbm>>) target(%dma_start3A_543 : memref<8x512xf32, #tpu.memory_space<vmem>>) target_semaphore(%arg16 : memref<!tpu.dma_semaphore, #tpu.memory_space<semaphore_mem>>)
        } else {
        }
      } else {
      }
      %eq3A_422 = arith.constant 0 : i32
      %eq3A_423 = arith.cmpi eq, %select_n3A_409, %eq3A_422 : i32
      %convert_element_type3A_424 = arith.extui %eq3A_423 : i1 to i32
      %cond3A_425 = arith.constant 0 : i32
      %cond3A_426 = arith.cmpi ne, %convert_element_type3A_424, %cond3A_425 : i32
      scf.if %cond3A_426 {
        %dma_wait3A = arith.constant 0 : i32
        %dma_wait3A_443 = arith.constant 0 : i32
        %dma_wait3A_444 = arith.constant 0 : i32
        %dma_wait3A_445 = tpu.memref_slice %arg13[%dma_wait3A, %dma_wait3A_443, %dma_wait3A_444] : memref<2x64x512xf32, #tpu.memory_space<vmem>> -> memref<1x64x512xf32, #tpu.memory_space<vmem>>
        %dma_wait3A_446 = tpu.memref_squeeze %dma_wait3A_445 : memref<1x64x512xf32, #tpu.memory_space<vmem>> -> memref<64x512xf32, #tpu.memory_space<vmem>>
        %dma_wait3A_447 = arith.constant 0 : i32
        %dma_wait3A_448 = arith.constant 0 : i32
        %dma_wait3A_449 = tpu.memref_slice %arg4[%dma_wait3A_447, %dma_wait3A_448] : memref<64x1000000xf32, #tpu.memory_space<hbm>> -> memref<64x512xf32, #tpu.memory_space<hbm>>
        %dma_wait3A_450 = arith.constant 0 : i32
        %dma_wait3A_451 = arith.constant 0 : i32
        %dma_wait3A_452 = tpu.memref_slice %arg13[%dma_wait3A, %dma_wait3A_450, %dma_wait3A_451] : memref<2x64x512xf32, #tpu.memory_space<vmem>> -> memref<1x64x512xf32, #tpu.memory_space<vmem>>
        %dma_wait3A_453 = tpu.memref_squeeze %dma_wait3A_452 : memref<1x64x512xf32, #tpu.memory_space<vmem>> -> memref<64x512xf32, #tpu.memory_space<vmem>>
        %dma_wait3A_454 = arith.constant 0 : i32
        %dma_wait3A_455 = arith.constant 0 : i32
        %dma_wait3A_456 = tpu.memref_slice %arg4[%dma_wait3A_454, %dma_wait3A_455] : memref<64x1000000xf32, #tpu.memory_space<hbm>> -> memref<64x512xf32, #tpu.memory_space<hbm>>
        tpu.wait_dma2 semaphore(%arg15 : memref<!tpu.dma_semaphore, #tpu.memory_space<semaphore_mem>>) src(%dma_wait3A_456 : memref<64x512xf32, #tpu.memory_space<hbm>>) dst(%dma_wait3A_453 : memref<64x512xf32, #tpu.memory_space<vmem>>)
      } else {
      }
      %eq3A_427 = arith.constant 1 : i32
      %eq3A_428 = arith.cmpi eq, %select_n3A_409, %eq3A_427 : i32
      %convert_element_type3A_429 = arith.extui %eq3A_428 : i1 to i32
      %cond3A_430 = arith.constant 0 : i32
      %cond3A_431 = arith.cmpi ne, %convert_element_type3A_429, %cond3A_430 : i32
      scf.if %cond3A_431 {
        %dma_wait3A = arith.constant 1 : i32
        %dma_wait3A_443 = arith.constant 0 : i32
        %dma_wait3A_444 = arith.constant 0 : i32
        %dma_wait3A_445 = tpu.memref_slice %arg13[%dma_wait3A, %dma_wait3A_443, %dma_wait3A_444] : memref<2x64x512xf32, #tpu.memory_space<vmem>> -> memref<1x64x512xf32, #tpu.memory_space<vmem>>
        %dma_wait3A_446 = tpu.memref_squeeze %dma_wait3A_445 : memref<1x64x512xf32, #tpu.memory_space<vmem>> -> memref<64x512xf32, #tpu.memory_space<vmem>>
        %dma_wait3A_447 = arith.constant 0 : i32
        %dma_wait3A_448 = arith.constant 0 : i32
        %dma_wait3A_449 = tpu.memref_slice %arg4[%dma_wait3A_447, %dma_wait3A_448] : memref<64x1000000xf32, #tpu.memory_space<hbm>> -> memref<64x512xf32, #tpu.memory_space<hbm>>
        %dma_wait3A_450 = arith.constant 0 : i32
        %dma_wait3A_451 = arith.constant 0 : i32
        %dma_wait3A_452 = tpu.memref_slice %arg13[%dma_wait3A, %dma_wait3A_450, %dma_wait3A_451] : memref<2x64x512xf32, #tpu.memory_space<vmem>> -> memref<1x64x512xf32, #tpu.memory_space<vmem>>
        %dma_wait3A_453 = tpu.memref_squeeze %dma_wait3A_452 : memref<1x64x512xf32, #tpu.memory_space<vmem>> -> memref<64x512xf32, #tpu.memory_space<vmem>>
        %dma_wait3A_454 = arith.constant 0 : i32
        %dma_wait3A_455 = arith.constant 0 : i32
        %dma_wait3A_456 = tpu.memref_slice %arg4[%dma_wait3A_454, %dma_wait3A_455] : memref<64x1000000xf32, #tpu.memory_space<hbm>> -> memref<64x512xf32, #tpu.memory_space<hbm>>
        tpu.wait_dma2 semaphore(%arg16 : memref<!tpu.dma_semaphore, #tpu.memory_space<semaphore_mem>>) src(%dma_wait3A_456 : memref<64x512xf32, #tpu.memory_space<hbm>>) dst(%dma_wait3A_453 : memref<64x512xf32, #tpu.memory_space<vmem>>)
      } else {
      }
      %broadcast_in_dim3A = vector.broadcast %select_n3A_409 : i32 to vector<16xi32>
      %while3A_432 = arith.constant 0 : i32
      %while3A_433 = arith.subi %select_n3A_228, %while3A_432 : i32
      %while3A_434 = arith.addi %while3A_432, %while3A_433 : i32
      %while3A_435 = arith.constant 1 : i32
      %while3A_436 = arith.divsi %while3A_433, %while3A_435 : i32
      %while3A_437 = arith.muli %while3A_436, %while3A_435 : i32
      %while3A_438 = arith.addi %while3A_432, %while3A_437 : i32
      %while3A_439 = arith.constant 1 : i32
      %while3A_440 = scf.for %while3A_443 = %while3A_432 to %while3A_438 step %while3A_439 iter_args(%while3A_444 = %while3A_395) -> (i32)  : i32 {
        %mul3A_445 = arith.constant 16 : i32
        %mul3A_446 = arith.muli %while3A_443, %mul3A_445 : i32
        %get3A = arith.index_cast %mul3A_446 : i32 to index
        %get3A_447 = tpu.vector_load %arg9[%get3A] {strides = array<i32>} : memref<3072xi32, #tpu.memory_space<vmem>>, vector<16xi32>,
        %mul3A_448 = arith.constant 16 : i32
        %mul3A_449 = arith.muli %while3A_443, %mul3A_448 : i32
        %get3A_450 = arith.index_cast %mul3A_449 : i32 to index
        %get3A_451 = tpu.vector_load %arg10[%get3A_450] {strides = array<i32>} : memref<3072xi32, #tpu.memory_space<vmem>>, vector<16xi32>,
        %mul3A_452 = arith.constant 16 : i32
        %mul3A_453 = arith.muli %while3A_443, %mul3A_452 : i32
        %sub3A_454 = arith.subi %scan3A_192, %mul3A_453 : i32
        %lt3A_455 = vector.broadcast %sub3A_454 : i32 to vector<16xi32>
        %lt3A_456 = arith.cmpi slt, %iota3A, %lt3A_455 : vector<16xi32>
        %ge3A = vector.broadcast %add3A_412 : i32 to vector<16xi32>
        %ge3A_457 = arith.cmpi sge, %get3A_447, %ge3A : vector<16xi32>
        %lt3A_458 = vector.broadcast %min3A_415 : i32 to vector<16xi32>
        %lt3A_459 = arith.cmpi slt, %get3A_447, %lt3A_458 : vector<16xi32>
        %and3A_460 = arith.andi %ge3A_457, %lt3A_459 : vector<16xi1>
        %and3A_461 = arith.andi %and3A_460, %lt3A_456 : vector<16xi1>
        %convert_element_type3A_462 = arith.extui %and3A_461 : vector<16xi1> to vector<16xi32>
        %broadcast_in_dim3A_463 = arith.constant true
        %broadcast_in_dim3A_464 = vector.broadcast %broadcast_in_dim3A_463 : i1 to vector<16xi1>
        %masked_cumsum3A = tpu.scan <sum>, %convert_element_type3A_462 masked %broadcast_in_dim3A_464 : vector<16xi32>, vector<16xi1> -> vector<16xi32>
        %add3A_465 = vector.broadcast %while3A_444 : i32 to vector<16xi32>
        %add3A_466 = arith.addi %add3A_465, %masked_cumsum3A : vector<16xi32>
        %sub3A_467 = arith.constant 1 : i32
        %sub3A_468 = vector.broadcast %sub3A_467 : i32 to vector<16xi32>
        %sub3A_469 = arith.subi %add3A_466, %sub3A_468 : vector<16xi32>
        %jit3A_470 = arith.constant 64 : i32
        %eq3A_471 = arith.constant 0 : i32
        %eq3A_472 = arith.cmpi eq, %jit3A_470, %eq3A_471 : i32
        %jit3A_473 = arith.constant 1 : i32
        %select_n3A_474 = arith.select %eq3A_472, %jit3A_473, %jit3A_470 : i32
        %rem3A_475 = vector.broadcast %select_n3A_474 : i32 to vector<16xi32>
        %rem3A_476 = arith.remsi %sub3A_469, %rem3A_475 : vector<16xi32>
        %ne3A_477 = arith.constant 0 : i32
        %ne3A_478 = vector.broadcast %ne3A_477 : i32 to vector<16xi32>
        %ne3A_479 = arith.cmpi ne, %rem3A_476, %ne3A_478 : vector<16xi32>
        %lt3A_480 = arith.constant 0 : i32
        %lt3A_481 = vector.broadcast %lt3A_480 : i32 to vector<16xi32>
        %lt3A_482 = arith.cmpi slt, %rem3A_476, %lt3A_481 : vector<16xi32>
        %lt3A_483 = arith.constant 0 : i32
        %lt3A_484 = arith.cmpi slt, %select_n3A_474, %lt3A_483 : i32
        %ne3A_485 = vector.broadcast %lt3A_484 : i1 to vector<16xi1>
        %ne3A_486 = vector.broadcast %ne3A_485 : vector<16xi1> to vector<16xi1>
        %ne3A_487 = arith.xori %lt3A_482, %ne3A_486 : vector<16xi1>
        %and3A_488 = arith.andi %ne3A_487, %ne3A_479 : vector<16xi1>
        %add3A_489 = vector.broadcast %select_n3A_474 : i32 to vector<16xi32>
        %add3A_490 = arith.addi %rem3A_476, %add3A_489 : vector<16xi32>
        %select_n3A_491 = arith.select %and3A_488, %add3A_490, %rem3A_476 : vector<16xi1>, vector<16xi32>
        %all_reduce_population_count3A = tpu.all_reduce %and3A_461 {dim = 0 : i64, kind = #tpu.reduction_kind<sum>} : vector<16xi1> -> vector<16xi32>
        %slice3A = vector.extract_strided_slice %all_reduce_population_count3A {offsets = [0], sizes = [1], strides = [1]} : vector<16xi32> to vector<1xi32>
        %squeeze3A = vector.extract %slice3A[0] : i32 from vector<1xi32>
        %gt3A = arith.constant 0 : i32
        %gt3A_492 = arith.cmpi sgt, %squeeze3A, %gt3A : i32
        %convert_element_type3A_493 = arith.extui %gt3A_492 : i1 to i32
        %cond3A_494 = arith.constant 0 : i32
        %cond3A_495 = arith.cmpi ne, %convert_element_type3A_493, %cond3A_494 : i32
        scf.if %cond3A_495 {
          %while3A_500:2 = scf.while (%while3A_501 = %and3A_461, %while3A_502 = %while3A_444) : (vector<16xi1>, i32) -> (vector<16xi1>, i32) {
            %all_reduce_population_count3A_503 = tpu.all_reduce %while3A_501 {dim = 0 : i64, kind = #tpu.reduction_kind<sum>} : vector<16xi1> -> vector<16xi32>
            %slice3A_504 = vector.extract_strided_slice %all_reduce_population_count3A_503 {offsets = [0], sizes = [1], strides = [1]} : vector<16xi32> to vector<1xi32>
            %squeeze3A_505 = vector.extract %slice3A_504[0] : i32 from vector<1xi32>
            %gt3A_506 = arith.constant 0 : i32
            %gt3A_507 = arith.cmpi sgt, %squeeze3A_505, %gt3A_506 : i32
            scf.condition(%gt3A_507) %while3A_501, %while3A_502 : vector<16xi1>, i32
          } do {
          ^bb0(%while3A_501: vector<16xi1>, %while3A_502: i32):
            %all_reduce_ffs3A = tpu.all_reduce %while3A_501 {dim = 0 : i64, kind = #tpu.reduction_kind<find_first_set>} : vector<16xi1> -> vector<16xi32>
            %slice3A_503 = vector.extract_strided_slice %all_reduce_ffs3A {offsets = [0], sizes = [1], strides = [1]} : vector<16xi32> to vector<1xi32>
            %squeeze3A_504 = vector.extract %slice3A_503[0] : i32 from vector<1xi32>
            %broadcast_in_dim3A_505 = vector.broadcast %squeeze3A_504 : i32 to vector<16xi32>
            %lt3A_506 = arith.constant 0 : i32
            %lt3A_507 = vector.broadcast %lt3A_506 : i32 to vector<16xi32>
            %lt3A_508 = arith.cmpi slt, %broadcast_in_dim3A_505, %lt3A_507 : vector<16xi32>
            %add3A_509 = arith.constant 16 : i32
            %add3A_510 = vector.broadcast %add3A_509 : i32 to vector<16xi32>
            %add3A_511 = arith.addi %broadcast_in_dim3A_505, %add3A_510 : vector<16xi32>
            %select_n3A_512 = arith.select %lt3A_508, %add3A_511, %broadcast_in_dim3A_505 : vector<16xi1>, vector<16xi32>
            %broadcast_in_dim3A_513 = vector.shape_cast %select_n3A_512 : vector<16xi32> to vector<16x1xi32>
            %gather3A = vector.shape_cast %broadcast_in_dim3A_513 : vector<16x1xi32> to vector<16xi32>
            %gather3A_514 = tpu.dynamic_gather %get3A_447[%gather3A] in [0] : vector<16xi32>, vector<16xi32> -> vector<16xi32>
            %slice3A_515 = vector.extract_strided_slice %gather3A_514 {offsets = [0], sizes = [1], strides = [1]} : vector<16xi32> to vector<1xi32>
            %squeeze3A_516 = vector.extract %slice3A_515[0] : i32 from vector<1xi32>
            %lt3A_517 = arith.constant 0 : i32
            %lt3A_518 = vector.broadcast %lt3A_517 : i32 to vector<16xi32>
            %lt3A_519 = arith.cmpi slt, %broadcast_in_dim3A_505, %lt3A_518 : vector<16xi32>
            %add3A_520 = arith.constant 16 : i32
            %add3A_521 = vector.broadcast %add3A_520 : i32 to vector<16xi32>
            %add3A_522 = arith.addi %broadcast_in_dim3A_505, %add3A_521 : vector<16xi32>
            %select_n3A_523 = arith.select %lt3A_519, %add3A_522, %broadcast_in_dim3A_505 : vector<16xi1>, vector<16xi32>
            %broadcast_in_dim3A_524 = vector.shape_cast %select_n3A_523 : vector<16xi32> to vector<16x1xi32>
            %gather3A_525 = vector.shape_cast %broadcast_in_dim3A_524 : vector<16x1xi32> to vector<16xi32>
            %gather3A_526 = tpu.dynamic_gather %get3A_451[%gather3A_525] in [0] : vector<16xi32>, vector<16xi32> -> vector<16xi32>
            %slice3A_527 = vector.extract_strided_slice %gather3A_526 {offsets = [0], sizes = [1], strides = [1]} : vector<16xi32> to vector<1xi32>
            %squeeze3A_528 = vector.extract %slice3A_527[0] : i32 from vector<1xi32>
            %lt3A_529 = arith.constant 0 : i32
            %lt3A_530 = vector.broadcast %lt3A_529 : i32 to vector<16xi32>
            %lt3A_531 = arith.cmpi slt, %broadcast_in_dim3A_505, %lt3A_530 : vector<16xi32>
            %add3A_532 = arith.constant 16 : i32
            %add3A_533 = vector.broadcast %add3A_532 : i32 to vector<16xi32>
            %add3A_534 = arith.addi %broadcast_in_dim3A_505, %add3A_533 : vector<16xi32>
            %select_n3A_535 = arith.select %lt3A_531, %add3A_534, %broadcast_in_dim3A_505 : vector<16xi1>, vector<16xi32>
            %broadcast_in_dim3A_536 = vector.shape_cast %select_n3A_535 : vector<16xi32> to vector<16x1xi32>
            %gather3A_537 = vector.shape_cast %broadcast_in_dim3A_536 : vector<16x1xi32> to vector<16xi32>
            %gather3A_538 = tpu.dynamic_gather %select_n3A_491[%gather3A_537] in [0] : vector<16xi32>, vector<16xi32> -> vector<16xi32>
            %slice3A_539 = vector.extract_strided_slice %gather3A_538 {offsets = [0], sizes = [1], strides = [1]} : vector<16xi32> to vector<1xi32>
            %squeeze3A_540 = vector.extract %slice3A_539[0] : i32 from vector<1xi32>
            %sub3A_541 = arith.subi %squeeze3A_516, %min3A_417 : i32
            %broadcast_in_dim3A_542 = vector.broadcast %sub3A_541 : i32 to vector<16xi32>
            %add3A_543 = arith.constant 0 : i32
            %add3A_544 = vector.broadcast %add3A_543 : i32 to vector<16xi32>
            %add3A_545 = arith.addi %iota3A, %add3A_544 : vector<16xi32>
            %gather3A_546 = tpu.vector_load_idx %arg13[%broadcast_in_dim3A, %add3A_545, %broadcast_in_dim3A_542] : memref<2x64x512xf32, #tpu.memory_space<vmem>>[vector<16xi32>, vector<16xi32>, vector<16xi32>], vector<16xf32>,
            %mul3A_547 = arith.constant 64 : i32
            %mul3A_548 = arith.muli %squeeze3A_540, %mul3A_547 : i32
            %add3A_549 = arith.constant 0 : i32
            %add3A_550 = arith.addi %mul3A_548, %add3A_549 : i32
            %swap3A = arith.index_cast %add3A_550 : i32 to index
            %swap3A_551 = tpu.vector_load %arg14[%swap3A] {strides = array<i32>} : memref<4096xf32, #tpu.memory_space<vmem>>, vector<16xf32>,
            tpu.vector_store %arg14[%swap3A], %gather3A_546 {strides = array<i32>} : memref<4096xf32, #tpu.memory_space<vmem>>, vector<16xf32>,
            %add3A_552 = arith.constant 16 : i32
            %add3A_553 = vector.broadcast %add3A_552 : i32 to vector<16xi32>
            %add3A_554 = arith.addi %iota3A, %add3A_553 : vector<16xi32>
            %gather3A_555 = tpu.vector_load_idx %arg13[%broadcast_in_dim3A, %add3A_554, %broadcast_in_dim3A_542] : memref<2x64x512xf32, #tpu.memory_space<vmem>>[vector<16xi32>, vector<16xi32>, vector<16xi32>], vector<16xf32>,
            %mul3A_556 = arith.constant 64 : i32
            %mul3A_557 = arith.muli %squeeze3A_540, %mul3A_556 : i32
            %add3A_558 = arith.constant 16 : i32
            %add3A_559 = arith.addi %mul3A_557, %add3A_558 : i32
            %swap3A_560 = arith.index_cast %add3A_559 : i32 to index
            %swap3A_561 = tpu.vector_load %arg14[%swap3A_560] {strides = array<i32>} : memref<4096xf32, #tpu.memory_space<vmem>>, vector<16xf32>,
            tpu.vector_store %arg14[%swap3A_560], %gather3A_555 {strides = array<i32>} : memref<4096xf32, #tpu.memory_space<vmem>>, vector<16xf32>,
            %add3A_562 = arith.constant 32 : i32
            %add3A_563 = vector.broadcast %add3A_562 : i32 to vector<16xi32>
            %add3A_564 = arith.addi %iota3A, %add3A_563 : vector<16xi32>
            %gather3A_565 = tpu.vector_load_idx %arg13[%broadcast_in_dim3A, %add3A_564, %broadcast_in_dim3A_542] : memref<2x64x512xf32, #tpu.memory_space<vmem>>[vector<16xi32>, vector<16xi32>, vector<16xi32>], vector<16xf32>,
            %mul3A_566 = arith.constant 64 : i32
            %mul3A_567 = arith.muli %squeeze3A_540, %mul3A_566 : i32
            %add3A_568 = arith.constant 32 : i32
            %add3A_569 = arith.addi %mul3A_567, %add3A_568 : i32
            %swap3A_570 = arith.index_cast %add3A_569 : i32 to index
            %swap3A_571 = tpu.vector_load %arg14[%swap3A_570] {strides = array<i32>} : memref<4096xf32, #tpu.memory_space<vmem>>, vector<16xf32>,
            tpu.vector_store %arg14[%swap3A_570], %gather3A_565 {strides = array<i32>} : memref<4096xf32, #tpu.memory_space<vmem>>, vector<16xf32>,
            %add3A_572 = arith.constant 48 : i32
            %add3A_573 = vector.broadcast %add3A_572 : i32 to vector<16xi32>
            %add3A_574 = arith.addi %iota3A, %add3A_573 : vector<16xi32>
            %gather3A_575 = tpu.vector_load_idx %arg13[%broadcast_in_dim3A, %add3A_574, %broadcast_in_dim3A_542] : memref<2x64x512xf32, #tpu.memory_space<vmem>>[vector<16xi32>, vector<16xi32>, vector<16xi32>], vector<16xf32>,
            %mul3A_576 = arith.constant 64 : i32
            %mul3A_577 = arith.muli %squeeze3A_540, %mul3A_576 : i32
            %add3A_578 = arith.constant 48 : i32
            %add3A_579 = arith.addi %mul3A_577, %add3A_578 : i32
            %swap3A_580 = arith.index_cast %add3A_579 : i32 to index
            %swap3A_581 = tpu.vector_load %arg14[%swap3A_580] {strides = array<i32>} : memref<4096xf32, #tpu.memory_space<vmem>>, vector<16xf32>,
            tpu.vector_store %arg14[%swap3A_580], %gather3A_575 {strides = array<i32>} : memref<4096xf32, #tpu.memory_space<vmem>>, vector<16xf32>,
            %ge3A_582 = arith.constant 64 : i32
            %ge3A_583 = arith.cmpi sge, %while3A_502, %ge3A_582 : i32
            %convert_element_type3A_584 = arith.extui %ge3A_583 : i1 to i32
            %cond3A_585 = arith.constant 0 : i32
            %cond3A_586 = arith.cmpi ne, %convert_element_type3A_584, %cond3A_585 : i32
            scf.if %cond3A_586 {
              %dma_wait3A = arith.constant 0 : i32
              %dma_wait3A_602 = arith.constant 0 : i32
              %dma_wait3A_603 = tpu.memref_slice %arg14[%dma_wait3A_602] : memref<4096xf32, #tpu.memory_space<vmem>> -> memref<64xf32, #tpu.memory_space<vmem>>
              %dma_wait3A_604 = arith.constant 0 : i32
              %dma_wait3A_605 = tpu.memref_slice %arg6[%dma_wait3A, %dma_wait3A_604] : memref<16384x128xf32, #tpu.memory_space<hbm>> -> memref<1x64xf32, #tpu.memory_space<hbm>>
              %dma_wait3A_606 = tpu.memref_squeeze %dma_wait3A_605 : memref<1x64xf32, #tpu.memory_space<hbm>> -> memref<64xf32, #tpu.memory_space<hbm>>
              %dma_wait3A_607 = arith.constant 0 : i32
              %dma_wait3A_608 = tpu.memref_slice %arg14[%dma_wait3A_607] : memref<4096xf32, #tpu.memory_space<vmem>> -> memref<64xf32, #tpu.memory_space<vmem>>
              %dma_wait3A_609 = arith.constant 0 : i32
              %dma_wait3A_610 = tpu.memref_slice %arg6[%dma_wait3A, %dma_wait3A_609] : memref<16384x128xf32, #tpu.memory_space<hbm>> -> memref<1x64xf32, #tpu.memory_space<hbm>>
              %dma_wait3A_611 = tpu.memref_squeeze %dma_wait3A_610 : memref<1x64xf32, #tpu.memory_space<hbm>> -> memref<64xf32, #tpu.memory_space<hbm>>
              tpu.wait_dma2 semaphore(%arg17 : memref<!tpu.dma_semaphore, #tpu.memory_space<semaphore_mem>>) src(%dma_wait3A_611 : memref<64xf32, #tpu.memory_space<hbm>>) dst(%dma_wait3A_608 : memref<64xf32, #tpu.memory_space<vmem>>)
            } else {
            }
            %mul3A_587 = arith.constant 64 : i32
            %mul3A_588 = arith.muli %squeeze3A_540, %mul3A_587 : i32
            %dma_start3A_589 = tpu.memref_slice %arg14[%mul3A_588] : memref<4096xf32, #tpu.memory_space<vmem>> -> memref<64xf32, #tpu.memory_space<vmem>>
            %dma_start3A_590 = arith.constant 0 : i32
            %dma_start3A_591 = tpu.memref_slice %arg6[%squeeze3A_528, %dma_start3A_590] : memref<16384x128xf32, #tpu.memory_space<hbm>> -> memref<1x64xf32, #tpu.memory_space<hbm>>
            %dma_start3A_592 = tpu.memref_squeeze %dma_start3A_591 : memref<1x64xf32, #tpu.memory_space<hbm>> -> memref<64xf32, #tpu.memory_space<hbm>>
            %dma_start3A_593 = arith.constant 0 : i32
            %dma_start3A_594 = tpu.memref_slice %arg6[%squeeze3A_528, %dma_start3A_593] : memref<16384x128xf32, #tpu.memory_space<hbm>> -> memref<1x64xf32, #tpu.memory_space<hbm>>
            %dma_start3A_595 = tpu.memref_squeeze %dma_start3A_594 : memref<1x64xf32, #tpu.memory_space<hbm>> -> memref<64xf32, #tpu.memory_space<hbm>>
            %dma_start3A_596 = tpu.memref_slice %arg14[%mul3A_588] : memref<4096xf32, #tpu.memory_space<vmem>> -> memref<64xf32, #tpu.memory_space<vmem>>
            tpu.enqueue_dma source(%dma_start3A_596 : memref<64xf32, #tpu.memory_space<vmem>>) target(%dma_start3A_595 : memref<64xf32, #tpu.memory_space<hbm>>) target_semaphore(%arg17 : memref<!tpu.dma_semaphore, #tpu.memory_space<semaphore_mem>>)
            %ne3A_597 = vector.broadcast %squeeze3A_504 : i32 to vector<16xi32>
            %ne3A_598 = arith.cmpi ne, %iota3A, %ne3A_597 : vector<16xi32>
            %and3A_599 = arith.andi %while3A_501, %ne3A_598 : vector<16xi1>
            %add3A_600 = arith.constant 1 : i32
            %add3A_601 = arith.addi %while3A_502, %add3A_600 : i32
            scf.yield %and3A_599, %add3A_601 : vector<16xi1>, i32
          }
        } else {
        }
        %all_reduce_population_count3A_496 = tpu.all_reduce %and3A_461 {dim = 0 : i64, kind = #tpu.reduction_kind<sum>} : vector<16xi1> -> vector<16xi32>
        %slice3A_497 = vector.extract_strided_slice %all_reduce_population_count3A_496 {offsets = [0], sizes = [1], strides = [1]} : vector<16xi32> to vector<1xi32>
        %squeeze3A_498 = vector.extract %slice3A_497[0] : i32 from vector<1xi32>
        %add3A_499 = arith.addi %while3A_444, %squeeze3A_498 : i32
        scf.yield %add3A_499 : i32
      }
      %while3A_441 = arith.constant 1 : i32
      %while3A_442 = scf.for %while3A_443 = %while3A_438 to %while3A_434 step %while3A_441 iter_args(%while3A_444 = %while3A_440) -> (i32)  : i32 {
        %mul3A_445 = arith.constant 16 : i32
        %mul3A_446 = arith.muli %while3A_443, %mul3A_445 : i32
        %get3A = arith.index_cast %mul3A_446 : i32 to index
        %get3A_447 = tpu.vector_load %arg9[%get3A] {strides = array<i32>} : memref<3072xi32, #tpu.memory_space<vmem>>, vector<16xi32>,
        %mul3A_448 = arith.constant 16 : i32
        %mul3A_449 = arith.muli %while3A_443, %mul3A_448 : i32
        %get3A_450 = arith.index_cast %mul3A_449 : i32 to index
        %get3A_451 = tpu.vector_load %arg10[%get3A_450] {strides = array<i32>} : memref<3072xi32, #tpu.memory_space<vmem>>, vector<16xi32>,
        %mul3A_452 = arith.constant 16 : i32
        %mul3A_453 = arith.muli %while3A_443, %mul3A_452 : i32
        %sub3A_454 = arith.subi %scan3A_192, %mul3A_453 : i32
        %lt3A_455 = vector.broadcast %sub3A_454 : i32 to vector<16xi32>
        %lt3A_456 = arith.cmpi slt, %iota3A, %lt3A_455 : vector<16xi32>
        %ge3A = vector.broadcast %add3A_412 : i32 to vector<16xi32>
        %ge3A_457 = arith.cmpi sge, %get3A_447, %ge3A : vector<16xi32>
        %lt3A_458 = vector.broadcast %min3A_415 : i32 to vector<16xi32>
        %lt3A_459 = arith.cmpi slt, %get3A_447, %lt3A_458 : vector<16xi32>
        %and3A_460 = arith.andi %ge3A_457, %lt3A_459 : vector<16xi1>
        %and3A_461 = arith.andi %and3A_460, %lt3A_456 : vector<16xi1>
        %convert_element_type3A_462 = arith.extui %and3A_461 : vector<16xi1> to vector<16xi32>
        %broadcast_in_dim3A_463 = arith.constant true
        %broadcast_in_dim3A_464 = vector.broadcast %broadcast_in_dim3A_463 : i1 to vector<16xi1>
        %masked_cumsum3A = tpu.scan <sum>, %convert_element_type3A_462 masked %broadcast_in_dim3A_464 : vector<16xi32>, vector<16xi1> -> vector<16xi32>
        %add3A_465 = vector.broadcast %while3A_444 : i32 to vector<16xi32>
        %add3A_466 = arith.addi %add3A_465, %masked_cumsum3A : vector<16xi32>
        %sub3A_467 = arith.constant 1 : i32
        %sub3A_468 = vector.broadcast %sub3A_467 : i32 to vector<16xi32>
        %sub3A_469 = arith.subi %add3A_466, %sub3A_468 : vector<16xi32>
        %jit3A_470 = arith.constant 64 : i32
        %eq3A_471 = arith.constant 0 : i32
        %eq3A_472 = arith.cmpi eq, %jit3A_470, %eq3A_471 : i32
        %jit3A_473 = arith.constant 1 : i32
        %select_n3A_474 = arith.select %eq3A_472, %jit3A_473, %jit3A_470 : i32
        %rem3A_475 = vector.broadcast %select_n3A_474 : i32 to vector<16xi32>
        %rem3A_476 = arith.remsi %sub3A_469, %rem3A_475 : vector<16xi32>
        %ne3A_477 = arith.constant 0 : i32
        %ne3A_478 = vector.broadcast %ne3A_477 : i32 to vector<16xi32>
        %ne3A_479 = arith.cmpi ne, %rem3A_476, %ne3A_478 : vector<16xi32>
        %lt3A_480 = arith.constant 0 : i32
        %lt3A_481 = vector.broadcast %lt3A_480 : i32 to vector<16xi32>
        %lt3A_482 = arith.cmpi slt, %rem3A_476, %lt3A_481 : vector<16xi32>
        %lt3A_483 = arith.constant 0 : i32
        %lt3A_484 = arith.cmpi slt, %select_n3A_474, %lt3A_483 : i32
        %ne3A_485 = vector.broadcast %lt3A_484 : i1 to vector<16xi1>
        %ne3A_486 = vector.broadcast %ne3A_485 : vector<16xi1> to vector<16xi1>
        %ne3A_487 = arith.xori %lt3A_482, %ne3A_486 : vector<16xi1>
        %and3A_488 = arith.andi %ne3A_487, %ne3A_479 : vector<16xi1>
        %add3A_489 = vector.broadcast %select_n3A_474 : i32 to vector<16xi32>
        %add3A_490 = arith.addi %rem3A_476, %add3A_489 : vector<16xi32>
        %select_n3A_491 = arith.select %and3A_488, %add3A_490, %rem3A_476 : vector<16xi1>, vector<16xi32>
        %all_reduce_population_count3A = tpu.all_reduce %and3A_461 {dim = 0 : i64, kind = #tpu.reduction_kind<sum>} : vector<16xi1> -> vector<16xi32>
        %slice3A = vector.extract_strided_slice %all_reduce_population_count3A {offsets = [0], sizes = [1], strides = [1]} : vector<16xi32> to vector<1xi32>
        %squeeze3A = vector.extract %slice3A[0] : i32 from vector<1xi32>
        %gt3A = arith.constant 0 : i32
        %gt3A_492 = arith.cmpi sgt, %squeeze3A, %gt3A : i32
        %convert_element_type3A_493 = arith.extui %gt3A_492 : i1 to i32
        %cond3A_494 = arith.constant 0 : i32
        %cond3A_495 = arith.cmpi ne, %convert_element_type3A_493, %cond3A_494 : i32
        scf.if %cond3A_495 {
          %while3A_500:2 = scf.while (%while3A_501 = %and3A_461, %while3A_502 = %while3A_444) : (vector<16xi1>, i32) -> (vector<16xi1>, i32) {
            %all_reduce_population_count3A_503 = tpu.all_reduce %while3A_501 {dim = 0 : i64, kind = #tpu.reduction_kind<sum>} : vector<16xi1> -> vector<16xi32>
            %slice3A_504 = vector.extract_strided_slice %all_reduce_population_count3A_503 {offsets = [0], sizes = [1], strides = [1]} : vector<16xi32> to vector<1xi32>
            %squeeze3A_505 = vector.extract %slice3A_504[0] : i32 from vector<1xi32>
            %gt3A_506 = arith.constant 0 : i32
            %gt3A_507 = arith.cmpi sgt, %squeeze3A_505, %gt3A_506 : i32
            scf.condition(%gt3A_507) %while3A_501, %while3A_502 : vector<16xi1>, i32
          } do {
          ^bb0(%while3A_501: vector<16xi1>, %while3A_502: i32):
            %all_reduce_ffs3A = tpu.all_reduce %while3A_501 {dim = 0 : i64, kind = #tpu.reduction_kind<find_first_set>} : vector<16xi1> -> vector<16xi32>
            %slice3A_503 = vector.extract_strided_slice %all_reduce_ffs3A {offsets = [0], sizes = [1], strides = [1]} : vector<16xi32> to vector<1xi32>
            %squeeze3A_504 = vector.extract %slice3A_503[0] : i32 from vector<1xi32>
            %broadcast_in_dim3A_505 = vector.broadcast %squeeze3A_504 : i32 to vector<16xi32>
            %lt3A_506 = arith.constant 0 : i32
            %lt3A_507 = vector.broadcast %lt3A_506 : i32 to vector<16xi32>
            %lt3A_508 = arith.cmpi slt, %broadcast_in_dim3A_505, %lt3A_507 : vector<16xi32>
            %add3A_509 = arith.constant 16 : i32
            %add3A_510 = vector.broadcast %add3A_509 : i32 to vector<16xi32>
            %add3A_511 = arith.addi %broadcast_in_dim3A_505, %add3A_510 : vector<16xi32>
            %select_n3A_512 = arith.select %lt3A_508, %add3A_511, %broadcast_in_dim3A_505 : vector<16xi1>, vector<16xi32>
            %broadcast_in_dim3A_513 = vector.shape_cast %select_n3A_512 : vector<16xi32> to vector<16x1xi32>
            %gather3A = vector.shape_cast %broadcast_in_dim3A_513 : vector<16x1xi32> to vector<16xi32>
            %gather3A_514 = tpu.dynamic_gather %get3A_447[%gather3A] in [0] : vector<16xi32>, vector<16xi32> -> vector<16xi32>
            %slice3A_515 = vector.extract_strided_slice %gather3A_514 {offsets = [0], sizes = [1], strides = [1]} : vector<16xi32> to vector<1xi32>
            %squeeze3A_516 = vector.extract %slice3A_515[0] : i32 from vector<1xi32>
            %lt3A_517 = arith.constant 0 : i32
            %lt3A_518 = vector.broadcast %lt3A_517 : i32 to vector<16xi32>
            %lt3A_519 = arith.cmpi slt, %broadcast_in_dim3A_505, %lt3A_518 : vector<16xi32>
            %add3A_520 = arith.constant 16 : i32
            %add3A_521 = vector.broadcast %add3A_520 : i32 to vector<16xi32>
            %add3A_522 = arith.addi %broadcast_in_dim3A_505, %add3A_521 : vector<16xi32>
            %select_n3A_523 = arith.select %lt3A_519, %add3A_522, %broadcast_in_dim3A_505 : vector<16xi1>, vector<16xi32>
            %broadcast_in_dim3A_524 = vector.shape_cast %select_n3A_523 : vector<16xi32> to vector<16x1xi32>
            %gather3A_525 = vector.shape_cast %broadcast_in_dim3A_524 : vector<16x1xi32> to vector<16xi32>
            %gather3A_526 = tpu.dynamic_gather %get3A_451[%gather3A_525] in [0] : vector<16xi32>, vector<16xi32> -> vector<16xi32>
            %slice3A_527 = vector.extract_strided_slice %gather3A_526 {offsets = [0], sizes = [1], strides = [1]} : vector<16xi32> to vector<1xi32>
            %squeeze3A_528 = vector.extract %slice3A_527[0] : i32 from vector<1xi32>
            %lt3A_529 = arith.constant 0 : i32
            %lt3A_530 = vector.broadcast %lt3A_529 : i32 to vector<16xi32>
            %lt3A_531 = arith.cmpi slt, %broadcast_in_dim3A_505, %lt3A_530 : vector<16xi32>
            %add3A_532 = arith.constant 16 : i32
            %add3A_533 = vector.broadcast %add3A_532 : i32 to vector<16xi32>
            %add3A_534 = arith.addi %broadcast_in_dim3A_505, %add3A_533 : vector<16xi32>
            %select_n3A_535 = arith.select %lt3A_531, %add3A_534, %broadcast_in_dim3A_505 : vector<16xi1>, vector<16xi32>
            %broadcast_in_dim3A_536 = vector.shape_cast %select_n3A_535 : vector<16xi32> to vector<16x1xi32>
            %gather3A_537 = vector.shape_cast %broadcast_in_dim3A_536 : vector<16x1xi32> to vector<16xi32>
            %gather3A_538 = tpu.dynamic_gather %select_n3A_491[%gather3A_537] in [0] : vector<16xi32>, vector<16xi32> -> vector<16xi32>
            %slice3A_539 = vector.extract_strided_slice %gather3A_538 {offsets = [0], sizes = [1], strides = [1]} : vector<16xi32> to vector<1xi32>
            %squeeze3A_540 = vector.extract %slice3A_539[0] : i32 from vector<1xi32>
            %sub3A_541 = arith.subi %squeeze3A_516, %min3A_417 : i32
            %broadcast_in_dim3A_542 = vector.broadcast %sub3A_541 : i32 to vector<16xi32>
            %add3A_543 = arith.constant 0 : i32
            %add3A_544 = vector.broadcast %add3A_543 : i32 to vector<16xi32>
            %add3A_545 = arith.addi %iota3A, %add3A_544 : vector<16xi32>
            %gather3A_546 = tpu.vector_load_idx %arg13[%broadcast_in_dim3A, %add3A_545, %broadcast_in_dim3A_542] : memref<2x64x512xf32, #tpu.memory_space<vmem>>[vector<16xi32>, vector<16xi32>, vector<16xi32>], vector<16xf32>,
            %mul3A_547 = arith.constant 64 : i32
            %mul3A_548 = arith.muli %squeeze3A_540, %mul3A_547 : i32
            %add3A_549 = arith.constant 0 : i32
            %add3A_550 = arith.addi %mul3A_548, %add3A_549 : i32
            %swap3A = arith.index_cast %add3A_550 : i32 to index
            %swap3A_551 = tpu.vector_load %arg14[%swap3A] {strides = array<i32>} : memref<4096xf32, #tpu.memory_space<vmem>>, vector<16xf32>,
            tpu.vector_store %arg14[%swap3A], %gather3A_546 {strides = array<i32>} : memref<4096xf32, #tpu.memory_space<vmem>>, vector<16xf32>,
            %add3A_552 = arith.constant 16 : i32
            %add3A_553 = vector.broadcast %add3A_552 : i32 to vector<16xi32>
            %add3A_554 = arith.addi %iota3A, %add3A_553 : vector<16xi32>
            %gather3A_555 = tpu.vector_load_idx %arg13[%broadcast_in_dim3A, %add3A_554, %broadcast_in_dim3A_542] : memref<2x64x512xf32, #tpu.memory_space<vmem>>[vector<16xi32>, vector<16xi32>, vector<16xi32>], vector<16xf32>,
            %mul3A_556 = arith.constant 64 : i32
            %mul3A_557 = arith.muli %squeeze3A_540, %mul3A_556 : i32
            %add3A_558 = arith.constant 16 : i32
            %add3A_559 = arith.addi %mul3A_557, %add3A_558 : i32
            %swap3A_560 = arith.index_cast %add3A_559 : i32 to index
            %swap3A_561 = tpu.vector_load %arg14[%swap3A_560] {strides = array<i32>} : memref<4096xf32, #tpu.memory_space<vmem>>, vector<16xf32>,
            tpu.vector_store %arg14[%swap3A_560], %gather3A_555 {strides = array<i32>} : memref<4096xf32, #tpu.memory_space<vmem>>, vector<16xf32>,
            %add3A_562 = arith.constant 32 : i32
            %add3A_563 = vector.broadcast %add3A_562 : i32 to vector<16xi32>
            %add3A_564 = arith.addi %iota3A, %add3A_563 : vector<16xi32>
            %gather3A_565 = tpu.vector_load_idx %arg13[%broadcast_in_dim3A, %add3A_564, %broadcast_in_dim3A_542] : memref<2x64x512xf32, #tpu.memory_space<vmem>>[vector<16xi32>, vector<16xi32>, vector<16xi32>], vector<16xf32>,
            %mul3A_566 = arith.constant 64 : i32
            %mul3A_567 = arith.muli %squeeze3A_540, %mul3A_566 : i32
            %add3A_568 = arith.constant 32 : i32
            %add3A_569 = arith.addi %mul3A_567, %add3A_568 : i32
            %swap3A_570 = arith.index_cast %add3A_569 : i32 to index
            %swap3A_571 = tpu.vector_load %arg14[%swap3A_570] {strides = array<i32>} : memref<4096xf32, #tpu.memory_space<vmem>>, vector<16xf32>,
            tpu.vector_store %arg14[%swap3A_570], %gather3A_565 {strides = array<i32>} : memref<4096xf32, #tpu.memory_space<vmem>>, vector<16xf32>,
            %add3A_572 = arith.constant 48 : i32
            %add3A_573 = vector.broadcast %add3A_572 : i32 to vector<16xi32>
            %add3A_574 = arith.addi %iota3A, %add3A_573 : vector<16xi32>
            %gather3A_575 = tpu.vector_load_idx %arg13[%broadcast_in_dim3A, %add3A_574, %broadcast_in_dim3A_542] : memref<2x64x512xf32, #tpu.memory_space<vmem>>[vector<16xi32>, vector<16xi32>, vector<16xi32>], vector<16xf32>,
            %mul3A_576 = arith.constant 64 : i32
            %mul3A_577 = arith.muli %squeeze3A_540, %mul3A_576 : i32
            %add3A_578 = arith.constant 48 : i32
            %add3A_579 = arith.addi %mul3A_577, %add3A_578 : i32
            %swap3A_580 = arith.index_cast %add3A_579 : i32 to index
            %swap3A_581 = tpu.vector_load %arg14[%swap3A_580] {strides = array<i32>} : memref<4096xf32, #tpu.memory_space<vmem>>, vector<16xf32>,
            tpu.vector_store %arg14[%swap3A_580], %gather3A_575 {strides = array<i32>} : memref<4096xf32, #tpu.memory_space<vmem>>, vector<16xf32>,
            %ge3A_582 = arith.constant 64 : i32
            %ge3A_583 = arith.cmpi sge, %while3A_502, %ge3A_582 : i32
            %convert_element_type3A_584 = arith.extui %ge3A_583 : i1 to i32
            %cond3A_585 = arith.constant 0 : i32
            %cond3A_586 = arith.cmpi ne, %convert_element_type3A_584, %cond3A_585 : i32
            scf.if %cond3A_586 {
              %dma_wait3A = arith.constant 0 : i32
              %dma_wait3A_602 = arith.constant 0 : i32
              %dma_wait3A_603 = tpu.memref_slice %arg14[%dma_wait3A_602] : memref<4096xf32, #tpu.memory_space<vmem>> -> memref<64xf32, #tpu.memory_space<vmem>>
              %dma_wait3A_604 = arith.constant 0 : i32
              %dma_wait3A_605 = tpu.memref_slice %arg6[%dma_wait3A, %dma_wait3A_604] : memref<16384x128xf32, #tpu.memory_space<hbm>> -> memref<1x64xf32, #tpu.memory_space<hbm>>
              %dma_wait3A_606 = tpu.memref_squeeze %dma_wait3A_605 : memref<1x64xf32, #tpu.memory_space<hbm>> -> memref<64xf32, #tpu.memory_space<hbm>>
              %dma_wait3A_607 = arith.constant 0 : i32
              %dma_wait3A_608 = tpu.memref_slice %arg14[%dma_wait3A_607] : memref<4096xf32, #tpu.memory_space<vmem>> -> memref<64xf32, #tpu.memory_space<vmem>>
              %dma_wait3A_609 = arith.constant 0 : i32
              %dma_wait3A_610 = tpu.memref_slice %arg6[%dma_wait3A, %dma_wait3A_609] : memref<16384x128xf32, #tpu.memory_space<hbm>> -> memref<1x64xf32, #tpu.memory_space<hbm>>
              %dma_wait3A_611 = tpu.memref_squeeze %dma_wait3A_610 : memref<1x64xf32, #tpu.memory_space<hbm>> -> memref<64xf32, #tpu.memory_space<hbm>>
              tpu.wait_dma2 semaphore(%arg17 : memref<!tpu.dma_semaphore, #tpu.memory_space<semaphore_mem>>) src(%dma_wait3A_611 : memref<64xf32, #tpu.memory_space<hbm>>) dst(%dma_wait3A_608 : memref<64xf32, #tpu.memory_space<vmem>>)
            } else {
            }
            %mul3A_587 = arith.constant 64 : i32
            %mul3A_588 = arith.muli %squeeze3A_540, %mul3A_587 : i32
            %dma_start3A_589 = tpu.memref_slice %arg14[%mul3A_588] : memref<4096xf32, #tpu.memory_space<vmem>> -> memref<64xf32, #tpu.memory_space<vmem>>
            %dma_start3A_590 = arith.constant 0 : i32
            %dma_start3A_591 = tpu.memref_slice %arg6[%squeeze3A_528, %dma_start3A_590] : memref<16384x128xf32, #tpu.memory_space<hbm>> -> memref<1x64xf32, #tpu.memory_space<hbm>>
            %dma_start3A_592 = tpu.memref_squeeze %dma_start3A_591 : memref<1x64xf32, #tpu.memory_space<hbm>> -> memref<64xf32, #tpu.memory_space<hbm>>
            %dma_start3A_593 = arith.constant 0 : i32
            %dma_start3A_594 = tpu.memref_slice %arg6[%squeeze3A_528, %dma_start3A_593] : memref<16384x128xf32, #tpu.memory_space<hbm>> -> memref<1x64xf32, #tpu.memory_space<hbm>>
            %dma_start3A_595 = tpu.memref_squeeze %dma_start3A_594 : memref<1x64xf32, #tpu.memory_space<hbm>> -> memref<64xf32, #tpu.memory_space<hbm>>
            %dma_start3A_596 = tpu.memref_slice %arg14[%mul3A_588] : memref<4096xf32, #tpu.memory_space<vmem>> -> memref<64xf32, #tpu.memory_space<vmem>>
            tpu.enqueue_dma source(%dma_start3A_596 : memref<64xf32, #tpu.memory_space<vmem>>) target(%dma_start3A_595 : memref<64xf32, #tpu.memory_space<hbm>>) target_semaphore(%arg17 : memref<!tpu.dma_semaphore, #tpu.memory_space<semaphore_mem>>)
            %ne3A_597 = vector.broadcast %squeeze3A_504 : i32 to vector<16xi32>
            %ne3A_598 = arith.cmpi ne, %iota3A, %ne3A_597 : vector<16xi32>
            %and3A_599 = arith.andi %while3A_501, %ne3A_598 : vector<16xi1>
            %add3A_600 = arith.constant 1 : i32
            %add3A_601 = arith.addi %while3A_502, %add3A_600 : i32
            scf.yield %and3A_599, %add3A_601 : vector<16xi1>, i32
          }
        } else {
        }
        %all_reduce_population_count3A_496 = tpu.all_reduce %and3A_461 {dim = 0 : i64, kind = #tpu.reduction_kind<sum>} : vector<16xi1> -> vector<16xi32>
        %slice3A_497 = vector.extract_strided_slice %all_reduce_population_count3A_496 {offsets = [0], sizes = [1], strides = [1]} : vector<16xi32> to vector<1xi32>
        %squeeze3A_498 = vector.extract %slice3A_497[0] : i32 from vector<1xi32>
        %add3A_499 = arith.addi %while3A_444, %squeeze3A_498 : i32
        scf.yield %add3A_499 : i32
      }
      scf.yield %while3A_442 : i32
    }
    %add3A_240 = arith.constant 0 : i32
    %add3A_241 = arith.addi %mul3A_48, %add3A_240 : i32
    %min3A_242 = arith.constant 999552 : i32
    %min3A_243 = arith.minsi %add3A_241, %min3A_242 : i32
    %multiple_of3A_244 = tpu.assume_multiple %min3A_243, 128 : i32
    %dma_start3A_245 = arith.constant 0 : i32
    %dma_start3A_246 = arith.constant 0 : i32
    %dma_start3A_247 = arith.constant 0 : i32
    %dma_start3A_248 = tpu.memref_slice %arg13[%dma_start3A_245, %dma_start3A_246, %dma_start3A_247] : memref<2x64x512xf32, #tpu.memory_space<vmem>> -> memref<1x8x512xf32, #tpu.memory_space<vmem>>
    %dma_start3A_249 = tpu.memref_squeeze %dma_start3A_248 : memref<1x8x512xf32, #tpu.memory_space<vmem>> -> memref<8x512xf32, #tpu.memory_space<vmem>>
    %dma_start3A_250 = arith.constant 0 : i32
    %dma_start3A_251 = tpu.memref_slice %arg5[%dma_start3A_250, %multiple_of3A_244] : memref<64x1000000xf32, #tpu.memory_space<hbm>> -> memref<8x512xf32, #tpu.memory_space<hbm>>
    %dma_start3A_252 = arith.constant 0 : i32
    %dma_start3A_253 = arith.constant 0 : i32
    %dma_start3A_254 = tpu.memref_slice %arg13[%dma_start3A_245, %dma_start3A_252, %dma_start3A_253] : memref<2x64x512xf32, #tpu.memory_space<vmem>> -> memref<1x8x512xf32, #tpu.memory_space<vmem>>
    %dma_start3A_255 = tpu.memref_squeeze %dma_start3A_254 : memref<1x8x512xf32, #tpu.memory_space<vmem>> -> memref<8x512xf32, #tpu.memory_space<vmem>>
    %dma_start3A_256 = arith.constant 0 : i32
    %dma_start3A_257 = tpu.memref_slice %arg5[%dma_start3A_256, %multiple_of3A_244] : memref<64x1000000xf32, #tpu.memory_space<hbm>> -> memref<8x512xf32, #tpu.memory_space<hbm>>
    tpu.enqueue_dma source(%dma_start3A_257 : memref<8x512xf32, #tpu.memory_space<hbm>>) target(%dma_start3A_255 : memref<8x512xf32, #tpu.memory_space<vmem>>) target_semaphore(%arg15 : memref<!tpu.dma_semaphore, #tpu.memory_space<semaphore_mem>>)
    %dma_start3A_258 = arith.constant 0 : i32
    %dma_start3A_259 = arith.constant 8 : i32
    %dma_start3A_260 = arith.constant 0 : i32
    %dma_start3A_261 = tpu.memref_slice %arg13[%dma_start3A_258, %dma_start3A_259, %dma_start3A_260] : memref<2x64x512xf32, #tpu.memory_space<vmem>> -> memref<1x8x512xf32, #tpu.memory_space<vmem>>
    %dma_start3A_262 = tpu.memref_squeeze %dma_start3A_261 : memref<1x8x512xf32, #tpu.memory_space<vmem>> -> memref<8x512xf32, #tpu.memory_space<vmem>>
    %dma_start3A_263 = arith.constant 8 : i32
    %dma_start3A_264 = tpu.memref_slice %arg5[%dma_start3A_263, %multiple_of3A_244] : memref<64x1000000xf32, #tpu.memory_space<hbm>> -> memref<8x512xf32, #tpu.memory_space<hbm>>
    %dma_start3A_265 = arith.constant 8 : i32
    %dma_start3A_266 = arith.constant 0 : i32
    %dma_start3A_267 = tpu.memref_slice %arg13[%dma_start3A_258, %dma_start3A_265, %dma_start3A_266] : memref<2x64x512xf32, #tpu.memory_space<vmem>> -> memref<1x8x512xf32, #tpu.memory_space<vmem>>
    %dma_start3A_268 = tpu.memref_squeeze %dma_start3A_267 : memref<1x8x512xf32, #tpu.memory_space<vmem>> -> memref<8x512xf32, #tpu.memory_space<vmem>>
    %dma_start3A_269 = arith.constant 8 : i32
    %dma_start3A_270 = tpu.memref_slice %arg5[%dma_start3A_269, %multiple_of3A_244] : memref<64x1000000xf32, #tpu.memory_space<hbm>> -> memref<8x512xf32, #tpu.memory_space<hbm>>
    tpu.enqueue_dma source(%dma_start3A_270 : memref<8x512xf32, #tpu.memory_space<hbm>>) target(%dma_start3A_268 : memref<8x512xf32, #tpu.memory_space<vmem>>) target_semaphore(%arg15 : memref<!tpu.dma_semaphore, #tpu.memory_space<semaphore_mem>>)
    %dma_start3A_271 = arith.constant 0 : i32
    %dma_start3A_272 = arith.constant 16 : i32
    %dma_start3A_273 = arith.constant 0 : i32
    %dma_start3A_274 = tpu.memref_slice %arg13[%dma_start3A_271, %dma_start3A_272, %dma_start3A_273] : memref<2x64x512xf32, #tpu.memory_space<vmem>> -> memref<1x8x512xf32, #tpu.memory_space<vmem>>
    %dma_start3A_275 = tpu.memref_squeeze %dma_start3A_274 : memref<1x8x512xf32, #tpu.memory_space<vmem>> -> memref<8x512xf32, #tpu.memory_space<vmem>>
    %dma_start3A_276 = arith.constant 16 : i32
    %dma_start3A_277 = tpu.memref_slice %arg5[%dma_start3A_276, %multiple_of3A_244] : memref<64x1000000xf32, #tpu.memory_space<hbm>> -> memref<8x512xf32, #tpu.memory_space<hbm>>
    %dma_start3A_278 = arith.constant 16 : i32
    %dma_start3A_279 = arith.constant 0 : i32
    %dma_start3A_280 = tpu.memref_slice %arg13[%dma_start3A_271, %dma_start3A_278, %dma_start3A_279] : memref<2x64x512xf32, #tpu.memory_space<vmem>> -> memref<1x8x512xf32, #tpu.memory_space<vmem>>
    %dma_start3A_281 = tpu.memref_squeeze %dma_start3A_280 : memref<1x8x512xf32, #tpu.memory_space<vmem>> -> memref<8x512xf32, #tpu.memory_space<vmem>>
    %dma_start3A_282 = arith.constant 16 : i32
    %dma_start3A_283 = tpu.memref_slice %arg5[%dma_start3A_282, %multiple_of3A_244] : memref<64x1000000xf32, #tpu.memory_space<hbm>> -> memref<8x512xf32, #tpu.memory_space<hbm>>
    tpu.enqueue_dma source(%dma_start3A_283 : memref<8x512xf32, #tpu.memory_space<hbm>>) target(%dma_start3A_281 : memref<8x512xf32, #tpu.memory_space<vmem>>) target_semaphore(%arg15 : memref<!tpu.dma_semaphore, #tpu.memory_space<semaphore_mem>>)
    %dma_start3A_284 = arith.constant 0 : i32
    %dma_start3A_285 = arith.constant 24 : i32
    %dma_start3A_286 = arith.constant 0 : i32
    %dma_start3A_287 = tpu.memref_slice %arg13[%dma_start3A_284, %dma_start3A_285, %dma_start3A_286] : memref<2x64x512xf32, #tpu.memory_space<vmem>> -> memref<1x8x512xf32, #tpu.memory_space<vmem>>
    %dma_start3A_288 = tpu.memref_squeeze %dma_start3A_287 : memref<1x8x512xf32, #tpu.memory_space<vmem>> -> memref<8x512xf32, #tpu.memory_space<vmem>>
    %dma_start3A_289 = arith.constant 24 : i32
    %dma_start3A_290 = tpu.memref_slice %arg5[%dma_start3A_289, %multiple_of3A_244] : memref<64x1000000xf32, #tpu.memory_space<hbm>> -> memref<8x512xf32, #tpu.memory_space<hbm>>
    %dma_start3A_291 = arith.constant 24 : i32
    %dma_start3A_292 = arith.constant 0 : i32
    %dma_start3A_293 = tpu.memref_slice %arg13[%dma_start3A_284, %dma_start3A_291, %dma_start3A_292] : memref<2x64x512xf32, #tpu.memory_space<vmem>> -> memref<1x8x512xf32, #tpu.memory_space<vmem>>
    %dma_start3A_294 = tpu.memref_squeeze %dma_start3A_293 : memref<1x8x512xf32, #tpu.memory_space<vmem>> -> memref<8x512xf32, #tpu.memory_space<vmem>>
    %dma_start3A_295 = arith.constant 24 : i32
    %dma_start3A_296 = tpu.memref_slice %arg5[%dma_start3A_295, %multiple_of3A_244] : memref<64x1000000xf32, #tpu.memory_space<hbm>> -> memref<8x512xf32, #tpu.memory_space<hbm>>
    tpu.enqueue_dma source(%dma_start3A_296 : memref<8x512xf32, #tpu.memory_space<hbm>>) target(%dma_start3A_294 : memref<8x512xf32, #tpu.memory_space<vmem>>) target_semaphore(%arg15 : memref<!tpu.dma_semaphore, #tpu.memory_space<semaphore_mem>>)
    %dma_start3A_297 = arith.constant 0 : i32
    %dma_start3A_298 = arith.constant 32 : i32
    %dma_start3A_299 = arith.constant 0 : i32
    %dma_start3A_300 = tpu.memref_slice %arg13[%dma_start3A_297, %dma_start3A_298, %dma_start3A_299] : memref<2x64x512xf32, #tpu.memory_space<vmem>> -> memref<1x8x512xf32, #tpu.memory_space<vmem>>
    %dma_start3A_301 = tpu.memref_squeeze %dma_start3A_300 : memref<1x8x512xf32, #tpu.memory_space<vmem>> -> memref<8x512xf32, #tpu.memory_space<vmem>>
    %dma_start3A_302 = arith.constant 32 : i32
    %dma_start3A_303 = tpu.memref_slice %arg5[%dma_start3A_302, %multiple_of3A_244] : memref<64x1000000xf32, #tpu.memory_space<hbm>> -> memref<8x512xf32, #tpu.memory_space<hbm>>
    %dma_start3A_304 = arith.constant 32 : i32
    %dma_start3A_305 = arith.constant 0 : i32
    %dma_start3A_306 = tpu.memref_slice %arg13[%dma_start3A_297, %dma_start3A_304, %dma_start3A_305] : memref<2x64x512xf32, #tpu.memory_space<vmem>> -> memref<1x8x512xf32, #tpu.memory_space<vmem>>
    %dma_start3A_307 = tpu.memref_squeeze %dma_start3A_306 : memref<1x8x512xf32, #tpu.memory_space<vmem>> -> memref<8x512xf32, #tpu.memory_space<vmem>>
    %dma_start3A_308 = arith.constant 32 : i32
    %dma_start3A_309 = tpu.memref_slice %arg5[%dma_start3A_308, %multiple_of3A_244] : memref<64x1000000xf32, #tpu.memory_space<hbm>> -> memref<8x512xf32, #tpu.memory_space<hbm>>
    tpu.enqueue_dma source(%dma_start3A_309 : memref<8x512xf32, #tpu.memory_space<hbm>>) target(%dma_start3A_307 : memref<8x512xf32, #tpu.memory_space<vmem>>) target_semaphore(%arg15 : memref<!tpu.dma_semaphore, #tpu.memory_space<semaphore_mem>>)
    %dma_start3A_310 = arith.constant 0 : i32
    %dma_start3A_311 = arith.constant 40 : i32
    %dma_start3A_312 = arith.constant 0 : i32
    %dma_start3A_313 = tpu.memref_slice %arg13[%dma_start3A_310, %dma_start3A_311, %dma_start3A_312] : memref<2x64x512xf32, #tpu.memory_space<vmem>> -> memref<1x8x512xf32, #tpu.memory_space<vmem>>
    %dma_start3A_314 = tpu.memref_squeeze %dma_start3A_313 : memref<1x8x512xf32, #tpu.memory_space<vmem>> -> memref<8x512xf32, #tpu.memory_space<vmem>>
    %dma_start3A_315 = arith.constant 40 : i32
    %dma_start3A_316 = tpu.memref_slice %arg5[%dma_start3A_315, %multiple_of3A_244] : memref<64x1000000xf32, #tpu.memory_space<hbm>> -> memref<8x512xf32, #tpu.memory_space<hbm>>
    %dma_start3A_317 = arith.constant 40 : i32
    %dma_start3A_318 = arith.constant 0 : i32
    %dma_start3A_319 = tpu.memref_slice %arg13[%dma_start3A_310, %dma_start3A_317, %dma_start3A_318] : memref<2x64x512xf32, #tpu.memory_space<vmem>> -> memref<1x8x512xf32, #tpu.memory_space<vmem>>
    %dma_start3A_320 = tpu.memref_squeeze %dma_start3A_319 : memref<1x8x512xf32, #tpu.memory_space<vmem>> -> memref<8x512xf32, #tpu.memory_space<vmem>>
    %dma_start3A_321 = arith.constant 40 : i32
    %dma_start3A_322 = tpu.memref_slice %arg5[%dma_start3A_321, %multiple_of3A_244] : memref<64x1000000xf32, #tpu.memory_space<hbm>> -> memref<8x512xf32, #tpu.memory_space<hbm>>
    tpu.enqueue_dma source(%dma_start3A_322 : memref<8x512xf32, #tpu.memory_space<hbm>>) target(%dma_start3A_320 : memref<8x512xf32, #tpu.memory_space<vmem>>) target_semaphore(%arg15 : memref<!tpu.dma_semaphore, #tpu.memory_space<semaphore_mem>>)
    %dma_start3A_323 = arith.constant 0 : i32
    %dma_start3A_324 = arith.constant 48 : i32
    %dma_start3A_325 = arith.constant 0 : i32
    %dma_start3A_326 = tpu.memref_slice %arg13[%dma_start3A_323, %dma_start3A_324, %dma_start3A_325] : memref<2x64x512xf32, #tpu.memory_space<vmem>> -> memref<1x8x512xf32, #tpu.memory_space<vmem>>
    %dma_start3A_327 = tpu.memref_squeeze %dma_start3A_326 : memref<1x8x512xf32, #tpu.memory_space<vmem>> -> memref<8x512xf32, #tpu.memory_space<vmem>>
    %dma_start3A_328 = arith.constant 48 : i32
    %dma_start3A_329 = tpu.memref_slice %arg5[%dma_start3A_328, %multiple_of3A_244] : memref<64x1000000xf32, #tpu.memory_space<hbm>> -> memref<8x512xf32, #tpu.memory_space<hbm>>
    %dma_start3A_330 = arith.constant 48 : i32
    %dma_start3A_331 = arith.constant 0 : i32
    %dma_start3A_332 = tpu.memref_slice %arg13[%dma_start3A_323, %dma_start3A_330, %dma_start3A_331] : memref<2x64x512xf32, #tpu.memory_space<vmem>> -> memref<1x8x512xf32, #tpu.memory_space<vmem>>
    %dma_start3A_333 = tpu.memref_squeeze %dma_start3A_332 : memref<1x8x512xf32, #tpu.memory_space<vmem>> -> memref<8x512xf32, #tpu.memory_space<vmem>>
    %dma_start3A_334 = arith.constant 48 : i32
    %dma_start3A_335 = tpu.memref_slice %arg5[%dma_start3A_334, %multiple_of3A_244] : memref<64x1000000xf32, #tpu.memory_space<hbm>> -> memref<8x512xf32, #tpu.memory_space<hbm>>
    tpu.enqueue_dma source(%dma_start3A_335 : memref<8x512xf32, #tpu.memory_space<hbm>>) target(%dma_start3A_333 : memref<8x512xf32, #tpu.memory_space<vmem>>) target_semaphore(%arg15 : memref<!tpu.dma_semaphore, #tpu.memory_space<semaphore_mem>>)
    %dma_start3A_336 = arith.constant 0 : i32
    %dma_start3A_337 = arith.constant 56 : i32
    %dma_start3A_338 = arith.constant 0 : i32
    %dma_start3A_339 = tpu.memref_slice %arg13[%dma_start3A_336, %dma_start3A_337, %dma_start3A_338] : memref<2x64x512xf32, #tpu.memory_space<vmem>> -> memref<1x8x512xf32, #tpu.memory_space<vmem>>
    %dma_start3A_340 = tpu.memref_squeeze %dma_start3A_339 : memref<1x8x512xf32, #tpu.memory_space<vmem>> -> memref<8x512xf32, #tpu.memory_space<vmem>>
    %dma_start3A_341 = arith.constant 56 : i32
    %dma_start3A_342 = tpu.memref_slice %arg5[%dma_start3A_341, %multiple_of3A_244] : memref<64x1000000xf32, #tpu.memory_space<hbm>> -> memref<8x512xf32, #tpu.memory_space<hbm>>
    %dma_start3A_343 = arith.constant 56 : i32
    %dma_start3A_344 = arith.constant 0 : i32
    %dma_start3A_345 = tpu.memref_slice %arg13[%dma_start3A_336, %dma_start3A_343, %dma_start3A_344] : memref<2x64x512xf32, #tpu.memory_space<vmem>> -> memref<1x8x512xf32, #tpu.memory_space<vmem>>
    %dma_start3A_346 = tpu.memref_squeeze %dma_start3A_345 : memref<1x8x512xf32, #tpu.memory_space<vmem>> -> memref<8x512xf32, #tpu.memory_space<vmem>>
    %dma_start3A_347 = arith.constant 56 : i32
    %dma_start3A_348 = tpu.memref_slice %arg5[%dma_start3A_347, %multiple_of3A_244] : memref<64x1000000xf32, #tpu.memory_space<hbm>> -> memref<8x512xf32, #tpu.memory_space<hbm>>
    tpu.enqueue_dma source(%dma_start3A_348 : memref<8x512xf32, #tpu.memory_space<hbm>>) target(%dma_start3A_346 : memref<8x512xf32, #tpu.memory_space<vmem>>) target_semaphore(%arg15 : memref<!tpu.dma_semaphore, #tpu.memory_space<semaphore_mem>>)
    %add3A_349 = arith.constant 16 : i32
    %add3A_350 = arith.addi %scan3A_199, %add3A_349 : i32
    %sub3A_351 = arith.constant 1 : i32
    %sub3A_352 = arith.subi %add3A_350, %sub3A_351 : i32
    %jit3A_353 = arith.constant 16 : i32
    %div3A_354 = arith.divsi %sub3A_352, %jit3A_353 : i32
    %sign3A_355 = arith.constant 0 : i32
    %sign3A_356 = arith.cmpi sgt, %sub3A_352, %sign3A_355 : i32
    %sign3A_357 = arith.extui %sign3A_356 : i1 to i32
    %sign3A_358 = arith.constant 0 : i32
    %sign3A_359 = arith.cmpi slt, %sub3A_352, %sign3A_358 : i32
    %sign3A_360 = arith.extui %sign3A_359 : i1 to i32
    %sign3A_361 = arith.subi %sign3A_357, %sign3A_360 : i32
    %sign3A_362 = arith.constant 0 : i32
    %sign3A_363 = arith.cmpi sgt, %jit3A_353, %sign3A_362 : i32
    %sign3A_364 = arith.extui %sign3A_363 : i1 to i32
    %sign3A_365 = arith.constant 0 : i32
    %sign3A_366 = arith.cmpi slt, %jit3A_353, %sign3A_365 : i32
    %sign3A_367 = arith.extui %sign3A_366 : i1 to i32
    %sign3A_368 = arith.subi %sign3A_364, %sign3A_367 : i32
    %ne3A_369 = arith.cmpi ne, %sign3A_361, %sign3A_368 : i32
    %rem3A_370 = arith.remsi %sub3A_352, %jit3A_353 : i32
    %ne3A_371 = arith.constant 0 : i32
    %ne3A_372 = arith.cmpi ne, %rem3A_370, %ne3A_371 : i32
    %and3A_373 = arith.andi %ne3A_369, %ne3A_372 : i1
    %sub3A_374 = arith.constant 1 : i32
    %sub3A_375 = arith.subi %div3A_354, %sub3A_374 : i32
    %select_n3A_376 = arith.select %and3A_373, %sub3A_375, %div3A_354 : i32
    %while3A_377 = arith.constant 0 : i32
    %while3A_378 = arith.subi %select_n3A_80, %while3A_377 : i32
    %while3A_379 = arith.addi %while3A_377, %while3A_378 : i32
    %while3A_380 = arith.constant 1 : i32
    %while3A_381 = arith.divsi %while3A_378, %while3A_380 : i32
    %while3A_382 = arith.muli %while3A_381, %while3A_380 : i32
    %while3A_383 = arith.addi %while3A_377, %while3A_382 : i32
    %while3A_384 = arith.constant 1 : i32
    %while3A_385 = scf.for %while3A_394 = %while3A_377 to %while3A_383 step %while3A_384 iter_args(%while3A_395 = %while3A_239) -> (i32)  : i32 {
      %jit3A_396 = arith.constant 2 : i32
      %eq3A = arith.constant 0 : i32
      %eq3A_397 = arith.cmpi eq, %jit3A_396, %eq3A : i32
      %jit3A_398 = arith.constant 1 : i32
      %select_n3A_399 = arith.select %eq3A_397, %jit3A_398, %jit3A_396 : i32
      %rem3A_400 = arith.remsi %while3A_394, %select_n3A_399 : i32
      %ne3A_401 = arith.constant 0 : i32
      %ne3A_402 = arith.cmpi ne, %rem3A_400, %ne3A_401 : i32
      %lt3A = arith.constant 0 : i32
      %lt3A_403 = arith.cmpi slt, %rem3A_400, %lt3A : i32
      %lt3A_404 = arith.constant 0 : i32
      %lt3A_405 = arith.cmpi slt, %select_n3A_399, %lt3A_404 : i32
      %ne3A_406 = arith.xori %lt3A_403, %lt3A_405 : i1
      %and3A_407 = arith.andi %ne3A_406, %ne3A_402 : i1
      %add3A_408 = arith.addi %rem3A_400, %select_n3A_399 : i32
      %select_n3A_409 = arith.select %and3A_407, %add3A_408, %rem3A_400 : i32
      %mul3A_410 = arith.constant 512 : i32
      %mul3A_411 = arith.muli %while3A_394, %mul3A_410 : i32
      %add3A_412 = arith.addi %mul3A_48, %mul3A_411 : i32
      %add3A_413 = arith.constant 512 : i32
      %add3A_414 = arith.addi %add3A_412, %add3A_413 : i32
      %min3A_415 = arith.minsi %add3A_414, %min3A_51 : i32
      %min3A_416 = arith.constant 999552 : i32
      %min3A_417 = arith.minsi %add3A_412, %min3A_416 : i32
      %add3A_418 = arith.constant 1 : i32
      %add3A_419 = arith.addi %while3A_394, %add3A_418 : i32
      %lt3A_420 = arith.cmpi slt, %add3A_419, %select_n3A_80 : i32
      %convert_element_type3A = arith.extui %lt3A_420 : i1 to i32
      %cond3A = arith.constant 0 : i32
      %cond3A_421 = arith.cmpi ne, %convert_element_type3A, %cond3A : i32
      scf.if %cond3A_421 {
        %add3A_443 = arith.constant 1 : i32
        %add3A_444 = arith.addi %while3A_394, %add3A_443 : i32
        %sub3A_445 = arith.constant 1 : i32
        %sub3A_446 = arith.subi %sub3A_445, %select_n3A_409 : i32
        %mul3A_447 = arith.constant 512 : i32
        %mul3A_448 = arith.muli %add3A_444, %mul3A_447 : i32
        %add3A_449 = arith.addi %mul3A_48, %mul3A_448 : i32
        %min3A_450 = arith.constant 999552 : i32
        %min3A_451 = arith.minsi %add3A_449, %min3A_450 : i32
        %multiple_of3A_452 = tpu.assume_multiple %min3A_451, 128 : i32
        %eq3A_453 = arith.constant 0 : i32
        %eq3A_454 = arith.cmpi eq, %sub3A_446, %eq3A_453 : i32
        %convert_element_type3A_455 = arith.extui %eq3A_454 : i1 to i32
        %cond3A_456 = arith.constant 0 : i32
        %cond3A_457 = arith.cmpi ne, %convert_element_type3A_455, %cond3A_456 : i32
        scf.if %cond3A_457 {
          %dma_start3A_533 = arith.constant 0 : i32
          %dma_start3A_534 = arith.constant 0 : i32
          %dma_start3A_535 = arith.constant 0 : i32
          %dma_start3A_536 = tpu.memref_slice %arg13[%dma_start3A_533, %dma_start3A_534, %dma_start3A_535] : memref<2x64x512xf32, #tpu.memory_space<vmem>> -> memref<1x8x512xf32, #tpu.memory_space<vmem>>
          %dma_start3A_537 = tpu.memref_squeeze %dma_start3A_536 : memref<1x8x512xf32, #tpu.memory_space<vmem>> -> memref<8x512xf32, #tpu.memory_space<vmem>>
          %dma_start3A_538 = arith.constant 0 : i32
          %dma_start3A_539 = tpu.memref_slice %arg5[%dma_start3A_538, %multiple_of3A_452] : memref<64x1000000xf32, #tpu.memory_space<hbm>> -> memref<8x512xf32, #tpu.memory_space<hbm>>
          %dma_start3A_540 = arith.constant 0 : i32
          %dma_start3A_541 = arith.constant 0 : i32
          %dma_start3A_542 = tpu.memref_slice %arg13[%dma_start3A_533, %dma_start3A_540, %dma_start3A_541] : memref<2x64x512xf32, #tpu.memory_space<vmem>> -> memref<1x8x512xf32, #tpu.memory_space<vmem>>
          %dma_start3A_543 = tpu.memref_squeeze %dma_start3A_542 : memref<1x8x512xf32, #tpu.memory_space<vmem>> -> memref<8x512xf32, #tpu.memory_space<vmem>>
          %dma_start3A_544 = arith.constant 0 : i32
          %dma_start3A_545 = tpu.memref_slice %arg5[%dma_start3A_544, %multiple_of3A_452] : memref<64x1000000xf32, #tpu.memory_space<hbm>> -> memref<8x512xf32, #tpu.memory_space<hbm>>
          tpu.enqueue_dma source(%dma_start3A_545 : memref<8x512xf32, #tpu.memory_space<hbm>>) target(%dma_start3A_543 : memref<8x512xf32, #tpu.memory_space<vmem>>) target_semaphore(%arg15 : memref<!tpu.dma_semaphore, #tpu.memory_space<semaphore_mem>>)
        } else {
        }
        %eq3A_458 = arith.constant 1 : i32
        %eq3A_459 = arith.cmpi eq, %sub3A_446, %eq3A_458 : i32
        %convert_element_type3A_460 = arith.extui %eq3A_459 : i1 to i32
        %cond3A_461 = arith.constant 0 : i32
        %cond3A_462 = arith.cmpi ne, %convert_element_type3A_460, %cond3A_461 : i32
        scf.if %cond3A_462 {
          %dma_start3A_533 = arith.constant 1 : i32
          %dma_start3A_534 = arith.constant 0 : i32
          %dma_start3A_535 = arith.constant 0 : i32
          %dma_start3A_536 = tpu.memref_slice %arg13[%dma_start3A_533, %dma_start3A_534, %dma_start3A_535] : memref<2x64x512xf32, #tpu.memory_space<vmem>> -> memref<1x8x512xf32, #tpu.memory_space<vmem>>
          %dma_start3A_537 = tpu.memref_squeeze %dma_start3A_536 : memref<1x8x512xf32, #tpu.memory_space<vmem>> -> memref<8x512xf32, #tpu.memory_space<vmem>>
          %dma_start3A_538 = arith.constant 0 : i32
          %dma_start3A_539 = tpu.memref_slice %arg5[%dma_start3A_538, %multiple_of3A_452] : memref<64x1000000xf32, #tpu.memory_space<hbm>> -> memref<8x512xf32, #tpu.memory_space<hbm>>
          %dma_start3A_540 = arith.constant 0 : i32
          %dma_start3A_541 = arith.constant 0 : i32
          %dma_start3A_542 = tpu.memref_slice %arg13[%dma_start3A_533, %dma_start3A_540, %dma_start3A_541] : memref<2x64x512xf32, #tpu.memory_space<vmem>> -> memref<1x8x512xf32, #tpu.memory_space<vmem>>
          %dma_start3A_543 = tpu.memref_squeeze %dma_start3A_542 : memref<1x8x512xf32, #tpu.memory_space<vmem>> -> memref<8x512xf32, #tpu.memory_space<vmem>>
          %dma_start3A_544 = arith.constant 0 : i32
          %dma_start3A_545 = tpu.memref_slice %arg5[%dma_start3A_544, %multiple_of3A_452] : memref<64x1000000xf32, #tpu.memory_space<hbm>> -> memref<8x512xf32, #tpu.memory_space<hbm>>
          tpu.enqueue_dma source(%dma_start3A_545 : memref<8x512xf32, #tpu.memory_space<hbm>>) target(%dma_start3A_543 : memref<8x512xf32, #tpu.memory_space<vmem>>) target_semaphore(%arg16 : memref<!tpu.dma_semaphore, #tpu.memory_space<semaphore_mem>>)
        } else {
        }
        %eq3A_463 = arith.constant 0 : i32
        %eq3A_464 = arith.cmpi eq, %sub3A_446, %eq3A_463 : i32
        %convert_element_type3A_465 = arith.extui %eq3A_464 : i1 to i32
        %cond3A_466 = arith.constant 0 : i32
        %cond3A_467 = arith.cmpi ne, %convert_element_type3A_465, %cond3A_466 : i32
        scf.if %cond3A_467 {
          %dma_start3A_533 = arith.constant 0 : i32
          %dma_start3A_534 = arith.constant 8 : i32
          %dma_start3A_535 = arith.constant 0 : i32
          %dma_start3A_536 = tpu.memref_slice %arg13[%dma_start3A_533, %dma_start3A_534, %dma_start3A_535] : memref<2x64x512xf32, #tpu.memory_space<vmem>> -> memref<1x8x512xf32, #tpu.memory_space<vmem>>
          %dma_start3A_537 = tpu.memref_squeeze %dma_start3A_536 : memref<1x8x512xf32, #tpu.memory_space<vmem>> -> memref<8x512xf32, #tpu.memory_space<vmem>>
          %dma_start3A_538 = arith.constant 8 : i32
          %dma_start3A_539 = tpu.memref_slice %arg5[%dma_start3A_538, %multiple_of3A_452] : memref<64x1000000xf32, #tpu.memory_space<hbm>> -> memref<8x512xf32, #tpu.memory_space<hbm>>
          %dma_start3A_540 = arith.constant 8 : i32
          %dma_start3A_541 = arith.constant 0 : i32
          %dma_start3A_542 = tpu.memref_slice %arg13[%dma_start3A_533, %dma_start3A_540, %dma_start3A_541] : memref<2x64x512xf32, #tpu.memory_space<vmem>> -> memref<1x8x512xf32, #tpu.memory_space<vmem>>
          %dma_start3A_543 = tpu.memref_squeeze %dma_start3A_542 : memref<1x8x512xf32, #tpu.memory_space<vmem>> -> memref<8x512xf32, #tpu.memory_space<vmem>>
          %dma_start3A_544 = arith.constant 8 : i32
          %dma_start3A_545 = tpu.memref_slice %arg5[%dma_start3A_544, %multiple_of3A_452] : memref<64x1000000xf32, #tpu.memory_space<hbm>> -> memref<8x512xf32, #tpu.memory_space<hbm>>
          tpu.enqueue_dma source(%dma_start3A_545 : memref<8x512xf32, #tpu.memory_space<hbm>>) target(%dma_start3A_543 : memref<8x512xf32, #tpu.memory_space<vmem>>) target_semaphore(%arg15 : memref<!tpu.dma_semaphore, #tpu.memory_space<semaphore_mem>>)
        } else {
        }
        %eq3A_468 = arith.constant 1 : i32
        %eq3A_469 = arith.cmpi eq, %sub3A_446, %eq3A_468 : i32
        %convert_element_type3A_470 = arith.extui %eq3A_469 : i1 to i32
        %cond3A_471 = arith.constant 0 : i32
        %cond3A_472 = arith.cmpi ne, %convert_element_type3A_470, %cond3A_471 : i32
        scf.if %cond3A_472 {
          %dma_start3A_533 = arith.constant 1 : i32
          %dma_start3A_534 = arith.constant 8 : i32
          %dma_start3A_535 = arith.constant 0 : i32
          %dma_start3A_536 = tpu.memref_slice %arg13[%dma_start3A_533, %dma_start3A_534, %dma_start3A_535] : memref<2x64x512xf32, #tpu.memory_space<vmem>> -> memref<1x8x512xf32, #tpu.memory_space<vmem>>
          %dma_start3A_537 = tpu.memref_squeeze %dma_start3A_536 : memref<1x8x512xf32, #tpu.memory_space<vmem>> -> memref<8x512xf32, #tpu.memory_space<vmem>>
          %dma_start3A_538 = arith.constant 8 : i32
          %dma_start3A_539 = tpu.memref_slice %arg5[%dma_start3A_538, %multiple_of3A_452] : memref<64x1000000xf32, #tpu.memory_space<hbm>> -> memref<8x512xf32, #tpu.memory_space<hbm>>
          %dma_start3A_540 = arith.constant 8 : i32
          %dma_start3A_541 = arith.constant 0 : i32
          %dma_start3A_542 = tpu.memref_slice %arg13[%dma_start3A_533, %dma_start3A_540, %dma_start3A_541] : memref<2x64x512xf32, #tpu.memory_space<vmem>> -> memref<1x8x512xf32, #tpu.memory_space<vmem>>
          %dma_start3A_543 = tpu.memref_squeeze %dma_start3A_542 : memref<1x8x512xf32, #tpu.memory_space<vmem>> -> memref<8x512xf32, #tpu.memory_space<vmem>>
          %dma_start3A_544 = arith.constant 8 : i32
          %dma_start3A_545 = tpu.memref_slice %arg5[%dma_start3A_544, %multiple_of3A_452] : memref<64x1000000xf32, #tpu.memory_space<hbm>> -> memref<8x512xf32, #tpu.memory_space<hbm>>
          tpu.enqueue_dma source(%dma_start3A_545 : memref<8x512xf32, #tpu.memory_space<hbm>>) target(%dma_start3A_543 : memref<8x512xf32, #tpu.memory_space<vmem>>) target_semaphore(%arg16 : memref<!tpu.dma_semaphore, #tpu.memory_space<semaphore_mem>>)
        } else {
        }
        %eq3A_473 = arith.constant 0 : i32
        %eq3A_474 = arith.cmpi eq, %sub3A_446, %eq3A_473 : i32
        %convert_element_type3A_475 = arith.extui %eq3A_474 : i1 to i32
        %cond3A_476 = arith.constant 0 : i32
        %cond3A_477 = arith.cmpi ne, %convert_element_type3A_475, %cond3A_476 : i32
        scf.if %cond3A_477 {
          %dma_start3A_533 = arith.constant 0 : i32
          %dma_start3A_534 = arith.constant 16 : i32
          %dma_start3A_535 = arith.constant 0 : i32
          %dma_start3A_536 = tpu.memref_slice %arg13[%dma_start3A_533, %dma_start3A_534, %dma_start3A_535] : memref<2x64x512xf32, #tpu.memory_space<vmem>> -> memref<1x8x512xf32, #tpu.memory_space<vmem>>
          %dma_start3A_537 = tpu.memref_squeeze %dma_start3A_536 : memref<1x8x512xf32, #tpu.memory_space<vmem>> -> memref<8x512xf32, #tpu.memory_space<vmem>>
          %dma_start3A_538 = arith.constant 16 : i32
          %dma_start3A_539 = tpu.memref_slice %arg5[%dma_start3A_538, %multiple_of3A_452] : memref<64x1000000xf32, #tpu.memory_space<hbm>> -> memref<8x512xf32, #tpu.memory_space<hbm>>
          %dma_start3A_540 = arith.constant 16 : i32
          %dma_start3A_541 = arith.constant 0 : i32
          %dma_start3A_542 = tpu.memref_slice %arg13[%dma_start3A_533, %dma_start3A_540, %dma_start3A_541] : memref<2x64x512xf32, #tpu.memory_space<vmem>> -> memref<1x8x512xf32, #tpu.memory_space<vmem>>
          %dma_start3A_543 = tpu.memref_squeeze %dma_start3A_542 : memref<1x8x512xf32, #tpu.memory_space<vmem>> -> memref<8x512xf32, #tpu.memory_space<vmem>>
          %dma_start3A_544 = arith.constant 16 : i32
          %dma_start3A_545 = tpu.memref_slice %arg5[%dma_start3A_544, %multiple_of3A_452] : memref<64x1000000xf32, #tpu.memory_space<hbm>> -> memref<8x512xf32, #tpu.memory_space<hbm>>
          tpu.enqueue_dma source(%dma_start3A_545 : memref<8x512xf32, #tpu.memory_space<hbm>>) target(%dma_start3A_543 : memref<8x512xf32, #tpu.memory_space<vmem>>) target_semaphore(%arg15 : memref<!tpu.dma_semaphore, #tpu.memory_space<semaphore_mem>>)
        } else {
        }
        %eq3A_478 = arith.constant 1 : i32
        %eq3A_479 = arith.cmpi eq, %sub3A_446, %eq3A_478 : i32
        %convert_element_type3A_480 = arith.extui %eq3A_479 : i1 to i32
        %cond3A_481 = arith.constant 0 : i32
        %cond3A_482 = arith.cmpi ne, %convert_element_type3A_480, %cond3A_481 : i32
        scf.if %cond3A_482 {
          %dma_start3A_533 = arith.constant 1 : i32
          %dma_start3A_534 = arith.constant 16 : i32
          %dma_start3A_535 = arith.constant 0 : i32
          %dma_start3A_536 = tpu.memref_slice %arg13[%dma_start3A_533, %dma_start3A_534, %dma_start3A_535] : memref<2x64x512xf32, #tpu.memory_space<vmem>> -> memref<1x8x512xf32, #tpu.memory_space<vmem>>
          %dma_start3A_537 = tpu.memref_squeeze %dma_start3A_536 : memref<1x8x512xf32, #tpu.memory_space<vmem>> -> memref<8x512xf32, #tpu.memory_space<vmem>>
          %dma_start3A_538 = arith.constant 16 : i32
          %dma_start3A_539 = tpu.memref_slice %arg5[%dma_start3A_538, %multiple_of3A_452] : memref<64x1000000xf32, #tpu.memory_space<hbm>> -> memref<8x512xf32, #tpu.memory_space<hbm>>
          %dma_start3A_540 = arith.constant 16 : i32
          %dma_start3A_541 = arith.constant 0 : i32
          %dma_start3A_542 = tpu.memref_slice %arg13[%dma_start3A_533, %dma_start3A_540, %dma_start3A_541] : memref<2x64x512xf32, #tpu.memory_space<vmem>> -> memref<1x8x512xf32, #tpu.memory_space<vmem>>
          %dma_start3A_543 = tpu.memref_squeeze %dma_start3A_542 : memref<1x8x512xf32, #tpu.memory_space<vmem>> -> memref<8x512xf32, #tpu.memory_space<vmem>>
          %dma_start3A_544 = arith.constant 16 : i32
          %dma_start3A_545 = tpu.memref_slice %arg5[%dma_start3A_544, %multiple_of3A_452] : memref<64x1000000xf32, #tpu.memory_space<hbm>> -> memref<8x512xf32, #tpu.memory_space<hbm>>
          tpu.enqueue_dma source(%dma_start3A_545 : memref<8x512xf32, #tpu.memory_space<hbm>>) target(%dma_start3A_543 : memref<8x512xf32, #tpu.memory_space<vmem>>) target_semaphore(%arg16 : memref<!tpu.dma_semaphore, #tpu.memory_space<semaphore_mem>>)
        } else {
        }
        %eq3A_483 = arith.constant 0 : i32
        %eq3A_484 = arith.cmpi eq, %sub3A_446, %eq3A_483 : i32
        %convert_element_type3A_485 = arith.extui %eq3A_484 : i1 to i32
        %cond3A_486 = arith.constant 0 : i32
        %cond3A_487 = arith.cmpi ne, %convert_element_type3A_485, %cond3A_486 : i32
        scf.if %cond3A_487 {
          %dma_start3A_533 = arith.constant 0 : i32
          %dma_start3A_534 = arith.constant 24 : i32
          %dma_start3A_535 = arith.constant 0 : i32
          %dma_start3A_536 = tpu.memref_slice %arg13[%dma_start3A_533, %dma_start3A_534, %dma_start3A_535] : memref<2x64x512xf32, #tpu.memory_space<vmem>> -> memref<1x8x512xf32, #tpu.memory_space<vmem>>
          %dma_start3A_537 = tpu.memref_squeeze %dma_start3A_536 : memref<1x8x512xf32, #tpu.memory_space<vmem>> -> memref<8x512xf32, #tpu.memory_space<vmem>>
          %dma_start3A_538 = arith.constant 24 : i32
          %dma_start3A_539 = tpu.memref_slice %arg5[%dma_start3A_538, %multiple_of3A_452] : memref<64x1000000xf32, #tpu.memory_space<hbm>> -> memref<8x512xf32, #tpu.memory_space<hbm>>
          %dma_start3A_540 = arith.constant 24 : i32
          %dma_start3A_541 = arith.constant 0 : i32
          %dma_start3A_542 = tpu.memref_slice %arg13[%dma_start3A_533, %dma_start3A_540, %dma_start3A_541] : memref<2x64x512xf32, #tpu.memory_space<vmem>> -> memref<1x8x512xf32, #tpu.memory_space<vmem>>
          %dma_start3A_543 = tpu.memref_squeeze %dma_start3A_542 : memref<1x8x512xf32, #tpu.memory_space<vmem>> -> memref<8x512xf32, #tpu.memory_space<vmem>>
          %dma_start3A_544 = arith.constant 24 : i32
          %dma_start3A_545 = tpu.memref_slice %arg5[%dma_start3A_544, %multiple_of3A_452] : memref<64x1000000xf32, #tpu.memory_space<hbm>> -> memref<8x512xf32, #tpu.memory_space<hbm>>
          tpu.enqueue_dma source(%dma_start3A_545 : memref<8x512xf32, #tpu.memory_space<hbm>>) target(%dma_start3A_543 : memref<8x512xf32, #tpu.memory_space<vmem>>) target_semaphore(%arg15 : memref<!tpu.dma_semaphore, #tpu.memory_space<semaphore_mem>>)
        } else {
        }
        %eq3A_488 = arith.constant 1 : i32
        %eq3A_489 = arith.cmpi eq, %sub3A_446, %eq3A_488 : i32
        %convert_element_type3A_490 = arith.extui %eq3A_489 : i1 to i32
        %cond3A_491 = arith.constant 0 : i32
        %cond3A_492 = arith.cmpi ne, %convert_element_type3A_490, %cond3A_491 : i32
        scf.if %cond3A_492 {
          %dma_start3A_533 = arith.constant 1 : i32
          %dma_start3A_534 = arith.constant 24 : i32
          %dma_start3A_535 = arith.constant 0 : i32
          %dma_start3A_536 = tpu.memref_slice %arg13[%dma_start3A_533, %dma_start3A_534, %dma_start3A_535] : memref<2x64x512xf32, #tpu.memory_space<vmem>> -> memref<1x8x512xf32, #tpu.memory_space<vmem>>
          %dma_start3A_537 = tpu.memref_squeeze %dma_start3A_536 : memref<1x8x512xf32, #tpu.memory_space<vmem>> -> memref<8x512xf32, #tpu.memory_space<vmem>>
          %dma_start3A_538 = arith.constant 24 : i32
          %dma_start3A_539 = tpu.memref_slice %arg5[%dma_start3A_538, %multiple_of3A_452] : memref<64x1000000xf32, #tpu.memory_space<hbm>> -> memref<8x512xf32, #tpu.memory_space<hbm>>
          %dma_start3A_540 = arith.constant 24 : i32
          %dma_start3A_541 = arith.constant 0 : i32
          %dma_start3A_542 = tpu.memref_slice %arg13[%dma_start3A_533, %dma_start3A_540, %dma_start3A_541] : memref<2x64x512xf32, #tpu.memory_space<vmem>> -> memref<1x8x512xf32, #tpu.memory_space<vmem>>
          %dma_start3A_543 = tpu.memref_squeeze %dma_start3A_542 : memref<1x8x512xf32, #tpu.memory_space<vmem>> -> memref<8x512xf32, #tpu.memory_space<vmem>>
          %dma_start3A_544 = arith.constant 24 : i32
          %dma_start3A_545 = tpu.memref_slice %arg5[%dma_start3A_544, %multiple_of3A_452] : memref<64x1000000xf32, #tpu.memory_space<hbm>> -> memref<8x512xf32, #tpu.memory_space<hbm>>
          tpu.enqueue_dma source(%dma_start3A_545 : memref<8x512xf32, #tpu.memory_space<hbm>>) target(%dma_start3A_543 : memref<8x512xf32, #tpu.memory_space<vmem>>) target_semaphore(%arg16 : memref<!tpu.dma_semaphore, #tpu.memory_space<semaphore_mem>>)
        } else {
        }
        %eq3A_493 = arith.constant 0 : i32
        %eq3A_494 = arith.cmpi eq, %sub3A_446, %eq3A_493 : i32
        %convert_element_type3A_495 = arith.extui %eq3A_494 : i1 to i32
        %cond3A_496 = arith.constant 0 : i32
        %cond3A_497 = arith.cmpi ne, %convert_element_type3A_495, %cond3A_496 : i32
        scf.if %cond3A_497 {
          %dma_start3A_533 = arith.constant 0 : i32
          %dma_start3A_534 = arith.constant 32 : i32
          %dma_start3A_535 = arith.constant 0 : i32
          %dma_start3A_536 = tpu.memref_slice %arg13[%dma_start3A_533, %dma_start3A_534, %dma_start3A_535] : memref<2x64x512xf32, #tpu.memory_space<vmem>> -> memref<1x8x512xf32, #tpu.memory_space<vmem>>
          %dma_start3A_537 = tpu.memref_squeeze %dma_start3A_536 : memref<1x8x512xf32, #tpu.memory_space<vmem>> -> memref<8x512xf32, #tpu.memory_space<vmem>>
          %dma_start3A_538 = arith.constant 32 : i32
          %dma_start3A_539 = tpu.memref_slice %arg5[%dma_start3A_538, %multiple_of3A_452] : memref<64x1000000xf32, #tpu.memory_space<hbm>> -> memref<8x512xf32, #tpu.memory_space<hbm>>
          %dma_start3A_540 = arith.constant 32 : i32
          %dma_start3A_541 = arith.constant 0 : i32
          %dma_start3A_542 = tpu.memref_slice %arg13[%dma_start3A_533, %dma_start3A_540, %dma_start3A_541] : memref<2x64x512xf32, #tpu.memory_space<vmem>> -> memref<1x8x512xf32, #tpu.memory_space<vmem>>
          %dma_start3A_543 = tpu.memref_squeeze %dma_start3A_542 : memref<1x8x512xf32, #tpu.memory_space<vmem>> -> memref<8x512xf32, #tpu.memory_space<vmem>>
          %dma_start3A_544 = arith.constant 32 : i32
          %dma_start3A_545 = tpu.memref_slice %arg5[%dma_start3A_544, %multiple_of3A_452] : memref<64x1000000xf32, #tpu.memory_space<hbm>> -> memref<8x512xf32, #tpu.memory_space<hbm>>
          tpu.enqueue_dma source(%dma_start3A_545 : memref<8x512xf32, #tpu.memory_space<hbm>>) target(%dma_start3A_543 : memref<8x512xf32, #tpu.memory_space<vmem>>) target_semaphore(%arg15 : memref<!tpu.dma_semaphore, #tpu.memory_space<semaphore_mem>>)
        } else {
        }
        %eq3A_498 = arith.constant 1 : i32
        %eq3A_499 = arith.cmpi eq, %sub3A_446, %eq3A_498 : i32
        %convert_element_type3A_500 = arith.extui %eq3A_499 : i1 to i32
        %cond3A_501 = arith.constant 0 : i32
        %cond3A_502 = arith.cmpi ne, %convert_element_type3A_500, %cond3A_501 : i32
        scf.if %cond3A_502 {
          %dma_start3A_533 = arith.constant 1 : i32
          %dma_start3A_534 = arith.constant 32 : i32
          %dma_start3A_535 = arith.constant 0 : i32
          %dma_start3A_536 = tpu.memref_slice %arg13[%dma_start3A_533, %dma_start3A_534, %dma_start3A_535] : memref<2x64x512xf32, #tpu.memory_space<vmem>> -> memref<1x8x512xf32, #tpu.memory_space<vmem>>
          %dma_start3A_537 = tpu.memref_squeeze %dma_start3A_536 : memref<1x8x512xf32, #tpu.memory_space<vmem>> -> memref<8x512xf32, #tpu.memory_space<vmem>>
          %dma_start3A_538 = arith.constant 32 : i32
          %dma_start3A_539 = tpu.memref_slice %arg5[%dma_start3A_538, %multiple_of3A_452] : memref<64x1000000xf32, #tpu.memory_space<hbm>> -> memref<8x512xf32, #tpu.memory_space<hbm>>
          %dma_start3A_540 = arith.constant 32 : i32
          %dma_start3A_541 = arith.constant 0 : i32
          %dma_start3A_542 = tpu.memref_slice %arg13[%dma_start3A_533, %dma_start3A_540, %dma_start3A_541] : memref<2x64x512xf32, #tpu.memory_space<vmem>> -> memref<1x8x512xf32, #tpu.memory_space<vmem>>
          %dma_start3A_543 = tpu.memref_squeeze %dma_start3A_542 : memref<1x8x512xf32, #tpu.memory_space<vmem>> -> memref<8x512xf32, #tpu.memory_space<vmem>>
          %dma_start3A_544 = arith.constant 32 : i32
          %dma_start3A_545 = tpu.memref_slice %arg5[%dma_start3A_544, %multiple_of3A_452] : memref<64x1000000xf32, #tpu.memory_space<hbm>> -> memref<8x512xf32, #tpu.memory_space<hbm>>
          tpu.enqueue_dma source(%dma_start3A_545 : memref<8x512xf32, #tpu.memory_space<hbm>>) target(%dma_start3A_543 : memref<8x512xf32, #tpu.memory_space<vmem>>) target_semaphore(%arg16 : memref<!tpu.dma_semaphore, #tpu.memory_space<semaphore_mem>>)
        } else {
        }
        %eq3A_503 = arith.constant 0 : i32
        %eq3A_504 = arith.cmpi eq, %sub3A_446, %eq3A_503 : i32
        %convert_element_type3A_505 = arith.extui %eq3A_504 : i1 to i32
        %cond3A_506 = arith.constant 0 : i32
        %cond3A_507 = arith.cmpi ne, %convert_element_type3A_505, %cond3A_506 : i32
        scf.if %cond3A_507 {
          %dma_start3A_533 = arith.constant 0 : i32
          %dma_start3A_534 = arith.constant 40 : i32
          %dma_start3A_535 = arith.constant 0 : i32
          %dma_start3A_536 = tpu.memref_slice %arg13[%dma_start3A_533, %dma_start3A_534, %dma_start3A_535] : memref<2x64x512xf32, #tpu.memory_space<vmem>> -> memref<1x8x512xf32, #tpu.memory_space<vmem>>
          %dma_start3A_537 = tpu.memref_squeeze %dma_start3A_536 : memref<1x8x512xf32, #tpu.memory_space<vmem>> -> memref<8x512xf32, #tpu.memory_space<vmem>>
          %dma_start3A_538 = arith.constant 40 : i32
          %dma_start3A_539 = tpu.memref_slice %arg5[%dma_start3A_538, %multiple_of3A_452] : memref<64x1000000xf32, #tpu.memory_space<hbm>> -> memref<8x512xf32, #tpu.memory_space<hbm>>
          %dma_start3A_540 = arith.constant 40 : i32
          %dma_start3A_541 = arith.constant 0 : i32
          %dma_start3A_542 = tpu.memref_slice %arg13[%dma_start3A_533, %dma_start3A_540, %dma_start3A_541] : memref<2x64x512xf32, #tpu.memory_space<vmem>> -> memref<1x8x512xf32, #tpu.memory_space<vmem>>
          %dma_start3A_543 = tpu.memref_squeeze %dma_start3A_542 : memref<1x8x512xf32, #tpu.memory_space<vmem>> -> memref<8x512xf32, #tpu.memory_space<vmem>>
          %dma_start3A_544 = arith.constant 40 : i32
          %dma_start3A_545 = tpu.memref_slice %arg5[%dma_start3A_544, %multiple_of3A_452] : memref<64x1000000xf32, #tpu.memory_space<hbm>> -> memref<8x512xf32, #tpu.memory_space<hbm>>
          tpu.enqueue_dma source(%dma_start3A_545 : memref<8x512xf32, #tpu.memory_space<hbm>>) target(%dma_start3A_543 : memref<8x512xf32, #tpu.memory_space<vmem>>) target_semaphore(%arg15 : memref<!tpu.dma_semaphore, #tpu.memory_space<semaphore_mem>>)
        } else {
        }
        %eq3A_508 = arith.constant 1 : i32
        %eq3A_509 = arith.cmpi eq, %sub3A_446, %eq3A_508 : i32
        %convert_element_type3A_510 = arith.extui %eq3A_509 : i1 to i32
        %cond3A_511 = arith.constant 0 : i32
        %cond3A_512 = arith.cmpi ne, %convert_element_type3A_510, %cond3A_511 : i32
        scf.if %cond3A_512 {
          %dma_start3A_533 = arith.constant 1 : i32
          %dma_start3A_534 = arith.constant 40 : i32
          %dma_start3A_535 = arith.constant 0 : i32
          %dma_start3A_536 = tpu.memref_slice %arg13[%dma_start3A_533, %dma_start3A_534, %dma_start3A_535] : memref<2x64x512xf32, #tpu.memory_space<vmem>> -> memref<1x8x512xf32, #tpu.memory_space<vmem>>
          %dma_start3A_537 = tpu.memref_squeeze %dma_start3A_536 : memref<1x8x512xf32, #tpu.memory_space<vmem>> -> memref<8x512xf32, #tpu.memory_space<vmem>>
          %dma_start3A_538 = arith.constant 40 : i32
          %dma_start3A_539 = tpu.memref_slice %arg5[%dma_start3A_538, %multiple_of3A_452] : memref<64x1000000xf32, #tpu.memory_space<hbm>> -> memref<8x512xf32, #tpu.memory_space<hbm>>
          %dma_start3A_540 = arith.constant 40 : i32
          %dma_start3A_541 = arith.constant 0 : i32
          %dma_start3A_542 = tpu.memref_slice %arg13[%dma_start3A_533, %dma_start3A_540, %dma_start3A_541] : memref<2x64x512xf32, #tpu.memory_space<vmem>> -> memref<1x8x512xf32, #tpu.memory_space<vmem>>
          %dma_start3A_543 = tpu.memref_squeeze %dma_start3A_542 : memref<1x8x512xf32, #tpu.memory_space<vmem>> -> memref<8x512xf32, #tpu.memory_space<vmem>>
          %dma_start3A_544 = arith.constant 40 : i32
          %dma_start3A_545 = tpu.memref_slice %arg5[%dma_start3A_544, %multiple_of3A_452] : memref<64x1000000xf32, #tpu.memory_space<hbm>> -> memref<8x512xf32, #tpu.memory_space<hbm>>
          tpu.enqueue_dma source(%dma_start3A_545 : memref<8x512xf32, #tpu.memory_space<hbm>>) target(%dma_start3A_543 : memref<8x512xf32, #tpu.memory_space<vmem>>) target_semaphore(%arg16 : memref<!tpu.dma_semaphore, #tpu.memory_space<semaphore_mem>>)
        } else {
        }
        %eq3A_513 = arith.constant 0 : i32
        %eq3A_514 = arith.cmpi eq, %sub3A_446, %eq3A_513 : i32
        %convert_element_type3A_515 = arith.extui %eq3A_514 : i1 to i32
        %cond3A_516 = arith.constant 0 : i32
        %cond3A_517 = arith.cmpi ne, %convert_element_type3A_515, %cond3A_516 : i32
        scf.if %cond3A_517 {
          %dma_start3A_533 = arith.constant 0 : i32
          %dma_start3A_534 = arith.constant 48 : i32
          %dma_start3A_535 = arith.constant 0 : i32
          %dma_start3A_536 = tpu.memref_slice %arg13[%dma_start3A_533, %dma_start3A_534, %dma_start3A_535] : memref<2x64x512xf32, #tpu.memory_space<vmem>> -> memref<1x8x512xf32, #tpu.memory_space<vmem>>
          %dma_start3A_537 = tpu.memref_squeeze %dma_start3A_536 : memref<1x8x512xf32, #tpu.memory_space<vmem>> -> memref<8x512xf32, #tpu.memory_space<vmem>>
          %dma_start3A_538 = arith.constant 48 : i32
          %dma_start3A_539 = tpu.memref_slice %arg5[%dma_start3A_538, %multiple_of3A_452] : memref<64x1000000xf32, #tpu.memory_space<hbm>> -> memref<8x512xf32, #tpu.memory_space<hbm>>
          %dma_start3A_540 = arith.constant 48 : i32
          %dma_start3A_541 = arith.constant 0 : i32
          %dma_start3A_542 = tpu.memref_slice %arg13[%dma_start3A_533, %dma_start3A_540, %dma_start3A_541] : memref<2x64x512xf32, #tpu.memory_space<vmem>> -> memref<1x8x512xf32, #tpu.memory_space<vmem>>
          %dma_start3A_543 = tpu.memref_squeeze %dma_start3A_542 : memref<1x8x512xf32, #tpu.memory_space<vmem>> -> memref<8x512xf32, #tpu.memory_space<vmem>>
          %dma_start3A_544 = arith.constant 48 : i32
          %dma_start3A_545 = tpu.memref_slice %arg5[%dma_start3A_544, %multiple_of3A_452] : memref<64x1000000xf32, #tpu.memory_space<hbm>> -> memref<8x512xf32, #tpu.memory_space<hbm>>
          tpu.enqueue_dma source(%dma_start3A_545 : memref<8x512xf32, #tpu.memory_space<hbm>>) target(%dma_start3A_543 : memref<8x512xf32, #tpu.memory_space<vmem>>) target_semaphore(%arg15 : memref<!tpu.dma_semaphore, #tpu.memory_space<semaphore_mem>>)
        } else {
        }
        %eq3A_518 = arith.constant 1 : i32
        %eq3A_519 = arith.cmpi eq, %sub3A_446, %eq3A_518 : i32
        %convert_element_type3A_520 = arith.extui %eq3A_519 : i1 to i32
        %cond3A_521 = arith.constant 0 : i32
        %cond3A_522 = arith.cmpi ne, %convert_element_type3A_520, %cond3A_521 : i32
        scf.if %cond3A_522 {
          %dma_start3A_533 = arith.constant 1 : i32
          %dma_start3A_534 = arith.constant 48 : i32
          %dma_start3A_535 = arith.constant 0 : i32
          %dma_start3A_536 = tpu.memref_slice %arg13[%dma_start3A_533, %dma_start3A_534, %dma_start3A_535] : memref<2x64x512xf32, #tpu.memory_space<vmem>> -> memref<1x8x512xf32, #tpu.memory_space<vmem>>
          %dma_start3A_537 = tpu.memref_squeeze %dma_start3A_536 : memref<1x8x512xf32, #tpu.memory_space<vmem>> -> memref<8x512xf32, #tpu.memory_space<vmem>>
          %dma_start3A_538 = arith.constant 48 : i32
          %dma_start3A_539 = tpu.memref_slice %arg5[%dma_start3A_538, %multiple_of3A_452] : memref<64x1000000xf32, #tpu.memory_space<hbm>> -> memref<8x512xf32, #tpu.memory_space<hbm>>
          %dma_start3A_540 = arith.constant 48 : i32
          %dma_start3A_541 = arith.constant 0 : i32
          %dma_start3A_542 = tpu.memref_slice %arg13[%dma_start3A_533, %dma_start3A_540, %dma_start3A_541] : memref<2x64x512xf32, #tpu.memory_space<vmem>> -> memref<1x8x512xf32, #tpu.memory_space<vmem>>
          %dma_start3A_543 = tpu.memref_squeeze %dma_start3A_542 : memref<1x8x512xf32, #tpu.memory_space<vmem>> -> memref<8x512xf32, #tpu.memory_space<vmem>>
          %dma_start3A_544 = arith.constant 48 : i32
          %dma_start3A_545 = tpu.memref_slice %arg5[%dma_start3A_544, %multiple_of3A_452] : memref<64x1000000xf32, #tpu.memory_space<hbm>> -> memref<8x512xf32, #tpu.memory_space<hbm>>
          tpu.enqueue_dma source(%dma_start3A_545 : memref<8x512xf32, #tpu.memory_space<hbm>>) target(%dma_start3A_543 : memref<8x512xf32, #tpu.memory_space<vmem>>) target_semaphore(%arg16 : memref<!tpu.dma_semaphore, #tpu.memory_space<semaphore_mem>>)
        } else {
        }
        %eq3A_523 = arith.constant 0 : i32
        %eq3A_524 = arith.cmpi eq, %sub3A_446, %eq3A_523 : i32
        %convert_element_type3A_525 = arith.extui %eq3A_524 : i1 to i32
        %cond3A_526 = arith.constant 0 : i32
        %cond3A_527 = arith.cmpi ne, %convert_element_type3A_525, %cond3A_526 : i32
        scf.if %cond3A_527 {
          %dma_start3A_533 = arith.constant 0 : i32
          %dma_start3A_534 = arith.constant 56 : i32
          %dma_start3A_535 = arith.constant 0 : i32
          %dma_start3A_536 = tpu.memref_slice %arg13[%dma_start3A_533, %dma_start3A_534, %dma_start3A_535] : memref<2x64x512xf32, #tpu.memory_space<vmem>> -> memref<1x8x512xf32, #tpu.memory_space<vmem>>
          %dma_start3A_537 = tpu.memref_squeeze %dma_start3A_536 : memref<1x8x512xf32, #tpu.memory_space<vmem>> -> memref<8x512xf32, #tpu.memory_space<vmem>>
          %dma_start3A_538 = arith.constant 56 : i32
          %dma_start3A_539 = tpu.memref_slice %arg5[%dma_start3A_538, %multiple_of3A_452] : memref<64x1000000xf32, #tpu.memory_space<hbm>> -> memref<8x512xf32, #tpu.memory_space<hbm>>
          %dma_start3A_540 = arith.constant 56 : i32
          %dma_start3A_541 = arith.constant 0 : i32
          %dma_start3A_542 = tpu.memref_slice %arg13[%dma_start3A_533, %dma_start3A_540, %dma_start3A_541] : memref<2x64x512xf32, #tpu.memory_space<vmem>> -> memref<1x8x512xf32, #tpu.memory_space<vmem>>
          %dma_start3A_543 = tpu.memref_squeeze %dma_start3A_542 : memref<1x8x512xf32, #tpu.memory_space<vmem>> -> memref<8x512xf32, #tpu.memory_space<vmem>>
          %dma_start3A_544 = arith.constant 56 : i32
          %dma_start3A_545 = tpu.memref_slice %arg5[%dma_start3A_544, %multiple_of3A_452] : memref<64x1000000xf32, #tpu.memory_space<hbm>> -> memref<8x512xf32, #tpu.memory_space<hbm>>
          tpu.enqueue_dma source(%dma_start3A_545 : memref<8x512xf32, #tpu.memory_space<hbm>>) target(%dma_start3A_543 : memref<8x512xf32, #tpu.memory_space<vmem>>) target_semaphore(%arg15 : memref<!tpu.dma_semaphore, #tpu.memory_space<semaphore_mem>>)
        } else {
        }
        %eq3A_528 = arith.constant 1 : i32
        %eq3A_529 = arith.cmpi eq, %sub3A_446, %eq3A_528 : i32
        %convert_element_type3A_530 = arith.extui %eq3A_529 : i1 to i32
        %cond3A_531 = arith.constant 0 : i32
        %cond3A_532 = arith.cmpi ne, %convert_element_type3A_530, %cond3A_531 : i32
        scf.if %cond3A_532 {
          %dma_start3A_533 = arith.constant 1 : i32
          %dma_start3A_534 = arith.constant 56 : i32
          %dma_start3A_535 = arith.constant 0 : i32
          %dma_start3A_536 = tpu.memref_slice %arg13[%dma_start3A_533, %dma_start3A_534, %dma_start3A_535] : memref<2x64x512xf32, #tpu.memory_space<vmem>> -> memref<1x8x512xf32, #tpu.memory_space<vmem>>
          %dma_start3A_537 = tpu.memref_squeeze %dma_start3A_536 : memref<1x8x512xf32, #tpu.memory_space<vmem>> -> memref<8x512xf32, #tpu.memory_space<vmem>>
          %dma_start3A_538 = arith.constant 56 : i32
          %dma_start3A_539 = tpu.memref_slice %arg5[%dma_start3A_538, %multiple_of3A_452] : memref<64x1000000xf32, #tpu.memory_space<hbm>> -> memref<8x512xf32, #tpu.memory_space<hbm>>
          %dma_start3A_540 = arith.constant 56 : i32
          %dma_start3A_541 = arith.constant 0 : i32
          %dma_start3A_542 = tpu.memref_slice %arg13[%dma_start3A_533, %dma_start3A_540, %dma_start3A_541] : memref<2x64x512xf32, #tpu.memory_space<vmem>> -> memref<1x8x512xf32, #tpu.memory_space<vmem>>
          %dma_start3A_543 = tpu.memref_squeeze %dma_start3A_542 : memref<1x8x512xf32, #tpu.memory_space<vmem>> -> memref<8x512xf32, #tpu.memory_space<vmem>>
          %dma_start3A_544 = arith.constant 56 : i32
          %dma_start3A_545 = tpu.memref_slice %arg5[%dma_start3A_544, %multiple_of3A_452] : memref<64x1000000xf32, #tpu.memory_space<hbm>> -> memref<8x512xf32, #tpu.memory_space<hbm>>
          tpu.enqueue_dma source(%dma_start3A_545 : memref<8x512xf32, #tpu.memory_space<hbm>>) target(%dma_start3A_543 : memref<8x512xf32, #tpu.memory_space<vmem>>) target_semaphore(%arg16 : memref<!tpu.dma_semaphore, #tpu.memory_space<semaphore_mem>>)
        } else {
        }
      } else {
      }
      %eq3A_422 = arith.constant 0 : i32
      %eq3A_423 = arith.cmpi eq, %select_n3A_409, %eq3A_422 : i32
      %convert_element_type3A_424 = arith.extui %eq3A_423 : i1 to i32
      %cond3A_425 = arith.constant 0 : i32
      %cond3A_426 = arith.cmpi ne, %convert_element_type3A_424, %cond3A_425 : i32
      scf.if %cond3A_426 {
        %dma_wait3A = arith.constant 0 : i32
        %dma_wait3A_443 = arith.constant 0 : i32
        %dma_wait3A_444 = arith.constant 0 : i32
        %dma_wait3A_445 = tpu.memref_slice %arg13[%dma_wait3A, %dma_wait3A_443, %dma_wait3A_444] : memref<2x64x512xf32, #tpu.memory_space<vmem>> -> memref<1x64x512xf32, #tpu.memory_space<vmem>>
        %dma_wait3A_446 = tpu.memref_squeeze %dma_wait3A_445 : memref<1x64x512xf32, #tpu.memory_space<vmem>> -> memref<64x512xf32, #tpu.memory_space<vmem>>
        %dma_wait3A_447 = arith.constant 0 : i32
        %dma_wait3A_448 = arith.constant 0 : i32
        %dma_wait3A_449 = tpu.memref_slice %arg5[%dma_wait3A_447, %dma_wait3A_448] : memref<64x1000000xf32, #tpu.memory_space<hbm>> -> memref<64x512xf32, #tpu.memory_space<hbm>>
        %dma_wait3A_450 = arith.constant 0 : i32
        %dma_wait3A_451 = arith.constant 0 : i32
        %dma_wait3A_452 = tpu.memref_slice %arg13[%dma_wait3A, %dma_wait3A_450, %dma_wait3A_451] : memref<2x64x512xf32, #tpu.memory_space<vmem>> -> memref<1x64x512xf32, #tpu.memory_space<vmem>>
        %dma_wait3A_453 = tpu.memref_squeeze %dma_wait3A_452 : memref<1x64x512xf32, #tpu.memory_space<vmem>> -> memref<64x512xf32, #tpu.memory_space<vmem>>
        %dma_wait3A_454 = arith.constant 0 : i32
        %dma_wait3A_455 = arith.constant 0 : i32
        %dma_wait3A_456 = tpu.memref_slice %arg5[%dma_wait3A_454, %dma_wait3A_455] : memref<64x1000000xf32, #tpu.memory_space<hbm>> -> memref<64x512xf32, #tpu.memory_space<hbm>>
        tpu.wait_dma2 semaphore(%arg15 : memref<!tpu.dma_semaphore, #tpu.memory_space<semaphore_mem>>) src(%dma_wait3A_456 : memref<64x512xf32, #tpu.memory_space<hbm>>) dst(%dma_wait3A_453 : memref<64x512xf32, #tpu.memory_space<vmem>>)
      } else {
      }
      %eq3A_427 = arith.constant 1 : i32
      %eq3A_428 = arith.cmpi eq, %select_n3A_409, %eq3A_427 : i32
      %convert_element_type3A_429 = arith.extui %eq3A_428 : i1 to i32
      %cond3A_430 = arith.constant 0 : i32
      %cond3A_431 = arith.cmpi ne, %convert_element_type3A_429, %cond3A_430 : i32
      scf.if %cond3A_431 {
        %dma_wait3A = arith.constant 1 : i32
        %dma_wait3A_443 = arith.constant 0 : i32
        %dma_wait3A_444 = arith.constant 0 : i32
        %dma_wait3A_445 = tpu.memref_slice %arg13[%dma_wait3A, %dma_wait3A_443, %dma_wait3A_444] : memref<2x64x512xf32, #tpu.memory_space<vmem>> -> memref<1x64x512xf32, #tpu.memory_space<vmem>>
        %dma_wait3A_446 = tpu.memref_squeeze %dma_wait3A_445 : memref<1x64x512xf32, #tpu.memory_space<vmem>> -> memref<64x512xf32, #tpu.memory_space<vmem>>
        %dma_wait3A_447 = arith.constant 0 : i32
        %dma_wait3A_448 = arith.constant 0 : i32
        %dma_wait3A_449 = tpu.memref_slice %arg5[%dma_wait3A_447, %dma_wait3A_448] : memref<64x1000000xf32, #tpu.memory_space<hbm>> -> memref<64x512xf32, #tpu.memory_space<hbm>>
        %dma_wait3A_450 = arith.constant 0 : i32
        %dma_wait3A_451 = arith.constant 0 : i32
        %dma_wait3A_452 = tpu.memref_slice %arg13[%dma_wait3A, %dma_wait3A_450, %dma_wait3A_451] : memref<2x64x512xf32, #tpu.memory_space<vmem>> -> memref<1x64x512xf32, #tpu.memory_space<vmem>>
        %dma_wait3A_453 = tpu.memref_squeeze %dma_wait3A_452 : memref<1x64x512xf32, #tpu.memory_space<vmem>> -> memref<64x512xf32, #tpu.memory_space<vmem>>
        %dma_wait3A_454 = arith.constant 0 : i32
        %dma_wait3A_455 = arith.constant 0 : i32
        %dma_wait3A_456 = tpu.memref_slice %arg5[%dma_wait3A_454, %dma_wait3A_455] : memref<64x1000000xf32, #tpu.memory_space<hbm>> -> memref<64x512xf32, #tpu.memory_space<hbm>>
        tpu.wait_dma2 semaphore(%arg16 : memref<!tpu.dma_semaphore, #tpu.memory_space<semaphore_mem>>) src(%dma_wait3A_456 : memref<64x512xf32, #tpu.memory_space<hbm>>) dst(%dma_wait3A_453 : memref<64x512xf32, #tpu.memory_space<vmem>>)
      } else {
      }
      %broadcast_in_dim3A = vector.broadcast %select_n3A_409 : i32 to vector<16xi32>
      %while3A_432 = arith.constant 0 : i32
      %while3A_433 = arith.subi %select_n3A_376, %while3A_432 : i32
      %while3A_434 = arith.addi %while3A_432, %while3A_433 : i32
      %while3A_435 = arith.constant 1 : i32
      %while3A_436 = arith.divsi %while3A_433, %while3A_435 : i32
      %while3A_437 = arith.muli %while3A_436, %while3A_435 : i32
      %while3A_438 = arith.addi %while3A_432, %while3A_437 : i32
      %while3A_439 = arith.constant 1 : i32
      %while3A_440 = scf.for %while3A_443 = %while3A_432 to %while3A_438 step %while3A_439 iter_args(%while3A_444 = %while3A_395) -> (i32)  : i32 {
        %mul3A_445 = arith.constant 16 : i32
        %mul3A_446 = arith.muli %while3A_443, %mul3A_445 : i32
        %get3A = arith.index_cast %mul3A_446 : i32 to index
        %get3A_447 = tpu.vector_load %arg11[%get3A] {strides = array<i32>} : memref<3072xi32, #tpu.memory_space<vmem>>, vector<16xi32>,
        %mul3A_448 = arith.constant 16 : i32
        %mul3A_449 = arith.muli %while3A_443, %mul3A_448 : i32
        %get3A_450 = arith.index_cast %mul3A_449 : i32 to index
        %get3A_451 = tpu.vector_load %arg12[%get3A_450] {strides = array<i32>} : memref<3072xi32, #tpu.memory_space<vmem>>, vector<16xi32>,
        %mul3A_452 = arith.constant 16 : i32
        %mul3A_453 = arith.muli %while3A_443, %mul3A_452 : i32
        %sub3A_454 = arith.subi %scan3A_199, %mul3A_453 : i32
        %lt3A_455 = vector.broadcast %sub3A_454 : i32 to vector<16xi32>
        %lt3A_456 = arith.cmpi slt, %iota3A, %lt3A_455 : vector<16xi32>
        %ge3A = vector.broadcast %add3A_412 : i32 to vector<16xi32>
        %ge3A_457 = arith.cmpi sge, %get3A_447, %ge3A : vector<16xi32>
        %lt3A_458 = vector.broadcast %min3A_415 : i32 to vector<16xi32>
        %lt3A_459 = arith.cmpi slt, %get3A_447, %lt3A_458 : vector<16xi32>
        %and3A_460 = arith.andi %ge3A_457, %lt3A_459 : vector<16xi1>
        %and3A_461 = arith.andi %and3A_460, %lt3A_456 : vector<16xi1>
        %convert_element_type3A_462 = arith.extui %and3A_461 : vector<16xi1> to vector<16xi32>
        %broadcast_in_dim3A_463 = arith.constant true
        %broadcast_in_dim3A_464 = vector.broadcast %broadcast_in_dim3A_463 : i1 to vector<16xi1>
        %masked_cumsum3A = tpu.scan <sum>, %convert_element_type3A_462 masked %broadcast_in_dim3A_464 : vector<16xi32>, vector<16xi1> -> vector<16xi32>
        %add3A_465 = vector.broadcast %while3A_444 : i32 to vector<16xi32>
        %add3A_466 = arith.addi %add3A_465, %masked_cumsum3A : vector<16xi32>
        %sub3A_467 = arith.constant 1 : i32
        %sub3A_468 = vector.broadcast %sub3A_467 : i32 to vector<16xi32>
        %sub3A_469 = arith.subi %add3A_466, %sub3A_468 : vector<16xi32>
        %jit3A_470 = arith.constant 64 : i32
        %eq3A_471 = arith.constant 0 : i32
        %eq3A_472 = arith.cmpi eq, %jit3A_470, %eq3A_471 : i32
        %jit3A_473 = arith.constant 1 : i32
        %select_n3A_474 = arith.select %eq3A_472, %jit3A_473, %jit3A_470 : i32
        %rem3A_475 = vector.broadcast %select_n3A_474 : i32 to vector<16xi32>
        %rem3A_476 = arith.remsi %sub3A_469, %rem3A_475 : vector<16xi32>
        %ne3A_477 = arith.constant 0 : i32
        %ne3A_478 = vector.broadcast %ne3A_477 : i32 to vector<16xi32>
        %ne3A_479 = arith.cmpi ne, %rem3A_476, %ne3A_478 : vector<16xi32>
        %lt3A_480 = arith.constant 0 : i32
        %lt3A_481 = vector.broadcast %lt3A_480 : i32 to vector<16xi32>
        %lt3A_482 = arith.cmpi slt, %rem3A_476, %lt3A_481 : vector<16xi32>
        %lt3A_483 = arith.constant 0 : i32
        %lt3A_484 = arith.cmpi slt, %select_n3A_474, %lt3A_483 : i32
        %ne3A_485 = vector.broadcast %lt3A_484 : i1 to vector<16xi1>
        %ne3A_486 = vector.broadcast %ne3A_485 : vector<16xi1> to vector<16xi1>
        %ne3A_487 = arith.xori %lt3A_482, %ne3A_486 : vector<16xi1>
        %and3A_488 = arith.andi %ne3A_487, %ne3A_479 : vector<16xi1>
        %add3A_489 = vector.broadcast %select_n3A_474 : i32 to vector<16xi32>
        %add3A_490 = arith.addi %rem3A_476, %add3A_489 : vector<16xi32>
        %select_n3A_491 = arith.select %and3A_488, %add3A_490, %rem3A_476 : vector<16xi1>, vector<16xi32>
        %all_reduce_population_count3A = tpu.all_reduce %and3A_461 {dim = 0 : i64, kind = #tpu.reduction_kind<sum>} : vector<16xi1> -> vector<16xi32>
        %slice3A = vector.extract_strided_slice %all_reduce_population_count3A {offsets = [0], sizes = [1], strides = [1]} : vector<16xi32> to vector<1xi32>
        %squeeze3A = vector.extract %slice3A[0] : i32 from vector<1xi32>
        %gt3A = arith.constant 0 : i32
        %gt3A_492 = arith.cmpi sgt, %squeeze3A, %gt3A : i32
        %convert_element_type3A_493 = arith.extui %gt3A_492 : i1 to i32
        %cond3A_494 = arith.constant 0 : i32
        %cond3A_495 = arith.cmpi ne, %convert_element_type3A_493, %cond3A_494 : i32
        scf.if %cond3A_495 {
          %while3A_500:2 = scf.while (%while3A_501 = %and3A_461, %while3A_502 = %while3A_444) : (vector<16xi1>, i32) -> (vector<16xi1>, i32) {
            %all_reduce_population_count3A_503 = tpu.all_reduce %while3A_501 {dim = 0 : i64, kind = #tpu.reduction_kind<sum>} : vector<16xi1> -> vector<16xi32>
            %slice3A_504 = vector.extract_strided_slice %all_reduce_population_count3A_503 {offsets = [0], sizes = [1], strides = [1]} : vector<16xi32> to vector<1xi32>
            %squeeze3A_505 = vector.extract %slice3A_504[0] : i32 from vector<1xi32>
            %gt3A_506 = arith.constant 0 : i32
            %gt3A_507 = arith.cmpi sgt, %squeeze3A_505, %gt3A_506 : i32
            scf.condition(%gt3A_507) %while3A_501, %while3A_502 : vector<16xi1>, i32
          } do {
          ^bb0(%while3A_501: vector<16xi1>, %while3A_502: i32):
            %all_reduce_ffs3A = tpu.all_reduce %while3A_501 {dim = 0 : i64, kind = #tpu.reduction_kind<find_first_set>} : vector<16xi1> -> vector<16xi32>
            %slice3A_503 = vector.extract_strided_slice %all_reduce_ffs3A {offsets = [0], sizes = [1], strides = [1]} : vector<16xi32> to vector<1xi32>
            %squeeze3A_504 = vector.extract %slice3A_503[0] : i32 from vector<1xi32>
            %broadcast_in_dim3A_505 = vector.broadcast %squeeze3A_504 : i32 to vector<16xi32>
            %lt3A_506 = arith.constant 0 : i32
            %lt3A_507 = vector.broadcast %lt3A_506 : i32 to vector<16xi32>
            %lt3A_508 = arith.cmpi slt, %broadcast_in_dim3A_505, %lt3A_507 : vector<16xi32>
            %add3A_509 = arith.constant 16 : i32
            %add3A_510 = vector.broadcast %add3A_509 : i32 to vector<16xi32>
            %add3A_511 = arith.addi %broadcast_in_dim3A_505, %add3A_510 : vector<16xi32>
            %select_n3A_512 = arith.select %lt3A_508, %add3A_511, %broadcast_in_dim3A_505 : vector<16xi1>, vector<16xi32>
            %broadcast_in_dim3A_513 = vector.shape_cast %select_n3A_512 : vector<16xi32> to vector<16x1xi32>
            %gather3A = vector.shape_cast %broadcast_in_dim3A_513 : vector<16x1xi32> to vector<16xi32>
            %gather3A_514 = tpu.dynamic_gather %get3A_447[%gather3A] in [0] : vector<16xi32>, vector<16xi32> -> vector<16xi32>
            %slice3A_515 = vector.extract_strided_slice %gather3A_514 {offsets = [0], sizes = [1], strides = [1]} : vector<16xi32> to vector<1xi32>
            %squeeze3A_516 = vector.extract %slice3A_515[0] : i32 from vector<1xi32>
            %lt3A_517 = arith.constant 0 : i32
            %lt3A_518 = vector.broadcast %lt3A_517 : i32 to vector<16xi32>
            %lt3A_519 = arith.cmpi slt, %broadcast_in_dim3A_505, %lt3A_518 : vector<16xi32>
            %add3A_520 = arith.constant 16 : i32
            %add3A_521 = vector.broadcast %add3A_520 : i32 to vector<16xi32>
            %add3A_522 = arith.addi %broadcast_in_dim3A_505, %add3A_521 : vector<16xi32>
            %select_n3A_523 = arith.select %lt3A_519, %add3A_522, %broadcast_in_dim3A_505 : vector<16xi1>, vector<16xi32>
            %broadcast_in_dim3A_524 = vector.shape_cast %select_n3A_523 : vector<16xi32> to vector<16x1xi32>
            %gather3A_525 = vector.shape_cast %broadcast_in_dim3A_524 : vector<16x1xi32> to vector<16xi32>
            %gather3A_526 = tpu.dynamic_gather %get3A_451[%gather3A_525] in [0] : vector<16xi32>, vector<16xi32> -> vector<16xi32>
            %slice3A_527 = vector.extract_strided_slice %gather3A_526 {offsets = [0], sizes = [1], strides = [1]} : vector<16xi32> to vector<1xi32>
            %squeeze3A_528 = vector.extract %slice3A_527[0] : i32 from vector<1xi32>
            %lt3A_529 = arith.constant 0 : i32
            %lt3A_530 = vector.broadcast %lt3A_529 : i32 to vector<16xi32>
            %lt3A_531 = arith.cmpi slt, %broadcast_in_dim3A_505, %lt3A_530 : vector<16xi32>
            %add3A_532 = arith.constant 16 : i32
            %add3A_533 = vector.broadcast %add3A_532 : i32 to vector<16xi32>
            %add3A_534 = arith.addi %broadcast_in_dim3A_505, %add3A_533 : vector<16xi32>
            %select_n3A_535 = arith.select %lt3A_531, %add3A_534, %broadcast_in_dim3A_505 : vector<16xi1>, vector<16xi32>
            %broadcast_in_dim3A_536 = vector.shape_cast %select_n3A_535 : vector<16xi32> to vector<16x1xi32>
            %gather3A_537 = vector.shape_cast %broadcast_in_dim3A_536 : vector<16x1xi32> to vector<16xi32>
            %gather3A_538 = tpu.dynamic_gather %select_n3A_491[%gather3A_537] in [0] : vector<16xi32>, vector<16xi32> -> vector<16xi32>
            %slice3A_539 = vector.extract_strided_slice %gather3A_538 {offsets = [0], sizes = [1], strides = [1]} : vector<16xi32> to vector<1xi32>
            %squeeze3A_540 = vector.extract %slice3A_539[0] : i32 from vector<1xi32>
            %sub3A_541 = arith.subi %squeeze3A_516, %min3A_417 : i32
            %broadcast_in_dim3A_542 = vector.broadcast %sub3A_541 : i32 to vector<16xi32>
            %add3A_543 = arith.constant 0 : i32
            %add3A_544 = vector.broadcast %add3A_543 : i32 to vector<16xi32>
            %add3A_545 = arith.addi %iota3A, %add3A_544 : vector<16xi32>
            %gather3A_546 = tpu.vector_load_idx %arg13[%broadcast_in_dim3A, %add3A_545, %broadcast_in_dim3A_542] : memref<2x64x512xf32, #tpu.memory_space<vmem>>[vector<16xi32>, vector<16xi32>, vector<16xi32>], vector<16xf32>,
            %mul3A_547 = arith.constant 64 : i32
            %mul3A_548 = arith.muli %squeeze3A_540, %mul3A_547 : i32
            %add3A_549 = arith.constant 0 : i32
            %add3A_550 = arith.addi %mul3A_548, %add3A_549 : i32
            %swap3A = arith.index_cast %add3A_550 : i32 to index
            %swap3A_551 = tpu.vector_load %arg14[%swap3A] {strides = array<i32>} : memref<4096xf32, #tpu.memory_space<vmem>>, vector<16xf32>,
            tpu.vector_store %arg14[%swap3A], %gather3A_546 {strides = array<i32>} : memref<4096xf32, #tpu.memory_space<vmem>>, vector<16xf32>,
            %add3A_552 = arith.constant 16 : i32
            %add3A_553 = vector.broadcast %add3A_552 : i32 to vector<16xi32>
            %add3A_554 = arith.addi %iota3A, %add3A_553 : vector<16xi32>
            %gather3A_555 = tpu.vector_load_idx %arg13[%broadcast_in_dim3A, %add3A_554, %broadcast_in_dim3A_542] : memref<2x64x512xf32, #tpu.memory_space<vmem>>[vector<16xi32>, vector<16xi32>, vector<16xi32>], vector<16xf32>,
            %mul3A_556 = arith.constant 64 : i32
            %mul3A_557 = arith.muli %squeeze3A_540, %mul3A_556 : i32
            %add3A_558 = arith.constant 16 : i32
            %add3A_559 = arith.addi %mul3A_557, %add3A_558 : i32
            %swap3A_560 = arith.index_cast %add3A_559 : i32 to index
            %swap3A_561 = tpu.vector_load %arg14[%swap3A_560] {strides = array<i32>} : memref<4096xf32, #tpu.memory_space<vmem>>, vector<16xf32>,
            tpu.vector_store %arg14[%swap3A_560], %gather3A_555 {strides = array<i32>} : memref<4096xf32, #tpu.memory_space<vmem>>, vector<16xf32>,
            %add3A_562 = arith.constant 32 : i32
            %add3A_563 = vector.broadcast %add3A_562 : i32 to vector<16xi32>
            %add3A_564 = arith.addi %iota3A, %add3A_563 : vector<16xi32>
            %gather3A_565 = tpu.vector_load_idx %arg13[%broadcast_in_dim3A, %add3A_564, %broadcast_in_dim3A_542] : memref<2x64x512xf32, #tpu.memory_space<vmem>>[vector<16xi32>, vector<16xi32>, vector<16xi32>], vector<16xf32>,
            %mul3A_566 = arith.constant 64 : i32
            %mul3A_567 = arith.muli %squeeze3A_540, %mul3A_566 : i32
            %add3A_568 = arith.constant 32 : i32
            %add3A_569 = arith.addi %mul3A_567, %add3A_568 : i32
            %swap3A_570 = arith.index_cast %add3A_569 : i32 to index
            %swap3A_571 = tpu.vector_load %arg14[%swap3A_570] {strides = array<i32>} : memref<4096xf32, #tpu.memory_space<vmem>>, vector<16xf32>,
            tpu.vector_store %arg14[%swap3A_570], %gather3A_565 {strides = array<i32>} : memref<4096xf32, #tpu.memory_space<vmem>>, vector<16xf32>,
            %add3A_572 = arith.constant 48 : i32
            %add3A_573 = vector.broadcast %add3A_572 : i32 to vector<16xi32>
            %add3A_574 = arith.addi %iota3A, %add3A_573 : vector<16xi32>
            %gather3A_575 = tpu.vector_load_idx %arg13[%broadcast_in_dim3A, %add3A_574, %broadcast_in_dim3A_542] : memref<2x64x512xf32, #tpu.memory_space<vmem>>[vector<16xi32>, vector<16xi32>, vector<16xi32>], vector<16xf32>,
            %mul3A_576 = arith.constant 64 : i32
            %mul3A_577 = arith.muli %squeeze3A_540, %mul3A_576 : i32
            %add3A_578 = arith.constant 48 : i32
            %add3A_579 = arith.addi %mul3A_577, %add3A_578 : i32
            %swap3A_580 = arith.index_cast %add3A_579 : i32 to index
            %swap3A_581 = tpu.vector_load %arg14[%swap3A_580] {strides = array<i32>} : memref<4096xf32, #tpu.memory_space<vmem>>, vector<16xf32>,
            tpu.vector_store %arg14[%swap3A_580], %gather3A_575 {strides = array<i32>} : memref<4096xf32, #tpu.memory_space<vmem>>, vector<16xf32>,
            %ge3A_582 = arith.constant 64 : i32
            %ge3A_583 = arith.cmpi sge, %while3A_502, %ge3A_582 : i32
            %convert_element_type3A_584 = arith.extui %ge3A_583 : i1 to i32
            %cond3A_585 = arith.constant 0 : i32
            %cond3A_586 = arith.cmpi ne, %convert_element_type3A_584, %cond3A_585 : i32
            scf.if %cond3A_586 {
              %dma_wait3A = arith.constant 0 : i32
              %dma_wait3A_602 = arith.constant 0 : i32
              %dma_wait3A_603 = tpu.memref_slice %arg14[%dma_wait3A_602] : memref<4096xf32, #tpu.memory_space<vmem>> -> memref<64xf32, #tpu.memory_space<vmem>>
              %dma_wait3A_604 = arith.constant 0 : i32
              %dma_wait3A_605 = tpu.memref_slice %arg6[%dma_wait3A, %dma_wait3A_604] : memref<16384x128xf32, #tpu.memory_space<hbm>> -> memref<1x64xf32, #tpu.memory_space<hbm>>
              %dma_wait3A_606 = tpu.memref_squeeze %dma_wait3A_605 : memref<1x64xf32, #tpu.memory_space<hbm>> -> memref<64xf32, #tpu.memory_space<hbm>>
              %dma_wait3A_607 = arith.constant 0 : i32
              %dma_wait3A_608 = tpu.memref_slice %arg14[%dma_wait3A_607] : memref<4096xf32, #tpu.memory_space<vmem>> -> memref<64xf32, #tpu.memory_space<vmem>>
              %dma_wait3A_609 = arith.constant 0 : i32
              %dma_wait3A_610 = tpu.memref_slice %arg6[%dma_wait3A, %dma_wait3A_609] : memref<16384x128xf32, #tpu.memory_space<hbm>> -> memref<1x64xf32, #tpu.memory_space<hbm>>
              %dma_wait3A_611 = tpu.memref_squeeze %dma_wait3A_610 : memref<1x64xf32, #tpu.memory_space<hbm>> -> memref<64xf32, #tpu.memory_space<hbm>>
              tpu.wait_dma2 semaphore(%arg17 : memref<!tpu.dma_semaphore, #tpu.memory_space<semaphore_mem>>) src(%dma_wait3A_611 : memref<64xf32, #tpu.memory_space<hbm>>) dst(%dma_wait3A_608 : memref<64xf32, #tpu.memory_space<vmem>>)
            } else {
            }
            %mul3A_587 = arith.constant 64 : i32
            %mul3A_588 = arith.muli %squeeze3A_540, %mul3A_587 : i32
            %dma_start3A_589 = tpu.memref_slice %arg14[%mul3A_588] : memref<4096xf32, #tpu.memory_space<vmem>> -> memref<64xf32, #tpu.memory_space<vmem>>
            %dma_start3A_590 = arith.constant 64 : i32
            %dma_start3A_591 = tpu.memref_slice %arg6[%squeeze3A_528, %dma_start3A_590] : memref<16384x128xf32, #tpu.memory_space<hbm>> -> memref<1x64xf32, #tpu.memory_space<hbm>>
            %dma_start3A_592 = tpu.memref_squeeze %dma_start3A_591 : memref<1x64xf32, #tpu.memory_space<hbm>> -> memref<64xf32, #tpu.memory_space<hbm>>
            %dma_start3A_593 = arith.constant 64 : i32
            %dma_start3A_594 = tpu.memref_slice %arg6[%squeeze3A_528, %dma_start3A_593] : memref<16384x128xf32, #tpu.memory_space<hbm>> -> memref<1x64xf32, #tpu.memory_space<hbm>>
            %dma_start3A_595 = tpu.memref_squeeze %dma_start3A_594 : memref<1x64xf32, #tpu.memory_space<hbm>> -> memref<64xf32, #tpu.memory_space<hbm>>
            %dma_start3A_596 = tpu.memref_slice %arg14[%mul3A_588] : memref<4096xf32, #tpu.memory_space<vmem>> -> memref<64xf32, #tpu.memory_space<vmem>>
            tpu.enqueue_dma source(%dma_start3A_596 : memref<64xf32, #tpu.memory_space<vmem>>) target(%dma_start3A_595 : memref<64xf32, #tpu.memory_space<hbm>>) target_semaphore(%arg17 : memref<!tpu.dma_semaphore, #tpu.memory_space<semaphore_mem>>)
            %ne3A_597 = vector.broadcast %squeeze3A_504 : i32 to vector<16xi32>
            %ne3A_598 = arith.cmpi ne, %iota3A, %ne3A_597 : vector<16xi32>
            %and3A_599 = arith.andi %while3A_501, %ne3A_598 : vector<16xi1>
            %add3A_600 = arith.constant 1 : i32
            %add3A_601 = arith.addi %while3A_502, %add3A_600 : i32
            scf.yield %and3A_599, %add3A_601 : vector<16xi1>, i32
          }
        } else {
        }
        %all_reduce_population_count3A_496 = tpu.all_reduce %and3A_461 {dim = 0 : i64, kind = #tpu.reduction_kind<sum>} : vector<16xi1> -> vector<16xi32>
        %slice3A_497 = vector.extract_strided_slice %all_reduce_population_count3A_496 {offsets = [0], sizes = [1], strides = [1]} : vector<16xi32> to vector<1xi32>
        %squeeze3A_498 = vector.extract %slice3A_497[0] : i32 from vector<1xi32>
        %add3A_499 = arith.addi %while3A_444, %squeeze3A_498 : i32
        scf.yield %add3A_499 : i32
      }
      %while3A_441 = arith.constant 1 : i32
      %while3A_442 = scf.for %while3A_443 = %while3A_438 to %while3A_434 step %while3A_441 iter_args(%while3A_444 = %while3A_440) -> (i32)  : i32 {
        %mul3A_445 = arith.constant 16 : i32
        %mul3A_446 = arith.muli %while3A_443, %mul3A_445 : i32
        %get3A = arith.index_cast %mul3A_446 : i32 to index
        %get3A_447 = tpu.vector_load %arg11[%get3A] {strides = array<i32>} : memref<3072xi32, #tpu.memory_space<vmem>>, vector<16xi32>,
        %mul3A_448 = arith.constant 16 : i32
        %mul3A_449 = arith.muli %while3A_443, %mul3A_448 : i32
        %get3A_450 = arith.index_cast %mul3A_449 : i32 to index
        %get3A_451 = tpu.vector_load %arg12[%get3A_450] {strides = array<i32>} : memref<3072xi32, #tpu.memory_space<vmem>>, vector<16xi32>,
        %mul3A_452 = arith.constant 16 : i32
        %mul3A_453 = arith.muli %while3A_443, %mul3A_452 : i32
        %sub3A_454 = arith.subi %scan3A_199, %mul3A_453 : i32
        %lt3A_455 = vector.broadcast %sub3A_454 : i32 to vector<16xi32>
        %lt3A_456 = arith.cmpi slt, %iota3A, %lt3A_455 : vector<16xi32>
        %ge3A = vector.broadcast %add3A_412 : i32 to vector<16xi32>
        %ge3A_457 = arith.cmpi sge, %get3A_447, %ge3A : vector<16xi32>
        %lt3A_458 = vector.broadcast %min3A_415 : i32 to vector<16xi32>
        %lt3A_459 = arith.cmpi slt, %get3A_447, %lt3A_458 : vector<16xi32>
        %and3A_460 = arith.andi %ge3A_457, %lt3A_459 : vector<16xi1>
        %and3A_461 = arith.andi %and3A_460, %lt3A_456 : vector<16xi1>
        %convert_element_type3A_462 = arith.extui %and3A_461 : vector<16xi1> to vector<16xi32>
        %broadcast_in_dim3A_463 = arith.constant true
        %broadcast_in_dim3A_464 = vector.broadcast %broadcast_in_dim3A_463 : i1 to vector<16xi1>
        %masked_cumsum3A = tpu.scan <sum>, %convert_element_type3A_462 masked %broadcast_in_dim3A_464 : vector<16xi32>, vector<16xi1> -> vector<16xi32>
        %add3A_465 = vector.broadcast %while3A_444 : i32 to vector<16xi32>
        %add3A_466 = arith.addi %add3A_465, %masked_cumsum3A : vector<16xi32>
        %sub3A_467 = arith.constant 1 : i32
        %sub3A_468 = vector.broadcast %sub3A_467 : i32 to vector<16xi32>
        %sub3A_469 = arith.subi %add3A_466, %sub3A_468 : vector<16xi32>
        %jit3A_470 = arith.constant 64 : i32
        %eq3A_471 = arith.constant 0 : i32
        %eq3A_472 = arith.cmpi eq, %jit3A_470, %eq3A_471 : i32
        %jit3A_473 = arith.constant 1 : i32
        %select_n3A_474 = arith.select %eq3A_472, %jit3A_473, %jit3A_470 : i32
        %rem3A_475 = vector.broadcast %select_n3A_474 : i32 to vector<16xi32>
        %rem3A_476 = arith.remsi %sub3A_469, %rem3A_475 : vector<16xi32>
        %ne3A_477 = arith.constant 0 : i32
        %ne3A_478 = vector.broadcast %ne3A_477 : i32 to vector<16xi32>
        %ne3A_479 = arith.cmpi ne, %rem3A_476, %ne3A_478 : vector<16xi32>
        %lt3A_480 = arith.constant 0 : i32
        %lt3A_481 = vector.broadcast %lt3A_480 : i32 to vector<16xi32>
        %lt3A_482 = arith.cmpi slt, %rem3A_476, %lt3A_481 : vector<16xi32>
        %lt3A_483 = arith.constant 0 : i32
        %lt3A_484 = arith.cmpi slt, %select_n3A_474, %lt3A_483 : i32
        %ne3A_485 = vector.broadcast %lt3A_484 : i1 to vector<16xi1>
        %ne3A_486 = vector.broadcast %ne3A_485 : vector<16xi1> to vector<16xi1>
        %ne3A_487 = arith.xori %lt3A_482, %ne3A_486 : vector<16xi1>
        %and3A_488 = arith.andi %ne3A_487, %ne3A_479 : vector<16xi1>
        %add3A_489 = vector.broadcast %select_n3A_474 : i32 to vector<16xi32>
        %add3A_490 = arith.addi %rem3A_476, %add3A_489 : vector<16xi32>
        %select_n3A_491 = arith.select %and3A_488, %add3A_490, %rem3A_476 : vector<16xi1>, vector<16xi32>
        %all_reduce_population_count3A = tpu.all_reduce %and3A_461 {dim = 0 : i64, kind = #tpu.reduction_kind<sum>} : vector<16xi1> -> vector<16xi32>
        %slice3A = vector.extract_strided_slice %all_reduce_population_count3A {offsets = [0], sizes = [1], strides = [1]} : vector<16xi32> to vector<1xi32>
        %squeeze3A = vector.extract %slice3A[0] : i32 from vector<1xi32>
        %gt3A = arith.constant 0 : i32
        %gt3A_492 = arith.cmpi sgt, %squeeze3A, %gt3A : i32
        %convert_element_type3A_493 = arith.extui %gt3A_492 : i1 to i32
        %cond3A_494 = arith.constant 0 : i32
        %cond3A_495 = arith.cmpi ne, %convert_element_type3A_493, %cond3A_494 : i32
        scf.if %cond3A_495 {
          %while3A_500:2 = scf.while (%while3A_501 = %and3A_461, %while3A_502 = %while3A_444) : (vector<16xi1>, i32) -> (vector<16xi1>, i32) {
            %all_reduce_population_count3A_503 = tpu.all_reduce %while3A_501 {dim = 0 : i64, kind = #tpu.reduction_kind<sum>} : vector<16xi1> -> vector<16xi32>
            %slice3A_504 = vector.extract_strided_slice %all_reduce_population_count3A_503 {offsets = [0], sizes = [1], strides = [1]} : vector<16xi32> to vector<1xi32>
            %squeeze3A_505 = vector.extract %slice3A_504[0] : i32 from vector<1xi32>
            %gt3A_506 = arith.constant 0 : i32
            %gt3A_507 = arith.cmpi sgt, %squeeze3A_505, %gt3A_506 : i32
            scf.condition(%gt3A_507) %while3A_501, %while3A_502 : vector<16xi1>, i32
          } do {
          ^bb0(%while3A_501: vector<16xi1>, %while3A_502: i32):
            %all_reduce_ffs3A = tpu.all_reduce %while3A_501 {dim = 0 : i64, kind = #tpu.reduction_kind<find_first_set>} : vector<16xi1> -> vector<16xi32>
            %slice3A_503 = vector.extract_strided_slice %all_reduce_ffs3A {offsets = [0], sizes = [1], strides = [1]} : vector<16xi32> to vector<1xi32>
            %squeeze3A_504 = vector.extract %slice3A_503[0] : i32 from vector<1xi32>
            %broadcast_in_dim3A_505 = vector.broadcast %squeeze3A_504 : i32 to vector<16xi32>
            %lt3A_506 = arith.constant 0 : i32
            %lt3A_507 = vector.broadcast %lt3A_506 : i32 to vector<16xi32>
            %lt3A_508 = arith.cmpi slt, %broadcast_in_dim3A_505, %lt3A_507 : vector<16xi32>
            %add3A_509 = arith.constant 16 : i32
            %add3A_510 = vector.broadcast %add3A_509 : i32 to vector<16xi32>
            %add3A_511 = arith.addi %broadcast_in_dim3A_505, %add3A_510 : vector<16xi32>
            %select_n3A_512 = arith.select %lt3A_508, %add3A_511, %broadcast_in_dim3A_505 : vector<16xi1>, vector<16xi32>
            %broadcast_in_dim3A_513 = vector.shape_cast %select_n3A_512 : vector<16xi32> to vector<16x1xi32>
            %gather3A = vector.shape_cast %broadcast_in_dim3A_513 : vector<16x1xi32> to vector<16xi32>
            %gather3A_514 = tpu.dynamic_gather %get3A_447[%gather3A] in [0] : vector<16xi32>, vector<16xi32> -> vector<16xi32>
            %slice3A_515 = vector.extract_strided_slice %gather3A_514 {offsets = [0], sizes = [1], strides = [1]} : vector<16xi32> to vector<1xi32>
            %squeeze3A_516 = vector.extract %slice3A_515[0] : i32 from vector<1xi32>
            %lt3A_517 = arith.constant 0 : i32
            %lt3A_518 = vector.broadcast %lt3A_517 : i32 to vector<16xi32>
            %lt3A_519 = arith.cmpi slt, %broadcast_in_dim3A_505, %lt3A_518 : vector<16xi32>
            %add3A_520 = arith.constant 16 : i32
            %add3A_521 = vector.broadcast %add3A_520 : i32 to vector<16xi32>
            %add3A_522 = arith.addi %broadcast_in_dim3A_505, %add3A_521 : vector<16xi32>
            %select_n3A_523 = arith.select %lt3A_519, %add3A_522, %broadcast_in_dim3A_505 : vector<16xi1>, vector<16xi32>
            %broadcast_in_dim3A_524 = vector.shape_cast %select_n3A_523 : vector<16xi32> to vector<16x1xi32>
            %gather3A_525 = vector.shape_cast %broadcast_in_dim3A_524 : vector<16x1xi32> to vector<16xi32>
            %gather3A_526 = tpu.dynamic_gather %get3A_451[%gather3A_525] in [0] : vector<16xi32>, vector<16xi32> -> vector<16xi32>
            %slice3A_527 = vector.extract_strided_slice %gather3A_526 {offsets = [0], sizes = [1], strides = [1]} : vector<16xi32> to vector<1xi32>
            %squeeze3A_528 = vector.extract %slice3A_527[0] : i32 from vector<1xi32>
            %lt3A_529 = arith.constant 0 : i32
            %lt3A_530 = vector.broadcast %lt3A_529 : i32 to vector<16xi32>
            %lt3A_531 = arith.cmpi slt, %broadcast_in_dim3A_505, %lt3A_530 : vector<16xi32>
            %add3A_532 = arith.constant 16 : i32
            %add3A_533 = vector.broadcast %add3A_532 : i32 to vector<16xi32>
            %add3A_534 = arith.addi %broadcast_in_dim3A_505, %add3A_533 : vector<16xi32>
            %select_n3A_535 = arith.select %lt3A_531, %add3A_534, %broadcast_in_dim3A_505 : vector<16xi1>, vector<16xi32>
            %broadcast_in_dim3A_536 = vector.shape_cast %select_n3A_535 : vector<16xi32> to vector<16x1xi32>
            %gather3A_537 = vector.shape_cast %broadcast_in_dim3A_536 : vector<16x1xi32> to vector<16xi32>
            %gather3A_538 = tpu.dynamic_gather %select_n3A_491[%gather3A_537] in [0] : vector<16xi32>, vector<16xi32> -> vector<16xi32>
            %slice3A_539 = vector.extract_strided_slice %gather3A_538 {offsets = [0], sizes = [1], strides = [1]} : vector<16xi32> to vector<1xi32>
            %squeeze3A_540 = vector.extract %slice3A_539[0] : i32 from vector<1xi32>
            %sub3A_541 = arith.subi %squeeze3A_516, %min3A_417 : i32
            %broadcast_in_dim3A_542 = vector.broadcast %sub3A_541 : i32 to vector<16xi32>
            %add3A_543 = arith.constant 0 : i32
            %add3A_544 = vector.broadcast %add3A_543 : i32 to vector<16xi32>
            %add3A_545 = arith.addi %iota3A, %add3A_544 : vector<16xi32>
            %gather3A_546 = tpu.vector_load_idx %arg13[%broadcast_in_dim3A, %add3A_545, %broadcast_in_dim3A_542] : memref<2x64x512xf32, #tpu.memory_space<vmem>>[vector<16xi32>, vector<16xi32>, vector<16xi32>], vector<16xf32>,
            %mul3A_547 = arith.constant 64 : i32
            %mul3A_548 = arith.muli %squeeze3A_540, %mul3A_547 : i32
            %add3A_549 = arith.constant 0 : i32
            %add3A_550 = arith.addi %mul3A_548, %add3A_549 : i32
            %swap3A = arith.index_cast %add3A_550 : i32 to index
            %swap3A_551 = tpu.vector_load %arg14[%swap3A] {strides = array<i32>} : memref<4096xf32, #tpu.memory_space<vmem>>, vector<16xf32>,
            tpu.vector_store %arg14[%swap3A], %gather3A_546 {strides = array<i32>} : memref<4096xf32, #tpu.memory_space<vmem>>, vector<16xf32>,
            %add3A_552 = arith.constant 16 : i32
            %add3A_553 = vector.broadcast %add3A_552 : i32 to vector<16xi32>
            %add3A_554 = arith.addi %iota3A, %add3A_553 : vector<16xi32>
            %gather3A_555 = tpu.vector_load_idx %arg13[%broadcast_in_dim3A, %add3A_554, %broadcast_in_dim3A_542] : memref<2x64x512xf32, #tpu.memory_space<vmem>>[vector<16xi32>, vector<16xi32>, vector<16xi32>], vector<16xf32>,
            %mul3A_556 = arith.constant 64 : i32
            %mul3A_557 = arith.muli %squeeze3A_540, %mul3A_556 : i32
            %add3A_558 = arith.constant 16 : i32
            %add3A_559 = arith.addi %mul3A_557, %add3A_558 : i32
            %swap3A_560 = arith.index_cast %add3A_559 : i32 to index
            %swap3A_561 = tpu.vector_load %arg14[%swap3A_560] {strides = array<i32>} : memref<4096xf32, #tpu.memory_space<vmem>>, vector<16xf32>,
            tpu.vector_store %arg14[%swap3A_560], %gather3A_555 {strides = array<i32>} : memref<4096xf32, #tpu.memory_space<vmem>>, vector<16xf32>,
            %add3A_562 = arith.constant 32 : i32
            %add3A_563 = vector.broadcast %add3A_562 : i32 to vector<16xi32>
            %add3A_564 = arith.addi %iota3A, %add3A_563 : vector<16xi32>
            %gather3A_565 = tpu.vector_load_idx %arg13[%broadcast_in_dim3A, %add3A_564, %broadcast_in_dim3A_542] : memref<2x64x512xf32, #tpu.memory_space<vmem>>[vector<16xi32>, vector<16xi32>, vector<16xi32>], vector<16xf32>,
            %mul3A_566 = arith.constant 64 : i32
            %mul3A_567 = arith.muli %squeeze3A_540, %mul3A_566 : i32
            %add3A_568 = arith.constant 32 : i32
            %add3A_569 = arith.addi %mul3A_567, %add3A_568 : i32
            %swap3A_570 = arith.index_cast %add3A_569 : i32 to index
            %swap3A_571 = tpu.vector_load %arg14[%swap3A_570] {strides = array<i32>} : memref<4096xf32, #tpu.memory_space<vmem>>, vector<16xf32>,
            tpu.vector_store %arg14[%swap3A_570], %gather3A_565 {strides = array<i32>} : memref<4096xf32, #tpu.memory_space<vmem>>, vector<16xf32>,
            %add3A_572 = arith.constant 48 : i32
            %add3A_573 = vector.broadcast %add3A_572 : i32 to vector<16xi32>
            %add3A_574 = arith.addi %iota3A, %add3A_573 : vector<16xi32>
            %gather3A_575 = tpu.vector_load_idx %arg13[%broadcast_in_dim3A, %add3A_574, %broadcast_in_dim3A_542] : memref<2x64x512xf32, #tpu.memory_space<vmem>>[vector<16xi32>, vector<16xi32>, vector<16xi32>], vector<16xf32>,
            %mul3A_576 = arith.constant 64 : i32
            %mul3A_577 = arith.muli %squeeze3A_540, %mul3A_576 : i32
            %add3A_578 = arith.constant 48 : i32
            %add3A_579 = arith.addi %mul3A_577, %add3A_578 : i32
            %swap3A_580 = arith.index_cast %add3A_579 : i32 to index
            %swap3A_581 = tpu.vector_load %arg14[%swap3A_580] {strides = array<i32>} : memref<4096xf32, #tpu.memory_space<vmem>>, vector<16xf32>,
            tpu.vector_store %arg14[%swap3A_580], %gather3A_575 {strides = array<i32>} : memref<4096xf32, #tpu.memory_space<vmem>>, vector<16xf32>,
            %ge3A_582 = arith.constant 64 : i32
            %ge3A_583 = arith.cmpi sge, %while3A_502, %ge3A_582 : i32
            %convert_element_type3A_584 = arith.extui %ge3A_583 : i1 to i32
            %cond3A_585 = arith.constant 0 : i32
            %cond3A_586 = arith.cmpi ne, %convert_element_type3A_584, %cond3A_585 : i32
            scf.if %cond3A_586 {
              %dma_wait3A = arith.constant 0 : i32
              %dma_wait3A_602 = arith.constant 0 : i32
              %dma_wait3A_603 = tpu.memref_slice %arg14[%dma_wait3A_602] : memref<4096xf32, #tpu.memory_space<vmem>> -> memref<64xf32, #tpu.memory_space<vmem>>
              %dma_wait3A_604 = arith.constant 0 : i32
              %dma_wait3A_605 = tpu.memref_slice %arg6[%dma_wait3A, %dma_wait3A_604] : memref<16384x128xf32, #tpu.memory_space<hbm>> -> memref<1x64xf32, #tpu.memory_space<hbm>>
              %dma_wait3A_606 = tpu.memref_squeeze %dma_wait3A_605 : memref<1x64xf32, #tpu.memory_space<hbm>> -> memref<64xf32, #tpu.memory_space<hbm>>
              %dma_wait3A_607 = arith.constant 0 : i32
              %dma_wait3A_608 = tpu.memref_slice %arg14[%dma_wait3A_607] : memref<4096xf32, #tpu.memory_space<vmem>> -> memref<64xf32, #tpu.memory_space<vmem>>
              %dma_wait3A_609 = arith.constant 0 : i32
              %dma_wait3A_610 = tpu.memref_slice %arg6[%dma_wait3A, %dma_wait3A_609] : memref<16384x128xf32, #tpu.memory_space<hbm>> -> memref<1x64xf32, #tpu.memory_space<hbm>>
              %dma_wait3A_611 = tpu.memref_squeeze %dma_wait3A_610 : memref<1x64xf32, #tpu.memory_space<hbm>> -> memref<64xf32, #tpu.memory_space<hbm>>
              tpu.wait_dma2 semaphore(%arg17 : memref<!tpu.dma_semaphore, #tpu.memory_space<semaphore_mem>>) src(%dma_wait3A_611 : memref<64xf32, #tpu.memory_space<hbm>>) dst(%dma_wait3A_608 : memref<64xf32, #tpu.memory_space<vmem>>)
            } else {
            }
            %mul3A_587 = arith.constant 64 : i32
            %mul3A_588 = arith.muli %squeeze3A_540, %mul3A_587 : i32
            %dma_start3A_589 = tpu.memref_slice %arg14[%mul3A_588] : memref<4096xf32, #tpu.memory_space<vmem>> -> memref<64xf32, #tpu.memory_space<vmem>>
            %dma_start3A_590 = arith.constant 64 : i32
            %dma_start3A_591 = tpu.memref_slice %arg6[%squeeze3A_528, %dma_start3A_590] : memref<16384x128xf32, #tpu.memory_space<hbm>> -> memref<1x64xf32, #tpu.memory_space<hbm>>
            %dma_start3A_592 = tpu.memref_squeeze %dma_start3A_591 : memref<1x64xf32, #tpu.memory_space<hbm>> -> memref<64xf32, #tpu.memory_space<hbm>>
            %dma_start3A_593 = arith.constant 64 : i32
            %dma_start3A_594 = tpu.memref_slice %arg6[%squeeze3A_528, %dma_start3A_593] : memref<16384x128xf32, #tpu.memory_space<hbm>> -> memref<1x64xf32, #tpu.memory_space<hbm>>
            %dma_start3A_595 = tpu.memref_squeeze %dma_start3A_594 : memref<1x64xf32, #tpu.memory_space<hbm>> -> memref<64xf32, #tpu.memory_space<hbm>>
            %dma_start3A_596 = tpu.memref_slice %arg14[%mul3A_588] : memref<4096xf32, #tpu.memory_space<vmem>> -> memref<64xf32, #tpu.memory_space<vmem>>
            tpu.enqueue_dma source(%dma_start3A_596 : memref<64xf32, #tpu.memory_space<vmem>>) target(%dma_start3A_595 : memref<64xf32, #tpu.memory_space<hbm>>) target_semaphore(%arg17 : memref<!tpu.dma_semaphore, #tpu.memory_space<semaphore_mem>>)
            %ne3A_597 = vector.broadcast %squeeze3A_504 : i32 to vector<16xi32>
            %ne3A_598 = arith.cmpi ne, %iota3A, %ne3A_597 : vector<16xi32>
            %and3A_599 = arith.andi %while3A_501, %ne3A_598 : vector<16xi1>
            %add3A_600 = arith.constant 1 : i32
            %add3A_601 = arith.addi %while3A_502, %add3A_600 : i32
            scf.yield %and3A_599, %add3A_601 : vector<16xi1>, i32
          }
        } else {
        }
        %all_reduce_population_count3A_496 = tpu.all_reduce %and3A_461 {dim = 0 : i64, kind = #tpu.reduction_kind<sum>} : vector<16xi1> -> vector<16xi32>
        %slice3A_497 = vector.extract_strided_slice %all_reduce_population_count3A_496 {offsets = [0], sizes = [1], strides = [1]} : vector<16xi32> to vector<1xi32>
        %squeeze3A_498 = vector.extract %slice3A_497[0] : i32 from vector<1xi32>
        %add3A_499 = arith.addi %while3A_444, %squeeze3A_498 : i32
        scf.yield %add3A_499 : i32
      }
      scf.yield %while3A_442 : i32
    }
    %while3A_386 = arith.constant 1 : i32
    %while3A_387 = scf.for %while3A_394 = %while3A_383 to %while3A_379 step %while3A_386 iter_args(%while3A_395 = %while3A_385) -> (i32)  : i32 {
      %jit3A_396 = arith.constant 2 : i32
      %eq3A = arith.constant 0 : i32
      %eq3A_397 = arith.cmpi eq, %jit3A_396, %eq3A : i32
      %jit3A_398 = arith.constant 1 : i32
      %select_n3A_399 = arith.select %eq3A_397, %jit3A_398, %jit3A_396 : i32
      %rem3A_400 = arith.remsi %while3A_394, %select_n3A_399 : i32
      %ne3A_401 = arith.constant 0 : i32
      %ne3A_402 = arith.cmpi ne, %rem3A_400, %ne3A_401 : i32
      %lt3A = arith.constant 0 : i32
      %lt3A_403 = arith.cmpi slt, %rem3A_400, %lt3A : i32
      %lt3A_404 = arith.constant 0 : i32
      %lt3A_405 = arith.cmpi slt, %select_n3A_399, %lt3A_404 : i32
      %ne3A_406 = arith.xori %lt3A_403, %lt3A_405 : i1
      %and3A_407 = arith.andi %ne3A_406, %ne3A_402 : i1
      %add3A_408 = arith.addi %rem3A_400, %select_n3A_399 : i32
      %select_n3A_409 = arith.select %and3A_407, %add3A_408, %rem3A_400 : i32
      %mul3A_410 = arith.constant 512 : i32
      %mul3A_411 = arith.muli %while3A_394, %mul3A_410 : i32
      %add3A_412 = arith.addi %mul3A_48, %mul3A_411 : i32
      %add3A_413 = arith.constant 512 : i32
      %add3A_414 = arith.addi %add3A_412, %add3A_413 : i32
      %min3A_415 = arith.minsi %add3A_414, %min3A_51 : i32
      %min3A_416 = arith.constant 999552 : i32
      %min3A_417 = arith.minsi %add3A_412, %min3A_416 : i32
      %add3A_418 = arith.constant 1 : i32
      %add3A_419 = arith.addi %while3A_394, %add3A_418 : i32
      %lt3A_420 = arith.cmpi slt, %add3A_419, %select_n3A_80 : i32
      %convert_element_type3A = arith.extui %lt3A_420 : i1 to i32
      %cond3A = arith.constant 0 : i32
      %cond3A_421 = arith.cmpi ne, %convert_element_type3A, %cond3A : i32
      scf.if %cond3A_421 {
        %add3A_443 = arith.constant 1 : i32
        %add3A_444 = arith.addi %while3A_394, %add3A_443 : i32
        %sub3A_445 = arith.constant 1 : i32
        %sub3A_446 = arith.subi %sub3A_445, %select_n3A_409 : i32
        %mul3A_447 = arith.constant 512 : i32
        %mul3A_448 = arith.muli %add3A_444, %mul3A_447 : i32
        %add3A_449 = arith.addi %mul3A_48, %mul3A_448 : i32
        %min3A_450 = arith.constant 999552 : i32
        %min3A_451 = arith.minsi %add3A_449, %min3A_450 : i32
        %multiple_of3A_452 = tpu.assume_multiple %min3A_451, 128 : i32
        %eq3A_453 = arith.constant 0 : i32
        %eq3A_454 = arith.cmpi eq, %sub3A_446, %eq3A_453 : i32
        %convert_element_type3A_455 = arith.extui %eq3A_454 : i1 to i32
        %cond3A_456 = arith.constant 0 : i32
        %cond3A_457 = arith.cmpi ne, %convert_element_type3A_455, %cond3A_456 : i32
        scf.if %cond3A_457 {
          %dma_start3A_533 = arith.constant 0 : i32
          %dma_start3A_534 = arith.constant 0 : i32
          %dma_start3A_535 = arith.constant 0 : i32
          %dma_start3A_536 = tpu.memref_slice %arg13[%dma_start3A_533, %dma_start3A_534, %dma_start3A_535] : memref<2x64x512xf32, #tpu.memory_space<vmem>> -> memref<1x8x512xf32, #tpu.memory_space<vmem>>
          %dma_start3A_537 = tpu.memref_squeeze %dma_start3A_536 : memref<1x8x512xf32, #tpu.memory_space<vmem>> -> memref<8x512xf32, #tpu.memory_space<vmem>>
          %dma_start3A_538 = arith.constant 0 : i32
          %dma_start3A_539 = tpu.memref_slice %arg5[%dma_start3A_538, %multiple_of3A_452] : memref<64x1000000xf32, #tpu.memory_space<hbm>> -> memref<8x512xf32, #tpu.memory_space<hbm>>
          %dma_start3A_540 = arith.constant 0 : i32
          %dma_start3A_541 = arith.constant 0 : i32
          %dma_start3A_542 = tpu.memref_slice %arg13[%dma_start3A_533, %dma_start3A_540, %dma_start3A_541] : memref<2x64x512xf32, #tpu.memory_space<vmem>> -> memref<1x8x512xf32, #tpu.memory_space<vmem>>
          %dma_start3A_543 = tpu.memref_squeeze %dma_start3A_542 : memref<1x8x512xf32, #tpu.memory_space<vmem>> -> memref<8x512xf32, #tpu.memory_space<vmem>>
          %dma_start3A_544 = arith.constant 0 : i32
          %dma_start3A_545 = tpu.memref_slice %arg5[%dma_start3A_544, %multiple_of3A_452] : memref<64x1000000xf32, #tpu.memory_space<hbm>> -> memref<8x512xf32, #tpu.memory_space<hbm>>
          tpu.enqueue_dma source(%dma_start3A_545 : memref<8x512xf32, #tpu.memory_space<hbm>>) target(%dma_start3A_543 : memref<8x512xf32, #tpu.memory_space<vmem>>) target_semaphore(%arg15 : memref<!tpu.dma_semaphore, #tpu.memory_space<semaphore_mem>>)
        } else {
        }
        %eq3A_458 = arith.constant 1 : i32
        %eq3A_459 = arith.cmpi eq, %sub3A_446, %eq3A_458 : i32
        %convert_element_type3A_460 = arith.extui %eq3A_459 : i1 to i32
        %cond3A_461 = arith.constant 0 : i32
        %cond3A_462 = arith.cmpi ne, %convert_element_type3A_460, %cond3A_461 : i32
        scf.if %cond3A_462 {
          %dma_start3A_533 = arith.constant 1 : i32
          %dma_start3A_534 = arith.constant 0 : i32
          %dma_start3A_535 = arith.constant 0 : i32
          %dma_start3A_536 = tpu.memref_slice %arg13[%dma_start3A_533, %dma_start3A_534, %dma_start3A_535] : memref<2x64x512xf32, #tpu.memory_space<vmem>> -> memref<1x8x512xf32, #tpu.memory_space<vmem>>
          %dma_start3A_537 = tpu.memref_squeeze %dma_start3A_536 : memref<1x8x512xf32, #tpu.memory_space<vmem>> -> memref<8x512xf32, #tpu.memory_space<vmem>>
          %dma_start3A_538 = arith.constant 0 : i32
          %dma_start3A_539 = tpu.memref_slice %arg5[%dma_start3A_538, %multiple_of3A_452] : memref<64x1000000xf32, #tpu.memory_space<hbm>> -> memref<8x512xf32, #tpu.memory_space<hbm>>
          %dma_start3A_540 = arith.constant 0 : i32
          %dma_start3A_541 = arith.constant 0 : i32
          %dma_start3A_542 = tpu.memref_slice %arg13[%dma_start3A_533, %dma_start3A_540, %dma_start3A_541] : memref<2x64x512xf32, #tpu.memory_space<vmem>> -> memref<1x8x512xf32, #tpu.memory_space<vmem>>
          %dma_start3A_543 = tpu.memref_squeeze %dma_start3A_542 : memref<1x8x512xf32, #tpu.memory_space<vmem>> -> memref<8x512xf32, #tpu.memory_space<vmem>>
          %dma_start3A_544 = arith.constant 0 : i32
          %dma_start3A_545 = tpu.memref_slice %arg5[%dma_start3A_544, %multiple_of3A_452] : memref<64x1000000xf32, #tpu.memory_space<hbm>> -> memref<8x512xf32, #tpu.memory_space<hbm>>
          tpu.enqueue_dma source(%dma_start3A_545 : memref<8x512xf32, #tpu.memory_space<hbm>>) target(%dma_start3A_543 : memref<8x512xf32, #tpu.memory_space<vmem>>) target_semaphore(%arg16 : memref<!tpu.dma_semaphore, #tpu.memory_space<semaphore_mem>>)
        } else {
        }
        %eq3A_463 = arith.constant 0 : i32
        %eq3A_464 = arith.cmpi eq, %sub3A_446, %eq3A_463 : i32
        %convert_element_type3A_465 = arith.extui %eq3A_464 : i1 to i32
        %cond3A_466 = arith.constant 0 : i32
        %cond3A_467 = arith.cmpi ne, %convert_element_type3A_465, %cond3A_466 : i32
        scf.if %cond3A_467 {
          %dma_start3A_533 = arith.constant 0 : i32
          %dma_start3A_534 = arith.constant 8 : i32
          %dma_start3A_535 = arith.constant 0 : i32
          %dma_start3A_536 = tpu.memref_slice %arg13[%dma_start3A_533, %dma_start3A_534, %dma_start3A_535] : memref<2x64x512xf32, #tpu.memory_space<vmem>> -> memref<1x8x512xf32, #tpu.memory_space<vmem>>
          %dma_start3A_537 = tpu.memref_squeeze %dma_start3A_536 : memref<1x8x512xf32, #tpu.memory_space<vmem>> -> memref<8x512xf32, #tpu.memory_space<vmem>>
          %dma_start3A_538 = arith.constant 8 : i32
          %dma_start3A_539 = tpu.memref_slice %arg5[%dma_start3A_538, %multiple_of3A_452] : memref<64x1000000xf32, #tpu.memory_space<hbm>> -> memref<8x512xf32, #tpu.memory_space<hbm>>
          %dma_start3A_540 = arith.constant 8 : i32
          %dma_start3A_541 = arith.constant 0 : i32
          %dma_start3A_542 = tpu.memref_slice %arg13[%dma_start3A_533, %dma_start3A_540, %dma_start3A_541] : memref<2x64x512xf32, #tpu.memory_space<vmem>> -> memref<1x8x512xf32, #tpu.memory_space<vmem>>
          %dma_start3A_543 = tpu.memref_squeeze %dma_start3A_542 : memref<1x8x512xf32, #tpu.memory_space<vmem>> -> memref<8x512xf32, #tpu.memory_space<vmem>>
          %dma_start3A_544 = arith.constant 8 : i32
          %dma_start3A_545 = tpu.memref_slice %arg5[%dma_start3A_544, %multiple_of3A_452] : memref<64x1000000xf32, #tpu.memory_space<hbm>> -> memref<8x512xf32, #tpu.memory_space<hbm>>
          tpu.enqueue_dma source(%dma_start3A_545 : memref<8x512xf32, #tpu.memory_space<hbm>>) target(%dma_start3A_543 : memref<8x512xf32, #tpu.memory_space<vmem>>) target_semaphore(%arg15 : memref<!tpu.dma_semaphore, #tpu.memory_space<semaphore_mem>>)
        } else {
        }
        %eq3A_468 = arith.constant 1 : i32
        %eq3A_469 = arith.cmpi eq, %sub3A_446, %eq3A_468 : i32
        %convert_element_type3A_470 = arith.extui %eq3A_469 : i1 to i32
        %cond3A_471 = arith.constant 0 : i32
        %cond3A_472 = arith.cmpi ne, %convert_element_type3A_470, %cond3A_471 : i32
        scf.if %cond3A_472 {
          %dma_start3A_533 = arith.constant 1 : i32
          %dma_start3A_534 = arith.constant 8 : i32
          %dma_start3A_535 = arith.constant 0 : i32
          %dma_start3A_536 = tpu.memref_slice %arg13[%dma_start3A_533, %dma_start3A_534, %dma_start3A_535] : memref<2x64x512xf32, #tpu.memory_space<vmem>> -> memref<1x8x512xf32, #tpu.memory_space<vmem>>
          %dma_start3A_537 = tpu.memref_squeeze %dma_start3A_536 : memref<1x8x512xf32, #tpu.memory_space<vmem>> -> memref<8x512xf32, #tpu.memory_space<vmem>>
          %dma_start3A_538 = arith.constant 8 : i32
          %dma_start3A_539 = tpu.memref_slice %arg5[%dma_start3A_538, %multiple_of3A_452] : memref<64x1000000xf32, #tpu.memory_space<hbm>> -> memref<8x512xf32, #tpu.memory_space<hbm>>
          %dma_start3A_540 = arith.constant 8 : i32
          %dma_start3A_541 = arith.constant 0 : i32
          %dma_start3A_542 = tpu.memref_slice %arg13[%dma_start3A_533, %dma_start3A_540, %dma_start3A_541] : memref<2x64x512xf32, #tpu.memory_space<vmem>> -> memref<1x8x512xf32, #tpu.memory_space<vmem>>
          %dma_start3A_543 = tpu.memref_squeeze %dma_start3A_542 : memref<1x8x512xf32, #tpu.memory_space<vmem>> -> memref<8x512xf32, #tpu.memory_space<vmem>>
          %dma_start3A_544 = arith.constant 8 : i32
          %dma_start3A_545 = tpu.memref_slice %arg5[%dma_start3A_544, %multiple_of3A_452] : memref<64x1000000xf32, #tpu.memory_space<hbm>> -> memref<8x512xf32, #tpu.memory_space<hbm>>
          tpu.enqueue_dma source(%dma_start3A_545 : memref<8x512xf32, #tpu.memory_space<hbm>>) target(%dma_start3A_543 : memref<8x512xf32, #tpu.memory_space<vmem>>) target_semaphore(%arg16 : memref<!tpu.dma_semaphore, #tpu.memory_space<semaphore_mem>>)
        } else {
        }
        %eq3A_473 = arith.constant 0 : i32
        %eq3A_474 = arith.cmpi eq, %sub3A_446, %eq3A_473 : i32
        %convert_element_type3A_475 = arith.extui %eq3A_474 : i1 to i32
        %cond3A_476 = arith.constant 0 : i32
        %cond3A_477 = arith.cmpi ne, %convert_element_type3A_475, %cond3A_476 : i32
        scf.if %cond3A_477 {
          %dma_start3A_533 = arith.constant 0 : i32
          %dma_start3A_534 = arith.constant 16 : i32
          %dma_start3A_535 = arith.constant 0 : i32
          %dma_start3A_536 = tpu.memref_slice %arg13[%dma_start3A_533, %dma_start3A_534, %dma_start3A_535] : memref<2x64x512xf32, #tpu.memory_space<vmem>> -> memref<1x8x512xf32, #tpu.memory_space<vmem>>
          %dma_start3A_537 = tpu.memref_squeeze %dma_start3A_536 : memref<1x8x512xf32, #tpu.memory_space<vmem>> -> memref<8x512xf32, #tpu.memory_space<vmem>>
          %dma_start3A_538 = arith.constant 16 : i32
          %dma_start3A_539 = tpu.memref_slice %arg5[%dma_start3A_538, %multiple_of3A_452] : memref<64x1000000xf32, #tpu.memory_space<hbm>> -> memref<8x512xf32, #tpu.memory_space<hbm>>
          %dma_start3A_540 = arith.constant 16 : i32
          %dma_start3A_541 = arith.constant 0 : i32
          %dma_start3A_542 = tpu.memref_slice %arg13[%dma_start3A_533, %dma_start3A_540, %dma_start3A_541] : memref<2x64x512xf32, #tpu.memory_space<vmem>> -> memref<1x8x512xf32, #tpu.memory_space<vmem>>
          %dma_start3A_543 = tpu.memref_squeeze %dma_start3A_542 : memref<1x8x512xf32, #tpu.memory_space<vmem>> -> memref<8x512xf32, #tpu.memory_space<vmem>>
          %dma_start3A_544 = arith.constant 16 : i32
          %dma_start3A_545 = tpu.memref_slice %arg5[%dma_start3A_544, %multiple_of3A_452] : memref<64x1000000xf32, #tpu.memory_space<hbm>> -> memref<8x512xf32, #tpu.memory_space<hbm>>
          tpu.enqueue_dma source(%dma_start3A_545 : memref<8x512xf32, #tpu.memory_space<hbm>>) target(%dma_start3A_543 : memref<8x512xf32, #tpu.memory_space<vmem>>) target_semaphore(%arg15 : memref<!tpu.dma_semaphore, #tpu.memory_space<semaphore_mem>>)
        } else {
        }
        %eq3A_478 = arith.constant 1 : i32
        %eq3A_479 = arith.cmpi eq, %sub3A_446, %eq3A_478 : i32
        %convert_element_type3A_480 = arith.extui %eq3A_479 : i1 to i32
        %cond3A_481 = arith.constant 0 : i32
        %cond3A_482 = arith.cmpi ne, %convert_element_type3A_480, %cond3A_481 : i32
        scf.if %cond3A_482 {
          %dma_start3A_533 = arith.constant 1 : i32
          %dma_start3A_534 = arith.constant 16 : i32
          %dma_start3A_535 = arith.constant 0 : i32
          %dma_start3A_536 = tpu.memref_slice %arg13[%dma_start3A_533, %dma_start3A_534, %dma_start3A_535] : memref<2x64x512xf32, #tpu.memory_space<vmem>> -> memref<1x8x512xf32, #tpu.memory_space<vmem>>
          %dma_start3A_537 = tpu.memref_squeeze %dma_start3A_536 : memref<1x8x512xf32, #tpu.memory_space<vmem>> -> memref<8x512xf32, #tpu.memory_space<vmem>>
          %dma_start3A_538 = arith.constant 16 : i32
          %dma_start3A_539 = tpu.memref_slice %arg5[%dma_start3A_538, %multiple_of3A_452] : memref<64x1000000xf32, #tpu.memory_space<hbm>> -> memref<8x512xf32, #tpu.memory_space<hbm>>
          %dma_start3A_540 = arith.constant 16 : i32
          %dma_start3A_541 = arith.constant 0 : i32
          %dma_start3A_542 = tpu.memref_slice %arg13[%dma_start3A_533, %dma_start3A_540, %dma_start3A_541] : memref<2x64x512xf32, #tpu.memory_space<vmem>> -> memref<1x8x512xf32, #tpu.memory_space<vmem>>
          %dma_start3A_543 = tpu.memref_squeeze %dma_start3A_542 : memref<1x8x512xf32, #tpu.memory_space<vmem>> -> memref<8x512xf32, #tpu.memory_space<vmem>>
          %dma_start3A_544 = arith.constant 16 : i32
          %dma_start3A_545 = tpu.memref_slice %arg5[%dma_start3A_544, %multiple_of3A_452] : memref<64x1000000xf32, #tpu.memory_space<hbm>> -> memref<8x512xf32, #tpu.memory_space<hbm>>
          tpu.enqueue_dma source(%dma_start3A_545 : memref<8x512xf32, #tpu.memory_space<hbm>>) target(%dma_start3A_543 : memref<8x512xf32, #tpu.memory_space<vmem>>) target_semaphore(%arg16 : memref<!tpu.dma_semaphore, #tpu.memory_space<semaphore_mem>>)
        } else {
        }
        %eq3A_483 = arith.constant 0 : i32
        %eq3A_484 = arith.cmpi eq, %sub3A_446, %eq3A_483 : i32
        %convert_element_type3A_485 = arith.extui %eq3A_484 : i1 to i32
        %cond3A_486 = arith.constant 0 : i32
        %cond3A_487 = arith.cmpi ne, %convert_element_type3A_485, %cond3A_486 : i32
        scf.if %cond3A_487 {
          %dma_start3A_533 = arith.constant 0 : i32
          %dma_start3A_534 = arith.constant 24 : i32
          %dma_start3A_535 = arith.constant 0 : i32
          %dma_start3A_536 = tpu.memref_slice %arg13[%dma_start3A_533, %dma_start3A_534, %dma_start3A_535] : memref<2x64x512xf32, #tpu.memory_space<vmem>> -> memref<1x8x512xf32, #tpu.memory_space<vmem>>
          %dma_start3A_537 = tpu.memref_squeeze %dma_start3A_536 : memref<1x8x512xf32, #tpu.memory_space<vmem>> -> memref<8x512xf32, #tpu.memory_space<vmem>>
          %dma_start3A_538 = arith.constant 24 : i32
          %dma_start3A_539 = tpu.memref_slice %arg5[%dma_start3A_538, %multiple_of3A_452] : memref<64x1000000xf32, #tpu.memory_space<hbm>> -> memref<8x512xf32, #tpu.memory_space<hbm>>
          %dma_start3A_540 = arith.constant 24 : i32
          %dma_start3A_541 = arith.constant 0 : i32
          %dma_start3A_542 = tpu.memref_slice %arg13[%dma_start3A_533, %dma_start3A_540, %dma_start3A_541] : memref<2x64x512xf32, #tpu.memory_space<vmem>> -> memref<1x8x512xf32, #tpu.memory_space<vmem>>
          %dma_start3A_543 = tpu.memref_squeeze %dma_start3A_542 : memref<1x8x512xf32, #tpu.memory_space<vmem>> -> memref<8x512xf32, #tpu.memory_space<vmem>>
          %dma_start3A_544 = arith.constant 24 : i32
          %dma_start3A_545 = tpu.memref_slice %arg5[%dma_start3A_544, %multiple_of3A_452] : memref<64x1000000xf32, #tpu.memory_space<hbm>> -> memref<8x512xf32, #tpu.memory_space<hbm>>
          tpu.enqueue_dma source(%dma_start3A_545 : memref<8x512xf32, #tpu.memory_space<hbm>>) target(%dma_start3A_543 : memref<8x512xf32, #tpu.memory_space<vmem>>) target_semaphore(%arg15 : memref<!tpu.dma_semaphore, #tpu.memory_space<semaphore_mem>>)
        } else {
        }
        %eq3A_488 = arith.constant 1 : i32
        %eq3A_489 = arith.cmpi eq, %sub3A_446, %eq3A_488 : i32
        %convert_element_type3A_490 = arith.extui %eq3A_489 : i1 to i32
        %cond3A_491 = arith.constant 0 : i32
        %cond3A_492 = arith.cmpi ne, %convert_element_type3A_490, %cond3A_491 : i32
        scf.if %cond3A_492 {
          %dma_start3A_533 = arith.constant 1 : i32
          %dma_start3A_534 = arith.constant 24 : i32
          %dma_start3A_535 = arith.constant 0 : i32
          %dma_start3A_536 = tpu.memref_slice %arg13[%dma_start3A_533, %dma_start3A_534, %dma_start3A_535] : memref<2x64x512xf32, #tpu.memory_space<vmem>> -> memref<1x8x512xf32, #tpu.memory_space<vmem>>
          %dma_start3A_537 = tpu.memref_squeeze %dma_start3A_536 : memref<1x8x512xf32, #tpu.memory_space<vmem>> -> memref<8x512xf32, #tpu.memory_space<vmem>>
          %dma_start3A_538 = arith.constant 24 : i32
          %dma_start3A_539 = tpu.memref_slice %arg5[%dma_start3A_538, %multiple_of3A_452] : memref<64x1000000xf32, #tpu.memory_space<hbm>> -> memref<8x512xf32, #tpu.memory_space<hbm>>
          %dma_start3A_540 = arith.constant 24 : i32
          %dma_start3A_541 = arith.constant 0 : i32
          %dma_start3A_542 = tpu.memref_slice %arg13[%dma_start3A_533, %dma_start3A_540, %dma_start3A_541] : memref<2x64x512xf32, #tpu.memory_space<vmem>> -> memref<1x8x512xf32, #tpu.memory_space<vmem>>
          %dma_start3A_543 = tpu.memref_squeeze %dma_start3A_542 : memref<1x8x512xf32, #tpu.memory_space<vmem>> -> memref<8x512xf32, #tpu.memory_space<vmem>>
          %dma_start3A_544 = arith.constant 24 : i32
          %dma_start3A_545 = tpu.memref_slice %arg5[%dma_start3A_544, %multiple_of3A_452] : memref<64x1000000xf32, #tpu.memory_space<hbm>> -> memref<8x512xf32, #tpu.memory_space<hbm>>
          tpu.enqueue_dma source(%dma_start3A_545 : memref<8x512xf32, #tpu.memory_space<hbm>>) target(%dma_start3A_543 : memref<8x512xf32, #tpu.memory_space<vmem>>) target_semaphore(%arg16 : memref<!tpu.dma_semaphore, #tpu.memory_space<semaphore_mem>>)
        } else {
        }
        %eq3A_493 = arith.constant 0 : i32
        %eq3A_494 = arith.cmpi eq, %sub3A_446, %eq3A_493 : i32
        %convert_element_type3A_495 = arith.extui %eq3A_494 : i1 to i32
        %cond3A_496 = arith.constant 0 : i32
        %cond3A_497 = arith.cmpi ne, %convert_element_type3A_495, %cond3A_496 : i32
        scf.if %cond3A_497 {
          %dma_start3A_533 = arith.constant 0 : i32
          %dma_start3A_534 = arith.constant 32 : i32
          %dma_start3A_535 = arith.constant 0 : i32
          %dma_start3A_536 = tpu.memref_slice %arg13[%dma_start3A_533, %dma_start3A_534, %dma_start3A_535] : memref<2x64x512xf32, #tpu.memory_space<vmem>> -> memref<1x8x512xf32, #tpu.memory_space<vmem>>
          %dma_start3A_537 = tpu.memref_squeeze %dma_start3A_536 : memref<1x8x512xf32, #tpu.memory_space<vmem>> -> memref<8x512xf32, #tpu.memory_space<vmem>>
          %dma_start3A_538 = arith.constant 32 : i32
          %dma_start3A_539 = tpu.memref_slice %arg5[%dma_start3A_538, %multiple_of3A_452] : memref<64x1000000xf32, #tpu.memory_space<hbm>> -> memref<8x512xf32, #tpu.memory_space<hbm>>
          %dma_start3A_540 = arith.constant 32 : i32
          %dma_start3A_541 = arith.constant 0 : i32
          %dma_start3A_542 = tpu.memref_slice %arg13[%dma_start3A_533, %dma_start3A_540, %dma_start3A_541] : memref<2x64x512xf32, #tpu.memory_space<vmem>> -> memref<1x8x512xf32, #tpu.memory_space<vmem>>
          %dma_start3A_543 = tpu.memref_squeeze %dma_start3A_542 : memref<1x8x512xf32, #tpu.memory_space<vmem>> -> memref<8x512xf32, #tpu.memory_space<vmem>>
          %dma_start3A_544 = arith.constant 32 : i32
          %dma_start3A_545 = tpu.memref_slice %arg5[%dma_start3A_544, %multiple_of3A_452] : memref<64x1000000xf32, #tpu.memory_space<hbm>> -> memref<8x512xf32, #tpu.memory_space<hbm>>
          tpu.enqueue_dma source(%dma_start3A_545 : memref<8x512xf32, #tpu.memory_space<hbm>>) target(%dma_start3A_543 : memref<8x512xf32, #tpu.memory_space<vmem>>) target_semaphore(%arg15 : memref<!tpu.dma_semaphore, #tpu.memory_space<semaphore_mem>>)
        } else {
        }
        %eq3A_498 = arith.constant 1 : i32
        %eq3A_499 = arith.cmpi eq, %sub3A_446, %eq3A_498 : i32
        %convert_element_type3A_500 = arith.extui %eq3A_499 : i1 to i32
        %cond3A_501 = arith.constant 0 : i32
        %cond3A_502 = arith.cmpi ne, %convert_element_type3A_500, %cond3A_501 : i32
        scf.if %cond3A_502 {
          %dma_start3A_533 = arith.constant 1 : i32
          %dma_start3A_534 = arith.constant 32 : i32
          %dma_start3A_535 = arith.constant 0 : i32
          %dma_start3A_536 = tpu.memref_slice %arg13[%dma_start3A_533, %dma_start3A_534, %dma_start3A_535] : memref<2x64x512xf32, #tpu.memory_space<vmem>> -> memref<1x8x512xf32, #tpu.memory_space<vmem>>
          %dma_start3A_537 = tpu.memref_squeeze %dma_start3A_536 : memref<1x8x512xf32, #tpu.memory_space<vmem>> -> memref<8x512xf32, #tpu.memory_space<vmem>>
          %dma_start3A_538 = arith.constant 32 : i32
          %dma_start3A_539 = tpu.memref_slice %arg5[%dma_start3A_538, %multiple_of3A_452] : memref<64x1000000xf32, #tpu.memory_space<hbm>> -> memref<8x512xf32, #tpu.memory_space<hbm>>
          %dma_start3A_540 = arith.constant 32 : i32
          %dma_start3A_541 = arith.constant 0 : i32
          %dma_start3A_542 = tpu.memref_slice %arg13[%dma_start3A_533, %dma_start3A_540, %dma_start3A_541] : memref<2x64x512xf32, #tpu.memory_space<vmem>> -> memref<1x8x512xf32, #tpu.memory_space<vmem>>
          %dma_start3A_543 = tpu.memref_squeeze %dma_start3A_542 : memref<1x8x512xf32, #tpu.memory_space<vmem>> -> memref<8x512xf32, #tpu.memory_space<vmem>>
          %dma_start3A_544 = arith.constant 32 : i32
          %dma_start3A_545 = tpu.memref_slice %arg5[%dma_start3A_544, %multiple_of3A_452] : memref<64x1000000xf32, #tpu.memory_space<hbm>> -> memref<8x512xf32, #tpu.memory_space<hbm>>
          tpu.enqueue_dma source(%dma_start3A_545 : memref<8x512xf32, #tpu.memory_space<hbm>>) target(%dma_start3A_543 : memref<8x512xf32, #tpu.memory_space<vmem>>) target_semaphore(%arg16 : memref<!tpu.dma_semaphore, #tpu.memory_space<semaphore_mem>>)
        } else {
        }
        %eq3A_503 = arith.constant 0 : i32
        %eq3A_504 = arith.cmpi eq, %sub3A_446, %eq3A_503 : i32
        %convert_element_type3A_505 = arith.extui %eq3A_504 : i1 to i32
        %cond3A_506 = arith.constant 0 : i32
        %cond3A_507 = arith.cmpi ne, %convert_element_type3A_505, %cond3A_506 : i32
        scf.if %cond3A_507 {
          %dma_start3A_533 = arith.constant 0 : i32
          %dma_start3A_534 = arith.constant 40 : i32
          %dma_start3A_535 = arith.constant 0 : i32
          %dma_start3A_536 = tpu.memref_slice %arg13[%dma_start3A_533, %dma_start3A_534, %dma_start3A_535] : memref<2x64x512xf32, #tpu.memory_space<vmem>> -> memref<1x8x512xf32, #tpu.memory_space<vmem>>
          %dma_start3A_537 = tpu.memref_squeeze %dma_start3A_536 : memref<1x8x512xf32, #tpu.memory_space<vmem>> -> memref<8x512xf32, #tpu.memory_space<vmem>>
          %dma_start3A_538 = arith.constant 40 : i32
          %dma_start3A_539 = tpu.memref_slice %arg5[%dma_start3A_538, %multiple_of3A_452] : memref<64x1000000xf32, #tpu.memory_space<hbm>> -> memref<8x512xf32, #tpu.memory_space<hbm>>
          %dma_start3A_540 = arith.constant 40 : i32
          %dma_start3A_541 = arith.constant 0 : i32
          %dma_start3A_542 = tpu.memref_slice %arg13[%dma_start3A_533, %dma_start3A_540, %dma_start3A_541] : memref<2x64x512xf32, #tpu.memory_space<vmem>> -> memref<1x8x512xf32, #tpu.memory_space<vmem>>
          %dma_start3A_543 = tpu.memref_squeeze %dma_start3A_542 : memref<1x8x512xf32, #tpu.memory_space<vmem>> -> memref<8x512xf32, #tpu.memory_space<vmem>>
          %dma_start3A_544 = arith.constant 40 : i32
          %dma_start3A_545 = tpu.memref_slice %arg5[%dma_start3A_544, %multiple_of3A_452] : memref<64x1000000xf32, #tpu.memory_space<hbm>> -> memref<8x512xf32, #tpu.memory_space<hbm>>
          tpu.enqueue_dma source(%dma_start3A_545 : memref<8x512xf32, #tpu.memory_space<hbm>>) target(%dma_start3A_543 : memref<8x512xf32, #tpu.memory_space<vmem>>) target_semaphore(%arg15 : memref<!tpu.dma_semaphore, #tpu.memory_space<semaphore_mem>>)
        } else {
        }
        %eq3A_508 = arith.constant 1 : i32
        %eq3A_509 = arith.cmpi eq, %sub3A_446, %eq3A_508 : i32
        %convert_element_type3A_510 = arith.extui %eq3A_509 : i1 to i32
        %cond3A_511 = arith.constant 0 : i32
        %cond3A_512 = arith.cmpi ne, %convert_element_type3A_510, %cond3A_511 : i32
        scf.if %cond3A_512 {
          %dma_start3A_533 = arith.constant 1 : i32
          %dma_start3A_534 = arith.constant 40 : i32
          %dma_start3A_535 = arith.constant 0 : i32
          %dma_start3A_536 = tpu.memref_slice %arg13[%dma_start3A_533, %dma_start3A_534, %dma_start3A_535] : memref<2x64x512xf32, #tpu.memory_space<vmem>> -> memref<1x8x512xf32, #tpu.memory_space<vmem>>
          %dma_start3A_537 = tpu.memref_squeeze %dma_start3A_536 : memref<1x8x512xf32, #tpu.memory_space<vmem>> -> memref<8x512xf32, #tpu.memory_space<vmem>>
          %dma_start3A_538 = arith.constant 40 : i32
          %dma_start3A_539 = tpu.memref_slice %arg5[%dma_start3A_538, %multiple_of3A_452] : memref<64x1000000xf32, #tpu.memory_space<hbm>> -> memref<8x512xf32, #tpu.memory_space<hbm>>
          %dma_start3A_540 = arith.constant 40 : i32
          %dma_start3A_541 = arith.constant 0 : i32
          %dma_start3A_542 = tpu.memref_slice %arg13[%dma_start3A_533, %dma_start3A_540, %dma_start3A_541] : memref<2x64x512xf32, #tpu.memory_space<vmem>> -> memref<1x8x512xf32, #tpu.memory_space<vmem>>
          %dma_start3A_543 = tpu.memref_squeeze %dma_start3A_542 : memref<1x8x512xf32, #tpu.memory_space<vmem>> -> memref<8x512xf32, #tpu.memory_space<vmem>>
          %dma_start3A_544 = arith.constant 40 : i32
          %dma_start3A_545 = tpu.memref_slice %arg5[%dma_start3A_544, %multiple_of3A_452] : memref<64x1000000xf32, #tpu.memory_space<hbm>> -> memref<8x512xf32, #tpu.memory_space<hbm>>
          tpu.enqueue_dma source(%dma_start3A_545 : memref<8x512xf32, #tpu.memory_space<hbm>>) target(%dma_start3A_543 : memref<8x512xf32, #tpu.memory_space<vmem>>) target_semaphore(%arg16 : memref<!tpu.dma_semaphore, #tpu.memory_space<semaphore_mem>>)
        } else {
        }
        %eq3A_513 = arith.constant 0 : i32
        %eq3A_514 = arith.cmpi eq, %sub3A_446, %eq3A_513 : i32
        %convert_element_type3A_515 = arith.extui %eq3A_514 : i1 to i32
        %cond3A_516 = arith.constant 0 : i32
        %cond3A_517 = arith.cmpi ne, %convert_element_type3A_515, %cond3A_516 : i32
        scf.if %cond3A_517 {
          %dma_start3A_533 = arith.constant 0 : i32
          %dma_start3A_534 = arith.constant 48 : i32
          %dma_start3A_535 = arith.constant 0 : i32
          %dma_start3A_536 = tpu.memref_slice %arg13[%dma_start3A_533, %dma_start3A_534, %dma_start3A_535] : memref<2x64x512xf32, #tpu.memory_space<vmem>> -> memref<1x8x512xf32, #tpu.memory_space<vmem>>
          %dma_start3A_537 = tpu.memref_squeeze %dma_start3A_536 : memref<1x8x512xf32, #tpu.memory_space<vmem>> -> memref<8x512xf32, #tpu.memory_space<vmem>>
          %dma_start3A_538 = arith.constant 48 : i32
          %dma_start3A_539 = tpu.memref_slice %arg5[%dma_start3A_538, %multiple_of3A_452] : memref<64x1000000xf32, #tpu.memory_space<hbm>> -> memref<8x512xf32, #tpu.memory_space<hbm>>
          %dma_start3A_540 = arith.constant 48 : i32
          %dma_start3A_541 = arith.constant 0 : i32
          %dma_start3A_542 = tpu.memref_slice %arg13[%dma_start3A_533, %dma_start3A_540, %dma_start3A_541] : memref<2x64x512xf32, #tpu.memory_space<vmem>> -> memref<1x8x512xf32, #tpu.memory_space<vmem>>
          %dma_start3A_543 = tpu.memref_squeeze %dma_start3A_542 : memref<1x8x512xf32, #tpu.memory_space<vmem>> -> memref<8x512xf32, #tpu.memory_space<vmem>>
          %dma_start3A_544 = arith.constant 48 : i32
          %dma_start3A_545 = tpu.memref_slice %arg5[%dma_start3A_544, %multiple_of3A_452] : memref<64x1000000xf32, #tpu.memory_space<hbm>> -> memref<8x512xf32, #tpu.memory_space<hbm>>
          tpu.enqueue_dma source(%dma_start3A_545 : memref<8x512xf32, #tpu.memory_space<hbm>>) target(%dma_start3A_543 : memref<8x512xf32, #tpu.memory_space<vmem>>) target_semaphore(%arg15 : memref<!tpu.dma_semaphore, #tpu.memory_space<semaphore_mem>>)
        } else {
        }
        %eq3A_518 = arith.constant 1 : i32
        %eq3A_519 = arith.cmpi eq, %sub3A_446, %eq3A_518 : i32
        %convert_element_type3A_520 = arith.extui %eq3A_519 : i1 to i32
        %cond3A_521 = arith.constant 0 : i32
        %cond3A_522 = arith.cmpi ne, %convert_element_type3A_520, %cond3A_521 : i32
        scf.if %cond3A_522 {
          %dma_start3A_533 = arith.constant 1 : i32
          %dma_start3A_534 = arith.constant 48 : i32
          %dma_start3A_535 = arith.constant 0 : i32
          %dma_start3A_536 = tpu.memref_slice %arg13[%dma_start3A_533, %dma_start3A_534, %dma_start3A_535] : memref<2x64x512xf32, #tpu.memory_space<vmem>> -> memref<1x8x512xf32, #tpu.memory_space<vmem>>
          %dma_start3A_537 = tpu.memref_squeeze %dma_start3A_536 : memref<1x8x512xf32, #tpu.memory_space<vmem>> -> memref<8x512xf32, #tpu.memory_space<vmem>>
          %dma_start3A_538 = arith.constant 48 : i32
          %dma_start3A_539 = tpu.memref_slice %arg5[%dma_start3A_538, %multiple_of3A_452] : memref<64x1000000xf32, #tpu.memory_space<hbm>> -> memref<8x512xf32, #tpu.memory_space<hbm>>
          %dma_start3A_540 = arith.constant 48 : i32
          %dma_start3A_541 = arith.constant 0 : i32
          %dma_start3A_542 = tpu.memref_slice %arg13[%dma_start3A_533, %dma_start3A_540, %dma_start3A_541] : memref<2x64x512xf32, #tpu.memory_space<vmem>> -> memref<1x8x512xf32, #tpu.memory_space<vmem>>
          %dma_start3A_543 = tpu.memref_squeeze %dma_start3A_542 : memref<1x8x512xf32, #tpu.memory_space<vmem>> -> memref<8x512xf32, #tpu.memory_space<vmem>>
          %dma_start3A_544 = arith.constant 48 : i32
          %dma_start3A_545 = tpu.memref_slice %arg5[%dma_start3A_544, %multiple_of3A_452] : memref<64x1000000xf32, #tpu.memory_space<hbm>> -> memref<8x512xf32, #tpu.memory_space<hbm>>
          tpu.enqueue_dma source(%dma_start3A_545 : memref<8x512xf32, #tpu.memory_space<hbm>>) target(%dma_start3A_543 : memref<8x512xf32, #tpu.memory_space<vmem>>) target_semaphore(%arg16 : memref<!tpu.dma_semaphore, #tpu.memory_space<semaphore_mem>>)
        } else {
        }
        %eq3A_523 = arith.constant 0 : i32
        %eq3A_524 = arith.cmpi eq, %sub3A_446, %eq3A_523 : i32
        %convert_element_type3A_525 = arith.extui %eq3A_524 : i1 to i32
        %cond3A_526 = arith.constant 0 : i32
        %cond3A_527 = arith.cmpi ne, %convert_element_type3A_525, %cond3A_526 : i32
        scf.if %cond3A_527 {
          %dma_start3A_533 = arith.constant 0 : i32
          %dma_start3A_534 = arith.constant 56 : i32
          %dma_start3A_535 = arith.constant 0 : i32
          %dma_start3A_536 = tpu.memref_slice %arg13[%dma_start3A_533, %dma_start3A_534, %dma_start3A_535] : memref<2x64x512xf32, #tpu.memory_space<vmem>> -> memref<1x8x512xf32, #tpu.memory_space<vmem>>
          %dma_start3A_537 = tpu.memref_squeeze %dma_start3A_536 : memref<1x8x512xf32, #tpu.memory_space<vmem>> -> memref<8x512xf32, #tpu.memory_space<vmem>>
          %dma_start3A_538 = arith.constant 56 : i32
          %dma_start3A_539 = tpu.memref_slice %arg5[%dma_start3A_538, %multiple_of3A_452] : memref<64x1000000xf32, #tpu.memory_space<hbm>> -> memref<8x512xf32, #tpu.memory_space<hbm>>
          %dma_start3A_540 = arith.constant 56 : i32
          %dma_start3A_541 = arith.constant 0 : i32
          %dma_start3A_542 = tpu.memref_slice %arg13[%dma_start3A_533, %dma_start3A_540, %dma_start3A_541] : memref<2x64x512xf32, #tpu.memory_space<vmem>> -> memref<1x8x512xf32, #tpu.memory_space<vmem>>
          %dma_start3A_543 = tpu.memref_squeeze %dma_start3A_542 : memref<1x8x512xf32, #tpu.memory_space<vmem>> -> memref<8x512xf32, #tpu.memory_space<vmem>>
          %dma_start3A_544 = arith.constant 56 : i32
          %dma_start3A_545 = tpu.memref_slice %arg5[%dma_start3A_544, %multiple_of3A_452] : memref<64x1000000xf32, #tpu.memory_space<hbm>> -> memref<8x512xf32, #tpu.memory_space<hbm>>
          tpu.enqueue_dma source(%dma_start3A_545 : memref<8x512xf32, #tpu.memory_space<hbm>>) target(%dma_start3A_543 : memref<8x512xf32, #tpu.memory_space<vmem>>) target_semaphore(%arg15 : memref<!tpu.dma_semaphore, #tpu.memory_space<semaphore_mem>>)
        } else {
        }
        %eq3A_528 = arith.constant 1 : i32
        %eq3A_529 = arith.cmpi eq, %sub3A_446, %eq3A_528 : i32
        %convert_element_type3A_530 = arith.extui %eq3A_529 : i1 to i32
        %cond3A_531 = arith.constant 0 : i32
        %cond3A_532 = arith.cmpi ne, %convert_element_type3A_530, %cond3A_531 : i32
        scf.if %cond3A_532 {
          %dma_start3A_533 = arith.constant 1 : i32
          %dma_start3A_534 = arith.constant 56 : i32
          %dma_start3A_535 = arith.constant 0 : i32
          %dma_start3A_536 = tpu.memref_slice %arg13[%dma_start3A_533, %dma_start3A_534, %dma_start3A_535] : memref<2x64x512xf32, #tpu.memory_space<vmem>> -> memref<1x8x512xf32, #tpu.memory_space<vmem>>
          %dma_start3A_537 = tpu.memref_squeeze %dma_start3A_536 : memref<1x8x512xf32, #tpu.memory_space<vmem>> -> memref<8x512xf32, #tpu.memory_space<vmem>>
          %dma_start3A_538 = arith.constant 56 : i32
          %dma_start3A_539 = tpu.memref_slice %arg5[%dma_start3A_538, %multiple_of3A_452] : memref<64x1000000xf32, #tpu.memory_space<hbm>> -> memref<8x512xf32, #tpu.memory_space<hbm>>
          %dma_start3A_540 = arith.constant 56 : i32
          %dma_start3A_541 = arith.constant 0 : i32
          %dma_start3A_542 = tpu.memref_slice %arg13[%dma_start3A_533, %dma_start3A_540, %dma_start3A_541] : memref<2x64x512xf32, #tpu.memory_space<vmem>> -> memref<1x8x512xf32, #tpu.memory_space<vmem>>
          %dma_start3A_543 = tpu.memref_squeeze %dma_start3A_542 : memref<1x8x512xf32, #tpu.memory_space<vmem>> -> memref<8x512xf32, #tpu.memory_space<vmem>>
          %dma_start3A_544 = arith.constant 56 : i32
          %dma_start3A_545 = tpu.memref_slice %arg5[%dma_start3A_544, %multiple_of3A_452] : memref<64x1000000xf32, #tpu.memory_space<hbm>> -> memref<8x512xf32, #tpu.memory_space<hbm>>
          tpu.enqueue_dma source(%dma_start3A_545 : memref<8x512xf32, #tpu.memory_space<hbm>>) target(%dma_start3A_543 : memref<8x512xf32, #tpu.memory_space<vmem>>) target_semaphore(%arg16 : memref<!tpu.dma_semaphore, #tpu.memory_space<semaphore_mem>>)
        } else {
        }
      } else {
      }
      %eq3A_422 = arith.constant 0 : i32
      %eq3A_423 = arith.cmpi eq, %select_n3A_409, %eq3A_422 : i32
      %convert_element_type3A_424 = arith.extui %eq3A_423 : i1 to i32
      %cond3A_425 = arith.constant 0 : i32
      %cond3A_426 = arith.cmpi ne, %convert_element_type3A_424, %cond3A_425 : i32
      scf.if %cond3A_426 {
        %dma_wait3A = arith.constant 0 : i32
        %dma_wait3A_443 = arith.constant 0 : i32
        %dma_wait3A_444 = arith.constant 0 : i32
        %dma_wait3A_445 = tpu.memref_slice %arg13[%dma_wait3A, %dma_wait3A_443, %dma_wait3A_444] : memref<2x64x512xf32, #tpu.memory_space<vmem>> -> memref<1x64x512xf32, #tpu.memory_space<vmem>>
        %dma_wait3A_446 = tpu.memref_squeeze %dma_wait3A_445 : memref<1x64x512xf32, #tpu.memory_space<vmem>> -> memref<64x512xf32, #tpu.memory_space<vmem>>
        %dma_wait3A_447 = arith.constant 0 : i32
        %dma_wait3A_448 = arith.constant 0 : i32
        %dma_wait3A_449 = tpu.memref_slice %arg5[%dma_wait3A_447, %dma_wait3A_448] : memref<64x1000000xf32, #tpu.memory_space<hbm>> -> memref<64x512xf32, #tpu.memory_space<hbm>>
        %dma_wait3A_450 = arith.constant 0 : i32
        %dma_wait3A_451 = arith.constant 0 : i32
        %dma_wait3A_452 = tpu.memref_slice %arg13[%dma_wait3A, %dma_wait3A_450, %dma_wait3A_451] : memref<2x64x512xf32, #tpu.memory_space<vmem>> -> memref<1x64x512xf32, #tpu.memory_space<vmem>>
        %dma_wait3A_453 = tpu.memref_squeeze %dma_wait3A_452 : memref<1x64x512xf32, #tpu.memory_space<vmem>> -> memref<64x512xf32, #tpu.memory_space<vmem>>
        %dma_wait3A_454 = arith.constant 0 : i32
        %dma_wait3A_455 = arith.constant 0 : i32
        %dma_wait3A_456 = tpu.memref_slice %arg5[%dma_wait3A_454, %dma_wait3A_455] : memref<64x1000000xf32, #tpu.memory_space<hbm>> -> memref<64x512xf32, #tpu.memory_space<hbm>>
        tpu.wait_dma2 semaphore(%arg15 : memref<!tpu.dma_semaphore, #tpu.memory_space<semaphore_mem>>) src(%dma_wait3A_456 : memref<64x512xf32, #tpu.memory_space<hbm>>) dst(%dma_wait3A_453 : memref<64x512xf32, #tpu.memory_space<vmem>>)
      } else {
      }
      %eq3A_427 = arith.constant 1 : i32
      %eq3A_428 = arith.cmpi eq, %select_n3A_409, %eq3A_427 : i32
      %convert_element_type3A_429 = arith.extui %eq3A_428 : i1 to i32
      %cond3A_430 = arith.constant 0 : i32
      %cond3A_431 = arith.cmpi ne, %convert_element_type3A_429, %cond3A_430 : i32
      scf.if %cond3A_431 {
        %dma_wait3A = arith.constant 1 : i32
        %dma_wait3A_443 = arith.constant 0 : i32
        %dma_wait3A_444 = arith.constant 0 : i32
        %dma_wait3A_445 = tpu.memref_slice %arg13[%dma_wait3A, %dma_wait3A_443, %dma_wait3A_444] : memref<2x64x512xf32, #tpu.memory_space<vmem>> -> memref<1x64x512xf32, #tpu.memory_space<vmem>>
        %dma_wait3A_446 = tpu.memref_squeeze %dma_wait3A_445 : memref<1x64x512xf32, #tpu.memory_space<vmem>> -> memref<64x512xf32, #tpu.memory_space<vmem>>
        %dma_wait3A_447 = arith.constant 0 : i32
        %dma_wait3A_448 = arith.constant 0 : i32
        %dma_wait3A_449 = tpu.memref_slice %arg5[%dma_wait3A_447, %dma_wait3A_448] : memref<64x1000000xf32, #tpu.memory_space<hbm>> -> memref<64x512xf32, #tpu.memory_space<hbm>>
        %dma_wait3A_450 = arith.constant 0 : i32
        %dma_wait3A_451 = arith.constant 0 : i32
        %dma_wait3A_452 = tpu.memref_slice %arg13[%dma_wait3A, %dma_wait3A_450, %dma_wait3A_451] : memref<2x64x512xf32, #tpu.memory_space<vmem>> -> memref<1x64x512xf32, #tpu.memory_space<vmem>>
        %dma_wait3A_453 = tpu.memref_squeeze %dma_wait3A_452 : memref<1x64x512xf32, #tpu.memory_space<vmem>> -> memref<64x512xf32, #tpu.memory_space<vmem>>
        %dma_wait3A_454 = arith.constant 0 : i32
        %dma_wait3A_455 = arith.constant 0 : i32
        %dma_wait3A_456 = tpu.memref_slice %arg5[%dma_wait3A_454, %dma_wait3A_455] : memref<64x1000000xf32, #tpu.memory_space<hbm>> -> memref<64x512xf32, #tpu.memory_space<hbm>>
        tpu.wait_dma2 semaphore(%arg16 : memref<!tpu.dma_semaphore, #tpu.memory_space<semaphore_mem>>) src(%dma_wait3A_456 : memref<64x512xf32, #tpu.memory_space<hbm>>) dst(%dma_wait3A_453 : memref<64x512xf32, #tpu.memory_space<vmem>>)
      } else {
      }
      %broadcast_in_dim3A = vector.broadcast %select_n3A_409 : i32 to vector<16xi32>
      %while3A_432 = arith.constant 0 : i32
      %while3A_433 = arith.subi %select_n3A_376, %while3A_432 : i32
      %while3A_434 = arith.addi %while3A_432, %while3A_433 : i32
      %while3A_435 = arith.constant 1 : i32
      %while3A_436 = arith.divsi %while3A_433, %while3A_435 : i32
      %while3A_437 = arith.muli %while3A_436, %while3A_435 : i32
      %while3A_438 = arith.addi %while3A_432, %while3A_437 : i32
      %while3A_439 = arith.constant 1 : i32
      %while3A_440 = scf.for %while3A_443 = %while3A_432 to %while3A_438 step %while3A_439 iter_args(%while3A_444 = %while3A_395) -> (i32)  : i32 {
        %mul3A_445 = arith.constant 16 : i32
        %mul3A_446 = arith.muli %while3A_443, %mul3A_445 : i32
        %get3A = arith.index_cast %mul3A_446 : i32 to index
        %get3A_447 = tpu.vector_load %arg11[%get3A] {strides = array<i32>} : memref<3072xi32, #tpu.memory_space<vmem>>, vector<16xi32>,
        %mul3A_448 = arith.constant 16 : i32
        %mul3A_449 = arith.muli %while3A_443, %mul3A_448 : i32
        %get3A_450 = arith.index_cast %mul3A_449 : i32 to index
        %get3A_451 = tpu.vector_load %arg12[%get3A_450] {strides = array<i32>} : memref<3072xi32, #tpu.memory_space<vmem>>, vector<16xi32>,
        %mul3A_452 = arith.constant 16 : i32
        %mul3A_453 = arith.muli %while3A_443, %mul3A_452 : i32
        %sub3A_454 = arith.subi %scan3A_199, %mul3A_453 : i32
        %lt3A_455 = vector.broadcast %sub3A_454 : i32 to vector<16xi32>
        %lt3A_456 = arith.cmpi slt, %iota3A, %lt3A_455 : vector<16xi32>
        %ge3A = vector.broadcast %add3A_412 : i32 to vector<16xi32>
        %ge3A_457 = arith.cmpi sge, %get3A_447, %ge3A : vector<16xi32>
        %lt3A_458 = vector.broadcast %min3A_415 : i32 to vector<16xi32>
        %lt3A_459 = arith.cmpi slt, %get3A_447, %lt3A_458 : vector<16xi32>
        %and3A_460 = arith.andi %ge3A_457, %lt3A_459 : vector<16xi1>
        %and3A_461 = arith.andi %and3A_460, %lt3A_456 : vector<16xi1>
        %convert_element_type3A_462 = arith.extui %and3A_461 : vector<16xi1> to vector<16xi32>
        %broadcast_in_dim3A_463 = arith.constant true
        %broadcast_in_dim3A_464 = vector.broadcast %broadcast_in_dim3A_463 : i1 to vector<16xi1>
        %masked_cumsum3A = tpu.scan <sum>, %convert_element_type3A_462 masked %broadcast_in_dim3A_464 : vector<16xi32>, vector<16xi1> -> vector<16xi32>
        %add3A_465 = vector.broadcast %while3A_444 : i32 to vector<16xi32>
        %add3A_466 = arith.addi %add3A_465, %masked_cumsum3A : vector<16xi32>
        %sub3A_467 = arith.constant 1 : i32
        %sub3A_468 = vector.broadcast %sub3A_467 : i32 to vector<16xi32>
        %sub3A_469 = arith.subi %add3A_466, %sub3A_468 : vector<16xi32>
        %jit3A_470 = arith.constant 64 : i32
        %eq3A_471 = arith.constant 0 : i32
        %eq3A_472 = arith.cmpi eq, %jit3A_470, %eq3A_471 : i32
        %jit3A_473 = arith.constant 1 : i32
        %select_n3A_474 = arith.select %eq3A_472, %jit3A_473, %jit3A_470 : i32
        %rem3A_475 = vector.broadcast %select_n3A_474 : i32 to vector<16xi32>
        %rem3A_476 = arith.remsi %sub3A_469, %rem3A_475 : vector<16xi32>
        %ne3A_477 = arith.constant 0 : i32
        %ne3A_478 = vector.broadcast %ne3A_477 : i32 to vector<16xi32>
        %ne3A_479 = arith.cmpi ne, %rem3A_476, %ne3A_478 : vector<16xi32>
        %lt3A_480 = arith.constant 0 : i32
        %lt3A_481 = vector.broadcast %lt3A_480 : i32 to vector<16xi32>
        %lt3A_482 = arith.cmpi slt, %rem3A_476, %lt3A_481 : vector<16xi32>
        %lt3A_483 = arith.constant 0 : i32
        %lt3A_484 = arith.cmpi slt, %select_n3A_474, %lt3A_483 : i32
        %ne3A_485 = vector.broadcast %lt3A_484 : i1 to vector<16xi1>
        %ne3A_486 = vector.broadcast %ne3A_485 : vector<16xi1> to vector<16xi1>
        %ne3A_487 = arith.xori %lt3A_482, %ne3A_486 : vector<16xi1>
        %and3A_488 = arith.andi %ne3A_487, %ne3A_479 : vector<16xi1>
        %add3A_489 = vector.broadcast %select_n3A_474 : i32 to vector<16xi32>
        %add3A_490 = arith.addi %rem3A_476, %add3A_489 : vector<16xi32>
        %select_n3A_491 = arith.select %and3A_488, %add3A_490, %rem3A_476 : vector<16xi1>, vector<16xi32>
        %all_reduce_population_count3A = tpu.all_reduce %and3A_461 {dim = 0 : i64, kind = #tpu.reduction_kind<sum>} : vector<16xi1> -> vector<16xi32>
        %slice3A = vector.extract_strided_slice %all_reduce_population_count3A {offsets = [0], sizes = [1], strides = [1]} : vector<16xi32> to vector<1xi32>
        %squeeze3A = vector.extract %slice3A[0] : i32 from vector<1xi32>
        %gt3A = arith.constant 0 : i32
        %gt3A_492 = arith.cmpi sgt, %squeeze3A, %gt3A : i32
        %convert_element_type3A_493 = arith.extui %gt3A_492 : i1 to i32
        %cond3A_494 = arith.constant 0 : i32
        %cond3A_495 = arith.cmpi ne, %convert_element_type3A_493, %cond3A_494 : i32
        scf.if %cond3A_495 {
          %while3A_500:2 = scf.while (%while3A_501 = %and3A_461, %while3A_502 = %while3A_444) : (vector<16xi1>, i32) -> (vector<16xi1>, i32) {
            %all_reduce_population_count3A_503 = tpu.all_reduce %while3A_501 {dim = 0 : i64, kind = #tpu.reduction_kind<sum>} : vector<16xi1> -> vector<16xi32>
            %slice3A_504 = vector.extract_strided_slice %all_reduce_population_count3A_503 {offsets = [0], sizes = [1], strides = [1]} : vector<16xi32> to vector<1xi32>
            %squeeze3A_505 = vector.extract %slice3A_504[0] : i32 from vector<1xi32>
            %gt3A_506 = arith.constant 0 : i32
            %gt3A_507 = arith.cmpi sgt, %squeeze3A_505, %gt3A_506 : i32
            scf.condition(%gt3A_507) %while3A_501, %while3A_502 : vector<16xi1>, i32
          } do {
          ^bb0(%while3A_501: vector<16xi1>, %while3A_502: i32):
            %all_reduce_ffs3A = tpu.all_reduce %while3A_501 {dim = 0 : i64, kind = #tpu.reduction_kind<find_first_set>} : vector<16xi1> -> vector<16xi32>
            %slice3A_503 = vector.extract_strided_slice %all_reduce_ffs3A {offsets = [0], sizes = [1], strides = [1]} : vector<16xi32> to vector<1xi32>
            %squeeze3A_504 = vector.extract %slice3A_503[0] : i32 from vector<1xi32>
            %broadcast_in_dim3A_505 = vector.broadcast %squeeze3A_504 : i32 to vector<16xi32>
            %lt3A_506 = arith.constant 0 : i32
            %lt3A_507 = vector.broadcast %lt3A_506 : i32 to vector<16xi32>
            %lt3A_508 = arith.cmpi slt, %broadcast_in_dim3A_505, %lt3A_507 : vector<16xi32>
            %add3A_509 = arith.constant 16 : i32
            %add3A_510 = vector.broadcast %add3A_509 : i32 to vector<16xi32>
            %add3A_511 = arith.addi %broadcast_in_dim3A_505, %add3A_510 : vector<16xi32>
            %select_n3A_512 = arith.select %lt3A_508, %add3A_511, %broadcast_in_dim3A_505 : vector<16xi1>, vector<16xi32>
            %broadcast_in_dim3A_513 = vector.shape_cast %select_n3A_512 : vector<16xi32> to vector<16x1xi32>
            %gather3A = vector.shape_cast %broadcast_in_dim3A_513 : vector<16x1xi32> to vector<16xi32>
            %gather3A_514 = tpu.dynamic_gather %get3A_447[%gather3A] in [0] : vector<16xi32>, vector<16xi32> -> vector<16xi32>
            %slice3A_515 = vector.extract_strided_slice %gather3A_514 {offsets = [0], sizes = [1], strides = [1]} : vector<16xi32> to vector<1xi32>
            %squeeze3A_516 = vector.extract %slice3A_515[0] : i32 from vector<1xi32>
            %lt3A_517 = arith.constant 0 : i32
            %lt3A_518 = vector.broadcast %lt3A_517 : i32 to vector<16xi32>
            %lt3A_519 = arith.cmpi slt, %broadcast_in_dim3A_505, %lt3A_518 : vector<16xi32>
            %add3A_520 = arith.constant 16 : i32
            %add3A_521 = vector.broadcast %add3A_520 : i32 to vector<16xi32>
            %add3A_522 = arith.addi %broadcast_in_dim3A_505, %add3A_521 : vector<16xi32>
            %select_n3A_523 = arith.select %lt3A_519, %add3A_522, %broadcast_in_dim3A_505 : vector<16xi1>, vector<16xi32>
            %broadcast_in_dim3A_524 = vector.shape_cast %select_n3A_523 : vector<16xi32> to vector<16x1xi32>
            %gather3A_525 = vector.shape_cast %broadcast_in_dim3A_524 : vector<16x1xi32> to vector<16xi32>
            %gather3A_526 = tpu.dynamic_gather %get3A_451[%gather3A_525] in [0] : vector<16xi32>, vector<16xi32> -> vector<16xi32>
            %slice3A_527 = vector.extract_strided_slice %gather3A_526 {offsets = [0], sizes = [1], strides = [1]} : vector<16xi32> to vector<1xi32>
            %squeeze3A_528 = vector.extract %slice3A_527[0] : i32 from vector<1xi32>
            %lt3A_529 = arith.constant 0 : i32
            %lt3A_530 = vector.broadcast %lt3A_529 : i32 to vector<16xi32>
            %lt3A_531 = arith.cmpi slt, %broadcast_in_dim3A_505, %lt3A_530 : vector<16xi32>
            %add3A_532 = arith.constant 16 : i32
            %add3A_533 = vector.broadcast %add3A_532 : i32 to vector<16xi32>
            %add3A_534 = arith.addi %broadcast_in_dim3A_505, %add3A_533 : vector<16xi32>
            %select_n3A_535 = arith.select %lt3A_531, %add3A_534, %broadcast_in_dim3A_505 : vector<16xi1>, vector<16xi32>
            %broadcast_in_dim3A_536 = vector.shape_cast %select_n3A_535 : vector<16xi32> to vector<16x1xi32>
            %gather3A_537 = vector.shape_cast %broadcast_in_dim3A_536 : vector<16x1xi32> to vector<16xi32>
            %gather3A_538 = tpu.dynamic_gather %select_n3A_491[%gather3A_537] in [0] : vector<16xi32>, vector<16xi32> -> vector<16xi32>
            %slice3A_539 = vector.extract_strided_slice %gather3A_538 {offsets = [0], sizes = [1], strides = [1]} : vector<16xi32> to vector<1xi32>
            %squeeze3A_540 = vector.extract %slice3A_539[0] : i32 from vector<1xi32>
            %sub3A_541 = arith.subi %squeeze3A_516, %min3A_417 : i32
            %broadcast_in_dim3A_542 = vector.broadcast %sub3A_541 : i32 to vector<16xi32>
            %add3A_543 = arith.constant 0 : i32
            %add3A_544 = vector.broadcast %add3A_543 : i32 to vector<16xi32>
            %add3A_545 = arith.addi %iota3A, %add3A_544 : vector<16xi32>
            %gather3A_546 = tpu.vector_load_idx %arg13[%broadcast_in_dim3A, %add3A_545, %broadcast_in_dim3A_542] : memref<2x64x512xf32, #tpu.memory_space<vmem>>[vector<16xi32>, vector<16xi32>, vector<16xi32>], vector<16xf32>,
            %mul3A_547 = arith.constant 64 : i32
            %mul3A_548 = arith.muli %squeeze3A_540, %mul3A_547 : i32
            %add3A_549 = arith.constant 0 : i32
            %add3A_550 = arith.addi %mul3A_548, %add3A_549 : i32
            %swap3A = arith.index_cast %add3A_550 : i32 to index
            %swap3A_551 = tpu.vector_load %arg14[%swap3A] {strides = array<i32>} : memref<4096xf32, #tpu.memory_space<vmem>>, vector<16xf32>,
            tpu.vector_store %arg14[%swap3A], %gather3A_546 {strides = array<i32>} : memref<4096xf32, #tpu.memory_space<vmem>>, vector<16xf32>,
            %add3A_552 = arith.constant 16 : i32
            %add3A_553 = vector.broadcast %add3A_552 : i32 to vector<16xi32>
            %add3A_554 = arith.addi %iota3A, %add3A_553 : vector<16xi32>
            %gather3A_555 = tpu.vector_load_idx %arg13[%broadcast_in_dim3A, %add3A_554, %broadcast_in_dim3A_542] : memref<2x64x512xf32, #tpu.memory_space<vmem>>[vector<16xi32>, vector<16xi32>, vector<16xi32>], vector<16xf32>,
            %mul3A_556 = arith.constant 64 : i32
            %mul3A_557 = arith.muli %squeeze3A_540, %mul3A_556 : i32
            %add3A_558 = arith.constant 16 : i32
            %add3A_559 = arith.addi %mul3A_557, %add3A_558 : i32
            %swap3A_560 = arith.index_cast %add3A_559 : i32 to index
            %swap3A_561 = tpu.vector_load %arg14[%swap3A_560] {strides = array<i32>} : memref<4096xf32, #tpu.memory_space<vmem>>, vector<16xf32>,
            tpu.vector_store %arg14[%swap3A_560], %gather3A_555 {strides = array<i32>} : memref<4096xf32, #tpu.memory_space<vmem>>, vector<16xf32>,
            %add3A_562 = arith.constant 32 : i32
            %add3A_563 = vector.broadcast %add3A_562 : i32 to vector<16xi32>
            %add3A_564 = arith.addi %iota3A, %add3A_563 : vector<16xi32>
            %gather3A_565 = tpu.vector_load_idx %arg13[%broadcast_in_dim3A, %add3A_564, %broadcast_in_dim3A_542] : memref<2x64x512xf32, #tpu.memory_space<vmem>>[vector<16xi32>, vector<16xi32>, vector<16xi32>], vector<16xf32>,
            %mul3A_566 = arith.constant 64 : i32
            %mul3A_567 = arith.muli %squeeze3A_540, %mul3A_566 : i32
            %add3A_568 = arith.constant 32 : i32
            %add3A_569 = arith.addi %mul3A_567, %add3A_568 : i32
            %swap3A_570 = arith.index_cast %add3A_569 : i32 to index
            %swap3A_571 = tpu.vector_load %arg14[%swap3A_570] {strides = array<i32>} : memref<4096xf32, #tpu.memory_space<vmem>>, vector<16xf32>,
            tpu.vector_store %arg14[%swap3A_570], %gather3A_565 {strides = array<i32>} : memref<4096xf32, #tpu.memory_space<vmem>>, vector<16xf32>,
            %add3A_572 = arith.constant 48 : i32
            %add3A_573 = vector.broadcast %add3A_572 : i32 to vector<16xi32>
            %add3A_574 = arith.addi %iota3A, %add3A_573 : vector<16xi32>
            %gather3A_575 = tpu.vector_load_idx %arg13[%broadcast_in_dim3A, %add3A_574, %broadcast_in_dim3A_542] : memref<2x64x512xf32, #tpu.memory_space<vmem>>[vector<16xi32>, vector<16xi32>, vector<16xi32>], vector<16xf32>,
            %mul3A_576 = arith.constant 64 : i32
            %mul3A_577 = arith.muli %squeeze3A_540, %mul3A_576 : i32
            %add3A_578 = arith.constant 48 : i32
            %add3A_579 = arith.addi %mul3A_577, %add3A_578 : i32
            %swap3A_580 = arith.index_cast %add3A_579 : i32 to index
            %swap3A_581 = tpu.vector_load %arg14[%swap3A_580] {strides = array<i32>} : memref<4096xf32, #tpu.memory_space<vmem>>, vector<16xf32>,
            tpu.vector_store %arg14[%swap3A_580], %gather3A_575 {strides = array<i32>} : memref<4096xf32, #tpu.memory_space<vmem>>, vector<16xf32>,
            %ge3A_582 = arith.constant 64 : i32
            %ge3A_583 = arith.cmpi sge, %while3A_502, %ge3A_582 : i32
            %convert_element_type3A_584 = arith.extui %ge3A_583 : i1 to i32
            %cond3A_585 = arith.constant 0 : i32
            %cond3A_586 = arith.cmpi ne, %convert_element_type3A_584, %cond3A_585 : i32
            scf.if %cond3A_586 {
              %dma_wait3A = arith.constant 0 : i32
              %dma_wait3A_602 = arith.constant 0 : i32
              %dma_wait3A_603 = tpu.memref_slice %arg14[%dma_wait3A_602] : memref<4096xf32, #tpu.memory_space<vmem>> -> memref<64xf32, #tpu.memory_space<vmem>>
              %dma_wait3A_604 = arith.constant 0 : i32
              %dma_wait3A_605 = tpu.memref_slice %arg6[%dma_wait3A, %dma_wait3A_604] : memref<16384x128xf32, #tpu.memory_space<hbm>> -> memref<1x64xf32, #tpu.memory_space<hbm>>
              %dma_wait3A_606 = tpu.memref_squeeze %dma_wait3A_605 : memref<1x64xf32, #tpu.memory_space<hbm>> -> memref<64xf32, #tpu.memory_space<hbm>>
              %dma_wait3A_607 = arith.constant 0 : i32
              %dma_wait3A_608 = tpu.memref_slice %arg14[%dma_wait3A_607] : memref<4096xf32, #tpu.memory_space<vmem>> -> memref<64xf32, #tpu.memory_space<vmem>>
              %dma_wait3A_609 = arith.constant 0 : i32
              %dma_wait3A_610 = tpu.memref_slice %arg6[%dma_wait3A, %dma_wait3A_609] : memref<16384x128xf32, #tpu.memory_space<hbm>> -> memref<1x64xf32, #tpu.memory_space<hbm>>
              %dma_wait3A_611 = tpu.memref_squeeze %dma_wait3A_610 : memref<1x64xf32, #tpu.memory_space<hbm>> -> memref<64xf32, #tpu.memory_space<hbm>>
              tpu.wait_dma2 semaphore(%arg17 : memref<!tpu.dma_semaphore, #tpu.memory_space<semaphore_mem>>) src(%dma_wait3A_611 : memref<64xf32, #tpu.memory_space<hbm>>) dst(%dma_wait3A_608 : memref<64xf32, #tpu.memory_space<vmem>>)
            } else {
            }
            %mul3A_587 = arith.constant 64 : i32
            %mul3A_588 = arith.muli %squeeze3A_540, %mul3A_587 : i32
            %dma_start3A_589 = tpu.memref_slice %arg14[%mul3A_588] : memref<4096xf32, #tpu.memory_space<vmem>> -> memref<64xf32, #tpu.memory_space<vmem>>
            %dma_start3A_590 = arith.constant 64 : i32
            %dma_start3A_591 = tpu.memref_slice %arg6[%squeeze3A_528, %dma_start3A_590] : memref<16384x128xf32, #tpu.memory_space<hbm>> -> memref<1x64xf32, #tpu.memory_space<hbm>>
            %dma_start3A_592 = tpu.memref_squeeze %dma_start3A_591 : memref<1x64xf32, #tpu.memory_space<hbm>> -> memref<64xf32, #tpu.memory_space<hbm>>
            %dma_start3A_593 = arith.constant 64 : i32
            %dma_start3A_594 = tpu.memref_slice %arg6[%squeeze3A_528, %dma_start3A_593] : memref<16384x128xf32, #tpu.memory_space<hbm>> -> memref<1x64xf32, #tpu.memory_space<hbm>>
            %dma_start3A_595 = tpu.memref_squeeze %dma_start3A_594 : memref<1x64xf32, #tpu.memory_space<hbm>> -> memref<64xf32, #tpu.memory_space<hbm>>
            %dma_start3A_596 = tpu.memref_slice %arg14[%mul3A_588] : memref<4096xf32, #tpu.memory_space<vmem>> -> memref<64xf32, #tpu.memory_space<vmem>>
            tpu.enqueue_dma source(%dma_start3A_596 : memref<64xf32, #tpu.memory_space<vmem>>) target(%dma_start3A_595 : memref<64xf32, #tpu.memory_space<hbm>>) target_semaphore(%arg17 : memref<!tpu.dma_semaphore, #tpu.memory_space<semaphore_mem>>)
            %ne3A_597 = vector.broadcast %squeeze3A_504 : i32 to vector<16xi32>
            %ne3A_598 = arith.cmpi ne, %iota3A, %ne3A_597 : vector<16xi32>
            %and3A_599 = arith.andi %while3A_501, %ne3A_598 : vector<16xi1>
            %add3A_600 = arith.constant 1 : i32
            %add3A_601 = arith.addi %while3A_502, %add3A_600 : i32
            scf.yield %and3A_599, %add3A_601 : vector<16xi1>, i32
          }
        } else {
        }
        %all_reduce_population_count3A_496 = tpu.all_reduce %and3A_461 {dim = 0 : i64, kind = #tpu.reduction_kind<sum>} : vector<16xi1> -> vector<16xi32>
        %slice3A_497 = vector.extract_strided_slice %all_reduce_population_count3A_496 {offsets = [0], sizes = [1], strides = [1]} : vector<16xi32> to vector<1xi32>
        %squeeze3A_498 = vector.extract %slice3A_497[0] : i32 from vector<1xi32>
        %add3A_499 = arith.addi %while3A_444, %squeeze3A_498 : i32
        scf.yield %add3A_499 : i32
      }
      %while3A_441 = arith.constant 1 : i32
      %while3A_442 = scf.for %while3A_443 = %while3A_438 to %while3A_434 step %while3A_441 iter_args(%while3A_444 = %while3A_440) -> (i32)  : i32 {
        %mul3A_445 = arith.constant 16 : i32
        %mul3A_446 = arith.muli %while3A_443, %mul3A_445 : i32
        %get3A = arith.index_cast %mul3A_446 : i32 to index
        %get3A_447 = tpu.vector_load %arg11[%get3A] {strides = array<i32>} : memref<3072xi32, #tpu.memory_space<vmem>>, vector<16xi32>,
        %mul3A_448 = arith.constant 16 : i32
        %mul3A_449 = arith.muli %while3A_443, %mul3A_448 : i32
        %get3A_450 = arith.index_cast %mul3A_449 : i32 to index
        %get3A_451 = tpu.vector_load %arg12[%get3A_450] {strides = array<i32>} : memref<3072xi32, #tpu.memory_space<vmem>>, vector<16xi32>,
        %mul3A_452 = arith.constant 16 : i32
        %mul3A_453 = arith.muli %while3A_443, %mul3A_452 : i32
        %sub3A_454 = arith.subi %scan3A_199, %mul3A_453 : i32
        %lt3A_455 = vector.broadcast %sub3A_454 : i32 to vector<16xi32>
        %lt3A_456 = arith.cmpi slt, %iota3A, %lt3A_455 : vector<16xi32>
        %ge3A = vector.broadcast %add3A_412 : i32 to vector<16xi32>
        %ge3A_457 = arith.cmpi sge, %get3A_447, %ge3A : vector<16xi32>
        %lt3A_458 = vector.broadcast %min3A_415 : i32 to vector<16xi32>
        %lt3A_459 = arith.cmpi slt, %get3A_447, %lt3A_458 : vector<16xi32>
        %and3A_460 = arith.andi %ge3A_457, %lt3A_459 : vector<16xi1>
        %and3A_461 = arith.andi %and3A_460, %lt3A_456 : vector<16xi1>
        %convert_element_type3A_462 = arith.extui %and3A_461 : vector<16xi1> to vector<16xi32>
        %broadcast_in_dim3A_463 = arith.constant true
        %broadcast_in_dim3A_464 = vector.broadcast %broadcast_in_dim3A_463 : i1 to vector<16xi1>
        %masked_cumsum3A = tpu.scan <sum>, %convert_element_type3A_462 masked %broadcast_in_dim3A_464 : vector<16xi32>, vector<16xi1> -> vector<16xi32>
        %add3A_465 = vector.broadcast %while3A_444 : i32 to vector<16xi32>
        %add3A_466 = arith.addi %add3A_465, %masked_cumsum3A : vector<16xi32>
        %sub3A_467 = arith.constant 1 : i32
        %sub3A_468 = vector.broadcast %sub3A_467 : i32 to vector<16xi32>
        %sub3A_469 = arith.subi %add3A_466, %sub3A_468 : vector<16xi32>
        %jit3A_470 = arith.constant 64 : i32
        %eq3A_471 = arith.constant 0 : i32
        %eq3A_472 = arith.cmpi eq, %jit3A_470, %eq3A_471 : i32
        %jit3A_473 = arith.constant 1 : i32
        %select_n3A_474 = arith.select %eq3A_472, %jit3A_473, %jit3A_470 : i32
        %rem3A_475 = vector.broadcast %select_n3A_474 : i32 to vector<16xi32>
        %rem3A_476 = arith.remsi %sub3A_469, %rem3A_475 : vector<16xi32>
        %ne3A_477 = arith.constant 0 : i32
        %ne3A_478 = vector.broadcast %ne3A_477 : i32 to vector<16xi32>
        %ne3A_479 = arith.cmpi ne, %rem3A_476, %ne3A_478 : vector<16xi32>
        %lt3A_480 = arith.constant 0 : i32
        %lt3A_481 = vector.broadcast %lt3A_480 : i32 to vector<16xi32>
        %lt3A_482 = arith.cmpi slt, %rem3A_476, %lt3A_481 : vector<16xi32>
        %lt3A_483 = arith.constant 0 : i32
        %lt3A_484 = arith.cmpi slt, %select_n3A_474, %lt3A_483 : i32
        %ne3A_485 = vector.broadcast %lt3A_484 : i1 to vector<16xi1>
        %ne3A_486 = vector.broadcast %ne3A_485 : vector<16xi1> to vector<16xi1>
        %ne3A_487 = arith.xori %lt3A_482, %ne3A_486 : vector<16xi1>
        %and3A_488 = arith.andi %ne3A_487, %ne3A_479 : vector<16xi1>
        %add3A_489 = vector.broadcast %select_n3A_474 : i32 to vector<16xi32>
        %add3A_490 = arith.addi %rem3A_476, %add3A_489 : vector<16xi32>
        %select_n3A_491 = arith.select %and3A_488, %add3A_490, %rem3A_476 : vector<16xi1>, vector<16xi32>
        %all_reduce_population_count3A = tpu.all_reduce %and3A_461 {dim = 0 : i64, kind = #tpu.reduction_kind<sum>} : vector<16xi1> -> vector<16xi32>
        %slice3A = vector.extract_strided_slice %all_reduce_population_count3A {offsets = [0], sizes = [1], strides = [1]} : vector<16xi32> to vector<1xi32>
        %squeeze3A = vector.extract %slice3A[0] : i32 from vector<1xi32>
        %gt3A = arith.constant 0 : i32
        %gt3A_492 = arith.cmpi sgt, %squeeze3A, %gt3A : i32
        %convert_element_type3A_493 = arith.extui %gt3A_492 : i1 to i32
        %cond3A_494 = arith.constant 0 : i32
        %cond3A_495 = arith.cmpi ne, %convert_element_type3A_493, %cond3A_494 : i32
        scf.if %cond3A_495 {
          %while3A_500:2 = scf.while (%while3A_501 = %and3A_461, %while3A_502 = %while3A_444) : (vector<16xi1>, i32) -> (vector<16xi1>, i32) {
            %all_reduce_population_count3A_503 = tpu.all_reduce %while3A_501 {dim = 0 : i64, kind = #tpu.reduction_kind<sum>} : vector<16xi1> -> vector<16xi32>
            %slice3A_504 = vector.extract_strided_slice %all_reduce_population_count3A_503 {offsets = [0], sizes = [1], strides = [1]} : vector<16xi32> to vector<1xi32>
            %squeeze3A_505 = vector.extract %slice3A_504[0] : i32 from vector<1xi32>
            %gt3A_506 = arith.constant 0 : i32
            %gt3A_507 = arith.cmpi sgt, %squeeze3A_505, %gt3A_506 : i32
            scf.condition(%gt3A_507) %while3A_501, %while3A_502 : vector<16xi1>, i32
          } do {
          ^bb0(%while3A_501: vector<16xi1>, %while3A_502: i32):
            %all_reduce_ffs3A = tpu.all_reduce %while3A_501 {dim = 0 : i64, kind = #tpu.reduction_kind<find_first_set>} : vector<16xi1> -> vector<16xi32>
            %slice3A_503 = vector.extract_strided_slice %all_reduce_ffs3A {offsets = [0], sizes = [1], strides = [1]} : vector<16xi32> to vector<1xi32>
            %squeeze3A_504 = vector.extract %slice3A_503[0] : i32 from vector<1xi32>
            %broadcast_in_dim3A_505 = vector.broadcast %squeeze3A_504 : i32 to vector<16xi32>
            %lt3A_506 = arith.constant 0 : i32
            %lt3A_507 = vector.broadcast %lt3A_506 : i32 to vector<16xi32>
            %lt3A_508 = arith.cmpi slt, %broadcast_in_dim3A_505, %lt3A_507 : vector<16xi32>
            %add3A_509 = arith.constant 16 : i32
            %add3A_510 = vector.broadcast %add3A_509 : i32 to vector<16xi32>
            %add3A_511 = arith.addi %broadcast_in_dim3A_505, %add3A_510 : vector<16xi32>
            %select_n3A_512 = arith.select %lt3A_508, %add3A_511, %broadcast_in_dim3A_505 : vector<16xi1>, vector<16xi32>
            %broadcast_in_dim3A_513 = vector.shape_cast %select_n3A_512 : vector<16xi32> to vector<16x1xi32>
            %gather3A = vector.shape_cast %broadcast_in_dim3A_513 : vector<16x1xi32> to vector<16xi32>
            %gather3A_514 = tpu.dynamic_gather %get3A_447[%gather3A] in [0] : vector<16xi32>, vector<16xi32> -> vector<16xi32>
            %slice3A_515 = vector.extract_strided_slice %gather3A_514 {offsets = [0], sizes = [1], strides = [1]} : vector<16xi32> to vector<1xi32>
            %squeeze3A_516 = vector.extract %slice3A_515[0] : i32 from vector<1xi32>
            %lt3A_517 = arith.constant 0 : i32
            %lt3A_518 = vector.broadcast %lt3A_517 : i32 to vector<16xi32>
            %lt3A_519 = arith.cmpi slt, %broadcast_in_dim3A_505, %lt3A_518 : vector<16xi32>
            %add3A_520 = arith.constant 16 : i32
            %add3A_521 = vector.broadcast %add3A_520 : i32 to vector<16xi32>
            %add3A_522 = arith.addi %broadcast_in_dim3A_505, %add3A_521 : vector<16xi32>
            %select_n3A_523 = arith.select %lt3A_519, %add3A_522, %broadcast_in_dim3A_505 : vector<16xi1>, vector<16xi32>
            %broadcast_in_dim3A_524 = vector.shape_cast %select_n3A_523 : vector<16xi32> to vector<16x1xi32>
            %gather3A_525 = vector.shape_cast %broadcast_in_dim3A_524 : vector<16x1xi32> to vector<16xi32>
            %gather3A_526 = tpu.dynamic_gather %get3A_451[%gather3A_525] in [0] : vector<16xi32>, vector<16xi32> -> vector<16xi32>
            %slice3A_527 = vector.extract_strided_slice %gather3A_526 {offsets = [0], sizes = [1], strides = [1]} : vector<16xi32> to vector<1xi32>
            %squeeze3A_528 = vector.extract %slice3A_527[0] : i32 from vector<1xi32>
            %lt3A_529 = arith.constant 0 : i32
            %lt3A_530 = vector.broadcast %lt3A_529 : i32 to vector<16xi32>
            %lt3A_531 = arith.cmpi slt, %broadcast_in_dim3A_505, %lt3A_530 : vector<16xi32>
            %add3A_532 = arith.constant 16 : i32
            %add3A_533 = vector.broadcast %add3A_532 : i32 to vector<16xi32>
            %add3A_534 = arith.addi %broadcast_in_dim3A_505, %add3A_533 : vector<16xi32>
            %select_n3A_535 = arith.select %lt3A_531, %add3A_534, %broadcast_in_dim3A_505 : vector<16xi1>, vector<16xi32>
            %broadcast_in_dim3A_536 = vector.shape_cast %select_n3A_535 : vector<16xi32> to vector<16x1xi32>
            %gather3A_537 = vector.shape_cast %broadcast_in_dim3A_536 : vector<16x1xi32> to vector<16xi32>
            %gather3A_538 = tpu.dynamic_gather %select_n3A_491[%gather3A_537] in [0] : vector<16xi32>, vector<16xi32> -> vector<16xi32>
            %slice3A_539 = vector.extract_strided_slice %gather3A_538 {offsets = [0], sizes = [1], strides = [1]} : vector<16xi32> to vector<1xi32>
            %squeeze3A_540 = vector.extract %slice3A_539[0] : i32 from vector<1xi32>
            %sub3A_541 = arith.subi %squeeze3A_516, %min3A_417 : i32
            %broadcast_in_dim3A_542 = vector.broadcast %sub3A_541 : i32 to vector<16xi32>
            %add3A_543 = arith.constant 0 : i32
            %add3A_544 = vector.broadcast %add3A_543 : i32 to vector<16xi32>
            %add3A_545 = arith.addi %iota3A, %add3A_544 : vector<16xi32>
            %gather3A_546 = tpu.vector_load_idx %arg13[%broadcast_in_dim3A, %add3A_545, %broadcast_in_dim3A_542] : memref<2x64x512xf32, #tpu.memory_space<vmem>>[vector<16xi32>, vector<16xi32>, vector<16xi32>], vector<16xf32>,
            %mul3A_547 = arith.constant 64 : i32
            %mul3A_548 = arith.muli %squeeze3A_540, %mul3A_547 : i32
            %add3A_549 = arith.constant 0 : i32
            %add3A_550 = arith.addi %mul3A_548, %add3A_549 : i32
            %swap3A = arith.index_cast %add3A_550 : i32 to index
            %swap3A_551 = tpu.vector_load %arg14[%swap3A] {strides = array<i32>} : memref<4096xf32, #tpu.memory_space<vmem>>, vector<16xf32>,
            tpu.vector_store %arg14[%swap3A], %gather3A_546 {strides = array<i32>} : memref<4096xf32, #tpu.memory_space<vmem>>, vector<16xf32>,
            %add3A_552 = arith.constant 16 : i32
            %add3A_553 = vector.broadcast %add3A_552 : i32 to vector<16xi32>
            %add3A_554 = arith.addi %iota3A, %add3A_553 : vector<16xi32>
            %gather3A_555 = tpu.vector_load_idx %arg13[%broadcast_in_dim3A, %add3A_554, %broadcast_in_dim3A_542] : memref<2x64x512xf32, #tpu.memory_space<vmem>>[vector<16xi32>, vector<16xi32>, vector<16xi32>], vector<16xf32>,
            %mul3A_556 = arith.constant 64 : i32
            %mul3A_557 = arith.muli %squeeze3A_540, %mul3A_556 : i32
            %add3A_558 = arith.constant 16 : i32
            %add3A_559 = arith.addi %mul3A_557, %add3A_558 : i32
            %swap3A_560 = arith.index_cast %add3A_559 : i32 to index
            %swap3A_561 = tpu.vector_load %arg14[%swap3A_560] {strides = array<i32>} : memref<4096xf32, #tpu.memory_space<vmem>>, vector<16xf32>,
            tpu.vector_store %arg14[%swap3A_560], %gather3A_555 {strides = array<i32>} : memref<4096xf32, #tpu.memory_space<vmem>>, vector<16xf32>,
            %add3A_562 = arith.constant 32 : i32
            %add3A_563 = vector.broadcast %add3A_562 : i32 to vector<16xi32>
            %add3A_564 = arith.addi %iota3A, %add3A_563 : vector<16xi32>
            %gather3A_565 = tpu.vector_load_idx %arg13[%broadcast_in_dim3A, %add3A_564, %broadcast_in_dim3A_542] : memref<2x64x512xf32, #tpu.memory_space<vmem>>[vector<16xi32>, vector<16xi32>, vector<16xi32>], vector<16xf32>,
            %mul3A_566 = arith.constant 64 : i32
            %mul3A_567 = arith.muli %squeeze3A_540, %mul3A_566 : i32
            %add3A_568 = arith.constant 32 : i32
            %add3A_569 = arith.addi %mul3A_567, %add3A_568 : i32
            %swap3A_570 = arith.index_cast %add3A_569 : i32 to index
            %swap3A_571 = tpu.vector_load %arg14[%swap3A_570] {strides = array<i32>} : memref<4096xf32, #tpu.memory_space<vmem>>, vector<16xf32>,
            tpu.vector_store %arg14[%swap3A_570], %gather3A_565 {strides = array<i32>} : memref<4096xf32, #tpu.memory_space<vmem>>, vector<16xf32>,
            %add3A_572 = arith.constant 48 : i32
            %add3A_573 = vector.broadcast %add3A_572 : i32 to vector<16xi32>
            %add3A_574 = arith.addi %iota3A, %add3A_573 : vector<16xi32>
            %gather3A_575 = tpu.vector_load_idx %arg13[%broadcast_in_dim3A, %add3A_574, %broadcast_in_dim3A_542] : memref<2x64x512xf32, #tpu.memory_space<vmem>>[vector<16xi32>, vector<16xi32>, vector<16xi32>], vector<16xf32>,
            %mul3A_576 = arith.constant 64 : i32
            %mul3A_577 = arith.muli %squeeze3A_540, %mul3A_576 : i32
            %add3A_578 = arith.constant 48 : i32
            %add3A_579 = arith.addi %mul3A_577, %add3A_578 : i32
            %swap3A_580 = arith.index_cast %add3A_579 : i32 to index
            %swap3A_581 = tpu.vector_load %arg14[%swap3A_580] {strides = array<i32>} : memref<4096xf32, #tpu.memory_space<vmem>>, vector<16xf32>,
            tpu.vector_store %arg14[%swap3A_580], %gather3A_575 {strides = array<i32>} : memref<4096xf32, #tpu.memory_space<vmem>>, vector<16xf32>,
            %ge3A_582 = arith.constant 64 : i32
            %ge3A_583 = arith.cmpi sge, %while3A_502, %ge3A_582 : i32
            %convert_element_type3A_584 = arith.extui %ge3A_583 : i1 to i32
            %cond3A_585 = arith.constant 0 : i32
            %cond3A_586 = arith.cmpi ne, %convert_element_type3A_584, %cond3A_585 : i32
            scf.if %cond3A_586 {
              %dma_wait3A = arith.constant 0 : i32
              %dma_wait3A_602 = arith.constant 0 : i32
              %dma_wait3A_603 = tpu.memref_slice %arg14[%dma_wait3A_602] : memref<4096xf32, #tpu.memory_space<vmem>> -> memref<64xf32, #tpu.memory_space<vmem>>
              %dma_wait3A_604 = arith.constant 0 : i32
              %dma_wait3A_605 = tpu.memref_slice %arg6[%dma_wait3A, %dma_wait3A_604] : memref<16384x128xf32, #tpu.memory_space<hbm>> -> memref<1x64xf32, #tpu.memory_space<hbm>>
              %dma_wait3A_606 = tpu.memref_squeeze %dma_wait3A_605 : memref<1x64xf32, #tpu.memory_space<hbm>> -> memref<64xf32, #tpu.memory_space<hbm>>
              %dma_wait3A_607 = arith.constant 0 : i32
              %dma_wait3A_608 = tpu.memref_slice %arg14[%dma_wait3A_607] : memref<4096xf32, #tpu.memory_space<vmem>> -> memref<64xf32, #tpu.memory_space<vmem>>
              %dma_wait3A_609 = arith.constant 0 : i32
              %dma_wait3A_610 = tpu.memref_slice %arg6[%dma_wait3A, %dma_wait3A_609] : memref<16384x128xf32, #tpu.memory_space<hbm>> -> memref<1x64xf32, #tpu.memory_space<hbm>>
              %dma_wait3A_611 = tpu.memref_squeeze %dma_wait3A_610 : memref<1x64xf32, #tpu.memory_space<hbm>> -> memref<64xf32, #tpu.memory_space<hbm>>
              tpu.wait_dma2 semaphore(%arg17 : memref<!tpu.dma_semaphore, #tpu.memory_space<semaphore_mem>>) src(%dma_wait3A_611 : memref<64xf32, #tpu.memory_space<hbm>>) dst(%dma_wait3A_608 : memref<64xf32, #tpu.memory_space<vmem>>)
            } else {
            }
            %mul3A_587 = arith.constant 64 : i32
            %mul3A_588 = arith.muli %squeeze3A_540, %mul3A_587 : i32
            %dma_start3A_589 = tpu.memref_slice %arg14[%mul3A_588] : memref<4096xf32, #tpu.memory_space<vmem>> -> memref<64xf32, #tpu.memory_space<vmem>>
            %dma_start3A_590 = arith.constant 64 : i32
            %dma_start3A_591 = tpu.memref_slice %arg6[%squeeze3A_528, %dma_start3A_590] : memref<16384x128xf32, #tpu.memory_space<hbm>> -> memref<1x64xf32, #tpu.memory_space<hbm>>
            %dma_start3A_592 = tpu.memref_squeeze %dma_start3A_591 : memref<1x64xf32, #tpu.memory_space<hbm>> -> memref<64xf32, #tpu.memory_space<hbm>>
            %dma_start3A_593 = arith.constant 64 : i32
            %dma_start3A_594 = tpu.memref_slice %arg6[%squeeze3A_528, %dma_start3A_593] : memref<16384x128xf32, #tpu.memory_space<hbm>> -> memref<1x64xf32, #tpu.memory_space<hbm>>
            %dma_start3A_595 = tpu.memref_squeeze %dma_start3A_594 : memref<1x64xf32, #tpu.memory_space<hbm>> -> memref<64xf32, #tpu.memory_space<hbm>>
            %dma_start3A_596 = tpu.memref_slice %arg14[%mul3A_588] : memref<4096xf32, #tpu.memory_space<vmem>> -> memref<64xf32, #tpu.memory_space<vmem>>
            tpu.enqueue_dma source(%dma_start3A_596 : memref<64xf32, #tpu.memory_space<vmem>>) target(%dma_start3A_595 : memref<64xf32, #tpu.memory_space<hbm>>) target_semaphore(%arg17 : memref<!tpu.dma_semaphore, #tpu.memory_space<semaphore_mem>>)
            %ne3A_597 = vector.broadcast %squeeze3A_504 : i32 to vector<16xi32>
            %ne3A_598 = arith.cmpi ne, %iota3A, %ne3A_597 : vector<16xi32>
            %and3A_599 = arith.andi %while3A_501, %ne3A_598 : vector<16xi1>
            %add3A_600 = arith.constant 1 : i32
            %add3A_601 = arith.addi %while3A_502, %add3A_600 : i32
            scf.yield %and3A_599, %add3A_601 : vector<16xi1>, i32
          }
        } else {
        }
        %all_reduce_population_count3A_496 = tpu.all_reduce %and3A_461 {dim = 0 : i64, kind = #tpu.reduction_kind<sum>} : vector<16xi1> -> vector<16xi32>
        %slice3A_497 = vector.extract_strided_slice %all_reduce_population_count3A_496 {offsets = [0], sizes = [1], strides = [1]} : vector<16xi32> to vector<1xi32>
        %squeeze3A_498 = vector.extract %slice3A_497[0] : i32 from vector<1xi32>
        %add3A_499 = arith.addi %while3A_444, %squeeze3A_498 : i32
        scf.yield %add3A_499 : i32
      }
      scf.yield %while3A_442 : i32
    }
    %scan3A_388 = arith.constant 0 : i32
    %scan3A_389 = arith.constant 0 : i32
    %scan3A_390 = arith.constant 64 : i32
    %scan3A_391 = arith.addi %scan3A_389, %scan3A_390 : i32
    %scan3A_392 = arith.constant 1 : i32
    scf.for %scan3A_394 = %scan3A_389 to %scan3A_391 step %scan3A_392  : i32 {
      %min3A_395 = arith.constant 64 : i32
      %min3A_396 = arith.minsi %while3A_387, %min3A_395 : i32
      %lt3A = arith.cmpi slt, %scan3A_394, %min3A_396 : i32
      %convert_element_type3A = arith.extui %lt3A : i1 to i32
      %cond3A = arith.constant 0 : i32
      %cond3A_397 = arith.cmpi ne, %convert_element_type3A, %cond3A : i32
      scf.if %cond3A_397 {
        %dma_wait3A = arith.constant 0 : i32
        %dma_wait3A_398 = arith.constant 0 : i32
        %dma_wait3A_399 = tpu.memref_slice %arg14[%dma_wait3A_398] : memref<4096xf32, #tpu.memory_space<vmem>> -> memref<64xf32, #tpu.memory_space<vmem>>
        %dma_wait3A_400 = arith.constant 0 : i32
        %dma_wait3A_401 = tpu.memref_slice %arg6[%dma_wait3A, %dma_wait3A_400] : memref<16384x128xf32, #tpu.memory_space<hbm>> -> memref<1x64xf32, #tpu.memory_space<hbm>>
        %dma_wait3A_402 = tpu.memref_squeeze %dma_wait3A_401 : memref<1x64xf32, #tpu.memory_space<hbm>> -> memref<64xf32, #tpu.memory_space<hbm>>
        %dma_wait3A_403 = arith.constant 0 : i32
        %dma_wait3A_404 = tpu.memref_slice %arg14[%dma_wait3A_403] : memref<4096xf32, #tpu.memory_space<vmem>> -> memref<64xf32, #tpu.memory_space<vmem>>
        %dma_wait3A_405 = arith.constant 0 : i32
        %dma_wait3A_406 = tpu.memref_slice %arg6[%dma_wait3A, %dma_wait3A_405] : memref<16384x128xf32, #tpu.memory_space<hbm>> -> memref<1x64xf32, #tpu.memory_space<hbm>>
        %dma_wait3A_407 = tpu.memref_squeeze %dma_wait3A_406 : memref<1x64xf32, #tpu.memory_space<hbm>> -> memref<64xf32, #tpu.memory_space<hbm>>
        tpu.wait_dma2 semaphore(%arg17 : memref<!tpu.dma_semaphore, #tpu.memory_space<semaphore_mem>>) src(%dma_wait3A_407 : memref<64xf32, #tpu.memory_space<hbm>>) dst(%dma_wait3A_404 : memref<64xf32, #tpu.memory_space<vmem>>)
      } else {
      }
    }
    %scan3A_393 = arith.constant 64 : i32
    return
  }
}

#map = affine_map<(d0, d1) -> (0, 0)>
#map1 = affine_map<(d0, d1) -> (0)>
module attributes {stable_mosaic.version = 14 : i64} {
  func.func @dot_kernel(%arg0: i32, %arg1: i32, %arg2: memref<16384x128xf32, #tpu.memory_space<hbm>>, %arg3: memref<16384xf32, #tpu.memory_space<hbm>>, %arg4: memref<512x128xf32, #tpu.memory_space<vmem>>, %arg5: memref<512xf32, #tpu.memory_space<vmem>>, %arg6: memref<!tpu.dma_semaphore, #tpu.memory_space<semaphore_mem>>) attributes {dimension_semantics = [#tpu.dimension_semantics<core_parallel>, #tpu.dimension_semantics<subcore_parallel>], iteration_bounds = array<i64: 2, 16>, scalar_prefetch = 0 : i64, scratch_operands = 3 : i64, tpu.core_type = #tpu.core_type<sc_vector_subcore>, window_params = [{transform_indices = #map}, {transform_indices = #map1}]} {
    %mul3A = arith.constant 2 : i32
    %mul3A_0 = arith.muli %arg1, %mul3A : i32
    %add3A = arith.addi %mul3A_0, %arg0 : i32
    %mul3A_1 = arith.constant 512 : i32
    %mul3A_2 = arith.muli %add3A, %mul3A_1 : i32
    %dma_start3A = arith.constant 0 : i32
    %dma_start3A_3 = tpu.memref_slice %arg2[%mul3A_2, %dma_start3A] : memref<16384x128xf32, #tpu.memory_space<hbm>> -> memref<512x128xf32, #tpu.memory_space<hbm>>
    %dma_start3A_4 = arith.constant 0 : i32
    %dma_start3A_5 = tpu.memref_slice %arg2[%mul3A_2, %dma_start3A_4] : memref<16384x128xf32, #tpu.memory_space<hbm>> -> memref<512x128xf32, #tpu.memory_space<hbm>>
    tpu.enqueue_dma source(%dma_start3A_5 : memref<512x128xf32, #tpu.memory_space<hbm>>) target(%arg4 : memref<512x128xf32, #tpu.memory_space<vmem>>) target_semaphore(%arg6 : memref<!tpu.dma_semaphore, #tpu.memory_space<semaphore_mem>>)
    %dma_wait3A = arith.constant 0 : i32
    %dma_wait3A_6 = tpu.memref_slice %arg2[%mul3A_2, %dma_wait3A] : memref<16384x128xf32, #tpu.memory_space<hbm>> -> memref<512x128xf32, #tpu.memory_space<hbm>>
    %dma_wait3A_7 = arith.constant 0 : i32
    %dma_wait3A_8 = tpu.memref_slice %arg2[%mul3A_2, %dma_wait3A_7] : memref<16384x128xf32, #tpu.memory_space<hbm>> -> memref<512x128xf32, #tpu.memory_space<hbm>>
    tpu.wait_dma2 semaphore(%arg6 : memref<!tpu.dma_semaphore, #tpu.memory_space<semaphore_mem>>) src(%dma_wait3A_8 : memref<512x128xf32, #tpu.memory_space<hbm>>) dst(%arg4 : memref<512x128xf32, #tpu.memory_space<vmem>>)
    %iota3A = tpu.iota {dimensions = array<i32: 0>} : vector<16xi32>
    %scan3A = arith.constant 0 : i32
    %scan3A_9 = arith.constant 0 : i32
    %scan3A_10 = arith.constant 32 : i32
    %scan3A_11 = arith.addi %scan3A_9, %scan3A_10 : i32
    %scan3A_12 = arith.constant 1 : i32
    scf.for %scan3A_14 = %scan3A_9 to %scan3A_11 step %scan3A_12  : i32 {
      %broadcast_in_dim3A = arith.constant 0.000000e+00 : f32
      %broadcast_in_dim3A_15 = vector.broadcast %broadcast_in_dim3A : f32 to vector<16xf32>
      %mul3A_16 = arith.constant 16 : i32
      %mul3A_17 = arith.muli %scan3A_14, %mul3A_16 : i32
      %add3A_18 = arith.constant 0 : i32
      %add3A_19 = arith.addi %mul3A_17, %add3A_18 : i32
      %get3A = arith.index_cast %add3A_19 : i32 to index
      %get3A_20 = arith.constant 0 : index
      %get3A_21 = tpu.vector_load %arg4[%get3A, %get3A_20] {strides = array<i32>} : memref<512x128xf32, #tpu.memory_space<vmem>>, vector<16xf32>,
      %get3A_22 = arith.index_cast %add3A_19 : i32 to index
      %get3A_23 = arith.constant 64 : index
      %get3A_24 = tpu.vector_load %arg4[%get3A_22, %get3A_23] {strides = array<i32>} : memref<512x128xf32, #tpu.memory_space<vmem>>, vector<16xf32>,
      %mul3A_25 = arith.mulf %get3A_21, %get3A_24 : vector<16xf32>
      %get3A_26 = arith.index_cast %add3A_19 : i32 to index
      %get3A_27 = arith.constant 16 : index
      %get3A_28 = tpu.vector_load %arg4[%get3A_26, %get3A_27] {strides = array<i32>} : memref<512x128xf32, #tpu.memory_space<vmem>>, vector<16xf32>,
      %get3A_29 = arith.index_cast %add3A_19 : i32 to index
      %get3A_30 = arith.constant 80 : index
      %get3A_31 = tpu.vector_load %arg4[%get3A_29, %get3A_30] {strides = array<i32>} : memref<512x128xf32, #tpu.memory_space<vmem>>, vector<16xf32>,
      %mul3A_32 = arith.mulf %get3A_28, %get3A_31 : vector<16xf32>
      %add3A_33 = arith.addf %mul3A_25, %mul3A_32 : vector<16xf32>
      %get3A_34 = arith.index_cast %add3A_19 : i32 to index
      %get3A_35 = arith.constant 32 : index
      %get3A_36 = tpu.vector_load %arg4[%get3A_34, %get3A_35] {strides = array<i32>} : memref<512x128xf32, #tpu.memory_space<vmem>>, vector<16xf32>,
      %get3A_37 = arith.index_cast %add3A_19 : i32 to index
      %get3A_38 = arith.constant 96 : index
      %get3A_39 = tpu.vector_load %arg4[%get3A_37, %get3A_38] {strides = array<i32>} : memref<512x128xf32, #tpu.memory_space<vmem>>, vector<16xf32>,
      %mul3A_40 = arith.mulf %get3A_36, %get3A_39 : vector<16xf32>
      %add3A_41 = arith.addf %add3A_33, %mul3A_40 : vector<16xf32>
      %get3A_42 = arith.index_cast %add3A_19 : i32 to index
      %get3A_43 = arith.constant 48 : index
      %get3A_44 = tpu.vector_load %arg4[%get3A_42, %get3A_43] {strides = array<i32>} : memref<512x128xf32, #tpu.memory_space<vmem>>, vector<16xf32>,
      %get3A_45 = arith.index_cast %add3A_19 : i32 to index
      %get3A_46 = arith.constant 112 : index
      %get3A_47 = tpu.vector_load %arg4[%get3A_45, %get3A_46] {strides = array<i32>} : memref<512x128xf32, #tpu.memory_space<vmem>>, vector<16xf32>,
      %mul3A_48 = arith.mulf %get3A_44, %get3A_47 : vector<16xf32>
      %add3A_49 = arith.addf %add3A_41, %mul3A_48 : vector<16xf32>
      %eq3A = arith.constant 0 : i32
      %eq3A_50 = vector.broadcast %eq3A : i32 to vector<16xi32>
      %eq3A_51 = arith.cmpi eq, %iota3A, %eq3A_50 : vector<16xi32>
      %reduce_sum3A = arith.constant true
      %reduce_sum3A_52 = vector.broadcast %reduce_sum3A : i1 to vector<16xi1>
      %reduce_sum3A_53 = tpu.scan <sum>, %add3A_49 masked %reduce_sum3A_52 : vector<16xf32>, vector<16xi1> -> vector<16xf32>
      %reduce_sum3A_54 = vector.extract %reduce_sum3A_53[15] : f32 from vector<16xf32>
      %broadcast_in_dim3A_55 = vector.broadcast %reduce_sum3A_54 : f32 to vector<16xf32>
      %select_n3A = arith.select %eq3A_51, %broadcast_in_dim3A_55, %broadcast_in_dim3A_15 : vector<16xi1>, vector<16xf32>
      %mul3A_56 = arith.constant 16 : i32
      %mul3A_57 = arith.muli %scan3A_14, %mul3A_56 : i32
      %add3A_58 = arith.constant 1 : i32
      %add3A_59 = arith.addi %mul3A_57, %add3A_58 : i32
      %get3A_60 = arith.index_cast %add3A_59 : i32 to index
      %get3A_61 = arith.constant 0 : index
      %get3A_62 = tpu.vector_load %arg4[%get3A_60, %get3A_61] {strides = array<i32>} : memref<512x128xf32, #tpu.memory_space<vmem>>, vector<16xf32>,
      %get3A_63 = arith.index_cast %add3A_59 : i32 to index
      %get3A_64 = arith.constant 64 : index
      %get3A_65 = tpu.vector_load %arg4[%get3A_63, %get3A_64] {strides = array<i32>} : memref<512x128xf32, #tpu.memory_space<vmem>>, vector<16xf32>,
      %mul3A_66 = arith.mulf %get3A_62, %get3A_65 : vector<16xf32>
      %get3A_67 = arith.index_cast %add3A_59 : i32 to index
      %get3A_68 = arith.constant 16 : index
      %get3A_69 = tpu.vector_load %arg4[%get3A_67, %get3A_68] {strides = array<i32>} : memref<512x128xf32, #tpu.memory_space<vmem>>, vector<16xf32>,
      %get3A_70 = arith.index_cast %add3A_59 : i32 to index
      %get3A_71 = arith.constant 80 : index
      %get3A_72 = tpu.vector_load %arg4[%get3A_70, %get3A_71] {strides = array<i32>} : memref<512x128xf32, #tpu.memory_space<vmem>>, vector<16xf32>,
      %mul3A_73 = arith.mulf %get3A_69, %get3A_72 : vector<16xf32>
      %add3A_74 = arith.addf %mul3A_66, %mul3A_73 : vector<16xf32>
      %get3A_75 = arith.index_cast %add3A_59 : i32 to index
      %get3A_76 = arith.constant 32 : index
      %get3A_77 = tpu.vector_load %arg4[%get3A_75, %get3A_76] {strides = array<i32>} : memref<512x128xf32, #tpu.memory_space<vmem>>, vector<16xf32>,
      %get3A_78 = arith.index_cast %add3A_59 : i32 to index
      %get3A_79 = arith.constant 96 : index
      %get3A_80 = tpu.vector_load %arg4[%get3A_78, %get3A_79] {strides = array<i32>} : memref<512x128xf32, #tpu.memory_space<vmem>>, vector<16xf32>,
      %mul3A_81 = arith.mulf %get3A_77, %get3A_80 : vector<16xf32>
      %add3A_82 = arith.addf %add3A_74, %mul3A_81 : vector<16xf32>
      %get3A_83 = arith.index_cast %add3A_59 : i32 to index
      %get3A_84 = arith.constant 48 : index
      %get3A_85 = tpu.vector_load %arg4[%get3A_83, %get3A_84] {strides = array<i32>} : memref<512x128xf32, #tpu.memory_space<vmem>>, vector<16xf32>,
      %get3A_86 = arith.index_cast %add3A_59 : i32 to index
      %get3A_87 = arith.constant 112 : index
      %get3A_88 = tpu.vector_load %arg4[%get3A_86, %get3A_87] {strides = array<i32>} : memref<512x128xf32, #tpu.memory_space<vmem>>, vector<16xf32>,
      %mul3A_89 = arith.mulf %get3A_85, %get3A_88 : vector<16xf32>
      %add3A_90 = arith.addf %add3A_82, %mul3A_89 : vector<16xf32>
      %eq3A_91 = arith.constant 1 : i32
      %eq3A_92 = vector.broadcast %eq3A_91 : i32 to vector<16xi32>
      %eq3A_93 = arith.cmpi eq, %iota3A, %eq3A_92 : vector<16xi32>
      %reduce_sum3A_94 = arith.constant true
      %reduce_sum3A_95 = vector.broadcast %reduce_sum3A_94 : i1 to vector<16xi1>
      %reduce_sum3A_96 = tpu.scan <sum>, %add3A_90 masked %reduce_sum3A_95 : vector<16xf32>, vector<16xi1> -> vector<16xf32>
      %reduce_sum3A_97 = vector.extract %reduce_sum3A_96[15] : f32 from vector<16xf32>
      %broadcast_in_dim3A_98 = vector.broadcast %reduce_sum3A_97 : f32 to vector<16xf32>
      %select_n3A_99 = arith.select %eq3A_93, %broadcast_in_dim3A_98, %select_n3A : vector<16xi1>, vector<16xf32>
      %mul3A_100 = arith.constant 16 : i32
      %mul3A_101 = arith.muli %scan3A_14, %mul3A_100 : i32
      %add3A_102 = arith.constant 2 : i32
      %add3A_103 = arith.addi %mul3A_101, %add3A_102 : i32
      %get3A_104 = arith.index_cast %add3A_103 : i32 to index
      %get3A_105 = arith.constant 0 : index
      %get3A_106 = tpu.vector_load %arg4[%get3A_104, %get3A_105] {strides = array<i32>} : memref<512x128xf32, #tpu.memory_space<vmem>>, vector<16xf32>,
      %get3A_107 = arith.index_cast %add3A_103 : i32 to index
      %get3A_108 = arith.constant 64 : index
      %get3A_109 = tpu.vector_load %arg4[%get3A_107, %get3A_108] {strides = array<i32>} : memref<512x128xf32, #tpu.memory_space<vmem>>, vector<16xf32>,
      %mul3A_110 = arith.mulf %get3A_106, %get3A_109 : vector<16xf32>
      %get3A_111 = arith.index_cast %add3A_103 : i32 to index
      %get3A_112 = arith.constant 16 : index
      %get3A_113 = tpu.vector_load %arg4[%get3A_111, %get3A_112] {strides = array<i32>} : memref<512x128xf32, #tpu.memory_space<vmem>>, vector<16xf32>,
      %get3A_114 = arith.index_cast %add3A_103 : i32 to index
      %get3A_115 = arith.constant 80 : index
      %get3A_116 = tpu.vector_load %arg4[%get3A_114, %get3A_115] {strides = array<i32>} : memref<512x128xf32, #tpu.memory_space<vmem>>, vector<16xf32>,
      %mul3A_117 = arith.mulf %get3A_113, %get3A_116 : vector<16xf32>
      %add3A_118 = arith.addf %mul3A_110, %mul3A_117 : vector<16xf32>
      %get3A_119 = arith.index_cast %add3A_103 : i32 to index
      %get3A_120 = arith.constant 32 : index
      %get3A_121 = tpu.vector_load %arg4[%get3A_119, %get3A_120] {strides = array<i32>} : memref<512x128xf32, #tpu.memory_space<vmem>>, vector<16xf32>,
      %get3A_122 = arith.index_cast %add3A_103 : i32 to index
      %get3A_123 = arith.constant 96 : index
      %get3A_124 = tpu.vector_load %arg4[%get3A_122, %get3A_123] {strides = array<i32>} : memref<512x128xf32, #tpu.memory_space<vmem>>, vector<16xf32>,
      %mul3A_125 = arith.mulf %get3A_121, %get3A_124 : vector<16xf32>
      %add3A_126 = arith.addf %add3A_118, %mul3A_125 : vector<16xf32>
      %get3A_127 = arith.index_cast %add3A_103 : i32 to index
      %get3A_128 = arith.constant 48 : index
      %get3A_129 = tpu.vector_load %arg4[%get3A_127, %get3A_128] {strides = array<i32>} : memref<512x128xf32, #tpu.memory_space<vmem>>, vector<16xf32>,
      %get3A_130 = arith.index_cast %add3A_103 : i32 to index
      %get3A_131 = arith.constant 112 : index
      %get3A_132 = tpu.vector_load %arg4[%get3A_130, %get3A_131] {strides = array<i32>} : memref<512x128xf32, #tpu.memory_space<vmem>>, vector<16xf32>,
      %mul3A_133 = arith.mulf %get3A_129, %get3A_132 : vector<16xf32>
      %add3A_134 = arith.addf %add3A_126, %mul3A_133 : vector<16xf32>
      %eq3A_135 = arith.constant 2 : i32
      %eq3A_136 = vector.broadcast %eq3A_135 : i32 to vector<16xi32>
      %eq3A_137 = arith.cmpi eq, %iota3A, %eq3A_136 : vector<16xi32>
      %reduce_sum3A_138 = arith.constant true
      %reduce_sum3A_139 = vector.broadcast %reduce_sum3A_138 : i1 to vector<16xi1>
      %reduce_sum3A_140 = tpu.scan <sum>, %add3A_134 masked %reduce_sum3A_139 : vector<16xf32>, vector<16xi1> -> vector<16xf32>
      %reduce_sum3A_141 = vector.extract %reduce_sum3A_140[15] : f32 from vector<16xf32>
      %broadcast_in_dim3A_142 = vector.broadcast %reduce_sum3A_141 : f32 to vector<16xf32>
      %select_n3A_143 = arith.select %eq3A_137, %broadcast_in_dim3A_142, %select_n3A_99 : vector<16xi1>, vector<16xf32>
      %mul3A_144 = arith.constant 16 : i32
      %mul3A_145 = arith.muli %scan3A_14, %mul3A_144 : i32
      %add3A_146 = arith.constant 3 : i32
      %add3A_147 = arith.addi %mul3A_145, %add3A_146 : i32
      %get3A_148 = arith.index_cast %add3A_147 : i32 to index
      %get3A_149 = arith.constant 0 : index
      %get3A_150 = tpu.vector_load %arg4[%get3A_148, %get3A_149] {strides = array<i32>} : memref<512x128xf32, #tpu.memory_space<vmem>>, vector<16xf32>,
      %get3A_151 = arith.index_cast %add3A_147 : i32 to index
      %get3A_152 = arith.constant 64 : index
      %get3A_153 = tpu.vector_load %arg4[%get3A_151, %get3A_152] {strides = array<i32>} : memref<512x128xf32, #tpu.memory_space<vmem>>, vector<16xf32>,
      %mul3A_154 = arith.mulf %get3A_150, %get3A_153 : vector<16xf32>
      %get3A_155 = arith.index_cast %add3A_147 : i32 to index
      %get3A_156 = arith.constant 16 : index
      %get3A_157 = tpu.vector_load %arg4[%get3A_155, %get3A_156] {strides = array<i32>} : memref<512x128xf32, #tpu.memory_space<vmem>>, vector<16xf32>,
      %get3A_158 = arith.index_cast %add3A_147 : i32 to index
      %get3A_159 = arith.constant 80 : index
      %get3A_160 = tpu.vector_load %arg4[%get3A_158, %get3A_159] {strides = array<i32>} : memref<512x128xf32, #tpu.memory_space<vmem>>, vector<16xf32>,
      %mul3A_161 = arith.mulf %get3A_157, %get3A_160 : vector<16xf32>
      %add3A_162 = arith.addf %mul3A_154, %mul3A_161 : vector<16xf32>
      %get3A_163 = arith.index_cast %add3A_147 : i32 to index
      %get3A_164 = arith.constant 32 : index
      %get3A_165 = tpu.vector_load %arg4[%get3A_163, %get3A_164] {strides = array<i32>} : memref<512x128xf32, #tpu.memory_space<vmem>>, vector<16xf32>,
      %get3A_166 = arith.index_cast %add3A_147 : i32 to index
      %get3A_167 = arith.constant 96 : index
      %get3A_168 = tpu.vector_load %arg4[%get3A_166, %get3A_167] {strides = array<i32>} : memref<512x128xf32, #tpu.memory_space<vmem>>, vector<16xf32>,
      %mul3A_169 = arith.mulf %get3A_165, %get3A_168 : vector<16xf32>
      %add3A_170 = arith.addf %add3A_162, %mul3A_169 : vector<16xf32>
      %get3A_171 = arith.index_cast %add3A_147 : i32 to index
      %get3A_172 = arith.constant 48 : index
      %get3A_173 = tpu.vector_load %arg4[%get3A_171, %get3A_172] {strides = array<i32>} : memref<512x128xf32, #tpu.memory_space<vmem>>, vector<16xf32>,
      %get3A_174 = arith.index_cast %add3A_147 : i32 to index
      %get3A_175 = arith.constant 112 : index
      %get3A_176 = tpu.vector_load %arg4[%get3A_174, %get3A_175] {strides = array<i32>} : memref<512x128xf32, #tpu.memory_space<vmem>>, vector<16xf32>,
      %mul3A_177 = arith.mulf %get3A_173, %get3A_176 : vector<16xf32>
      %add3A_178 = arith.addf %add3A_170, %mul3A_177 : vector<16xf32>
      %eq3A_179 = arith.constant 3 : i32
      %eq3A_180 = vector.broadcast %eq3A_179 : i32 to vector<16xi32>
      %eq3A_181 = arith.cmpi eq, %iota3A, %eq3A_180 : vector<16xi32>
      %reduce_sum3A_182 = arith.constant true
      %reduce_sum3A_183 = vector.broadcast %reduce_sum3A_182 : i1 to vector<16xi1>
      %reduce_sum3A_184 = tpu.scan <sum>, %add3A_178 masked %reduce_sum3A_183 : vector<16xf32>, vector<16xi1> -> vector<16xf32>
      %reduce_sum3A_185 = vector.extract %reduce_sum3A_184[15] : f32 from vector<16xf32>
      %broadcast_in_dim3A_186 = vector.broadcast %reduce_sum3A_185 : f32 to vector<16xf32>
      %select_n3A_187 = arith.select %eq3A_181, %broadcast_in_dim3A_186, %select_n3A_143 : vector<16xi1>, vector<16xf32>
      %mul3A_188 = arith.constant 16 : i32
      %mul3A_189 = arith.muli %scan3A_14, %mul3A_188 : i32
      %add3A_190 = arith.constant 4 : i32
      %add3A_191 = arith.addi %mul3A_189, %add3A_190 : i32
      %get3A_192 = arith.index_cast %add3A_191 : i32 to index
      %get3A_193 = arith.constant 0 : index
      %get3A_194 = tpu.vector_load %arg4[%get3A_192, %get3A_193] {strides = array<i32>} : memref<512x128xf32, #tpu.memory_space<vmem>>, vector<16xf32>,
      %get3A_195 = arith.index_cast %add3A_191 : i32 to index
      %get3A_196 = arith.constant 64 : index
      %get3A_197 = tpu.vector_load %arg4[%get3A_195, %get3A_196] {strides = array<i32>} : memref<512x128xf32, #tpu.memory_space<vmem>>, vector<16xf32>,
      %mul3A_198 = arith.mulf %get3A_194, %get3A_197 : vector<16xf32>
      %get3A_199 = arith.index_cast %add3A_191 : i32 to index
      %get3A_200 = arith.constant 16 : index
      %get3A_201 = tpu.vector_load %arg4[%get3A_199, %get3A_200] {strides = array<i32>} : memref<512x128xf32, #tpu.memory_space<vmem>>, vector<16xf32>,
      %get3A_202 = arith.index_cast %add3A_191 : i32 to index
      %get3A_203 = arith.constant 80 : index
      %get3A_204 = tpu.vector_load %arg4[%get3A_202, %get3A_203] {strides = array<i32>} : memref<512x128xf32, #tpu.memory_space<vmem>>, vector<16xf32>,
      %mul3A_205 = arith.mulf %get3A_201, %get3A_204 : vector<16xf32>
      %add3A_206 = arith.addf %mul3A_198, %mul3A_205 : vector<16xf32>
      %get3A_207 = arith.index_cast %add3A_191 : i32 to index
      %get3A_208 = arith.constant 32 : index
      %get3A_209 = tpu.vector_load %arg4[%get3A_207, %get3A_208] {strides = array<i32>} : memref<512x128xf32, #tpu.memory_space<vmem>>, vector<16xf32>,
      %get3A_210 = arith.index_cast %add3A_191 : i32 to index
      %get3A_211 = arith.constant 96 : index
      %get3A_212 = tpu.vector_load %arg4[%get3A_210, %get3A_211] {strides = array<i32>} : memref<512x128xf32, #tpu.memory_space<vmem>>, vector<16xf32>,
      %mul3A_213 = arith.mulf %get3A_209, %get3A_212 : vector<16xf32>
      %add3A_214 = arith.addf %add3A_206, %mul3A_213 : vector<16xf32>
      %get3A_215 = arith.index_cast %add3A_191 : i32 to index
      %get3A_216 = arith.constant 48 : index
      %get3A_217 = tpu.vector_load %arg4[%get3A_215, %get3A_216] {strides = array<i32>} : memref<512x128xf32, #tpu.memory_space<vmem>>, vector<16xf32>,
      %get3A_218 = arith.index_cast %add3A_191 : i32 to index
      %get3A_219 = arith.constant 112 : index
      %get3A_220 = tpu.vector_load %arg4[%get3A_218, %get3A_219] {strides = array<i32>} : memref<512x128xf32, #tpu.memory_space<vmem>>, vector<16xf32>,
      %mul3A_221 = arith.mulf %get3A_217, %get3A_220 : vector<16xf32>
      %add3A_222 = arith.addf %add3A_214, %mul3A_221 : vector<16xf32>
      %eq3A_223 = arith.constant 4 : i32
      %eq3A_224 = vector.broadcast %eq3A_223 : i32 to vector<16xi32>
      %eq3A_225 = arith.cmpi eq, %iota3A, %eq3A_224 : vector<16xi32>
      %reduce_sum3A_226 = arith.constant true
      %reduce_sum3A_227 = vector.broadcast %reduce_sum3A_226 : i1 to vector<16xi1>
      %reduce_sum3A_228 = tpu.scan <sum>, %add3A_222 masked %reduce_sum3A_227 : vector<16xf32>, vector<16xi1> -> vector<16xf32>
      %reduce_sum3A_229 = vector.extract %reduce_sum3A_228[15] : f32 from vector<16xf32>
      %broadcast_in_dim3A_230 = vector.broadcast %reduce_sum3A_229 : f32 to vector<16xf32>
      %select_n3A_231 = arith.select %eq3A_225, %broadcast_in_dim3A_230, %select_n3A_187 : vector<16xi1>, vector<16xf32>
      %mul3A_232 = arith.constant 16 : i32
      %mul3A_233 = arith.muli %scan3A_14, %mul3A_232 : i32
      %add3A_234 = arith.constant 5 : i32
      %add3A_235 = arith.addi %mul3A_233, %add3A_234 : i32
      %get3A_236 = arith.index_cast %add3A_235 : i32 to index
      %get3A_237 = arith.constant 0 : index
      %get3A_238 = tpu.vector_load %arg4[%get3A_236, %get3A_237] {strides = array<i32>} : memref<512x128xf32, #tpu.memory_space<vmem>>, vector<16xf32>,
      %get3A_239 = arith.index_cast %add3A_235 : i32 to index
      %get3A_240 = arith.constant 64 : index
      %get3A_241 = tpu.vector_load %arg4[%get3A_239, %get3A_240] {strides = array<i32>} : memref<512x128xf32, #tpu.memory_space<vmem>>, vector<16xf32>,
      %mul3A_242 = arith.mulf %get3A_238, %get3A_241 : vector<16xf32>
      %get3A_243 = arith.index_cast %add3A_235 : i32 to index
      %get3A_244 = arith.constant 16 : index
      %get3A_245 = tpu.vector_load %arg4[%get3A_243, %get3A_244] {strides = array<i32>} : memref<512x128xf32, #tpu.memory_space<vmem>>, vector<16xf32>,
      %get3A_246 = arith.index_cast %add3A_235 : i32 to index
      %get3A_247 = arith.constant 80 : index
      %get3A_248 = tpu.vector_load %arg4[%get3A_246, %get3A_247] {strides = array<i32>} : memref<512x128xf32, #tpu.memory_space<vmem>>, vector<16xf32>,
      %mul3A_249 = arith.mulf %get3A_245, %get3A_248 : vector<16xf32>
      %add3A_250 = arith.addf %mul3A_242, %mul3A_249 : vector<16xf32>
      %get3A_251 = arith.index_cast %add3A_235 : i32 to index
      %get3A_252 = arith.constant 32 : index
      %get3A_253 = tpu.vector_load %arg4[%get3A_251, %get3A_252] {strides = array<i32>} : memref<512x128xf32, #tpu.memory_space<vmem>>, vector<16xf32>,
      %get3A_254 = arith.index_cast %add3A_235 : i32 to index
      %get3A_255 = arith.constant 96 : index
      %get3A_256 = tpu.vector_load %arg4[%get3A_254, %get3A_255] {strides = array<i32>} : memref<512x128xf32, #tpu.memory_space<vmem>>, vector<16xf32>,
      %mul3A_257 = arith.mulf %get3A_253, %get3A_256 : vector<16xf32>
      %add3A_258 = arith.addf %add3A_250, %mul3A_257 : vector<16xf32>
      %get3A_259 = arith.index_cast %add3A_235 : i32 to index
      %get3A_260 = arith.constant 48 : index
      %get3A_261 = tpu.vector_load %arg4[%get3A_259, %get3A_260] {strides = array<i32>} : memref<512x128xf32, #tpu.memory_space<vmem>>, vector<16xf32>,
      %get3A_262 = arith.index_cast %add3A_235 : i32 to index
      %get3A_263 = arith.constant 112 : index
      %get3A_264 = tpu.vector_load %arg4[%get3A_262, %get3A_263] {strides = array<i32>} : memref<512x128xf32, #tpu.memory_space<vmem>>, vector<16xf32>,
      %mul3A_265 = arith.mulf %get3A_261, %get3A_264 : vector<16xf32>
      %add3A_266 = arith.addf %add3A_258, %mul3A_265 : vector<16xf32>
      %eq3A_267 = arith.constant 5 : i32
      %eq3A_268 = vector.broadcast %eq3A_267 : i32 to vector<16xi32>
      %eq3A_269 = arith.cmpi eq, %iota3A, %eq3A_268 : vector<16xi32>
      %reduce_sum3A_270 = arith.constant true
      %reduce_sum3A_271 = vector.broadcast %reduce_sum3A_270 : i1 to vector<16xi1>
      %reduce_sum3A_272 = tpu.scan <sum>, %add3A_266 masked %reduce_sum3A_271 : vector<16xf32>, vector<16xi1> -> vector<16xf32>
      %reduce_sum3A_273 = vector.extract %reduce_sum3A_272[15] : f32 from vector<16xf32>
      %broadcast_in_dim3A_274 = vector.broadcast %reduce_sum3A_273 : f32 to vector<16xf32>
      %select_n3A_275 = arith.select %eq3A_269, %broadcast_in_dim3A_274, %select_n3A_231 : vector<16xi1>, vector<16xf32>
      %mul3A_276 = arith.constant 16 : i32
      %mul3A_277 = arith.muli %scan3A_14, %mul3A_276 : i32
      %add3A_278 = arith.constant 6 : i32
      %add3A_279 = arith.addi %mul3A_277, %add3A_278 : i32
      %get3A_280 = arith.index_cast %add3A_279 : i32 to index
      %get3A_281 = arith.constant 0 : index
      %get3A_282 = tpu.vector_load %arg4[%get3A_280, %get3A_281] {strides = array<i32>} : memref<512x128xf32, #tpu.memory_space<vmem>>, vector<16xf32>,
      %get3A_283 = arith.index_cast %add3A_279 : i32 to index
      %get3A_284 = arith.constant 64 : index
      %get3A_285 = tpu.vector_load %arg4[%get3A_283, %get3A_284] {strides = array<i32>} : memref<512x128xf32, #tpu.memory_space<vmem>>, vector<16xf32>,
      %mul3A_286 = arith.mulf %get3A_282, %get3A_285 : vector<16xf32>
      %get3A_287 = arith.index_cast %add3A_279 : i32 to index
      %get3A_288 = arith.constant 16 : index
      %get3A_289 = tpu.vector_load %arg4[%get3A_287, %get3A_288] {strides = array<i32>} : memref<512x128xf32, #tpu.memory_space<vmem>>, vector<16xf32>,
      %get3A_290 = arith.index_cast %add3A_279 : i32 to index
      %get3A_291 = arith.constant 80 : index
      %get3A_292 = tpu.vector_load %arg4[%get3A_290, %get3A_291] {strides = array<i32>} : memref<512x128xf32, #tpu.memory_space<vmem>>, vector<16xf32>,
      %mul3A_293 = arith.mulf %get3A_289, %get3A_292 : vector<16xf32>
      %add3A_294 = arith.addf %mul3A_286, %mul3A_293 : vector<16xf32>
      %get3A_295 = arith.index_cast %add3A_279 : i32 to index
      %get3A_296 = arith.constant 32 : index
      %get3A_297 = tpu.vector_load %arg4[%get3A_295, %get3A_296] {strides = array<i32>} : memref<512x128xf32, #tpu.memory_space<vmem>>, vector<16xf32>,
      %get3A_298 = arith.index_cast %add3A_279 : i32 to index
      %get3A_299 = arith.constant 96 : index
      %get3A_300 = tpu.vector_load %arg4[%get3A_298, %get3A_299] {strides = array<i32>} : memref<512x128xf32, #tpu.memory_space<vmem>>, vector<16xf32>,
      %mul3A_301 = arith.mulf %get3A_297, %get3A_300 : vector<16xf32>
      %add3A_302 = arith.addf %add3A_294, %mul3A_301 : vector<16xf32>
      %get3A_303 = arith.index_cast %add3A_279 : i32 to index
      %get3A_304 = arith.constant 48 : index
      %get3A_305 = tpu.vector_load %arg4[%get3A_303, %get3A_304] {strides = array<i32>} : memref<512x128xf32, #tpu.memory_space<vmem>>, vector<16xf32>,
      %get3A_306 = arith.index_cast %add3A_279 : i32 to index
      %get3A_307 = arith.constant 112 : index
      %get3A_308 = tpu.vector_load %arg4[%get3A_306, %get3A_307] {strides = array<i32>} : memref<512x128xf32, #tpu.memory_space<vmem>>, vector<16xf32>,
      %mul3A_309 = arith.mulf %get3A_305, %get3A_308 : vector<16xf32>
      %add3A_310 = arith.addf %add3A_302, %mul3A_309 : vector<16xf32>
      %eq3A_311 = arith.constant 6 : i32
      %eq3A_312 = vector.broadcast %eq3A_311 : i32 to vector<16xi32>
      %eq3A_313 = arith.cmpi eq, %iota3A, %eq3A_312 : vector<16xi32>
      %reduce_sum3A_314 = arith.constant true
      %reduce_sum3A_315 = vector.broadcast %reduce_sum3A_314 : i1 to vector<16xi1>
      %reduce_sum3A_316 = tpu.scan <sum>, %add3A_310 masked %reduce_sum3A_315 : vector<16xf32>, vector<16xi1> -> vector<16xf32>
      %reduce_sum3A_317 = vector.extract %reduce_sum3A_316[15] : f32 from vector<16xf32>
      %broadcast_in_dim3A_318 = vector.broadcast %reduce_sum3A_317 : f32 to vector<16xf32>
      %select_n3A_319 = arith.select %eq3A_313, %broadcast_in_dim3A_318, %select_n3A_275 : vector<16xi1>, vector<16xf32>
      %mul3A_320 = arith.constant 16 : i32
      %mul3A_321 = arith.muli %scan3A_14, %mul3A_320 : i32
      %add3A_322 = arith.constant 7 : i32
      %add3A_323 = arith.addi %mul3A_321, %add3A_322 : i32
      %get3A_324 = arith.index_cast %add3A_323 : i32 to index
      %get3A_325 = arith.constant 0 : index
      %get3A_326 = tpu.vector_load %arg4[%get3A_324, %get3A_325] {strides = array<i32>} : memref<512x128xf32, #tpu.memory_space<vmem>>, vector<16xf32>,
      %get3A_327 = arith.index_cast %add3A_323 : i32 to index
      %get3A_328 = arith.constant 64 : index
      %get3A_329 = tpu.vector_load %arg4[%get3A_327, %get3A_328] {strides = array<i32>} : memref<512x128xf32, #tpu.memory_space<vmem>>, vector<16xf32>,
      %mul3A_330 = arith.mulf %get3A_326, %get3A_329 : vector<16xf32>
      %get3A_331 = arith.index_cast %add3A_323 : i32 to index
      %get3A_332 = arith.constant 16 : index
      %get3A_333 = tpu.vector_load %arg4[%get3A_331, %get3A_332] {strides = array<i32>} : memref<512x128xf32, #tpu.memory_space<vmem>>, vector<16xf32>,
      %get3A_334 = arith.index_cast %add3A_323 : i32 to index
      %get3A_335 = arith.constant 80 : index
      %get3A_336 = tpu.vector_load %arg4[%get3A_334, %get3A_335] {strides = array<i32>} : memref<512x128xf32, #tpu.memory_space<vmem>>, vector<16xf32>,
      %mul3A_337 = arith.mulf %get3A_333, %get3A_336 : vector<16xf32>
      %add3A_338 = arith.addf %mul3A_330, %mul3A_337 : vector<16xf32>
      %get3A_339 = arith.index_cast %add3A_323 : i32 to index
      %get3A_340 = arith.constant 32 : index
      %get3A_341 = tpu.vector_load %arg4[%get3A_339, %get3A_340] {strides = array<i32>} : memref<512x128xf32, #tpu.memory_space<vmem>>, vector<16xf32>,
      %get3A_342 = arith.index_cast %add3A_323 : i32 to index
      %get3A_343 = arith.constant 96 : index
      %get3A_344 = tpu.vector_load %arg4[%get3A_342, %get3A_343] {strides = array<i32>} : memref<512x128xf32, #tpu.memory_space<vmem>>, vector<16xf32>,
      %mul3A_345 = arith.mulf %get3A_341, %get3A_344 : vector<16xf32>
      %add3A_346 = arith.addf %add3A_338, %mul3A_345 : vector<16xf32>
      %get3A_347 = arith.index_cast %add3A_323 : i32 to index
      %get3A_348 = arith.constant 48 : index
      %get3A_349 = tpu.vector_load %arg4[%get3A_347, %get3A_348] {strides = array<i32>} : memref<512x128xf32, #tpu.memory_space<vmem>>, vector<16xf32>,
      %get3A_350 = arith.index_cast %add3A_323 : i32 to index
      %get3A_351 = arith.constant 112 : index
      %get3A_352 = tpu.vector_load %arg4[%get3A_350, %get3A_351] {strides = array<i32>} : memref<512x128xf32, #tpu.memory_space<vmem>>, vector<16xf32>,
      %mul3A_353 = arith.mulf %get3A_349, %get3A_352 : vector<16xf32>
      %add3A_354 = arith.addf %add3A_346, %mul3A_353 : vector<16xf32>
      %eq3A_355 = arith.constant 7 : i32
      %eq3A_356 = vector.broadcast %eq3A_355 : i32 to vector<16xi32>
      %eq3A_357 = arith.cmpi eq, %iota3A, %eq3A_356 : vector<16xi32>
      %reduce_sum3A_358 = arith.constant true
      %reduce_sum3A_359 = vector.broadcast %reduce_sum3A_358 : i1 to vector<16xi1>
      %reduce_sum3A_360 = tpu.scan <sum>, %add3A_354 masked %reduce_sum3A_359 : vector<16xf32>, vector<16xi1> -> vector<16xf32>
      %reduce_sum3A_361 = vector.extract %reduce_sum3A_360[15] : f32 from vector<16xf32>
      %broadcast_in_dim3A_362 = vector.broadcast %reduce_sum3A_361 : f32 to vector<16xf32>
      %select_n3A_363 = arith.select %eq3A_357, %broadcast_in_dim3A_362, %select_n3A_319 : vector<16xi1>, vector<16xf32>
      %mul3A_364 = arith.constant 16 : i32
      %mul3A_365 = arith.muli %scan3A_14, %mul3A_364 : i32
      %add3A_366 = arith.constant 8 : i32
      %add3A_367 = arith.addi %mul3A_365, %add3A_366 : i32
      %get3A_368 = arith.index_cast %add3A_367 : i32 to index
      %get3A_369 = arith.constant 0 : index
      %get3A_370 = tpu.vector_load %arg4[%get3A_368, %get3A_369] {strides = array<i32>} : memref<512x128xf32, #tpu.memory_space<vmem>>, vector<16xf32>,
      %get3A_371 = arith.index_cast %add3A_367 : i32 to index
      %get3A_372 = arith.constant 64 : index
      %get3A_373 = tpu.vector_load %arg4[%get3A_371, %get3A_372] {strides = array<i32>} : memref<512x128xf32, #tpu.memory_space<vmem>>, vector<16xf32>,
      %mul3A_374 = arith.mulf %get3A_370, %get3A_373 : vector<16xf32>
      %get3A_375 = arith.index_cast %add3A_367 : i32 to index
      %get3A_376 = arith.constant 16 : index
      %get3A_377 = tpu.vector_load %arg4[%get3A_375, %get3A_376] {strides = array<i32>} : memref<512x128xf32, #tpu.memory_space<vmem>>, vector<16xf32>,
      %get3A_378 = arith.index_cast %add3A_367 : i32 to index
      %get3A_379 = arith.constant 80 : index
      %get3A_380 = tpu.vector_load %arg4[%get3A_378, %get3A_379] {strides = array<i32>} : memref<512x128xf32, #tpu.memory_space<vmem>>, vector<16xf32>,
      %mul3A_381 = arith.mulf %get3A_377, %get3A_380 : vector<16xf32>
      %add3A_382 = arith.addf %mul3A_374, %mul3A_381 : vector<16xf32>
      %get3A_383 = arith.index_cast %add3A_367 : i32 to index
      %get3A_384 = arith.constant 32 : index
      %get3A_385 = tpu.vector_load %arg4[%get3A_383, %get3A_384] {strides = array<i32>} : memref<512x128xf32, #tpu.memory_space<vmem>>, vector<16xf32>,
      %get3A_386 = arith.index_cast %add3A_367 : i32 to index
      %get3A_387 = arith.constant 96 : index
      %get3A_388 = tpu.vector_load %arg4[%get3A_386, %get3A_387] {strides = array<i32>} : memref<512x128xf32, #tpu.memory_space<vmem>>, vector<16xf32>,
      %mul3A_389 = arith.mulf %get3A_385, %get3A_388 : vector<16xf32>
      %add3A_390 = arith.addf %add3A_382, %mul3A_389 : vector<16xf32>
      %get3A_391 = arith.index_cast %add3A_367 : i32 to index
      %get3A_392 = arith.constant 48 : index
      %get3A_393 = tpu.vector_load %arg4[%get3A_391, %get3A_392] {strides = array<i32>} : memref<512x128xf32, #tpu.memory_space<vmem>>, vector<16xf32>,
      %get3A_394 = arith.index_cast %add3A_367 : i32 to index
      %get3A_395 = arith.constant 112 : index
      %get3A_396 = tpu.vector_load %arg4[%get3A_394, %get3A_395] {strides = array<i32>} : memref<512x128xf32, #tpu.memory_space<vmem>>, vector<16xf32>,
      %mul3A_397 = arith.mulf %get3A_393, %get3A_396 : vector<16xf32>
      %add3A_398 = arith.addf %add3A_390, %mul3A_397 : vector<16xf32>
      %eq3A_399 = arith.constant 8 : i32
      %eq3A_400 = vector.broadcast %eq3A_399 : i32 to vector<16xi32>
      %eq3A_401 = arith.cmpi eq, %iota3A, %eq3A_400 : vector<16xi32>
      %reduce_sum3A_402 = arith.constant true
      %reduce_sum3A_403 = vector.broadcast %reduce_sum3A_402 : i1 to vector<16xi1>
      %reduce_sum3A_404 = tpu.scan <sum>, %add3A_398 masked %reduce_sum3A_403 : vector<16xf32>, vector<16xi1> -> vector<16xf32>
      %reduce_sum3A_405 = vector.extract %reduce_sum3A_404[15] : f32 from vector<16xf32>
      %broadcast_in_dim3A_406 = vector.broadcast %reduce_sum3A_405 : f32 to vector<16xf32>
      %select_n3A_407 = arith.select %eq3A_401, %broadcast_in_dim3A_406, %select_n3A_363 : vector<16xi1>, vector<16xf32>
      %mul3A_408 = arith.constant 16 : i32
      %mul3A_409 = arith.muli %scan3A_14, %mul3A_408 : i32
      %add3A_410 = arith.constant 9 : i32
      %add3A_411 = arith.addi %mul3A_409, %add3A_410 : i32
      %get3A_412 = arith.index_cast %add3A_411 : i32 to index
      %get3A_413 = arith.constant 0 : index
      %get3A_414 = tpu.vector_load %arg4[%get3A_412, %get3A_413] {strides = array<i32>} : memref<512x128xf32, #tpu.memory_space<vmem>>, vector<16xf32>,
      %get3A_415 = arith.index_cast %add3A_411 : i32 to index
      %get3A_416 = arith.constant 64 : index
      %get3A_417 = tpu.vector_load %arg4[%get3A_415, %get3A_416] {strides = array<i32>} : memref<512x128xf32, #tpu.memory_space<vmem>>, vector<16xf32>,
      %mul3A_418 = arith.mulf %get3A_414, %get3A_417 : vector<16xf32>
      %get3A_419 = arith.index_cast %add3A_411 : i32 to index
      %get3A_420 = arith.constant 16 : index
      %get3A_421 = tpu.vector_load %arg4[%get3A_419, %get3A_420] {strides = array<i32>} : memref<512x128xf32, #tpu.memory_space<vmem>>, vector<16xf32>,
      %get3A_422 = arith.index_cast %add3A_411 : i32 to index
      %get3A_423 = arith.constant 80 : index
      %get3A_424 = tpu.vector_load %arg4[%get3A_422, %get3A_423] {strides = array<i32>} : memref<512x128xf32, #tpu.memory_space<vmem>>, vector<16xf32>,
      %mul3A_425 = arith.mulf %get3A_421, %get3A_424 : vector<16xf32>
      %add3A_426 = arith.addf %mul3A_418, %mul3A_425 : vector<16xf32>
      %get3A_427 = arith.index_cast %add3A_411 : i32 to index
      %get3A_428 = arith.constant 32 : index
      %get3A_429 = tpu.vector_load %arg4[%get3A_427, %get3A_428] {strides = array<i32>} : memref<512x128xf32, #tpu.memory_space<vmem>>, vector<16xf32>,
      %get3A_430 = arith.index_cast %add3A_411 : i32 to index
      %get3A_431 = arith.constant 96 : index
      %get3A_432 = tpu.vector_load %arg4[%get3A_430, %get3A_431] {strides = array<i32>} : memref<512x128xf32, #tpu.memory_space<vmem>>, vector<16xf32>,
      %mul3A_433 = arith.mulf %get3A_429, %get3A_432 : vector<16xf32>
      %add3A_434 = arith.addf %add3A_426, %mul3A_433 : vector<16xf32>
      %get3A_435 = arith.index_cast %add3A_411 : i32 to index
      %get3A_436 = arith.constant 48 : index
      %get3A_437 = tpu.vector_load %arg4[%get3A_435, %get3A_436] {strides = array<i32>} : memref<512x128xf32, #tpu.memory_space<vmem>>, vector<16xf32>,
      %get3A_438 = arith.index_cast %add3A_411 : i32 to index
      %get3A_439 = arith.constant 112 : index
      %get3A_440 = tpu.vector_load %arg4[%get3A_438, %get3A_439] {strides = array<i32>} : memref<512x128xf32, #tpu.memory_space<vmem>>, vector<16xf32>,
      %mul3A_441 = arith.mulf %get3A_437, %get3A_440 : vector<16xf32>
      %add3A_442 = arith.addf %add3A_434, %mul3A_441 : vector<16xf32>
      %eq3A_443 = arith.constant 9 : i32
      %eq3A_444 = vector.broadcast %eq3A_443 : i32 to vector<16xi32>
      %eq3A_445 = arith.cmpi eq, %iota3A, %eq3A_444 : vector<16xi32>
      %reduce_sum3A_446 = arith.constant true
      %reduce_sum3A_447 = vector.broadcast %reduce_sum3A_446 : i1 to vector<16xi1>
      %reduce_sum3A_448 = tpu.scan <sum>, %add3A_442 masked %reduce_sum3A_447 : vector<16xf32>, vector<16xi1> -> vector<16xf32>
      %reduce_sum3A_449 = vector.extract %reduce_sum3A_448[15] : f32 from vector<16xf32>
      %broadcast_in_dim3A_450 = vector.broadcast %reduce_sum3A_449 : f32 to vector<16xf32>
      %select_n3A_451 = arith.select %eq3A_445, %broadcast_in_dim3A_450, %select_n3A_407 : vector<16xi1>, vector<16xf32>
      %mul3A_452 = arith.constant 16 : i32
      %mul3A_453 = arith.muli %scan3A_14, %mul3A_452 : i32
      %add3A_454 = arith.constant 10 : i32
      %add3A_455 = arith.addi %mul3A_453, %add3A_454 : i32
      %get3A_456 = arith.index_cast %add3A_455 : i32 to index
      %get3A_457 = arith.constant 0 : index
      %get3A_458 = tpu.vector_load %arg4[%get3A_456, %get3A_457] {strides = array<i32>} : memref<512x128xf32, #tpu.memory_space<vmem>>, vector<16xf32>,
      %get3A_459 = arith.index_cast %add3A_455 : i32 to index
      %get3A_460 = arith.constant 64 : index
      %get3A_461 = tpu.vector_load %arg4[%get3A_459, %get3A_460] {strides = array<i32>} : memref<512x128xf32, #tpu.memory_space<vmem>>, vector<16xf32>,
      %mul3A_462 = arith.mulf %get3A_458, %get3A_461 : vector<16xf32>
      %get3A_463 = arith.index_cast %add3A_455 : i32 to index
      %get3A_464 = arith.constant 16 : index
      %get3A_465 = tpu.vector_load %arg4[%get3A_463, %get3A_464] {strides = array<i32>} : memref<512x128xf32, #tpu.memory_space<vmem>>, vector<16xf32>,
      %get3A_466 = arith.index_cast %add3A_455 : i32 to index
      %get3A_467 = arith.constant 80 : index
      %get3A_468 = tpu.vector_load %arg4[%get3A_466, %get3A_467] {strides = array<i32>} : memref<512x128xf32, #tpu.memory_space<vmem>>, vector<16xf32>,
      %mul3A_469 = arith.mulf %get3A_465, %get3A_468 : vector<16xf32>
      %add3A_470 = arith.addf %mul3A_462, %mul3A_469 : vector<16xf32>
      %get3A_471 = arith.index_cast %add3A_455 : i32 to index
      %get3A_472 = arith.constant 32 : index
      %get3A_473 = tpu.vector_load %arg4[%get3A_471, %get3A_472] {strides = array<i32>} : memref<512x128xf32, #tpu.memory_space<vmem>>, vector<16xf32>,
      %get3A_474 = arith.index_cast %add3A_455 : i32 to index
      %get3A_475 = arith.constant 96 : index
      %get3A_476 = tpu.vector_load %arg4[%get3A_474, %get3A_475] {strides = array<i32>} : memref<512x128xf32, #tpu.memory_space<vmem>>, vector<16xf32>,
      %mul3A_477 = arith.mulf %get3A_473, %get3A_476 : vector<16xf32>
      %add3A_478 = arith.addf %add3A_470, %mul3A_477 : vector<16xf32>
      %get3A_479 = arith.index_cast %add3A_455 : i32 to index
      %get3A_480 = arith.constant 48 : index
      %get3A_481 = tpu.vector_load %arg4[%get3A_479, %get3A_480] {strides = array<i32>} : memref<512x128xf32, #tpu.memory_space<vmem>>, vector<16xf32>,
      %get3A_482 = arith.index_cast %add3A_455 : i32 to index
      %get3A_483 = arith.constant 112 : index
      %get3A_484 = tpu.vector_load %arg4[%get3A_482, %get3A_483] {strides = array<i32>} : memref<512x128xf32, #tpu.memory_space<vmem>>, vector<16xf32>,
      %mul3A_485 = arith.mulf %get3A_481, %get3A_484 : vector<16xf32>
      %add3A_486 = arith.addf %add3A_478, %mul3A_485 : vector<16xf32>
      %eq3A_487 = arith.constant 10 : i32
      %eq3A_488 = vector.broadcast %eq3A_487 : i32 to vector<16xi32>
      %eq3A_489 = arith.cmpi eq, %iota3A, %eq3A_488 : vector<16xi32>
      %reduce_sum3A_490 = arith.constant true
      %reduce_sum3A_491 = vector.broadcast %reduce_sum3A_490 : i1 to vector<16xi1>
      %reduce_sum3A_492 = tpu.scan <sum>, %add3A_486 masked %reduce_sum3A_491 : vector<16xf32>, vector<16xi1> -> vector<16xf32>
      %reduce_sum3A_493 = vector.extract %reduce_sum3A_492[15] : f32 from vector<16xf32>
      %broadcast_in_dim3A_494 = vector.broadcast %reduce_sum3A_493 : f32 to vector<16xf32>
      %select_n3A_495 = arith.select %eq3A_489, %broadcast_in_dim3A_494, %select_n3A_451 : vector<16xi1>, vector<16xf32>
      %mul3A_496 = arith.constant 16 : i32
      %mul3A_497 = arith.muli %scan3A_14, %mul3A_496 : i32
      %add3A_498 = arith.constant 11 : i32
      %add3A_499 = arith.addi %mul3A_497, %add3A_498 : i32
      %get3A_500 = arith.index_cast %add3A_499 : i32 to index
      %get3A_501 = arith.constant 0 : index
      %get3A_502 = tpu.vector_load %arg4[%get3A_500, %get3A_501] {strides = array<i32>} : memref<512x128xf32, #tpu.memory_space<vmem>>, vector<16xf32>,
      %get3A_503 = arith.index_cast %add3A_499 : i32 to index
      %get3A_504 = arith.constant 64 : index
      %get3A_505 = tpu.vector_load %arg4[%get3A_503, %get3A_504] {strides = array<i32>} : memref<512x128xf32, #tpu.memory_space<vmem>>, vector<16xf32>,
      %mul3A_506 = arith.mulf %get3A_502, %get3A_505 : vector<16xf32>
      %get3A_507 = arith.index_cast %add3A_499 : i32 to index
      %get3A_508 = arith.constant 16 : index
      %get3A_509 = tpu.vector_load %arg4[%get3A_507, %get3A_508] {strides = array<i32>} : memref<512x128xf32, #tpu.memory_space<vmem>>, vector<16xf32>,
      %get3A_510 = arith.index_cast %add3A_499 : i32 to index
      %get3A_511 = arith.constant 80 : index
      %get3A_512 = tpu.vector_load %arg4[%get3A_510, %get3A_511] {strides = array<i32>} : memref<512x128xf32, #tpu.memory_space<vmem>>, vector<16xf32>,
      %mul3A_513 = arith.mulf %get3A_509, %get3A_512 : vector<16xf32>
      %add3A_514 = arith.addf %mul3A_506, %mul3A_513 : vector<16xf32>
      %get3A_515 = arith.index_cast %add3A_499 : i32 to index
      %get3A_516 = arith.constant 32 : index
      %get3A_517 = tpu.vector_load %arg4[%get3A_515, %get3A_516] {strides = array<i32>} : memref<512x128xf32, #tpu.memory_space<vmem>>, vector<16xf32>,
      %get3A_518 = arith.index_cast %add3A_499 : i32 to index
      %get3A_519 = arith.constant 96 : index
      %get3A_520 = tpu.vector_load %arg4[%get3A_518, %get3A_519] {strides = array<i32>} : memref<512x128xf32, #tpu.memory_space<vmem>>, vector<16xf32>,
      %mul3A_521 = arith.mulf %get3A_517, %get3A_520 : vector<16xf32>
      %add3A_522 = arith.addf %add3A_514, %mul3A_521 : vector<16xf32>
      %get3A_523 = arith.index_cast %add3A_499 : i32 to index
      %get3A_524 = arith.constant 48 : index
      %get3A_525 = tpu.vector_load %arg4[%get3A_523, %get3A_524] {strides = array<i32>} : memref<512x128xf32, #tpu.memory_space<vmem>>, vector<16xf32>,
      %get3A_526 = arith.index_cast %add3A_499 : i32 to index
      %get3A_527 = arith.constant 112 : index
      %get3A_528 = tpu.vector_load %arg4[%get3A_526, %get3A_527] {strides = array<i32>} : memref<512x128xf32, #tpu.memory_space<vmem>>, vector<16xf32>,
      %mul3A_529 = arith.mulf %get3A_525, %get3A_528 : vector<16xf32>
      %add3A_530 = arith.addf %add3A_522, %mul3A_529 : vector<16xf32>
      %eq3A_531 = arith.constant 11 : i32
      %eq3A_532 = vector.broadcast %eq3A_531 : i32 to vector<16xi32>
      %eq3A_533 = arith.cmpi eq, %iota3A, %eq3A_532 : vector<16xi32>
      %reduce_sum3A_534 = arith.constant true
      %reduce_sum3A_535 = vector.broadcast %reduce_sum3A_534 : i1 to vector<16xi1>
      %reduce_sum3A_536 = tpu.scan <sum>, %add3A_530 masked %reduce_sum3A_535 : vector<16xf32>, vector<16xi1> -> vector<16xf32>
      %reduce_sum3A_537 = vector.extract %reduce_sum3A_536[15] : f32 from vector<16xf32>
      %broadcast_in_dim3A_538 = vector.broadcast %reduce_sum3A_537 : f32 to vector<16xf32>
      %select_n3A_539 = arith.select %eq3A_533, %broadcast_in_dim3A_538, %select_n3A_495 : vector<16xi1>, vector<16xf32>
      %mul3A_540 = arith.constant 16 : i32
      %mul3A_541 = arith.muli %scan3A_14, %mul3A_540 : i32
      %add3A_542 = arith.constant 12 : i32
      %add3A_543 = arith.addi %mul3A_541, %add3A_542 : i32
      %get3A_544 = arith.index_cast %add3A_543 : i32 to index
      %get3A_545 = arith.constant 0 : index
      %get3A_546 = tpu.vector_load %arg4[%get3A_544, %get3A_545] {strides = array<i32>} : memref<512x128xf32, #tpu.memory_space<vmem>>, vector<16xf32>,
      %get3A_547 = arith.index_cast %add3A_543 : i32 to index
      %get3A_548 = arith.constant 64 : index
      %get3A_549 = tpu.vector_load %arg4[%get3A_547, %get3A_548] {strides = array<i32>} : memref<512x128xf32, #tpu.memory_space<vmem>>, vector<16xf32>,
      %mul3A_550 = arith.mulf %get3A_546, %get3A_549 : vector<16xf32>
      %get3A_551 = arith.index_cast %add3A_543 : i32 to index
      %get3A_552 = arith.constant 16 : index
      %get3A_553 = tpu.vector_load %arg4[%get3A_551, %get3A_552] {strides = array<i32>} : memref<512x128xf32, #tpu.memory_space<vmem>>, vector<16xf32>,
      %get3A_554 = arith.index_cast %add3A_543 : i32 to index
      %get3A_555 = arith.constant 80 : index
      %get3A_556 = tpu.vector_load %arg4[%get3A_554, %get3A_555] {strides = array<i32>} : memref<512x128xf32, #tpu.memory_space<vmem>>, vector<16xf32>,
      %mul3A_557 = arith.mulf %get3A_553, %get3A_556 : vector<16xf32>
      %add3A_558 = arith.addf %mul3A_550, %mul3A_557 : vector<16xf32>
      %get3A_559 = arith.index_cast %add3A_543 : i32 to index
      %get3A_560 = arith.constant 32 : index
      %get3A_561 = tpu.vector_load %arg4[%get3A_559, %get3A_560] {strides = array<i32>} : memref<512x128xf32, #tpu.memory_space<vmem>>, vector<16xf32>,
      %get3A_562 = arith.index_cast %add3A_543 : i32 to index
      %get3A_563 = arith.constant 96 : index
      %get3A_564 = tpu.vector_load %arg4[%get3A_562, %get3A_563] {strides = array<i32>} : memref<512x128xf32, #tpu.memory_space<vmem>>, vector<16xf32>,
      %mul3A_565 = arith.mulf %get3A_561, %get3A_564 : vector<16xf32>
      %add3A_566 = arith.addf %add3A_558, %mul3A_565 : vector<16xf32>
      %get3A_567 = arith.index_cast %add3A_543 : i32 to index
      %get3A_568 = arith.constant 48 : index
      %get3A_569 = tpu.vector_load %arg4[%get3A_567, %get3A_568] {strides = array<i32>} : memref<512x128xf32, #tpu.memory_space<vmem>>, vector<16xf32>,
      %get3A_570 = arith.index_cast %add3A_543 : i32 to index
      %get3A_571 = arith.constant 112 : index
      %get3A_572 = tpu.vector_load %arg4[%get3A_570, %get3A_571] {strides = array<i32>} : memref<512x128xf32, #tpu.memory_space<vmem>>, vector<16xf32>,
      %mul3A_573 = arith.mulf %get3A_569, %get3A_572 : vector<16xf32>
      %add3A_574 = arith.addf %add3A_566, %mul3A_573 : vector<16xf32>
      %eq3A_575 = arith.constant 12 : i32
      %eq3A_576 = vector.broadcast %eq3A_575 : i32 to vector<16xi32>
      %eq3A_577 = arith.cmpi eq, %iota3A, %eq3A_576 : vector<16xi32>
      %reduce_sum3A_578 = arith.constant true
      %reduce_sum3A_579 = vector.broadcast %reduce_sum3A_578 : i1 to vector<16xi1>
      %reduce_sum3A_580 = tpu.scan <sum>, %add3A_574 masked %reduce_sum3A_579 : vector<16xf32>, vector<16xi1> -> vector<16xf32>
      %reduce_sum3A_581 = vector.extract %reduce_sum3A_580[15] : f32 from vector<16xf32>
      %broadcast_in_dim3A_582 = vector.broadcast %reduce_sum3A_581 : f32 to vector<16xf32>
      %select_n3A_583 = arith.select %eq3A_577, %broadcast_in_dim3A_582, %select_n3A_539 : vector<16xi1>, vector<16xf32>
      %mul3A_584 = arith.constant 16 : i32
      %mul3A_585 = arith.muli %scan3A_14, %mul3A_584 : i32
      %add3A_586 = arith.constant 13 : i32
      %add3A_587 = arith.addi %mul3A_585, %add3A_586 : i32
      %get3A_588 = arith.index_cast %add3A_587 : i32 to index
      %get3A_589 = arith.constant 0 : index
      %get3A_590 = tpu.vector_load %arg4[%get3A_588, %get3A_589] {strides = array<i32>} : memref<512x128xf32, #tpu.memory_space<vmem>>, vector<16xf32>,
      %get3A_591 = arith.index_cast %add3A_587 : i32 to index
      %get3A_592 = arith.constant 64 : index
      %get3A_593 = tpu.vector_load %arg4[%get3A_591, %get3A_592] {strides = array<i32>} : memref<512x128xf32, #tpu.memory_space<vmem>>, vector<16xf32>,
      %mul3A_594 = arith.mulf %get3A_590, %get3A_593 : vector<16xf32>
      %get3A_595 = arith.index_cast %add3A_587 : i32 to index
      %get3A_596 = arith.constant 16 : index
      %get3A_597 = tpu.vector_load %arg4[%get3A_595, %get3A_596] {strides = array<i32>} : memref<512x128xf32, #tpu.memory_space<vmem>>, vector<16xf32>,
      %get3A_598 = arith.index_cast %add3A_587 : i32 to index
      %get3A_599 = arith.constant 80 : index
      %get3A_600 = tpu.vector_load %arg4[%get3A_598, %get3A_599] {strides = array<i32>} : memref<512x128xf32, #tpu.memory_space<vmem>>, vector<16xf32>,
      %mul3A_601 = arith.mulf %get3A_597, %get3A_600 : vector<16xf32>
      %add3A_602 = arith.addf %mul3A_594, %mul3A_601 : vector<16xf32>
      %get3A_603 = arith.index_cast %add3A_587 : i32 to index
      %get3A_604 = arith.constant 32 : index
      %get3A_605 = tpu.vector_load %arg4[%get3A_603, %get3A_604] {strides = array<i32>} : memref<512x128xf32, #tpu.memory_space<vmem>>, vector<16xf32>,
      %get3A_606 = arith.index_cast %add3A_587 : i32 to index
      %get3A_607 = arith.constant 96 : index
      %get3A_608 = tpu.vector_load %arg4[%get3A_606, %get3A_607] {strides = array<i32>} : memref<512x128xf32, #tpu.memory_space<vmem>>, vector<16xf32>,
      %mul3A_609 = arith.mulf %get3A_605, %get3A_608 : vector<16xf32>
      %add3A_610 = arith.addf %add3A_602, %mul3A_609 : vector<16xf32>
      %get3A_611 = arith.index_cast %add3A_587 : i32 to index
      %get3A_612 = arith.constant 48 : index
      %get3A_613 = tpu.vector_load %arg4[%get3A_611, %get3A_612] {strides = array<i32>} : memref<512x128xf32, #tpu.memory_space<vmem>>, vector<16xf32>,
      %get3A_614 = arith.index_cast %add3A_587 : i32 to index
      %get3A_615 = arith.constant 112 : index
      %get3A_616 = tpu.vector_load %arg4[%get3A_614, %get3A_615] {strides = array<i32>} : memref<512x128xf32, #tpu.memory_space<vmem>>, vector<16xf32>,
      %mul3A_617 = arith.mulf %get3A_613, %get3A_616 : vector<16xf32>
      %add3A_618 = arith.addf %add3A_610, %mul3A_617 : vector<16xf32>
      %eq3A_619 = arith.constant 13 : i32
      %eq3A_620 = vector.broadcast %eq3A_619 : i32 to vector<16xi32>
      %eq3A_621 = arith.cmpi eq, %iota3A, %eq3A_620 : vector<16xi32>
      %reduce_sum3A_622 = arith.constant true
      %reduce_sum3A_623 = vector.broadcast %reduce_sum3A_622 : i1 to vector<16xi1>
      %reduce_sum3A_624 = tpu.scan <sum>, %add3A_618 masked %reduce_sum3A_623 : vector<16xf32>, vector<16xi1> -> vector<16xf32>
      %reduce_sum3A_625 = vector.extract %reduce_sum3A_624[15] : f32 from vector<16xf32>
      %broadcast_in_dim3A_626 = vector.broadcast %reduce_sum3A_625 : f32 to vector<16xf32>
      %select_n3A_627 = arith.select %eq3A_621, %broadcast_in_dim3A_626, %select_n3A_583 : vector<16xi1>, vector<16xf32>
      %mul3A_628 = arith.constant 16 : i32
      %mul3A_629 = arith.muli %scan3A_14, %mul3A_628 : i32
      %add3A_630 = arith.constant 14 : i32
      %add3A_631 = arith.addi %mul3A_629, %add3A_630 : i32
      %get3A_632 = arith.index_cast %add3A_631 : i32 to index
      %get3A_633 = arith.constant 0 : index
      %get3A_634 = tpu.vector_load %arg4[%get3A_632, %get3A_633] {strides = array<i32>} : memref<512x128xf32, #tpu.memory_space<vmem>>, vector<16xf32>,
      %get3A_635 = arith.index_cast %add3A_631 : i32 to index
      %get3A_636 = arith.constant 64 : index
      %get3A_637 = tpu.vector_load %arg4[%get3A_635, %get3A_636] {strides = array<i32>} : memref<512x128xf32, #tpu.memory_space<vmem>>, vector<16xf32>,
      %mul3A_638 = arith.mulf %get3A_634, %get3A_637 : vector<16xf32>
      %get3A_639 = arith.index_cast %add3A_631 : i32 to index
      %get3A_640 = arith.constant 16 : index
      %get3A_641 = tpu.vector_load %arg4[%get3A_639, %get3A_640] {strides = array<i32>} : memref<512x128xf32, #tpu.memory_space<vmem>>, vector<16xf32>,
      %get3A_642 = arith.index_cast %add3A_631 : i32 to index
      %get3A_643 = arith.constant 80 : index
      %get3A_644 = tpu.vector_load %arg4[%get3A_642, %get3A_643] {strides = array<i32>} : memref<512x128xf32, #tpu.memory_space<vmem>>, vector<16xf32>,
      %mul3A_645 = arith.mulf %get3A_641, %get3A_644 : vector<16xf32>
      %add3A_646 = arith.addf %mul3A_638, %mul3A_645 : vector<16xf32>
      %get3A_647 = arith.index_cast %add3A_631 : i32 to index
      %get3A_648 = arith.constant 32 : index
      %get3A_649 = tpu.vector_load %arg4[%get3A_647, %get3A_648] {strides = array<i32>} : memref<512x128xf32, #tpu.memory_space<vmem>>, vector<16xf32>,
      %get3A_650 = arith.index_cast %add3A_631 : i32 to index
      %get3A_651 = arith.constant 96 : index
      %get3A_652 = tpu.vector_load %arg4[%get3A_650, %get3A_651] {strides = array<i32>} : memref<512x128xf32, #tpu.memory_space<vmem>>, vector<16xf32>,
      %mul3A_653 = arith.mulf %get3A_649, %get3A_652 : vector<16xf32>
      %add3A_654 = arith.addf %add3A_646, %mul3A_653 : vector<16xf32>
      %get3A_655 = arith.index_cast %add3A_631 : i32 to index
      %get3A_656 = arith.constant 48 : index
      %get3A_657 = tpu.vector_load %arg4[%get3A_655, %get3A_656] {strides = array<i32>} : memref<512x128xf32, #tpu.memory_space<vmem>>, vector<16xf32>,
      %get3A_658 = arith.index_cast %add3A_631 : i32 to index
      %get3A_659 = arith.constant 112 : index
      %get3A_660 = tpu.vector_load %arg4[%get3A_658, %get3A_659] {strides = array<i32>} : memref<512x128xf32, #tpu.memory_space<vmem>>, vector<16xf32>,
      %mul3A_661 = arith.mulf %get3A_657, %get3A_660 : vector<16xf32>
      %add3A_662 = arith.addf %add3A_654, %mul3A_661 : vector<16xf32>
      %eq3A_663 = arith.constant 14 : i32
      %eq3A_664 = vector.broadcast %eq3A_663 : i32 to vector<16xi32>
      %eq3A_665 = arith.cmpi eq, %iota3A, %eq3A_664 : vector<16xi32>
      %reduce_sum3A_666 = arith.constant true
      %reduce_sum3A_667 = vector.broadcast %reduce_sum3A_666 : i1 to vector<16xi1>
      %reduce_sum3A_668 = tpu.scan <sum>, %add3A_662 masked %reduce_sum3A_667 : vector<16xf32>, vector<16xi1> -> vector<16xf32>
      %reduce_sum3A_669 = vector.extract %reduce_sum3A_668[15] : f32 from vector<16xf32>
      %broadcast_in_dim3A_670 = vector.broadcast %reduce_sum3A_669 : f32 to vector<16xf32>
      %select_n3A_671 = arith.select %eq3A_665, %broadcast_in_dim3A_670, %select_n3A_627 : vector<16xi1>, vector<16xf32>
      %mul3A_672 = arith.constant 16 : i32
      %mul3A_673 = arith.muli %scan3A_14, %mul3A_672 : i32
      %add3A_674 = arith.constant 15 : i32
      %add3A_675 = arith.addi %mul3A_673, %add3A_674 : i32
      %get3A_676 = arith.index_cast %add3A_675 : i32 to index
      %get3A_677 = arith.constant 0 : index
      %get3A_678 = tpu.vector_load %arg4[%get3A_676, %get3A_677] {strides = array<i32>} : memref<512x128xf32, #tpu.memory_space<vmem>>, vector<16xf32>,
      %get3A_679 = arith.index_cast %add3A_675 : i32 to index
      %get3A_680 = arith.constant 64 : index
      %get3A_681 = tpu.vector_load %arg4[%get3A_679, %get3A_680] {strides = array<i32>} : memref<512x128xf32, #tpu.memory_space<vmem>>, vector<16xf32>,
      %mul3A_682 = arith.mulf %get3A_678, %get3A_681 : vector<16xf32>
      %get3A_683 = arith.index_cast %add3A_675 : i32 to index
      %get3A_684 = arith.constant 16 : index
      %get3A_685 = tpu.vector_load %arg4[%get3A_683, %get3A_684] {strides = array<i32>} : memref<512x128xf32, #tpu.memory_space<vmem>>, vector<16xf32>,
      %get3A_686 = arith.index_cast %add3A_675 : i32 to index
      %get3A_687 = arith.constant 80 : index
      %get3A_688 = tpu.vector_load %arg4[%get3A_686, %get3A_687] {strides = array<i32>} : memref<512x128xf32, #tpu.memory_space<vmem>>, vector<16xf32>,
      %mul3A_689 = arith.mulf %get3A_685, %get3A_688 : vector<16xf32>
      %add3A_690 = arith.addf %mul3A_682, %mul3A_689 : vector<16xf32>
      %get3A_691 = arith.index_cast %add3A_675 : i32 to index
      %get3A_692 = arith.constant 32 : index
      %get3A_693 = tpu.vector_load %arg4[%get3A_691, %get3A_692] {strides = array<i32>} : memref<512x128xf32, #tpu.memory_space<vmem>>, vector<16xf32>,
      %get3A_694 = arith.index_cast %add3A_675 : i32 to index
      %get3A_695 = arith.constant 96 : index
      %get3A_696 = tpu.vector_load %arg4[%get3A_694, %get3A_695] {strides = array<i32>} : memref<512x128xf32, #tpu.memory_space<vmem>>, vector<16xf32>,
      %mul3A_697 = arith.mulf %get3A_693, %get3A_696 : vector<16xf32>
      %add3A_698 = arith.addf %add3A_690, %mul3A_697 : vector<16xf32>
      %get3A_699 = arith.index_cast %add3A_675 : i32 to index
      %get3A_700 = arith.constant 48 : index
      %get3A_701 = tpu.vector_load %arg4[%get3A_699, %get3A_700] {strides = array<i32>} : memref<512x128xf32, #tpu.memory_space<vmem>>, vector<16xf32>,
      %get3A_702 = arith.index_cast %add3A_675 : i32 to index
      %get3A_703 = arith.constant 112 : index
      %get3A_704 = tpu.vector_load %arg4[%get3A_702, %get3A_703] {strides = array<i32>} : memref<512x128xf32, #tpu.memory_space<vmem>>, vector<16xf32>,
      %mul3A_705 = arith.mulf %get3A_701, %get3A_704 : vector<16xf32>
      %add3A_706 = arith.addf %add3A_698, %mul3A_705 : vector<16xf32>
      %eq3A_707 = arith.constant 15 : i32
      %eq3A_708 = vector.broadcast %eq3A_707 : i32 to vector<16xi32>
      %eq3A_709 = arith.cmpi eq, %iota3A, %eq3A_708 : vector<16xi32>
      %reduce_sum3A_710 = arith.constant true
      %reduce_sum3A_711 = vector.broadcast %reduce_sum3A_710 : i1 to vector<16xi1>
      %reduce_sum3A_712 = tpu.scan <sum>, %add3A_706 masked %reduce_sum3A_711 : vector<16xf32>, vector<16xi1> -> vector<16xf32>
      %reduce_sum3A_713 = vector.extract %reduce_sum3A_712[15] : f32 from vector<16xf32>
      %broadcast_in_dim3A_714 = vector.broadcast %reduce_sum3A_713 : f32 to vector<16xf32>
      %select_n3A_715 = arith.select %eq3A_709, %broadcast_in_dim3A_714, %select_n3A_671 : vector<16xi1>, vector<16xf32>
      %neg3A = arith.constant 0.000000e+00 : f32
      %neg3A_716 = vector.broadcast %neg3A : f32 to vector<16xf32>
      %neg3A_717 = arith.subf %neg3A_716, %select_n3A_715 : vector<16xf32>
      %exp3A = math.exp %neg3A_717 : vector<16xf32>
      %add3A_718 = arith.constant 1.000000e+00 : f32
      %add3A_719 = vector.broadcast %add3A_718 : f32 to vector<16xf32>
      %add3A_720 = arith.addf %add3A_719, %exp3A : vector<16xf32>
      %div3A = arith.constant 1.000000e+00 : f32
      %div3A_721 = vector.broadcast %div3A : f32 to vector<16xf32>
      %div3A_722 = arith.divf %div3A_721, %add3A_720 : vector<16xf32>
      %mul3A_723 = arith.constant 16 : i32
      %mul3A_724 = arith.muli %scan3A_14, %mul3A_723 : i32
      %swap3A = arith.index_cast %mul3A_724 : i32 to index
      %swap3A_725 = tpu.vector_load %arg5[%swap3A] {strides = array<i32>} : memref<512xf32, #tpu.memory_space<vmem>>, vector<16xf32>,
      tpu.vector_store %arg5[%swap3A], %div3A_722 {strides = array<i32>} : memref<512xf32, #tpu.memory_space<vmem>>, vector<16xf32>,
    }
    %scan3A_13 = arith.constant 32 : i32
    "tpu.region"() ({
      %run_scoped3A = tpu.sem_alloc : memref<!tpu.dma_semaphore, #tpu.memory_space<semaphore_mem>>
      %dma_start3A_14 = tpu.memref_slice %arg3[%mul3A_2] : memref<16384xf32, #tpu.memory_space<hbm>> -> memref<512xf32, #tpu.memory_space<hbm>>
      %dma_start3A_15 = tpu.memref_slice %arg3[%mul3A_2] : memref<16384xf32, #tpu.memory_space<hbm>> -> memref<512xf32, #tpu.memory_space<hbm>>
      tpu.enqueue_dma source(%arg5 : memref<512xf32, #tpu.memory_space<vmem>>) target(%dma_start3A_15 : memref<512xf32, #tpu.memory_space<hbm>>) target_semaphore(%run_scoped3A : memref<!tpu.dma_semaphore, #tpu.memory_space<semaphore_mem>>)
      %dma_wait3A_16 = tpu.memref_slice %arg3[%mul3A_2] : memref<16384xf32, #tpu.memory_space<hbm>> -> memref<512xf32, #tpu.memory_space<hbm>>
      %dma_wait3A_17 = tpu.memref_slice %arg3[%mul3A_2] : memref<16384xf32, #tpu.memory_space<hbm>> -> memref<512xf32, #tpu.memory_space<hbm>>
      tpu.wait_dma2 semaphore(%run_scoped3A : memref<!tpu.dma_semaphore, #tpu.memory_space<semaphore_mem>>) src(%arg5 : memref<512xf32, #tpu.memory_space<vmem>>) dst(%dma_wait3A_17 : memref<512xf32, #tpu.memory_space<hbm>>)
      tpu.yield
    }) : () -> ()
    return
  }
}

</mosaic_0001>

<sc_bundles>
// kernel: kernel.4.cloned.1.call-start
scs
__scs_entry_jumppad:
0x0: {  	(pc) =	sbr.rel $0x88, $3  }
0x1: {  	(tag) =	ssettag $0x0;
	lr =	simm.s32 $0x1  }
0x2: {  	[smem:$0x3F9D] =	sst lr;
	_ =	strace $0xD0000000  }
0x3: {  	_ = 	snop  }
0x4: {  	_ = 	snop  }
0x5: {  	_ = 	snop  }
0x6: {  	_ = 	snop  }
0x7: {  	_ = 	snop  }
__scs_overlays_trampoline_lowered:
0x8: {  	[smem:$0x3FAC] =	sst s0  }
0x9: {  	[smem:$0x3FAD] =	sst s1  }
0xa: {  	[smem:$0x3FAE] =	sst s2  }
0xb: {  	[smem:$0x3FAF] =	sst s3  }
0xc: {  	[smem:$0x3FB0] =	sst s4  }
0xd: {  	[smem:$0x3FB1] =	sst s5  }
0xe: {  	[smem:$0x3FB2] =	sst s6  }
0xf: {  	[smem:$0x3FB3] =	sst s7  }
0x10: {  	[smem:$0x3FB4] =	sst s8  }
0x11: {  	[smem:$0x3FB5] =	sst s9;
	s0 =	simm.s32 @!p0 $0x0  }
0x12: {  	s1 =	sld [smem:$0x3F9B];
	s0 =	simm.s32 @p0 $0x1  }
0x13: {  	[smem:$0x3FB6] =	sst s0;
	s0 =	simm.s32 @!p1 $0x0  }
0x14: {  	s2 =	sld [smem:$0x3F9A];
	s0 =	simm.s32 @p1 $0x1  }
0x15: {  	[smem:$0x3FB7] =	sst s0;
	s0 =	simm.s32 @!p2 $0x0  }
0x16: {  	s3 =	sld [smem:$0x3FDB];
	s0 =	simm.s32 @p2 $0x1  }
0x17: {  	s4 =	simm.s32 $0x1BF5;
	[smem:$0x3FB9] =	sst s0  }
0x18: {  	s0 =	sld [smem:$0x3F9C];
	_ =	swait.ge [sflag:s4], $0x0  }
0x19: {  	s7 =	sld [smem:$0x3F9D]  }
0x1a: {  	s8 =	sadd.s32 $0xFFFFE003, lr  }
0x1b: {  	s9 =	sadd.s32 $0xFFFFFEF7, lr;
	s5 =	simm.s32 $0xFFFFFFFF;
	p2 =	slt.u32 s8, $0xFFFFF086  }
0x1c: {  	p1 =	slt.u32 s9, $0xF7A;
	s5 =	simm.s32 @!p2 $0x0  }
0x1d: {  	s5 =	simm.s32 @p1 $0x1;
	p0 =	seq.s32 s7, s2  }
0x1e: {  	s7 =	smul.u32 @!p0 $0xF7A, s2;
	p2 =	seq.s32 @!p0 s5, $0x0  }
0x1f: {  	s9 =	smul.u32 $0xF7A, s1;
	s8 =	simm.s32 @!p0 $0x1BF5;
	p2 =	por !p2, p0  }
0x20: {  	[sflag:s8] =	ssyncset.s32 @!p0 $0xFFFFF086;
	s6 =	sadd.s32 @!p0 s3, s7;
	s7 =	simm.s32 @!p0 $0x108  }
0x21: {  	s3 =	sadd.s32 s3, s9;
	s6 =	sadd.s32 @!p0 $0x88, s6;
	s7 =	simm.s32 @p2 $0x1082  }
0x22: {  	[simem:s7], [sflag:s8] =	dma.local @!p0 [hbm:s6], $0xF7A  }
0x23: {  	s9 =	sor.u32 $0xD0000000, s2;
	s6 =	simm.s32 $0x108;
	_ =	swait.ge @!p0 [sflag:s8], $0x0  }
0x24: {  	s3 =	sadd.s32 $0x88, s3;
	s6 =	simm.s32 @!p1 $0x1082;
	[sflag:s4] =	ssyncset.s32 $0xFFFFF086  }
0x25: {  	[simem:s6], [sflag:s4] =	dma.local [hbm:s3], $0xF7A  }
0x26: {  	[smem:$0x3F9D] =	sst s1;
	(tag) =	ssettag s2;
	_ =	strace s9  }
0x27: {  	s1 =	sld [smem:$0x3FAD]  }
0x28: {  	s2 =	sld [smem:$0x3FAE]  }
0x29: {  	s4 =	sld [smem:$0x3FB0]  }
0x2a: {  	p0 =	seq.s32 s5, $0x0;
	s5 =	sld [smem:$0x3FB1]  }
0x2b: {  	s6 =	sld [smem:$0x3FB2]  }
0x2c: {  	s7 =	sld [smem:$0x3FB3]  }
0x2d: {  	s3 =	simm.s32 $0x108;
	s8 =	sld [smem:$0x3FB4]  }
0x2e: {  	s3 =	simm.s32 @!p0 $0x1082;
	s9 =	sld [smem:$0x3FB5]  }
0x2f: {  	lr =	sadd.s32 s0, s3;
	s0 =	sld [smem:$0x3FAC]  }
0x30: {  	s3 =	sld [smem:$0x3FAF]  }
0x31: {  	[smem:$0x3FB8] =	sst s10  }
0x32: {  	s10 =	sld [smem:$0x3FB6];
	_ =	sdelay $0x3  }
0x33: {  	p0 =	seq.s32 s10, $0x1;
	s10 =	sld [smem:$0x3FB8];
	_ =	sdelay $0x3  }
0x34: {  	[smem:$0x3FB8] =	sst s10  }
0x35: {  	s10 =	sld [smem:$0x3FB7];
	_ =	sdelay $0x3  }
0x36: {  	p1 =	seq.s32 s10, $0x1;
	s10 =	sld [smem:$0x3FB8];
	_ =	sdelay $0x3  }
0x37: {  	[smem:$0x3FB8] =	sst s10  }
0x38: {  	s10 =	sld [smem:$0x3FB9]  }
0x39: {  	_ = 	snop;
	(pc) =	sbr.ind lr, $3  }
0x3a: {  	_ = 	snop  }
0x3b: {  	_ = 	snop  }
0x3c: {  	p2 =	seq.s32 s10, $0x1;
	s10 =	sld [smem:$0x3FB8]  }
0x3d: {  	_ =	shalt  }
0x3e: {  	_ =	shalt  }
0x3f: {  	_ =	shalt  }
0x40: {  	_ =	shalt  }
0x41: {  	_ =	shalt  }
0x42: {  	_ =	shalt  }
0x43: {  	_ =	shalt  }
0x44: {  	_ =	shalt  }
0x45: {  	_ =	shalt  }
0x46: {  	_ =	shalt  }
0x47: {  	_ =	shalt  }
0x48: {  	_ =	shalt  }
0x49: {  	_ =	shalt  }
0x4a: {  	_ =	shalt  }
0x4b: {  	_ =	shalt  }
0x4c: {  	_ =	shalt  }
0x4d: {  	_ =	shalt  }
0x4e: {  	_ =	shalt  }
0x4f: {  	_ =	shalt  }
0x50: {  	_ =	shalt  }
0x51: {  	_ =	shalt  }
0x52: {  	_ =	shalt  }
0x53: {  	_ =	shalt  }
0x54: {  	_ =	shalt  }
0x55: {  	_ =	shalt  }
0x56: {  	_ =	shalt  }
0x57: {  	_ =	shalt  }
0x58: {  	_ =	shalt  }
0x59: {  	_ =	shalt  }
0x5a: {  	_ =	shalt  }
0x5b: {  	_ =	shalt  }
0x5c: {  	_ =	shalt  }
0x5d: {  	_ =	shalt  }
0x5e: {  	_ =	shalt  }
0x5f: {  	_ =	shalt  }
0x60: {  	_ =	shalt  }
0x61: {  	_ =	shalt  }
0x62: {  	_ =	shalt  }
0x63: {  	_ =	shalt  }
0x64: {  	_ =	shalt  }
0x65: {  	_ =	shalt  }
0x66: {  	_ =	shalt  }
0x67: {  	_ =	shalt  }
0x68: {  	_ =	shalt  }
0x69: {  	_ =	shalt  }
0x6a: {  	_ =	shalt  }
0x6b: {  	_ =	shalt  }
0x6c: {  	_ =	shalt  }
0x6d: {  	_ =	shalt  }
0x6e: {  	_ =	shalt  }
0x6f: {  	_ =	shalt  }
0x70: {  	_ =	shalt  }
0x71: {  	_ =	shalt  }
0x72: {  	_ =	shalt  }
0x73: {  	_ =	shalt  }
0x74: {  	_ =	shalt  }
0x75: {  	_ =	shalt  }
0x76: {  	_ =	shalt  }
0x77: {  	_ =	shalt  }
0x78: {  	_ =	shalt  }
0x79: {  	_ =	shalt  }
0x7a: {  	_ =	shalt  }
0x7b: {  	_ =	shalt  }
0x7c: {  	_ =	shalt  }
0x7d: {  	_ =	shalt  }
0x7e: {  	_ =	shalt  }
0x7f: {  	_ =	shalt  }
0x80: {  	_ =	shalt  }
0x81: {  	_ =	shalt  }
0x82: {  	_ =	shalt  }
0x83: {  	_ =	shalt  }
0x84: {  	_ =	shalt  }
0x85: {  	_ =	shalt  }
0x86: {  	_ =	shalt  }
0x87: {  	_ =	shalt  }
.Lfunc_end0:
.L_simem_size_0:
called_computation_lowered:
.L_overlay_start_0:
0x88: {  	s2 =	sld [smem:$0x3FD9]  }
0x89: {  	s3 =	sld [smem:$0x3FFE];
	_ =	sdelay $0x1  }
0x8a: {  	s1 =	srdreg.scid  }
0x8b: {  	s0 =	sand.u32 $0x1, s1  }
0x8c: {  	s17 =	sshll.u32 s0, $0xA;
	s2 =	sadd.s32 s3, s2  }
0x8d: {  	s2 =	sadd.s32 s2, s17  }
0x8e: {  	[smem:$0x3FC4] =	sst s2  }
0x8f: {  	_ = 	snop  }
0x90: {  	s2 =	sld [smem:$0x3FC9]  }
0x91: {  	s18 =	sld [smem:$0x3FC8]  }
0x92: {  	s4 =	sld [smem:$0x3FC7]  }
0x93: {  	s5 =	sld [smem:$0x3FC6];
	(tm) =	ssettm $0x1  }
0x94: {  	s6 =	sld [smem:$0x3FFB];
	_ =	sdelay $0x3  }
0x95: {  	_ =	strace s6  }
0x96: {  	s6 =	sld [smem:$0x3FFC];
	_ =	sdelay $0x3  }
0x97: {  	_ =	strace s6  }
0x98: {  	s6 =	sld [smem:$0x3FFD];
	_ =	sdelay $0x3  }
0x99: {  	_ =	strace s6  }
0x9a: {  	_ =	strace $0x8FFFFFFF  }
0x9b: {  	s19 =	sld [smem:$0x3FDB];
	_ =	sdelay $0x1  }
0x9c: {  	s7 =	simm.s32 $_scs_section_size  }
0x9d: {  	s8 =	simm.s32 $_size__tile_overlayer_lowered;
	s9 =	simm.s32 $_tile_overlayer_lowered  }
0x9e: {  	s22 =	simm.s32 $0x1BFF;
	s21 =	sshll.u32 s9, $0x1;
	s6 =	sadd.s32 s7, s19  }
0x9f: {  	s10 =	simm.s32 $0x0;
	s20 =	sshll.u32 s8, $0x1;
	s8 =	sadd.s32 s21, s6  }
0xa0: {  	[timem:s10], [sflag:s22] =	dma.local [hbm:s8], s20  }
0xa1: {  	_ =	swait.ge [sflag:s22], s20  }
0xa2: {  	s7 =	ssub.s32 $0x0, s20;
	[sflag:s22] =	ssyncset.done $0x0  }
0xa3: {  	[sflag:s22] =	ssyncadd.s32 s7;
	_ =	sdelay $0x1  }
0xa4: {  	s23 =	simm.s32 $0x1B8B  }
0xa5: {  	_ =	swait.ge [sflag:s23], $0x1  }
0xa6: {  	[sflag:s23] =	ssyncset.done $0x0  }
0xa7: {  	s25 =	simm.s32 $0x1B8E;
	s24 =	sld [smem:$0x3FFE];
	[sflag:s23] =	ssyncadd.s32 $0xFFFFFFFF  }
0xa8: {  	s26 =	simm.s32 $execute0_lowered;
	[smem:$0x3FD2] =	sst s25  }
0xa9: {  	s8 =	sshll.u32 s26, $0x1;
	_ =	strace $0x80000046;
	[dreg:$0x1] =	wrdreg $0xFFFFFFFF  }
0xaa: {  	s28 =	simm.s32 $_size_execute0_lowered;
	s6 =	sadd.s32 s6, s8;
	[dreg:$0x0] =	wrdreg $0x0  }
0xab: {  	s8 =	sshll.u32 s28, $0x1;
	[dreg:$0x2] =	wrdreg s6  }
0xac: {  	[dreg:$0x3] =	wrdreg s8  }
0xad: {  	[dreg:$0x4] =	wrdreg $0xC0  }
0xae: {  	_ =	task [dreg:s10], $0x5FFFF  }
0xaf: {  	[dreg:$0x1] =	wrdreg $0xFFFFFFFF  }
0xb0: {  	[dreg:$0x0] =	wrdreg $0x60  }
0xb1: {  	[dreg:$0x2] =	wrdreg s2  }
0xb2: {  	[dreg:$0x3] =	wrdreg s18  }
0xb3: {  	[dreg:$0x4] =	wrdreg s4  }
0xb4: {  	[dreg:$0x5] =	wrdreg s5  }
0xb5: {  	[dreg:$0x6] =	wrdreg s24  }
0xb6: {  	[dreg:$0x7] =	wrdreg $0x9  }
0xb7: {  	_ =	task.clear_ibuf [dreg:s10], $0x8FFFF;
	_ =	strace $0x90000046  }
0xb8: {  	s29 =	simm.s32 $0x9;
	_ =	strace $0x80000048  }
0xb9: {  	_ =	swait.ge [sflag:s29], $0x1  }
0xba: {  	[sflag:s29] =	ssyncadd.s32 $0xFFFFFFFF  }
0xbb: {  	_ =	strace $0x90000048  }
0xbc: {  	_ =	sfence  }
0xbd: {  	s30 =	sld [smem:$0x0];
	_ =	sdelay $0x2  }
0xbe: {  	s31 =	sshll.u32 s1, $0xD;
	s1 =	sshrl.u32 s1, $0x2  }
0xbf: {  	s3 =	sand.u32 $0x4000, s31;
	s1 =	sadd.s32 s1, s30  }
0xc0: {  	s0 =	sor.u32 s3, s0;
	s1 =	sshll.u32 s1, $0x11  }
0xc1: {  	s0 =	sor.u32 s1, s0  }
0xc2: {  	s0 =	sadd.s32 $0x8F2B, s0  }
0xc3: {  	[sflag:s0] =	ssyncadd.remote.s32 $0x1  }
0xc4: {  	_ =	sfence.sel $0xFFFF  }
0xc5: {  	[dreg:$0x0] =	wrdreg $0xFFFFFFFF;
	(pc) =	sbr.abs _section_cstart, $3  }
0xc6: {  	[dreg:$0x1] =	wrdreg $0xFFFFFFFF  }
0xc7: {  	_ =	task.clear_ibuf [dreg:s10], $0x2FFFF;
	_ =	strace $0x9FFFFFFF  }
0xc8: {  	(tm) =	ssettm $0x7FFFFFFF  }
0xc9: {  	_ =	shalt  }
tec
execute0_lowered:
.L_overlay_start_1:
0x0: {  	(tag) =	ssettag $0x1  }
0x1: {  	s0 =	srdreg.scid;
	s2 =	stileid.u32  }
0x2: {  	s13 =	rddreg [dreg:$0x2];
	s1 =	sand.u32 $0x1, s0;
	s16 =	sshll.u32 s2, $0x1  }
0x3: {  	s14 =	rddreg [dreg:$0x3];
	s0 =	sor.u32 s1, s16  }
0x4: {  	s19 =	rddreg [dreg:$0x4];
	s8 =	simm.s32 $0x0;
	s0 =	smul.u32 $0x7A14, s0  }
0x5: {  	[smem:$0x7FF] =	sst s8;
	s1 =	ssub.s32 $0x2, s1  }
0x6: {  	v0 =	vimm.s32 $0x1380;
	vm14 =	vcmask $0x300;
	_ =	strace $0x80000047;
	s20 =	sshrl.u32 s1, $0x1;
	s3 =	sand.u32 $0xFFF80, s0  }
0x7: {  	vm13 =	vcmask $0x704;
	vm12 =	vcmask $0xB08;
	vm11 =	vcmask $0xF0C;
	s1 =	ssub.s32 s1, s20;
	s20 =	sadd.s32 $0x2DC780, s13;
	s21 =	sadd.s32 $0xF4280, s3  }
0x8: {  	vm10 =	vcmask $0x1310;
	vm7 =	vcmask $0x1714;
	vm8 =	vcmask $0x1B18;
	[dreg:$0x16] =	wrdreg s20;
	s7 =	sadd.s32 $0x1E8500, s3;
	s10 =	sadd.s32 s13, s21  }
0x9: {  	vm9 =	vcmask $0x1F1C;
	vm6 =	vcmask $0x2320;
	vm5 =	vcmask $0x2724;
	s22 =	sadd.s32 $0x2DC780, s3;
	s24 =	sadd.s32 s13, s7;
	[dreg:$0x6] =	wrdreg s10  }
0xa: {  	vm0 =	vcmask $0x2B28;
	v1 =	vimm.s32 $0x3380;
	vm1 =	vcmask $0x2F2C;
	s23 =	sadd.s32 $0x3D0A00, s3;
	s11 =	sadd.s32 s13, s22;
	[dreg:$0x7] =	wrdreg s24  }
0xb: {  	vm2 =	vcmask $0x3330;
	vm3 =	vcmask $0x3734;
	vm4 =	vcmask $0x3B38;
	s25 =	sadd.s32 $0x4C4C80, s3;
	s26 =	sadd.s32 s13, s23;
	[dreg:$0x8] =	wrdreg s11  }
0xc: {  	v2 =	vimm.s32 $0x5380;
	v3 =	vimm.s32 $0x7380;
	v7 =	vimm.s32 $0x0;
	s28 =	sadd.s32 $0x5B8F00, s3;
	s12 =	sadd.s32 s13, s25;
	[dreg:$0x9] =	wrdreg s26  }
0xd: {  	v0 =	vsel vm14, $0x0, v0;
	v1 =	vsel vm14, $0x2000, v1;
	v2 =	vsel vm14, $0x4000, v2;
	s30 =	sadd.s32 $0x6AD180, s3;
	s29 =	sadd.s32 s13, s28;
	[dreg:$0xa] =	wrdreg s12  }
0xe: {  	v3 =	vsel vm14, $0x6000, v3;
	v0 =	vsel vm13, $0x80, v0;
	v1 =	vsel vm13, $0x2080, v1;
	s15 =	sadd.s32 s13, s30;
	[dreg:$0xb] =	wrdreg s29  }
0xf: {  	v2 =	vsel vm13, $0x4080, v2;
	v3 =	vsel vm13, $0x6080, v3;
	v0 =	vsel vm12, $0x100, v0;
	s17 =	sadd.s32 $0x7A14, s0;
	s31 =	sadd.s32 s14, s7;
	[dreg:$0xc] =	wrdreg s15  }
0x10: {  	v1 =	vsel vm12, $0x2100, v1;
	v2 =	vsel vm12, $0x4100, v2;
	v3 =	vsel vm12, $0x6100, v3;
	s2 =	sand.u32 $0x1FFF80, s17;
	s7 =	sadd.s32 s14, s23;
	[dreg:$0xe] =	wrdreg s31  }
0x11: {  	v0 =	vsel vm11, $0x180, v0;
	v1 =	vsel vm11, $0x2180, v1;
	v2 =	vsel vm11, $0x4180, v2;
	s4 =	smin.u32 s2, $0xF4240;
	s16 =	sadd.s32 s14, s28;
	[dreg:$0x10] =	wrdreg s7  }
0x12: {  	v3 =	vsel vm11, $0x6180, v3;
	v0 =	vsel vm10, $0x200, v0;
	v1 =	vsel vm10, $0x2200, v1;
	s17 =	sadd.s32 s14, s30;
	s23 =	sadd.s32 $0x1E8500, s13;
	[dreg:$0x12] =	wrdreg s16  }
0x13: {  	v2 =	vsel vm10, $0x4200, v2;
	v3 =	vsel vm10, $0x6200, v3;
	v0 =	vsel vm7, $0x280, v0;
	s28 =	sadd.s32 $0x3D0A00, s13;
	s30 =	sadd.s32 s14, s3;
	[dreg:$0x13] =	wrdreg s17  }
0x14: {  	v1 =	vsel vm7, $0x2280, v1;
	v2 =	vsel vm7, $0x4280, v2;
	v3 =	vsel vm7, $0x6280, v3;
	s0 =	ssub.s32 s4, s3;
	s15 =	sadd.s32 s14, s25;
	[dreg:$0x19] =	wrdreg s23  }
0x15: {  	v0 =	vsel vm8, $0x300, v0;
	v1 =	vsel vm8, $0x2300, v1;
	v2 =	vsel vm8, $0x4300, v2;
	s24 =	sadd.s32 $0x800, s19;
	s25 =	sadd.s32 $0x808, s19;
	[dreg:$0x1c] =	wrdreg s28  }
0x16: {  	v3 =	vsel vm8, $0x6300, v3;
	v0 =	vsel vm9, $0x380, v0;
	v1 =	vsel vm9, $0x2380, v1;
	s19 =	sadd.s32 $0xF4280, s13;
	s7 =	sadd.s32 $0x5B8F00, s13;
	[dreg:$0x1e] =	wrdreg s30  }
0x17: {  	v2 =	vsel vm9, $0x4380, v2;
	v3 =	vsel vm9, $0x6380, v3;
	s31 =	sadd.s32 $0xF4280, s14;
	s26 =	sadd.s32 $0x1E8500, s14;
	v0 =	vsel vm6, $0x1000, v0;
	[dreg:$0x11] =	wrdreg s15  }
0x18: {  	s29 =	sadd.s32 $0x2DC780, s14;
	s18 =	sadd.s32 $0x1FF, s0;
	v1 =	vsel vm6, $0x3000, v1;
	[dreg:$0x15] =	wrdreg s19;
	v2 =	vsel vm6, $0x5000, v2;
	v3 =	vsel vm6, $0x7000, v3  }
0x19: {  	s16 =	sadd.s32 $0x5B8F00, s14;
	[dreg:$0x1b] =	wrdreg s26;
	s5 =	sshra.s32 s18, $0x1F;
	v0 =	vsel vm5, $0x1080, v0;
	v1 =	vsel vm5, $0x3080, v1;
	v5 =	vsel vm5, $0x5080, v2  }
0x1a: {  	s17 =	sadd.s32 $0x6AD180, s14;
	[dreg:$0x1d] =	wrdreg s29;
	v3 =	vsel vm5, $0x7080, v3;
	v2 =	vmov s4;
	s6 =	sshrl.u32 s5, $0x17;
	v0 =	vsel vm0, $0x1100, v0  }
0x1b: {  	[dreg:$0x1a] =	wrdreg s31;
	v1 =	vsel vm0, $0x3100, v1;
	v5 =	vsel vm0, $0x5100, v5;
	v6 =	vsel vm0, $0x7100, v3;
	s2 =	sadd.s32 s6, s18;
	s6 =	sadd.s32 s14, s21  }
0x1c: {  	s0 =	sadd.s32 $0x6AD180, s13;
	v3 =	vlaneseq.u32;
	v0 =	vsel vm1, $0x1180, v0;
	s18 =	smax.u32 s1, $0x1;
	v1 =	vsel vm1, $0x3180, v1;
	[dreg:$0xd] =	wrdreg s6  }
0x1d: {  	s21 =	sadd.s32 $0x4C4C80, s13;
	v5 =	vsel vm1, $0x5180, v5;
	v6 =	vsel vm1, $0x7180, v6;
	v0 =	vsel vm2, $0x1200, v0;
	[dreg:$0x14] =	wrdreg s18  }
0x1e: {  	s15 =	sadd.s32 $0x4C4C80, s14;
	s2 =	sshra.s32 s2, $0x9;
	[dreg:$0x17] =	wrdreg s21;
	v4 =	vsel vm2, $0x3200, v1;
	v1 =	vmov s3;
	v5 =	vsel vm2, $0x5200, v5  }
0x1f: {  	s18 =	simm.s32 $0xB000;
	v6 =	vsel vm2, $0x7200, v6;
	v0 =	vsel vm3, $0x1280, v0;
	s9 =	sadd.s32 s5, s2;
	s2 =	sadd.s32 s14, s22;
	v4 =	vsel vm3, $0x3280, v4  }
0x20: {  	s22 =	sadd.s32 s13, s3;
	s13 =	sadd.s32 $0x3D0A00, s14;
	v5 =	vsel vm3, $0x5280, v5;
	v6 =	vsel vm3, $0x7280, v6;
	v0 =	vsel vm4, $0x1300, v0;
	[dreg:$0xf] =	wrdreg s2  }
0x21: {  	p0 =	sgt.s32 s9, $0x0;
	[dreg:$0x18] =	wrdreg s22;
	v4 =	vsel vm4, $0x3300, v4;
	v5 =	vsel vm4, $0x5300, v5;
	v6 =	vsel vm4, $0x7300, v6;
	s2 =	simm.s32 $0x0  }
.LBB2_1:
0x22: {  	[dreg:$0x1f] =	wrdreg s2  }
0x23: {  	s1 =	rddreg [dreg:$0x18]  }
0x24: {  	[tilespmem:s18], [sflag:$0x1] =	stream.linear.gather [hbm4b:s1+s8], $0x1000, $0x38;
	[tilespmem:$0x1C000] =	vst v63  }
0x25: {  	s2 =	rddreg [dreg:$0x6];
	s5 =	simm.s32 $0xC000  }
0x26: {  	[tilespmem:s5], [sflag:$0x1] =	stream.linear.gather [hbm4b:s2+s8], $0x1000, $0x38;
	[tilespmem:$0x1C000] =	vst v63  }
0x27: {  	s6 =	rddreg [dreg:$0x7];
	s10 =	simm.s32 $0xD000  }
0x28: {  	[tilespmem:s10], [sflag:$0x1] =	stream.linear.gather [hbm4b:s6+s8], $0x1000, $0x38;
	[tilespmem:$0x1C000] =	vst v63  }
0x29: {  	s11 =	rddreg [dreg:$0x8];
	s12 =	simm.s32 $0xE000  }
0x2a: {  	[tilespmem:s12], [sflag:$0x1] =	stream.linear.gather [hbm4b:s11+s8], $0x1000, $0x38;
	[tilespmem:$0x1C000] =	vst v63  }
0x2b: {  	s14 =	rddreg [dreg:$0x9];
	s19 =	simm.s32 $0xF000  }
0x2c: {  	[tilespmem:s19], [sflag:$0x1] =	stream.linear.gather [hbm4b:s14+s8], $0x1000, $0x38;
	[tilespmem:$0x1C000] =	vst v63  }
0x2d: {  	s20 =	rddreg [dreg:$0xa];
	s21 =	simm.s32 $0x10000  }
0x2e: {  	[tilespmem:s21], [sflag:$0x1] =	stream.linear.gather [hbm4b:s20+s8], $0x1000, $0x38;
	[tilespmem:$0x1C000] =	vst v63  }
0x2f: {  	s22 =	rddreg [dreg:$0xb];
	s23 =	simm.s32 $0x11000  }
0x30: {  	[tilespmem:s23], [sflag:$0x1] =	stream.linear.gather [hbm4b:s22+s8], $0x1000, $0x38;
	[tilespmem:$0x1C000] =	vst v63  }
0x31: {  	s26 =	rddreg [dreg:$0xc];
	s28 =	simm.s32 $0x12000  }
0x32: {  	[tilespmem:s28], [sflag:$0x1] =	stream.linear.gather [hbm4b:s26+s8], $0x1000, $0x38;
	[tilespmem:$0x1C000] =	vst v63  }
0x33: {  	s29 =	rddreg [dreg:$0x0];
	s30 =	simm.s32 $0x4  }
0x34: {  	[tilespmem:s8], [sflag:$0x4] =	stream.linear.gather [hbm4b:s29+s8], $0x4000, $0x38;
	[tilespmem:$0x1C000] =	vst v63  }
0x35: {  	_ =	swait.ge [sflag:s30], $0x4000  }
0x36: {  	[sflag:s30] =	ssyncset.done $0x0  }
0x37: {  	[sflag:s30] =	ssyncadd.s32 $0xFFFFC000  }
0x38: {  	s5 =	simm.s32 $0x4000;
	s31 =	rddreg [dreg:$0x1]  }
0x39: {  	[tilespmem:s5], [sflag:$0x4] =	stream.linear.gather [hbm4b:s31+s8], $0x4000, $0x38;
	[tilespmem:$0x1C000] =	vst v63  }
0x3a: {  	_ =	swait.ge [sflag:s30], $0x4000  }
0x3b: {  	[sflag:s30] =	ssyncset.done $0x0  }
0x3c: {  	[sflag:s30] =	ssyncadd.s32 $0xFFFFC000  }
0x3d: {  	v8 =	vld [tilespmem:s8+$0x0];
	_ =	sdelay $0x4  }
0x3e: {  	vm0 =	vge.s32 v8, v1;
	vm1 =	vlt.s32 v8, v2  }
0x3f: {  	vm0 =	vmand vm0, vm1  }
0x40: {  	v9 =	vmpcnt.ones.xlane vm0;
	_ =	sdelay $0x1  }
0x41: {  	(v2sf) =	vpush v9, $0x0;
	_ =	sdelay $0x4  }
0x42: {  	[tilespmem:s8+$0x8000] =	vst.msk vm0, v8;
	v8 =	vor.u32 s8, v3  }
0x43: {  	s5 =	simm.s32 $0x10;
	[tilespmem:s8+$0x8C00] =	vst.msk vm0, v8  }
0x44: {  	s6 =	simm.s32 $0x0;
	s14 =	simm.s32 $0x20;
	s19 =	simm.s32 $0x10;
	v8 =	vld [tilespmem:s5+$0x0]  }
.LBB2_2:
0x45: {  	p1 =	sne.s32 s14, $0x3FF0;
	_ =	sdelay $0x3  }
0x46: {  	vm0 =	vge.s32 v8, v1;
	vm1 =	vlt.s32 v8, v2  }
0x47: {  	vm0 =	vmand vm0, vm1  }
0x48: {  	v9 =	vmpcnt.ones.xlane vm0  }
0x49: {  	s20 =	spop (v2sf)  }
0x4a: {  	(v2sf) =	vpush v9, $0x0;
	s6 =	sadd.s32 s6, s20  }
0x4b: {  	v9 =	vor.u32 s5, v3;
	s5 =	smov.u32 s14;
	[tilespmem:s6+$0x8000] =	vst.msk vm0, v8  }
0x4c: {  	[tilespmem:s6+$0x8C00] =	vst.msk vm0, v9  }
.Ltmp0:
0x4d: {  	(pc) =	sbr.rel @p1 .LBB2_2-.Ltmp0, $3  }
0x4e: {  	_ =	sdelay $0x1  }
0x4f: {  	s19 =	sadd.s32 $0x10, s19  }
0x50: {  	s14 =	sadd.s32 $0x10, s14;
	v8 =	vld [tilespmem:s19+$0x0]  }
0x51: {  	_ =	sdelay $0x4  }
0x52: {  	vm0 =	vge.s32 v8, v1;
	vm1 =	vlt.s32 v8, v2  }
0x53: {  	vm0 =	vmand vm0, vm1  }
0x54: {  	v9 =	vmpcnt.ones.xlane vm0;
	s14 =	spop (v2sf)  }
0x55: {  	s6 =	sadd.s32 s6, s14  }
0x56: {  	(v2sf) =	vpush v9, $0x0;
	v9 =	vor.u32 s5, v3;
	[tilespmem:s6+$0x8000] =	vst.msk vm0, v8  }
0x57: {  	s31 =	simm.s32 $0x4000;
	[tilespmem:s6+$0x8C00] =	vst.msk vm0, v9  }
0x58: {  	v8 =	vld [tilespmem:s31+$0x0];
	_ =	sdelay $0x4  }
0x59: {  	vm14 =	vge.s32 v8, v1;
	vm15 =	vlt.s32 v8, v2  }
0x5a: {  	vm0 =	vmand vm14, vm15  }
0x5b: {  	v9 =	vmpcnt.ones.xlane vm0;
	_ =	sdelay $0x1  }
0x5c: {  	(v2sf) =	vpush v9, $0x0;
	_ =	sdelay $0x3  }
0x5d: {  	s5 =	simm.s32 $0x0  }
0x5e: {  	[tilespmem:s5+$0x9800] =	vst.msk vm0, v8;
	v8 =	vor.u32 s5, v3  }
0x5f: {  	s14 =	simm.s32 $0x4010;
	[tilespmem:s5+$0xA400] =	vst.msk vm0, v8;
	s19 =	spop (v2sf)  }
0x60: {  	v8 =	vld [tilespmem:s14+$0x0];
	s23 =	sadd.s32 s6, s19;
	s6 =	simm.s32 $0x10;
	s19 =	simm.s32 $0x20  }
.LBB2_4:
0x61: {  	p1 =	sne.s32 s19, $0x3FF0;
	_ =	sdelay $0x3  }
0x62: {  	vm0 =	vge.s32 v8, v1;
	vm1 =	vlt.s32 v8, v2  }
0x63: {  	vm0 =	vmand vm0, vm1  }
0x64: {  	v9 =	vmpcnt.ones.xlane vm0  }
0x65: {  	s20 =	spop (v2sf)  }
0x66: {  	(v2sf) =	vpush v9, $0x0;
	s5 =	sadd.s32 s5, s20  }
0x67: {  	v9 =	vor.u32 s6, v3;
	s6 =	smov.u32 s19;
	[tilespmem:s5+$0x9800] =	vst.msk vm0, v8  }
0x68: {  	[tilespmem:s5+$0xA400] =	vst.msk vm0, v9  }
.Ltmp1:
0x69: {  	(pc) =	sbr.rel @p1 .LBB2_4-.Ltmp1, $3  }
0x6a: {  	_ =	sdelay $0x1  }
0x6b: {  	s14 =	sadd.s32 $0x10, s14  }
0x6c: {  	s19 =	sadd.s32 $0x10, s19;
	v8 =	vld [tilespmem:s14+$0x0]  }
0x6d: {  	_ =	sdelay $0x3  }
0x6e: {  	vm0 =	vge.s32 v8, v1;
	vm1 =	vlt.s32 v8, v2  }
0x6f: {  	vm0 =	vmand vm0, vm1  }
0x70: {  	v9 =	vmpcnt.ones.xlane vm0;
	_ =	sdelay $0x1  }
0x71: {  	(v2sf) =	vpush v9, $0x0;
	_ =	sdelay $0xb  }
.Ltmp2:
0x72: {  	_ = 	snop;
	(pc) =	sbr.rel @!p0 .LBB2_14-.Ltmp2, $4  }
0x73: {  	s14 =	spop (v2sf)  }
0x74: {  	s5 =	sadd.s32 s5, s14  }
0x75: {  	v63 =	vor.u32 s6, v3;
	[tilespmem:s5+$0x9800] =	vst.msk vm0, v8;
	s31 =	spop (v2sf)  }
0x76: {  	s22 =	simm.s32 $0x0;
	s6 =	simm.s32 $0x0;
	[tilespmem:s5+$0xA400] =	vst.msk vm0, v63;
	s21 =	sadd.s32 s5, s31  }
0x77: {  	s5 =	sadd.s32 $0xF, s23  }
0x78: {  	s6 =	sand.u32 $0xF, s5;
	s14 =	sshra.s32 s5, $0x1F  }
.Ltmp3:
0x79: {  	p1 =	slt.s32 s5, $0x1;
	p2 =	sne.s32 s6, $0x0;
	(pc) =	sbr.rel .LBB2_8-.Ltmp3, $4  }
0x7a: {  	s30 =	sshrl.u32 s14, $0x1C;
	p1 =	por !p1, !p2  }
0x7b: {  	s6 =	simm.s32 $0x1;
	s5 =	sadd.s32 s30, s5;
	p1 =	por !p1, !p1  }
0x7c: {  	s5 =	sshra.s32 s5, $0x4;
	s6 =	simm.s32 @!p1 $0x0  }
0x7d: {  	s31 =	simm.s32 $0x0;
	s26 =	ssub.s32 s5, s6;
	s6 =	simm.s32 $0x0  }
.LBB2_7:
0x7e: {  	p1 =	seq.s32 s31, s9  }
.Ltmp4:
0x7f: {  	_ = 	snop;
	(pc) =	sbr.rel @p1 .LBB2_14-.Ltmp4, $1  }
0x80: {  	_ =	sdelay $0x3  }
.LBB2_8:
0x81: {  	s14 =	smov.u32 s31;
	s31 =	sadd.s32 $0x1, s31  }
0x82: {  	p1 =	sge.s32 s31, s9  }
0x83: {  	s5 =	sshll.u32 @!p1 s31, $0x9  }
0x84: {  	s19 =	sadd.s32 @!p1 s3, s5  }
0x85: {  	p2 =	slt.s32 @!p1 s19, $0xF4080  }
0x86: {  	s5 =	sand.u32 $0x1, s14;
	p3 =	por !p2, p1  }
0x87: {  	s1 =	rddreg [dreg:$0x2];
	p2 =	seq.s32 @!p1 s5, $0x0;
	s19 =	simm.s32 @p3 $0xF4080  }
0x88: {  	p3 =	por !p2, p1;
	s20 =	sadd.s32 @!p1 s1, s19  }
0x89: {  	s28 =	simm.s32 @!p3 $0x0;
	s29 =	simm.s32 @!p3 $0x13000;
	s1 =	rddreg [dreg:$0x15]  }
0x8a: {  	[tilespmem:s29], [sflag:$0x2] =	stream.linear.gather @!p3 [hbm4b:s20+s28], $0x1000, $0x38;
	[tilespmem:$0x1C000] =	vst v63  }
0x8b: {  	s30 =	simm.s32 @!p3 $0x14000;
	s29 =	sadd.s32 @!p1 s19, s1;
	s1 =	rddreg [dreg:$0x19]  }
0x8c: {  	[tilespmem:s30], [sflag:$0x2] =	stream.linear.gather @!p3 [hbm4b:s29+s28], $0x1000, $0x38;
	[tilespmem:$0x1C000] =	vst v63  }
0x8d: {  	s30 =	sadd.s32 @!p1 s19, s1;
	s1 =	simm.s32 @!p3 $0x15000  }
0x8e: {  	[tilespmem:s1], [sflag:$0x2] =	stream.linear.gather @!p3 [hbm4b:s30+s28], $0x1000, $0x38;
	[tilespmem:$0x1C000] =	vst v63  }
0x8f: {  	s1 =	rddreg [dreg:$0x16]  }
0x90: {  	s2 =	simm.s32 @!p3 $0x16000;
	s1 =	sadd.s32 @!p1 s19, s1  }
0x91: {  	[tilespmem:s2], [sflag:$0x2] =	stream.linear.gather @!p3 [hbm4b:s1+s28], $0x1000, $0x38;
	[tilespmem:$0x1C000] =	vst v63  }
0x92: {  	s2 =	rddreg [dreg:$0x1c]  }
0x93: {  	s10 =	simm.s32 @!p3 $0x17000;
	s2 =	sadd.s32 @!p1 s19, s2  }
0x94: {  	[tilespmem:s10], [sflag:$0x2] =	stream.linear.gather @!p3 [hbm4b:s2+s28], $0x1000, $0x38;
	[tilespmem:$0x1C000] =	vst v63  }
0x95: {  	s10 =	rddreg [dreg:$0x17]  }
0x96: {  	s11 =	simm.s32 @!p3 $0x18000;
	s10 =	sadd.s32 @!p1 s19, s10  }
0x97: {  	[tilespmem:s11], [sflag:$0x2] =	stream.linear.gather @!p3 [hbm4b:s10+s28], $0x1000, $0x38;
	[tilespmem:$0x1C000] =	vst v63  }
0x98: {  	s12 =	simm.s32 @!p3 $0x19000;
	s11 =	sadd.s32 @!p3 s19, s7  }
0x99: {  	[tilespmem:s12], [sflag:$0x2] =	stream.linear.gather @!p3 [hbm4b:s11+s28], $0x1000, $0x38;
	[tilespmem:$0x1C000] =	vst v63  }
0x9a: {  	p1 =	por p2, p1;
	s11 =	sadd.s32 @!p3 s19, s0;
	s12 =	simm.s32 @!p3 $0x1A000  }
0x9b: {  	[tilespmem:s12], [sflag:$0x2] =	stream.linear.gather @!p3 [hbm4b:s11+s28], $0x1000, $0x38;
	[tilespmem:$0x1C000] =	vst v63  }
0x9c: {  	s11 =	simm.s32 @!p1 $0x0;
	s12 =	simm.s32 @!p1 $0xB000  }
0x9d: {  	[tilespmem:s12], [sflag:$0x1] =	stream.linear.gather @!p1 [hbm4b:s20+s11], $0x1000, $0x38;
	[tilespmem:$0x1C000] =	vst v63  }
0x9e: {  	s12 =	simm.s32 @!p1 $0xC000  }
0x9f: {  	[tilespmem:s12], [sflag:$0x1] =	stream.linear.gather @!p1 [hbm4b:s29+s11], $0x1000, $0x38;
	[tilespmem:$0x1C000] =	vst v63  }
0xa0: {  	s12 =	simm.s32 @!p1 $0xD000  }
0xa1: {  	[tilespmem:s12], [sflag:$0x1] =	stream.linear.gather @!p1 [hbm4b:s30+s11], $0x1000, $0x38;
	[tilespmem:$0x1C000] =	vst v63  }
0xa2: {  	s12 =	simm.s32 @!p1 $0xE000  }
0xa3: {  	[tilespmem:s12], [sflag:$0x1] =	stream.linear.gather @!p1 [hbm4b:s1+s11], $0x1000, $0x38;
	[tilespmem:$0x1C000] =	vst v63  }
0xa4: {  	s1 =	simm.s32 @!p1 $0xF000  }
0xa5: {  	[tilespmem:s1], [sflag:$0x1] =	stream.linear.gather @!p1 [hbm4b:s2+s11], $0x1000, $0x38;
	[tilespmem:$0x1C000] =	vst v63  }
0xa6: {  	s1 =	simm.s32 @!p1 $0x10000  }
0xa7: {  	[tilespmem:s1], [sflag:$0x1] =	stream.linear.gather @!p1 [hbm4b:s10+s11], $0x1000, $0x38;
	[tilespmem:$0x1C000] =	vst v63  }
0xa8: {  	s2 =	simm.s32 @!p1 $0x11000;
	s1 =	sadd.s32 @!p1 s19, s7  }
0xa9: {  	[tilespmem:s2], [sflag:$0x1] =	stream.linear.gather @!p1 [hbm4b:s1+s11], $0x1000, $0x38;
	[tilespmem:$0x1C000] =	vst v63  }
0xaa: {  	s1 =	sadd.s32 @!p1 s19, s0;
	s2 =	simm.s32 @!p1 $0x12000  }
0xab: {  	[tilespmem:s2], [sflag:$0x1] =	stream.linear.gather @!p1 [hbm4b:s1+s11], $0x1000, $0x38;
	[tilespmem:$0x1C000] =	vst v63  }
0xac: {  	p1 =	seq.s32 s5, $0x1;
	s1 =	simm.s32 $0x2  }
0xad: {  	s1 =	simm.s32 @!p1 $0x1;
	p1 =	slt.s32 s26, $0x1  }
.Ltmp5:
0xae: {  	_ = 	snop;
	(pc) =	sbr.rel @p1 .LBB2_7-.Ltmp5, $4  }
0xaf: {  	_ = 	snop  }
0xb0: {  	_ =	swait.ge [sflag:s1], $0x8000  }
0xb1: {  	[sflag:s1] =	ssyncset.done $0x0  }
0xb2: {  	[sflag:s1] =	ssyncadd.s32 $0xFFFF8000  }
0xb3: {  	s1 =	sshll.u32 s14, $0x9  }
.Ltmp6:
0xb4: {  	s19 =	sadd.s32 s3, s1;
	(pc) =	sbr.rel .LBB2_10-.Ltmp6, $4  }
0xb5: {  	s1 =	sadd.s32 $0x200, s19  }
0xb6: {  	s2 =	smov.u32 s4;
	s30 =	sshll.u32 s5, $0xF;
	p1 =	slt.s32 s1, s4  }
0xb7: {  	v10 =	vor.u32 s30, v0;
	v11 =	vor.u32 s30, v4;
	v12 =	vor.u32 s30, v5;
	s2 =	smov.u32 @p1 s1;
	p1 =	slt.s32 s19, $0xF4080  }
0xb8: {  	s14 =	simm.s32 $0x0;
	v13 =	vor.u32 s30, v6;
	v8 =	vmov s19;
	v9 =	vmov s2;
	s19 =	simm.s32 @!p1 $0xF4080  }
.LBB2_13:
0xb9: {  	s14 =	sadd.s32 $0x1, s14  }
0xba: {  	p1 =	seq.s32 s14, s26  }
.Ltmp7:
0xbb: {  	_ = 	snop;
	(pc) =	sbr.rel @p1 .LBB2_7-.Ltmp7, $2  }
0xbc: {  	_ =	sdelay $0x2  }
0xbd: {  	s6 =	sadd.s32 s6, s5  }
.LBB2_10:
0xbe: {  	s1 =	sshll.u32 s14, $0x4  }
0xbf: {  	v14 =	vld [tilespmem:s1+$0x8000];
	_ =	sdelay $0x3  }
0xc0: {  	s2 =	ssub.s32 s23, s1  }
0xc1: {  	v15 =	vmov s2;
	vm0 =	vge.s32 v14, v8;
	vm1 =	vlt.s32 v14, v9  }
0xc2: {  	vm2 =	vgt.s32 v15, v3;
	vm0 =	vmand vm0, vm1  }
0xc3: {  	vm0 =	vmand vm2, vm0  }
0xc4: {  	v15 =	vmpcnt.ones.xlane vm0;
	_ =	sdelay $0x1  }
0xc5: {  	(v2sf) =	vpush v15, $0x0;
	_ =	sdelay $0xd  }
0xc6: {  	v15 =	vsel vm0, $0x1, v7  }
0xc7: {  	(xrf0) =	vadd.scan.msk.s32 $0xffff, v15;
	s5 =	spop (v2sf)  }
0xc8: {  	p1 =	slt.s32 s5, $0x1  }
.Ltmp8:
0xc9: {  	_ = 	snop;
	(pc) =	sbr.rel @p1 .LBB2_13-.Ltmp8, $2  }
0xca: {  	_ =	sdelay $0x2  }
0xcb: {  	v15 =	vld [tilespmem:s1+$0x8C00];
	v16, _, _ =	vpop (xrf0)  }
0xcc: {  	v17 =	vmov s6  }
0xcd: {  	v17 =	vadd.s32 $0x3F, v17  }
0xce: {  	v17 =	vbroadcast v17, $0x0;
	_ =	sdelay $0x1  }
0xcf: {  	v16 =	vadd.s32 v16, v17  }
0xd0: {  	s20 =	smov.u32 s6;
	v16 =	vand.u32 $0x3F, v16  }
.LBB2_12:
0xd1: {  	v17 =	vmctz.xlane vm0;
	_ =	sdelay $0x1  }
0xd2: {  	v17 =	vbroadcast v17, $0x0;
	_ =	sdelay $0x1  }
0xd3: {  	v18 =	vshrl.u32 v17, $0x1B  }
0xd4: {  	v18 =	vand.u32 $0x10, v18  }
0xd5: {  	v18 =	vadd.s32 v17, v18  }
0xd6: {  	v19 =	vperm.xlane v14, v18;
	_ =	sdelay $0x1  }
0xd7: {  	(v2sf) =	vpush v19, $0x0;
	_ =	sdelay $0x8  }
0xd8: {  	v19 =	vperm.xlane v15, v18  }
0xd9: {  	v18 =	vperm.xlane v16, v18  }
0xda: {  	(v2sf) =	vpush v19, $0x0  }
0xdb: {  	(v2sf) =	vpush v18, $0x0;
	_ =	sdelay $0x2  }
0xdc: {  	s1 =	spop (v2sf)  }
0xdd: {  	s1 =	ssub.s32 s1, s19  }
0xde: {  	v18 =	vmov s1  }
0xdf: {  	v19 =	vand.u32 $0x7F, v18;
	v18 =	vshll.u32 v18, $0x3  }
0xe0: {  	v18 =	vand.u32 $0xFFFFFC00, v18;
	v20 =	vor.u32 v19, v10  }
0xe1: {  	v20 =	vadd.s32 v18, v20;
	_ =	sdelay $0x4  }
0xe2: {  	v21 =	vor.u32 v19, v11;
	v20 =	vld.idx.msk [tilespmem:v20+s18+$0x0], $0xffff  }
0xe3: {  	s29 =	spop (v2sf);
	v21 =	vadd.s32 v18, v21  }
0xe4: {  	s2 =	spop (v2sf)  }
0xe5: {  	s2 =	sshll.u32 s2, $0x8  }
0xe6: {  	s2 =	sshra.s32 s2, $0x2  }
0xe7: {  	[tilespmem:s2+$0x1B000] =	vst v20  }
0xe8: {  	v63 =	vor.u32 v19, v12;
	v20 =	vld.idx.msk [tilespmem:v21+s18+$0x0], $0xffff  }
0xe9: {  	v21 =	vadd.s32 v18, v63;
	_ =	sdelay $0x3  }
0xea: {  	[tilespmem:s2+$0x1B010] =	vst v20  }
0xeb: {  	v19 =	vor.u32 v19, v13;
	v20 =	vld.idx.msk [tilespmem:v21+s18+$0x0], $0xffff  }
0xec: {  	v18 =	vadd.s32 v18, v19;
	_ =	sdelay $0x3  }
0xed: {  	[tilespmem:s2+$0x1B020] =	vst v20  }
0xee: {  	v18 =	vld.idx.msk [tilespmem:v18+s18+$0x0], $0xffff;
	_ =	sdelay $0x2  }
0xef: {  	vm1 =	vne.s32 v17, v3  }
0xf0: {  	p1 =	slt.s32 s20, $0x40;
	vm0 =	vmand vm0, vm1  }
0xf1: {  	s10 =	simm.s32 @!p1 $0x3;
	v17 =	vmpcnt.ones.xlane vm0;
	[tilespmem:s2+$0x1B030] =	vst v18  }
0xf2: {  	_ =	swait.ge @!p1 [sflag:s10], $0x40  }
0xf3: {  	(v2sf) =	vpush v17, $0x0;
	_ =	sdelay $0xe  }
0xf4: {  	[sflag:s10] =	ssyncset.done @!p1 $0x0;
	s30 =	spop (v2sf)  }
0xf5: {  	[sflag:s10] =	ssyncadd.s32 @!p1 $0xFFFFFFC0;
	p1 =	sgt.s32 s30, $0x0  }
.Ltmp9:
0xf6: {  	_ = 	snop;
	(pc) =	sbr.rel @p1 .LBB2_12-.Ltmp9, $4  }
0xf7: {  	s1 =	sshll.u32 s29, $0x4  }
0xf8: {  	s1 =	sand.u32 $0x1FFFFFF0, s1  }
0xf9: {  	s20 =	sadd.s32 $0x1, s20;
	s1 =	sadd.s32 s24, s1;
	s2 =	sadd.s32 $0x1B000, s2  }
0xfa: {  	[hbm4b:s1+s8] =	stream.linear.scatter [tilespmem:s2], [sflag:$0x3], $0x40, $0x38;
	[tilespmem:$0x1C000] =	vst v63  }
.Ltmp10:
0xfb: {  	_ = 	snop;
	(pc) =	sbr.rel .LBB2_13-.Ltmp10, $1  }
0xfc: {  	_ =	sdelay $0x3  }
.LBB2_14:
0xfd: {  	s1 =	rddreg [dreg:$0x1e]  }
0xfe: {  	[tilespmem:s18], [sflag:$0x1] =	stream.linear.gather [hbm4b:s1+s22], $0x1000, $0x38;
	[tilespmem:$0x1C000] =	vst v63  }
0xff: {  	s5 =	rddreg [dreg:$0xd];
	s2 =	simm.s32 $0xC000  }
0x100: {  	[tilespmem:s2], [sflag:$0x1] =	stream.linear.gather [hbm4b:s5+s22], $0x1000, $0x38;
	[tilespmem:$0x1C000] =	vst v63  }
0x101: {  	s10 =	rddreg [dreg:$0xe];
	s11 =	simm.s32 $0xD000  }
0x102: {  	[tilespmem:s11], [sflag:$0x1] =	stream.linear.gather [hbm4b:s10+s22], $0x1000, $0x38;
	[tilespmem:$0x1C000] =	vst v63  }
0x103: {  	s12 =	rddreg [dreg:$0xf];
	s14 =	simm.s32 $0xE000  }
0x104: {  	[tilespmem:s14], [sflag:$0x1] =	stream.linear.gather [hbm4b:s12+s22], $0x1000, $0x38;
	[tilespmem:$0x1C000] =	vst v63  }
0x105: {  	s19 =	rddreg [dreg:$0x10];
	s20 =	simm.s32 $0xF000  }
0x106: {  	[tilespmem:s20], [sflag:$0x1] =	stream.linear.gather [hbm4b:s19+s22], $0x1000, $0x38;
	[tilespmem:$0x1C000] =	vst v63  }
0x107: {  	s23 =	rddreg [dreg:$0x11];
	s26 =	simm.s32 $0x10000  }
0x108: {  	[tilespmem:s26], [sflag:$0x1] =	stream.linear.gather [hbm4b:s23+s22], $0x1000, $0x38;
	[tilespmem:$0x1C000] =	vst v63  }
.Ltmp11:
0x109: {  	_ = 	snop;
	(pc) =	sbr.rel @!p0 .LBB2_23-.Ltmp11, $4  }
0x10a: {  	s28 =	rddreg [dreg:$0x12];
	s29 =	simm.s32 $0x11000  }
0x10b: {  	[tilespmem:s29], [sflag:$0x1] =	stream.linear.gather [hbm4b:s28+s22], $0x1000, $0x38;
	[tilespmem:$0x1C000] =	vst v63  }
0x10c: {  	s30 =	rddreg [dreg:$0x13];
	s31 =	simm.s32 $0x12000  }
0x10d: {  	[tilespmem:s31], [sflag:$0x1] =	stream.linear.gather [hbm4b:s30+s22], $0x1000, $0x38;
	[tilespmem:$0x1C000] =	vst v63  }
0x10e: {  	s1 =	sadd.s32 $0xF, s21  }
0x10f: {  	s2 =	sand.u32 $0xF, s1;
	s5 =	sshra.s32 s1, $0x1F  }
.Ltmp12:
0x110: {  	p1 =	slt.s32 s1, $0x1;
	p2 =	sne.s32 s2, $0x0;
	(pc) =	sbr.rel .LBB2_17-.Ltmp12, $4  }
0x111: {  	s29 =	sshrl.u32 s5, $0x1C;
	p1 =	por !p1, !p2  }
0x112: {  	s2 =	simm.s32 $0x1;
	s1 =	sadd.s32 s29, s1;
	p1 =	por !p1, !p1  }
0x113: {  	s30 =	rddreg [dreg:$0x3];
	s1 =	sshra.s32 s1, $0x4;
	s2 =	simm.s32 @!p1 $0x0  }
0x114: {  	s31 =	rddreg [dreg:$0x1a];
	s23 =	ssub.s32 s1, s2  }
.LBB2_16:
0x115: {  	p1 =	sne.s32 s22, s9  }
.Ltmp13:
0x116: {  	_ = 	snop;
	(pc) =	sbr.rel @!p1 .LBB2_23-.Ltmp13, $1  }
0x117: {  	_ =	sdelay $0x3  }
.LBB2_17:
0x118: {  	s14 =	smov.u32 s22;
	s22 =	sadd.s32 $0x1, s22  }
0x119: {  	p1 =	sge.s32 s22, s9  }
0x11a: {  	s1 =	sshll.u32 @!p1 s22, $0x9  }
0x11b: {  	s1 =	sadd.s32 @!p1 s3, s1  }
0x11c: {  	s5 =	sand.u32 $0x1, s14;
	p2 =	slt.s32 @!p1 s1, $0xF4080  }
0x11d: {  	p3 =	por !p2, p1;
	p2 =	seq.s32 @!p1 s5, $0x0  }
0x11e: {  	s1 =	simm.s32 @p3 $0xF4080;
	p3 =	por !p2, p1  }
0x11f: {  	s2 =	sadd.s32 @!p1 s30, s1;
	s10 =	simm.s32 @!p3 $0x0;
	s11 =	simm.s32 @!p3 $0x13000  }
0x120: {  	[tilespmem:s11], [sflag:$0x2] =	stream.linear.gather @!p3 [hbm4b:s2+s10], $0x1000, $0x38;
	[tilespmem:$0x1C000] =	vst v63  }
0x121: {  	s12 =	simm.s32 @!p3 $0x14000;
	s11 =	sadd.s32 @!p1 s1, s31  }
0x122: {  	[tilespmem:s12], [sflag:$0x2] =	stream.linear.gather @!p3 [hbm4b:s11+s10], $0x1000, $0x38;
	[tilespmem:$0x1C000] =	vst v63  }
0x123: {  	s12 =	rddreg [dreg:$0x1b]  }
0x124: {  	s19 =	simm.s32 @!p3 $0x15000;
	s12 =	sadd.s32 @!p1 s1, s12  }
0x125: {  	[tilespmem:s19], [sflag:$0x2] =	stream.linear.gather @!p3 [hbm4b:s12+s10], $0x1000, $0x38;
	[tilespmem:$0x1C000] =	vst v63  }
0x126: {  	s19 =	rddreg [dreg:$0x1d]  }
0x127: {  	s20 =	simm.s32 @!p3 $0x16000;
	s19 =	sadd.s32 @!p1 s1, s19  }
0x128: {  	[tilespmem:s20], [sflag:$0x2] =	stream.linear.gather @!p3 [hbm4b:s19+s10], $0x1000, $0x38;
	[tilespmem:$0x1C000] =	vst v63  }
0x129: {  	s26 =	simm.s32 @!p3 $0x17000;
	s20 =	sadd.s32 @!p1 s1, s13  }
0x12a: {  	[tilespmem:s26], [sflag:$0x2] =	stream.linear.gather @!p3 [hbm4b:s20+s10], $0x1000, $0x38;
	[tilespmem:$0x1C000] =	vst v63  }
0x12b: {  	s28 =	simm.s32 @!p3 $0x18000;
	s26 =	sadd.s32 @!p1 s1, s15  }
0x12c: {  	[tilespmem:s28], [sflag:$0x2] =	stream.linear.gather @!p3 [hbm4b:s26+s10], $0x1000, $0x38;
	[tilespmem:$0x1C000] =	vst v63  }
0x12d: {  	s29 =	simm.s32 @!p3 $0x19000;
	s28 =	sadd.s32 @!p3 s1, s16  }
0x12e: {  	[tilespmem:s29], [sflag:$0x2] =	stream.linear.gather @!p3 [hbm4b:s28+s10], $0x1000, $0x38;
	[tilespmem:$0x1C000] =	vst v63  }
0x12f: {  	p1 =	por p2, p1;
	s28 =	sadd.s32 @!p3 s1, s17;
	s29 =	simm.s32 @!p3 $0x1A000  }
0x130: {  	[tilespmem:s29], [sflag:$0x2] =	stream.linear.gather @!p3 [hbm4b:s28+s10], $0x1000, $0x38;
	[tilespmem:$0x1C000] =	vst v63  }
0x131: {  	s10 =	simm.s32 @!p1 $0x0;
	s28 =	simm.s32 @!p1 $0xB000  }
0x132: {  	[tilespmem:s28], [sflag:$0x1] =	stream.linear.gather @!p1 [hbm4b:s2+s10], $0x1000, $0x38;
	[tilespmem:$0x1C000] =	vst v63  }
0x133: {  	s2 =	simm.s32 @!p1 $0xC000  }
0x134: {  	[tilespmem:s2], [sflag:$0x1] =	stream.linear.gather @!p1 [hbm4b:s11+s10], $0x1000, $0x38;
	[tilespmem:$0x1C000] =	vst v63  }
0x135: {  	s2 =	simm.s32 @!p1 $0xD000  }
0x136: {  	[tilespmem:s2], [sflag:$0x1] =	stream.linear.gather @!p1 [hbm4b:s12+s10], $0x1000, $0x38;
	[tilespmem:$0x1C000] =	vst v63  }
0x137: {  	s2 =	simm.s32 @!p1 $0xE000  }
0x138: {  	[tilespmem:s2], [sflag:$0x1] =	stream.linear.gather @!p1 [hbm4b:s19+s10], $0x1000, $0x38;
	[tilespmem:$0x1C000] =	vst v63  }
0x139: {  	s2 =	simm.s32 @!p1 $0xF000  }
0x13a: {  	[tilespmem:s2], [sflag:$0x1] =	stream.linear.gather @!p1 [hbm4b:s20+s10], $0x1000, $0x38;
	[tilespmem:$0x1C000] =	vst v63  }
0x13b: {  	s2 =	simm.s32 @!p1 $0x10000  }
0x13c: {  	[tilespmem:s2], [sflag:$0x1] =	stream.linear.gather @!p1 [hbm4b:s26+s10], $0x1000, $0x38;
	[tilespmem:$0x1C000] =	vst v63  }
0x13d: {  	s11 =	simm.s32 @!p1 $0x11000;
	s2 =	sadd.s32 @!p1 s1, s16  }
0x13e: {  	[tilespmem:s11], [sflag:$0x1] =	stream.linear.gather @!p1 [hbm4b:s2+s10], $0x1000, $0x38;
	[tilespmem:$0x1C000] =	vst v63  }
0x13f: {  	s1 =	sadd.s32 @!p1 s1, s17;
	s2 =	simm.s32 @!p1 $0x12000  }
0x140: {  	[tilespmem:s2], [sflag:$0x1] =	stream.linear.gather @!p1 [hbm4b:s1+s10], $0x1000, $0x38;
	[tilespmem:$0x1C000] =	vst v63  }
0x141: {  	p1 =	seq.s32 s5, $0x1;
	s1 =	simm.s32 $0x2  }
0x142: {  	s1 =	simm.s32 @!p1 $0x1;
	p1 =	slt.s32 s23, $0x1  }
.Ltmp14:
0x143: {  	_ = 	snop;
	(pc) =	sbr.rel @p1 .LBB2_16-.Ltmp14, $4  }
0x144: {  	_ = 	snop  }
0x145: {  	_ =	swait.ge [sflag:s1], $0x8000  }
0x146: {  	[sflag:s1] =	ssyncset.done $0x0  }
0x147: {  	[sflag:s1] =	ssyncadd.s32 $0xFFFF8000  }
0x148: {  	s1 =	sshll.u32 s14, $0x9  }
.Ltmp15:
0x149: {  	s19 =	sadd.s32 s3, s1;
	(pc) =	sbr.rel .LBB2_19-.Ltmp15, $4  }
0x14a: {  	s1 =	sadd.s32 $0x200, s19  }
0x14b: {  	s2 =	smov.u32 s4;
	s29 =	sshll.u32 s5, $0xF;
	p1 =	slt.s32 s1, s4  }
0x14c: {  	v10 =	vor.u32 s29, v0;
	v11 =	vor.u32 s29, v4;
	v12 =	vor.u32 s29, v5;
	s2 =	smov.u32 @p1 s1;
	p1 =	slt.s32 s19, $0xF4080  }
0x14d: {  	s14 =	simm.s32 $0x0;
	v13 =	vor.u32 s29, v6;
	v8 =	vmov s19;
	v9 =	vmov s2;
	s19 =	simm.s32 @!p1 $0xF4080  }
.LBB2_22:
0x14e: {  	s14 =	sadd.s32 $0x1, s14  }
0x14f: {  	p1 =	seq.s32 s14, s23  }
.Ltmp16:
0x150: {  	_ = 	snop;
	(pc) =	sbr.rel @p1 .LBB2_16-.Ltmp16, $2  }
0x151: {  	_ =	sdelay $0x2  }
0x152: {  	s6 =	sadd.s32 s6, s5  }
.LBB2_19:
0x153: {  	s1 =	sshll.u32 s14, $0x4  }
0x154: {  	v14 =	vld [tilespmem:s1+$0x9800];
	_ =	sdelay $0x3  }
0x155: {  	s2 =	ssub.s32 s21, s1  }
0x156: {  	v15 =	vmov s2;
	vm0 =	vge.s32 v14, v8;
	vm1 =	vlt.s32 v14, v9  }
0x157: {  	vm2 =	vgt.s32 v15, v3;
	vm0 =	vmand vm0, vm1  }
0x158: {  	vm0 =	vmand vm2, vm0  }
0x159: {  	v15 =	vmpcnt.ones.xlane vm0;
	_ =	sdelay $0x1  }
0x15a: {  	(v2sf) =	vpush v15, $0x0;
	_ =	sdelay $0xd  }
0x15b: {  	v15 =	vsel vm0, $0x1, v7  }
0x15c: {  	(xrf0) =	vadd.scan.msk.s32 $0xffff, v15;
	s5 =	spop (v2sf)  }
0x15d: {  	p1 =	slt.s32 s5, $0x1  }
.Ltmp17:
0x15e: {  	_ = 	snop;
	(pc) =	sbr.rel @p1 .LBB2_22-.Ltmp17, $2  }
0x15f: {  	_ =	sdelay $0x2  }
0x160: {  	v15 =	vld [tilespmem:s1+$0xA400];
	v16, _, _ =	vpop (xrf0)  }
0x161: {  	v17 =	vmov s6  }
0x162: {  	v17 =	vadd.s32 $0x3F, v17  }
0x163: {  	v17 =	vbroadcast v17, $0x0;
	_ =	sdelay $0x1  }
0x164: {  	v16 =	vadd.s32 v16, v17  }
0x165: {  	s20 =	smov.u32 s6;
	v16 =	vand.u32 $0x3F, v16  }
.LBB2_21:
0x166: {  	v17 =	vmctz.xlane vm0;
	_ =	sdelay $0x1  }
0x167: {  	v17 =	vbroadcast v17, $0x0;
	_ =	sdelay $0x1  }
0x168: {  	v18 =	vshrl.u32 v17, $0x1B  }
0x169: {  	v18 =	vand.u32 $0x10, v18  }
0x16a: {  	v18 =	vadd.s32 v17, v18  }
0x16b: {  	v19 =	vperm.xlane v14, v18;
	_ =	sdelay $0x1  }
0x16c: {  	(v2sf) =	vpush v19, $0x0;
	_ =	sdelay $0x8  }
0x16d: {  	v19 =	vperm.xlane v15, v18  }
0x16e: {  	v18 =	vperm.xlane v16, v18  }
0x16f: {  	(v2sf) =	vpush v19, $0x0  }
0x170: {  	(v2sf) =	vpush v18, $0x0;
	_ =	sdelay $0x2  }
0x171: {  	s1 =	spop (v2sf)  }
0x172: {  	s1 =	ssub.s32 s1, s19  }
0x173: {  	v18 =	vmov s1  }
0x174: {  	v19 =	vand.u32 $0x7F, v18;
	v18 =	vshll.u32 v18, $0x3  }
0x175: {  	v18 =	vand.u32 $0xFFFFFC00, v18;
	v20 =	vor.u32 v19, v10  }
0x176: {  	v20 =	vadd.s32 v18, v20;
	_ =	sdelay $0x4  }
0x177: {  	v21 =	vor.u32 v19, v11;
	v20 =	vld.idx.msk [tilespmem:v20+s18+$0x0], $0xffff  }
0x178: {  	s28 =	spop (v2sf);
	v21 =	vadd.s32 v18, v21  }
0x179: {  	s2 =	spop (v2sf)  }
0x17a: {  	s2 =	sshll.u32 s2, $0x8  }
0x17b: {  	s2 =	sshra.s32 s2, $0x2  }
0x17c: {  	[tilespmem:s2+$0x1B000] =	vst v20  }
0x17d: {  	v63 =	vor.u32 v19, v12;
	v20 =	vld.idx.msk [tilespmem:v21+s18+$0x0], $0xffff  }
0x17e: {  	v21 =	vadd.s32 v18, v63;
	_ =	sdelay $0x3  }
0x17f: {  	[tilespmem:s2+$0x1B010] =	vst v20  }
0x180: {  	v19 =	vor.u32 v19, v13;
	v20 =	vld.idx.msk [tilespmem:v21+s18+$0x0], $0xffff  }
0x181: {  	v18 =	vadd.s32 v18, v19;
	_ =	sdelay $0x3  }
0x182: {  	[tilespmem:s2+$0x1B020] =	vst v20  }
0x183: {  	v18 =	vld.idx.msk [tilespmem:v18+s18+$0x0], $0xffff;
	_ =	sdelay $0x2  }
0x184: {  	vm1 =	vne.s32 v17, v3  }
0x185: {  	p1 =	slt.s32 s20, $0x40;
	vm0 =	vmand vm0, vm1  }
0x186: {  	s10 =	simm.s32 @!p1 $0x3;
	v17 =	vmpcnt.ones.xlane vm0;
	[tilespmem:s2+$0x1B030] =	vst v18  }
0x187: {  	_ =	swait.ge @!p1 [sflag:s10], $0x40  }
0x188: {  	(v2sf) =	vpush v17, $0x0;
	_ =	sdelay $0xe  }
0x189: {  	[sflag:s10] =	ssyncset.done @!p1 $0x0;
	s29 =	spop (v2sf)  }
0x18a: {  	[sflag:s10] =	ssyncadd.s32 @!p1 $0xFFFFFFC0;
	p1 =	sgt.s32 s29, $0x0  }
.Ltmp18:
0x18b: {  	_ = 	snop;
	(pc) =	sbr.rel @p1 .LBB2_21-.Ltmp18, $4  }
0x18c: {  	s1 =	sshll.u32 s28, $0x4  }
0x18d: {  	s1 =	sand.u32 $0x1FFFFFF0, s1  }
0x18e: {  	s20 =	sadd.s32 $0x1, s20;
	s1 =	sadd.s32 s1, s25;
	s2 =	sadd.s32 $0x1B000, s2  }
0x18f: {  	[hbm4b:s1+s8] =	stream.linear.scatter [tilespmem:s2], [sflag:$0x3], $0x40, $0x38;
	[tilespmem:$0x1C000] =	vst v63  }
.Ltmp19:
0x190: {  	_ = 	snop;
	(pc) =	sbr.rel .LBB2_22-.Ltmp19, $1  }
0x191: {  	_ =	sdelay $0x3  }
.LBB2_23:
0x192: {  	p1 =	sle.s32 s6, $0x0  }
0x193: {  	s14 =	simm.s32 @!p1 $0x3  }
0x194: {  	_ =	swait.ge @!p1 [sflag:s14], $0x40  }
0x195: {  	s5 =	simm.s32 $0x1;
	[sflag:s14] =	ssyncset.done @!p1 $0x0;
	s2 =	rddreg [dreg:$0x1f]  }
.LBB2_24:
0x196: {  	s1 =	smov.u32 s5;
	s5 =	sadd.s32 $0x1, s5  }
0x197: {  	[sflag:s14] =	ssyncadd.s32 @!p1 $0xFFFFFFC0;
	p2 =	sne.s32 s5, $0x40  }
.Ltmp20:
0x198: {  	(pc) =	sbr.rel @p2 .LBB2_24-.Ltmp20, $4  }
0x199: {  	p1 =	sle.s32 s6, s1  }
0x19a: {  	s14 =	simm.s32 @!p1 $0x3  }
0x19b: {  	_ =	swait.ge @!p1 [sflag:s14], $0x40  }
0x19c: {  	[sflag:s14] =	ssyncset.done @!p1 $0x0  }
0x19d: {  	s2 =	sadd.s32 $0x1, s2;
	s1 =	rddreg [dreg:$0x14]  }
0x19e: {  	p2 =	sne.s32 s2, s1  }
.Ltmp21:
0x19f: {  	_ = 	snop;
	(pc) =	sbr.rel @p2 .LBB2_1-.Ltmp21, $2  }
0x1a0: {  	_ =	sdelay $0x2  }
0x1a1: {  	[sflag:s14] =	ssyncadd.s32 @!p1 $0xFFFFFFC0  }
0x1a2: {  	_ =	sfence.sel $0x180000  }
0x1a3: {  	[bflag:$0x0] =	sbarrier.arrive $0xFFFF  }
0x1a4: {  	_ =	strace $0x90000047  }
0x1a5: {  	s0 =	stileid.u32;
	[bflag:$0x2] =	sbarrier.arrive $0xFFFF  }
0x1a6: {  	p0 =	sne.s32 s0, $0x0;
	s0 =	rddreg [dreg:$0x5]  }
0x1a7: {  	s0 =	sadd.s32 @!p0 $0x100000, s0  }
0x1a8: {  	[sflag:s0] =	ssyncadd.tile.s32 @!p0 $0x1;
	_ =	shalt  }
.Lfunc_end2:
_tile_overlayer_lowered:
.L_overlay_start_2:
0x1a9: {  	(tag) =	ssettag $0x2  }
0x1aa: {  	s0 =	rddreg [dreg:$0x0];
	s2 =	stileid.u32  }
0x1ab: {  	s1 =	rddreg [dreg:$0x1];
	p0 =	sne.s32 s2, $0x0  }
0x1ac: {  	s3 =	rddreg [dreg:$0x2];
	[bflag:$0x3] =	sbarrier.arrive $0xFFFF;
	s2 =	simm.s32 @!p0 $0x1C04  }
0x1ad: {  	[timem:s3], [sflag:s2] =	dma.local @!p0 [hbm:s0], s1  }
0x1ae: {  	s0 =	simm.s32 @!p0 $0x4  }
0x1af: {  	_ =	swait.ge @!p0 [sflag:s0], s1  }
0x1b0: {  	s1 =	ssub.s32 @!p0 $0x0, s1;
	[sflag:s0] =	ssyncset.done @!p0 $0x0  }
0x1b1: {  	[sflag:s0] =	ssyncadd.s32 @!p0 s1  }
0x1b2: {  	[bflag:$0x3] =	sbarrier.arrive $0xFFFF  }
0x1b3: {  	_ =	shalt  }

// kernel: kernel.7.cloned.1.call-start
scs
__scs_entry_jumppad:
0x0: {  	(pc) =	sbr.rel $0x88, $3  }
0x1: {  	(tag) =	ssettag $0x0;
	lr =	simm.s32 $0x1  }
0x2: {  	[smem:$0x3F9D] =	sst lr;
	_ =	strace $0xD0000000  }
0x3: {  	_ = 	snop  }
0x4: {  	_ = 	snop  }
0x5: {  	_ = 	snop  }
0x6: {  	_ = 	snop  }
0x7: {  	_ = 	snop  }
__scs_overlays_trampoline_lowered:
0x8: {  	[smem:$0x3FAC] =	sst s0  }
0x9: {  	[smem:$0x3FAD] =	sst s1  }
0xa: {  	[smem:$0x3FAE] =	sst s2  }
0xb: {  	[smem:$0x3FAF] =	sst s3  }
0xc: {  	[smem:$0x3FB0] =	sst s4  }
0xd: {  	[smem:$0x3FB1] =	sst s5  }
0xe: {  	[smem:$0x3FB2] =	sst s6  }
0xf: {  	[smem:$0x3FB3] =	sst s7  }
0x10: {  	[smem:$0x3FB4] =	sst s8  }
0x11: {  	[smem:$0x3FB5] =	sst s9;
	s0 =	simm.s32 @!p0 $0x0  }
0x12: {  	s1 =	sld [smem:$0x3F9B];
	s0 =	simm.s32 @p0 $0x1  }
0x13: {  	[smem:$0x3FB6] =	sst s0;
	s0 =	simm.s32 @!p1 $0x0  }
0x14: {  	s2 =	sld [smem:$0x3F9A];
	s0 =	simm.s32 @p1 $0x1  }
0x15: {  	[smem:$0x3FB7] =	sst s0;
	s0 =	simm.s32 @!p2 $0x0  }
0x16: {  	s3 =	sld [smem:$0x3FDB];
	s0 =	simm.s32 @p2 $0x1  }
0x17: {  	s4 =	simm.s32 $0x1BF5;
	[smem:$0x3FB9] =	sst s0  }
0x18: {  	s0 =	sld [smem:$0x3F9C];
	_ =	swait.ge [sflag:s4], $0x0  }
0x19: {  	s7 =	sld [smem:$0x3F9D]  }
0x1a: {  	s8 =	sadd.s32 $0xFFFFE003, lr  }
0x1b: {  	s9 =	sadd.s32 $0xFFFFFEF7, lr;
	s5 =	simm.s32 $0xFFFFFFFF;
	p2 =	slt.u32 s8, $0xFFFFF086  }
0x1c: {  	p1 =	slt.u32 s9, $0xF7A;
	s5 =	simm.s32 @!p2 $0x0  }
0x1d: {  	s5 =	simm.s32 @p1 $0x1;
	p0 =	seq.s32 s7, s2  }
0x1e: {  	s7 =	smul.u32 @!p0 $0xF7A, s2;
	p2 =	seq.s32 @!p0 s5, $0x0  }
0x1f: {  	s9 =	smul.u32 $0xF7A, s1;
	s8 =	simm.s32 @!p0 $0x1BF5;
	p2 =	por !p2, p0  }
0x20: {  	[sflag:s8] =	ssyncset.s32 @!p0 $0xFFFFF086;
	s6 =	sadd.s32 @!p0 s3, s7;
	s7 =	simm.s32 @!p0 $0x108  }
0x21: {  	s3 =	sadd.s32 s3, s9;
	s6 =	sadd.s32 @!p0 $0x88, s6;
	s7 =	simm.s32 @p2 $0x1082  }
0x22: {  	[simem:s7], [sflag:s8] =	dma.local @!p0 [hbm:s6], $0xF7A  }
0x23: {  	s9 =	sor.u32 $0xD0000000, s2;
	s6 =	simm.s32 $0x108;
	_ =	swait.ge @!p0 [sflag:s8], $0x0  }
0x24: {  	s3 =	sadd.s32 $0x88, s3;
	s6 =	simm.s32 @!p1 $0x1082;
	[sflag:s4] =	ssyncset.s32 $0xFFFFF086  }
0x25: {  	[simem:s6], [sflag:s4] =	dma.local [hbm:s3], $0xF7A  }
0x26: {  	[smem:$0x3F9D] =	sst s1;
	(tag) =	ssettag s2;
	_ =	strace s9  }
0x27: {  	s1 =	sld [smem:$0x3FAD]  }
0x28: {  	s2 =	sld [smem:$0x3FAE]  }
0x29: {  	s4 =	sld [smem:$0x3FB0]  }
0x2a: {  	p0 =	seq.s32 s5, $0x0;
	s5 =	sld [smem:$0x3FB1]  }
0x2b: {  	s6 =	sld [smem:$0x3FB2]  }
0x2c: {  	s7 =	sld [smem:$0x3FB3]  }
0x2d: {  	s3 =	simm.s32 $0x108;
	s8 =	sld [smem:$0x3FB4]  }
0x2e: {  	s3 =	simm.s32 @!p0 $0x1082;
	s9 =	sld [smem:$0x3FB5]  }
0x2f: {  	lr =	sadd.s32 s0, s3;
	s0 =	sld [smem:$0x3FAC]  }
0x30: {  	s3 =	sld [smem:$0x3FAF]  }
0x31: {  	[smem:$0x3FB8] =	sst s10  }
0x32: {  	s10 =	sld [smem:$0x3FB6];
	_ =	sdelay $0x3  }
0x33: {  	p0 =	seq.s32 s10, $0x1;
	s10 =	sld [smem:$0x3FB8];
	_ =	sdelay $0x3  }
0x34: {  	[smem:$0x3FB8] =	sst s10  }
0x35: {  	s10 =	sld [smem:$0x3FB7];
	_ =	sdelay $0x3  }
0x36: {  	p1 =	seq.s32 s10, $0x1;
	s10 =	sld [smem:$0x3FB8];
	_ =	sdelay $0x3  }
0x37: {  	[smem:$0x3FB8] =	sst s10  }
0x38: {  	s10 =	sld [smem:$0x3FB9]  }
0x39: {  	_ = 	snop;
	(pc) =	sbr.ind lr, $3  }
0x3a: {  	_ = 	snop  }
0x3b: {  	_ = 	snop  }
0x3c: {  	p2 =	seq.s32 s10, $0x1;
	s10 =	sld [smem:$0x3FB8]  }
0x3d: {  	_ =	shalt  }
0x3e: {  	_ =	shalt  }
0x3f: {  	_ =	shalt  }
0x40: {  	_ =	shalt  }
0x41: {  	_ =	shalt  }
0x42: {  	_ =	shalt  }
0x43: {  	_ =	shalt  }
0x44: {  	_ =	shalt  }
0x45: {  	_ =	shalt  }
0x46: {  	_ =	shalt  }
0x47: {  	_ =	shalt  }
0x48: {  	_ =	shalt  }
0x49: {  	_ =	shalt  }
0x4a: {  	_ =	shalt  }
0x4b: {  	_ =	shalt  }
0x4c: {  	_ =	shalt  }
0x4d: {  	_ =	shalt  }
0x4e: {  	_ =	shalt  }
0x4f: {  	_ =	shalt  }
0x50: {  	_ =	shalt  }
0x51: {  	_ =	shalt  }
0x52: {  	_ =	shalt  }
0x53: {  	_ =	shalt  }
0x54: {  	_ =	shalt  }
0x55: {  	_ =	shalt  }
0x56: {  	_ =	shalt  }
0x57: {  	_ =	shalt  }
0x58: {  	_ =	shalt  }
0x59: {  	_ =	shalt  }
0x5a: {  	_ =	shalt  }
0x5b: {  	_ =	shalt  }
0x5c: {  	_ =	shalt  }
0x5d: {  	_ =	shalt  }
0x5e: {  	_ =	shalt  }
0x5f: {  	_ =	shalt  }
0x60: {  	_ =	shalt  }
0x61: {  	_ =	shalt  }
0x62: {  	_ =	shalt  }
0x63: {  	_ =	shalt  }
0x64: {  	_ =	shalt  }
0x65: {  	_ =	shalt  }
0x66: {  	_ =	shalt  }
0x67: {  	_ =	shalt  }
0x68: {  	_ =	shalt  }
0x69: {  	_ =	shalt  }
0x6a: {  	_ =	shalt  }
0x6b: {  	_ =	shalt  }
0x6c: {  	_ =	shalt  }
0x6d: {  	_ =	shalt  }
0x6e: {  	_ =	shalt  }
0x6f: {  	_ =	shalt  }
0x70: {  	_ =	shalt  }
0x71: {  	_ =	shalt  }
0x72: {  	_ =	shalt  }
0x73: {  	_ =	shalt  }
0x74: {  	_ =	shalt  }
0x75: {  	_ =	shalt  }
0x76: {  	_ =	shalt  }
0x77: {  	_ =	shalt  }
0x78: {  	_ =	shalt  }
0x79: {  	_ =	shalt  }
0x7a: {  	_ =	shalt  }
0x7b: {  	_ =	shalt  }
0x7c: {  	_ =	shalt  }
0x7d: {  	_ =	shalt  }
0x7e: {  	_ =	shalt  }
0x7f: {  	_ =	shalt  }
0x80: {  	_ =	shalt  }
0x81: {  	_ =	shalt  }
0x82: {  	_ =	shalt  }
0x83: {  	_ =	shalt  }
0x84: {  	_ =	shalt  }
0x85: {  	_ =	shalt  }
0x86: {  	_ =	shalt  }
0x87: {  	_ =	shalt  }
.Lfunc_end0:
.L_simem_size_0:
called_computation.1_lowered:
.L_overlay_start_0:
0x88: {  	s2 =	sld [smem:$0x3FD9]  }
0x89: {  	s3 =	sld [smem:$0x3FFE];
	_ =	sdelay $0x1  }
0x8a: {  	s1 =	srdreg.scid  }
0x8b: {  	s0 =	sand.u32 $0x1, s1  }
0x8c: {  	s17 =	sshll.u32 s0, $0xA;
	s2 =	sadd.s32 s3, s2  }
0x8d: {  	s2 =	sadd.s32 s2, s17  }
0x8e: {  	[smem:$0x3FC4] =	sst s2  }
0x8f: {  	_ = 	snop  }
0x90: {  	s2 =	sld [smem:$0x3FD0];
	(tm) =	ssettm $0x1  }
0x91: {  	s18 =	sld [smem:$0x3FFB];
	_ =	sdelay $0x3  }
0x92: {  	_ =	strace s18  }
0x93: {  	s3 =	sld [smem:$0x3FFC];
	_ =	sdelay $0x3  }
0x94: {  	_ =	strace s3  }
0x95: {  	s3 =	sld [smem:$0x3FFD];
	_ =	sdelay $0x3  }
0x96: {  	_ =	strace s3  }
0x97: {  	_ =	strace $0x8FFFFFFF  }
0x98: {  	s19 =	sld [smem:$0x3FDB];
	_ =	sdelay $0x1  }
0x99: {  	s4 =	simm.s32 $_scs_section_size  }
0x9a: {  	s5 =	simm.s32 $_size__tile_overlayer_lowered;
	s6 =	simm.s32 $_tile_overlayer_lowered  }
0x9b: {  	s22 =	simm.s32 $0x1BFF;
	s21 =	sshll.u32 s6, $0x1;
	s3 =	sadd.s32 s4, s19  }
0x9c: {  	s7 =	simm.s32 $0x0;
	s20 =	sshll.u32 s5, $0x1;
	s5 =	sadd.s32 s21, s3  }
0x9d: {  	[timem:s7], [sflag:s22] =	dma.local [hbm:s5], s20  }
0x9e: {  	_ =	swait.ge [sflag:s22], s20  }
0x9f: {  	s4 =	ssub.s32 $0x0, s20;
	[sflag:s22] =	ssyncset.done $0x0  }
0xa0: {  	[sflag:s22] =	ssyncadd.s32 s4;
	_ =	sdelay $0x1  }
0xa1: {  	s23 =	simm.s32 $0x1B8B  }
0xa2: {  	_ =	swait.ge [sflag:s23], $0x1  }
0xa3: {  	[sflag:s23] =	ssyncset.done $0x0  }
0xa4: {  	s25 =	simm.s32 $0x1B8E;
	s24 =	sld [smem:$0x3FFE];
	[sflag:s23] =	ssyncadd.s32 $0xFFFFFFFF  }
0xa5: {  	s26 =	simm.s32 $execute0_lowered;
	[smem:$0x3FD2] =	sst s25  }
0xa6: {  	s5 =	sshll.u32 s26, $0x1;
	_ =	strace $0x80000049;
	[dreg:$0x1] =	wrdreg $0xFFFFFFFF  }
0xa7: {  	s28 =	simm.s32 $_size_execute0_lowered;
	s3 =	sadd.s32 s3, s5;
	[dreg:$0x0] =	wrdreg $0x0  }
0xa8: {  	s5 =	sshll.u32 s28, $0x1;
	[dreg:$0x2] =	wrdreg s3  }
0xa9: {  	[dreg:$0x3] =	wrdreg s5  }
0xaa: {  	[dreg:$0x4] =	wrdreg $0xC0  }
0xab: {  	_ =	task [dreg:s7], $0x5FFFF  }
0xac: {  	[dreg:$0x1] =	wrdreg $0xFFFFFFFF  }
0xad: {  	[dreg:$0x0] =	wrdreg $0x60  }
0xae: {  	[dreg:$0x2] =	wrdreg s24  }
0xaf: {  	[dreg:$0x3] =	wrdreg s2  }
0xb0: {  	[dreg:$0x4] =	wrdreg $0x9  }
0xb1: {  	_ =	task.clear_ibuf [dreg:s7], $0x5FFFF;
	_ =	strace $0x90000049  }
0xb2: {  	s29 =	simm.s32 $0x9;
	_ =	strace $0x8000004B  }
0xb3: {  	_ =	swait.ge [sflag:s29], $0x1  }
0xb4: {  	[sflag:s29] =	ssyncadd.s32 $0xFFFFFFFF  }
0xb5: {  	_ =	strace $0x9000004B  }
0xb6: {  	_ =	sfence  }
0xb7: {  	s30 =	sld [smem:$0x0];
	_ =	sdelay $0x2  }
0xb8: {  	s31 =	sshll.u32 s1, $0xD;
	s1 =	sshrl.u32 s1, $0x2  }
0xb9: {  	s3 =	sand.u32 $0x4000, s31;
	s1 =	sadd.s32 s1, s30  }
0xba: {  	s0 =	sor.u32 s3, s0;
	s1 =	sshll.u32 s1, $0x11  }
0xbb: {  	s0 =	sor.u32 s1, s0  }
0xbc: {  	s0 =	sadd.s32 $0x8F2B, s0  }
0xbd: {  	[sflag:s0] =	ssyncadd.remote.s32 $0x1  }
0xbe: {  	_ =	sfence.sel $0xFFFF  }
0xbf: {  	[dreg:$0x0] =	wrdreg $0xFFFFFFFF;
	(pc) =	sbr.abs _section_cstart, $3  }
0xc0: {  	[dreg:$0x1] =	wrdreg $0xFFFFFFFF  }
0xc1: {  	_ =	task.clear_ibuf [dreg:s7], $0x2FFFF;
	_ =	strace $0x9FFFFFFF  }
0xc2: {  	(tm) =	ssettm $0x7FFFFFFF  }
0xc3: {  	_ =	shalt  }
tec
execute0_lowered:
.L_overlay_start_1:
0x0: {  	(tag) =	ssettag $0x1  }
0x1: {  	s1 =	srdreg.scid;
	s3 =	rddreg [dreg:$0x0]  }
0x2: {  	s0 =	stileid.u32;
	s5 =	rddreg [dreg:$0x1]  }
0x3: {  	s2 =	simm.s32 $0x0;
	s8 =	simm.s32 $0x2;
	s9 =	simm.s32 $0x0  }
0x4: {  	s4 =	sand.u32 $0x1, s1;
	s6 =	sshll.u32 s0, $0xA;
	s1 =	rddreg [dreg:$0x2]  }
0x5: {  	vm0 =	vmmov $0x1;
	vm1 =	vmmov $0x3;
	vm2 =	vmmov $0x7;
	[smem:$0x7FF] =	sst s2;
	s7 =	sshll.u32 s4, $0x9;
	s4 =	ssub.s32 $0x2, s4  }
0x6: {  	vm3 =	vmmov $0xf;
	vm4 =	vmmov $0x1f;
	vm5 =	vmmov $0x3f;
	_ =	strace $0x8000004A;
	s6 =	sor.u32 s7, s6;
	s30 =	sshrl.u32 s4, $0x1  }
0x7: {  	vm6 =	vmmov $0x7f;
	vm7 =	vmmov $0xff;
	vm8 =	vmmov $0x1ff;
	s7 =	sshll.u32 s6, $0x4;
	s31 =	sshrl.u32 s6, $0x3;
	s6 =	simm.s32 $0x1  }
0x8: {  	vm9 =	vmmov $0x3ff;
	vm10 =	vmmov $0x7ff;
	vm11 =	vmmov $0xfff;
	s3 =	sadd.s32 s7, s3;
	s7 =	ssub.s32 s4, s30;
	s4 =	sadd.s32 s5, s31  }
0x9: {  	vm12 =	vmmov $0x1fff;
	vm13 =	vmmov $0x3fff;
	vm14 =	vmmov $0x7fff;
	s3 =	sadd.s32 $0x800, s3;
	s5 =	smax.u32 s7, $0x1;
	s7 =	simm.s32 $0x10000  }
.LBB2_1:
0xa: {  	[tilespmem:s2], [sflag:$0x1] =	stream.linear.gather [hbm4b:s3+s2], $0x10000, $0x38;
	[tilespmem:$0x10200] =	vst v63  }
0xb: {  	_ =	swait.ge [sflag:s6], $0x10000  }
0xc: {  	[sflag:s6] =	ssyncset.done $0x0  }
0xd: {  	s10 =	simm.s32 $0x400;
	[sflag:s6] =	ssyncadd.s32 $0xFFFF0000  }
0xe: {  	v5 =	vld [tilespmem:s10+$0x330]  }
0xf: {  	v7 =	vld [tilespmem:s10+$0x370]  }
0x10: {  	v0 =	vld [tilespmem:s10+$0x380]  }
0x11: {  	v49 =	vld [tilespmem:s10+$0x3C0]  }
0x12: {  	v50 =	vld [tilespmem:s10+$0x390]  }
0x13: {  	v51 =	vld [tilespmem:s10+$0x3D0]  }
0x14: {  	v52 =	vld [tilespmem:s10+$0x320]  }
0x15: {  	v63 =	vld [tilespmem:s10+$0x360]  }
0x16: {  	v13 =	vld [tilespmem:s10+$0x230]  }
0x17: {  	v14 =	vld [tilespmem:s10+$0x270]  }
0x18: {  	v53 =	vld [tilespmem:s10+$0x2A0]  }
0x19: {  	v30 =	vld [tilespmem:s10+$0x300]  }
0x1a: {  	v31 =	vld [tilespmem:s10+$0x340]  }
0x1b: {  	v32 =	vld [tilespmem:s10+$0x310]  }
0x1c: {  	v29 =	vld [tilespmem:s10+$0x350]  }
0x1d: {  	v20 =	vld [tilespmem:s10+$0x1B0]  }
0x1e: {  	v54 =	vld [tilespmem:s10+$0x220]  }
0x1f: {  	v55 =	vld [tilespmem:s10+$0x260]  }
0x20: {  	v56 =	vld [tilespmem:s10+$0x280]  }
0x21: {  	v57 =	vld [tilespmem:s10+$0x2C0]  }
0x22: {  	v58 =	vld [tilespmem:s10+$0x290]  }
0x23: {  	v59 =	vld [tilespmem:s10+$0x2D0]  }
0x24: {  	v62 =	vld [tilespmem:s10+$0x1A0]  }
0x25: {  	v33 =	vld [tilespmem:s10+$0x1E0]  }
0x26: {  	v42 =	vld [tilespmem:s10+$0x200]  }
0x27: {  	v43 =	vld [tilespmem:s10+$0x240]  }
0x28: {  	v44 =	vld [tilespmem:s10+$0x210]  }
0x29: {  	v45 =	vld [tilespmem:s10+$0x250]  }
0x2a: {  	v6 =	vld [tilespmem:s10+$0xB0]  }
0x2b: {  	v8 =	vld [tilespmem:s10+$0xF0]  }
0x2c: {  	v60 =	vld [tilespmem:s10+$0x120]  }
0x2d: {  	v48 =	vld [tilespmem:s10+$0x180]  }
0x2e: {  	v1 =	vld [tilespmem:s10+$0x1C0]  }
0x2f: {  	v2 =	vld [tilespmem:s10+$0x190]  }
0x30: {  	v3 =	vld [tilespmem:s10+$0x30]  }
0x31: {  	v4 =	vld [tilespmem:s10+$0x70]  }
0x32: {  	v34 =	vld [tilespmem:s10+$0xA0]  }
0x33: {  	v61 =	vld [tilespmem:s10+$0x100]  }
0x34: {  	v9 =	vld [tilespmem:s10+$0x140]  }
0x35: {  	v10 =	vld [tilespmem:s10+$0x110]  }
0x36: {  	v11 =	vld [tilespmem:s10+$0x150]  }
0x37: {  	v35 =	vld [tilespmem:s10+$0x20]  }
0x38: {  	v36 =	vld [tilespmem:s10+$0x60]  }
0x39: {  	v23 =	vld [tilespmem:s10+$0xFFFFFF30]  }
0x3a: {  	v37 =	vld [tilespmem:s10+$0xFFFFFF70]  }
0x3b: {  	v38 =	vld [tilespmem:s10+$0xFFFFFFA0]  }
0x3c: {  	v46 =	vld [tilespmem:s10+$0x40]  }
0x3d: {  	v47 =	vld [tilespmem:s10+$0x10]  }
0x3e: {  	v41 =	vld [tilespmem:s10+$0x50]  }
0x3f: {  	v15 =	vld [tilespmem:s10+$0xFFFFFF80]  }
0x40: {  	v16 =	vld [tilespmem:s10+$0xFFFFFFC0]  }
0x41: {  	v17 =	vld [tilespmem:s10+$0xFFFFFF90]  }
0x42: {  	v18 =	vld [tilespmem:s10+$0xFFFFFFD0]  }
0x43: {  	v39 =	vld [tilespmem:s10+$0xFFFFFEA0]  }
0x44: {  	v40 =	vld [tilespmem:s10+$0xFFFFFEE0]  }
0x45: {  	v22 =	vld [tilespmem:s10+$0xFFFFFF40]  }
0x46: {  	v21 =	vld [tilespmem:s10+$0xFFFFFF50]  }
0x47: {  	v12 =	vld [tilespmem:s10+$0xFFFFFDF0]  }
0x48: {  	v19 =	vld [tilespmem:s10+$0xFFFFFE20]  }
0x49: {  	v27 =	vld [tilespmem:s10+$0xFFFFFD30]  }
0x4a: {  	v28 =	vld [tilespmem:s10+$0xFFFFFD70]  }
0x4b: {  	v24 =	vld [tilespmem:s10+$0xFFFFFE40]  }
0x4c: {  	v25 =	vld [tilespmem:s10+$0xFFFFFE10]  }
0x4d: {  	v26 =	vld [tilespmem:s10+$0xFFFFFE50]  }
0x4e: {  	[tilespmem:$0x1FEA0] =	vst v49;
	v49 =	vld [tilespmem:s10+$0x1F0]  }
0x4f: {  	[tilespmem:$0x1FEC0] =	vst v51;
	v51 =	vld [tilespmem:s10+$0x1D0]  }
0x50: {  	[tilespmem:$0x1FFA0] =	vst v55;
	v55 =	vld [tilespmem:s10+$0xE0]  }
0x51: {  	[tilespmem:$0x1FF00] =	vst v58;
	v58 =	vld [tilespmem:s10+$0x80]  }
0x52: {  	[tilespmem:$0x1FF10] =	vst v59;
	v59 =	vld [tilespmem:s10+$0xC0]  }
0x53: {  	[tilespmem:$0x1FF20] =	vst v60;
	v60 =	vld [tilespmem:s10+$0x90]  }
0x54: {  	[tilespmem:$0x1FF30] =	vst v61;
	v61 =	vld [tilespmem:s10+$0xD0]  }
0x55: {  	[tilespmem:$0x1FF80] =	vst v52;
	v52 =	vld [tilespmem:s10+$0x0]  }
0x56: {  	[tilespmem:$0x1FF40] =	vst v9;
	v9 =	vld [tilespmem:s10+$0xFFFFFEB0]  }
0x57: {  	[tilespmem:$0x1FF60] =	vst v11;
	v11 =	vld [tilespmem:s10+$0xFFFFFEF0]  }
0x58: {  	[tilespmem:$0x1FF90] =	vst v54;
	v54 =	vld [tilespmem:s10+$0xFFFFFF20]  }
0x59: {  	[tilespmem:$0x1FED0] =	vst v53;
	v53 =	vld [tilespmem:s10+$0xFFFFFF60]  }
0x5a: {  	[tilespmem:$0x1FFC0] =	vst v36;
	v36 =	vld [tilespmem:s10+$0xFFFFFF00]  }
0x5b: {  	[tilespmem:$0x1FFB0] =	vst v35;
	v35 =	vld [tilespmem:s10+$0xFFFFFF10]  }
0x5c: {  	[tilespmem:$0x1FF50] =	vst v10;
	v10 =	vld [tilespmem:s10+$0xFFFFFDB0]  }
0x5d: {  	[tilespmem:$0x1FFF0] =	vst v40;
	v40 =	vld [tilespmem:s10+$0xFFFFFE80]  }
0x5e: {  	[tilespmem:$0x1FF70] =	vst v38;
	v38 =	vld [tilespmem:s10+$0xFFFFFEC0]  }
0x5f: {  	[tilespmem:$0x1FFE0] =	vst v39;
	v39 =	vld [tilespmem:s10+$0xFFFFFE90]  }
0x60: {  	[tilespmem:$0x1FFD0] =	vst v37;
	v37 =	vld [tilespmem:s10+$0xFFFFFED0]  }
0x61: {  	[tilespmem:$0x1FEF0] =	vst v57;
	v57 =	vld [tilespmem:s10+$0xFFFFFDA0]  }
0x62: {  	[tilespmem:$0x1FEE0] =	vst v56;
	v56 =	vld [tilespmem:s10+$0xFFFFFDE0]  }
0x63: {  	[tilespmem:$0x1FEB0] =	vst v50;
	v50 =	vld [tilespmem:s10+$0xFFFFFE00]  }
0x64: {  	v32 =	vmul.f32 v29, v32;
	v29 =	vld [tilespmem:s10+$0xFFFFFC30]  }
0x65: {  	v31 =	vmul.f32 v31, v30;
	v30 =	vld [tilespmem:s10+$0xFFFFFC70]  }
0x66: {  	[tilespmem:$0x1FE90] =	vst v0;
	v42 =	vmul.f32 v43, v42;
	v0 =	vld [tilespmem:$0x1FF80]  }
0x67: {  	v43 =	vmul.f32 v45, v44;
	v44 =	vmul.f32 v1, v48;
	v48 =	vld [tilespmem:$0x1FF90]  }
0x68: {  	v33 =	vmul.f32 v33, v62;
	v62 =	vld [tilespmem:$0x1FFB0]  }
0x69: {  	v42 =	vadd.f32 v43, v42;
	v43 =	vld [tilespmem:s10+$0xFFFFFD40]  }
0x6a: {  	v45 =	vmul.f32 v51, v2;
	v51 =	vld [tilespmem:$0x1FFA0]  }
0x6b: {  	v2 =	vld [tilespmem:s10+$0xFFFFFD90]  }
0x6c: {  	v58 =	vmul.f32 v59, v58;
	v59 =	vmul.f32 v46, v52;
	v46 =	vld [tilespmem:s10+$0xFFFFFD00]  }
0x6d: {  	v21 =	vmul.f32 v21, v35;
	v35 =	vld [tilespmem:s10+$0xFFFFFC40]  }
0x6e: {  	v22 =	vmul.f32 v22, v36;
	v36 =	vld [tilespmem:s10+$0xFFFFFC00];
	v63 =	vmul.f32 v63, v0;
	v0 =	vadd.f32 v32, v31  }
0x6f: {  	v37 =	vmul.f32 v37, v39;
	v39 =	vld [tilespmem:s10+$0xFFFFFC50]  }
0x70: {  	v38 =	vmul.f32 v38, v40;
	v40 =	vld [tilespmem:s10+$0xFFFFFCC0];
	v0 =	vadd.f32 v63, v0;
	v63 =	vmul.f32 v51, v48  }
0x71: {  	v31 =	vld [tilespmem:s10+$0xFFFFFD20];
	v44 =	vadd.f32 v45, v44;
	v21 =	vadd.f32 v21, v22;
	v51 =	vmul.f32 v7, v5  }
0x72: {  	v45 =	vld [tilespmem:s10+$0xFFFFFDC0];
	v22 =	vmul.f32 v53, v54;
	v42 =	vadd.f32 v63, v42;
	v63 =	vmul.f32 v14, v13  }
0x73: {  	v53 =	vld [tilespmem:$0x1FFD0];
	v44 =	vadd.f32 v33, v44;
	v5 =	vmul.f32 v49, v20;
	v0 =	vadd.f32 v51, v0  }
0x74: {  	v42 =	vadd.f32 v63, v42;
	v63 =	vld [tilespmem:$0x1FFC0]  }
0x75: {  	v54 =	vld [tilespmem:$0x1FFE0];
	v49 =	vmul.f32 v55, v34;
	v55 =	vadd.f32 v5, v44;
	(xrf2) =	vadd.scan.msk.f32 $0xffff, v0  }
0x76: {  	v48 =	vld [tilespmem:s10+$0xFFFFFD80];
	v7 =	vmul.f32 v61, v60;
	(xrf2) =	vadd.scan.msk.f32 $0xffff, v42  }
0x77: {  	v41 =	vmul.f32 v41, v47;
	v51 =	vld [tilespmem:s10+$0xFFFFFDD0];
	(xrf2) =	vadd.scan.msk.f32 $0xffff, v55  }
0x78: {  	v58 =	vadd.f32 v7, v58;
	v55 =	vld [tilespmem:$0x1FFF0]  }
0x79: {  	v32 =	vld [tilespmem:s10+$0xFFFFFD60];
	v61 =	vadd.f32 v41, v59;
	v7 =	vmul.f32 v63, v62  }
0x7a: {  	v52 =	vmul.f32 v4, v3;
	v60 =	vmul.f32 v8, v6;
	v41 =	vld [tilespmem:s10+$0xFFFFFD10];
	v0 =	vadd.f32 v49, v58  }
0x7b: {  	v21 =	vadd.f32 v22, v21;
	v8 =	vld [tilespmem:s10+$0xFFFFFD50];
	v22 =	vmul.f32 v53, v23;
	v49 =	vadd.f32 v7, v61  }
0x7c: {  	v38 =	vadd.f32 v37, v38;
	v37 =	vld [tilespmem:s10+$0xFFFFFC10];
	v0 =	vadd.f32 v60, v0;
	v60 =	vmul.f32 v45, v48  }
0x7d: {  	v33 =	vld [tilespmem:s10+$0xFFFFFC20];
	v22 =	vadd.f32 v22, v21;
	v61 =	vmul.f32 v51, v2;
	v58 =	vmul.f32 v55, v54  }
0x7e: {  	v34 =	vld [tilespmem:s10+$0xFFFFFC60];
	v44 =	vmul.f32 v43, v46;
	v62 =	vmul.f32 v11, v9;
	v59 =	vadd.f32 v52, v49  }
0x7f: {  	v43 =	vld [tilespmem:s10+$0xFFFFFCD0];
	(xrf2) =	vadd.scan.msk.f32 $0xffff, v0;
	v63 =	vmul.f32 v56, v57;
	v45 =	vadd.f32 v61, v60;
	v42 =	vadd.f32 v58, v38;
	v49, _, _ =	vpop (xrf2)  }
0x80: {  	v47 =	vmul.f32 v8, v41;
	v41 =	vld [tilespmem:s10+$0xFFFFFC90];
	(xrf2) =	vadd.scan.msk.f32 $0xffff, v59;
	v21, _, _ =	vpop (xrf2)  }
0x81: {  	s12 =	simm.s32 $0x40;
	s11 =	simm.s32 $0x0;
	v46 =	vmul.f32 v12, v10;
	v38 =	vld [tilespmem:s10+$0xFFFFFC80];
	v45 =	vadd.f32 v63, v45;
	(xrf2) =	vadd.scan.msk.f32 $0xffff, v22;
	v42 =	vadd.f32 v62, v42;
	v22, _, _ =	vpop (xrf2)  }
.LBB2_2:
0x82: {  	v48 =	vld [tilespmem:s10+$0xFFFFFCA0]  }
0x83: {  	v11 =	vld [tilespmem:s10+$0xFFFFFCE0]  }
0x84: {  	v51 =	vld [tilespmem:s10+$0xFFFFFCF0]  }
0x85: {  	v54 =	vld [tilespmem:s10+$0xFFFFFE60]  }
0x86: {  	v57 =	vld [tilespmem:s10+$0xFFFFFE70]  }
0x87: {  	v58 =	vld [tilespmem:s10+$0xFFFFFFB0]  }
0x88: {  	v15 =	vmul.f32 v16, v15;
	v16 =	vmul.f32 v18, v17;
	v17 =	vld [tilespmem:s10+$0x160]  }
0x89: {  	v0 =	vld [tilespmem:$0x1FF70]  }
0x8a: {  	v59 =	vld [tilespmem:$0x1FF30]  }
0x8b: {  	v1 =	vld [tilespmem:$0x1FF40]  }
0x8c: {  	v60 =	vld [tilespmem:$0x1FF50]  }
0x8d: {  	v61 =	vld [tilespmem:$0x1FF60]  }
0x8e: {  	v12 =	vld [tilespmem:s10+$0x2E0]  }
0x8f: {  	v62 =	vld [tilespmem:$0x1FF20]  }
0x90: {  	v63 =	vld [tilespmem:s10+$0x2F0]  }
0x91: {  	v5 =	vld [tilespmem:$0x1FEE0]  }
0x92: {  	v6 =	vld [tilespmem:$0x1FEF0];
	v44 =	vadd.f32 v47, v44;
	v32 =	vmul.f32 v32, v31;
	v35 =	vmul.f32 v35, v36  }
0x93: {  	v7 =	vld [tilespmem:$0x1FF00];
	(xrf2) =	vadd.scan.msk.f32 $0xffff, v42;
	v46 =	vadd.f32 v46, v45;
	v10 =	vmul.f32 v39, v37;
	v27 =	vmul.f32 v28, v27  }
0x94: {  	v47 =	vld [tilespmem:s10+$0xFFFFFCB0];
	v15 =	vadd.f32 v16, v15;
	v52 =	vmul.f32 v40, v38;
	v53 =	vmul.f32 v43, v41  }
0x95: {  	v8 =	vld [tilespmem:$0x1FF10];
	v33 =	vmul.f32 v34, v33;
	v32 =	vadd.f32 v32, v44;
	v28 =	vadd.f32 v10, v35  }
0x96: {  	v16 =	vld [tilespmem:s10+$0x170];
	v29 =	vmul.f32 v30, v29;
	v23 =	vmul.f32 v24, v50;
	v31, _, _ =	vpop (xrf2);
	(xrf2) =	vadd.scan.msk.f32 $0xffff, v46;
	v55 =	vadd.f32 v53, v52  }
0x97: {  	v30 =	vld [tilespmem:s10+$0xFFFFFE30];
	v56 =	vmul.f32 v11, v48;
	v27 =	vadd.f32 v27, v32;
	v28 =	vadd.f32 v33, v28  }
0x98: {  	v24 =	vmul.f32 v26, v25;
	v25 =	vld [tilespmem:s10+$0xFFFFFFE0];
	v20 =	vmul.f32 v54, v19  }
0x99: {  	v34 =	vld [tilespmem:$0x1FEA0];
	v38, _, _ =	vpop (xrf2);
	(xrf2) =	vadd.scan.msk.f32 $0xffff, v27;
	v27 =	vadd.f32 v29, v28;
	v28 =	vadd.f32 v56, v55;
	v29 =	vmul.f32 v51, v47  }
0x9a: {  	v11 =	vmul.f32 v61, v60;
	v23 =	vadd.f32 v24, v23;
	v24 =	vld [tilespmem:s10+$0xFFFFFFF0];
	v10 =	vmul.f32 v1, v59  }
0x9b: {  	v37 =	vld [tilespmem:$0x1FEB0];
	v9 =	vmul.f32 v17, v62;
	v26, _, _ =	vpop (xrf2);
	(xrf2) =	vadd.scan.msk.f32 $0xffff, v27;
	v27 =	vadd.f32 v29, v28  }
0x9c: {  	v39 =	vld [tilespmem:$0x1FEC0];
	v20 =	vadd.f32 v20, v23;
	v10 =	vadd.f32 v11, v10;
	v23 =	vmul.f32 v57, v30  }
0x9d: {  	v14 =	vmul.f32 v25, v0;
	v18, _, _ =	vpop (xrf2);
	v28 =	vld [tilespmem:s10+$0x130];
	(xrf2) =	vadd.scan.msk.f32 $0xffff, v27  }
0x9e: {  	v9 =	vadd.f32 v9, v10;
	v10 =	vld [tilespmem:$0x1FED0];
	v20 =	vadd.f32 v23, v20  }
0x9f: {  	v33 =	vld [tilespmem:$0x1FE90];
	v14 =	vadd.f32 v14, v15;
	v15 =	vmul.f32 v24, v58  }
0xa0: {  	v23 =	vld [tilespmem:s10+$0x2B0];
	v13, _, _ =	vpop (xrf2);
	(xrf2) =	vadd.scan.msk.f32 $0xffff, v20  }
0xa1: {  	v5 =	vmul.f32 v6, v5;
	v6 =	vmul.f32 v8, v7;
	v7 =	vld [tilespmem:s10+$0x3A0];
	v14 =	vadd.f32 v15, v14  }
0xa2: {  	v15 =	vld [tilespmem:s10+$0x3E0];
	v16 =	vmul.f32 v16, v28  }
0xa3: {  	v3 =	vld [tilespmem:s10+$0x3F0];
	v5 =	vadd.f32 v6, v5;
	v4 =	vmul.f32 v12, v10;
	v8, _, _ =	vpop (xrf2);
	(xrf2) =	vadd.scan.msk.f32 $0xffff, v14  }
0xa4: {  	v32 =	vld [tilespmem:s10+$0x3B0];
	v0 =	vmul.f32 v39, v37;
	v9 =	vadd.f32 v16, v9  }
0xa5: {  	v2 =	vmul.f32 v34, v33;
	v36 =	vmul.f32 v63, v23;
	v12 =	vadd.f32 v4, v5  }
0xa6: {  	v35, _, _ =	vpop (xrf2);
	(xrf2) =	vadd.scan.msk.f32 $0xffff, v9  }
0xa7: {  	v0 =	vadd.f32 v0, v2;
	v41 =	vmul.f32 v15, v7;
	v40 =	vadd.f32 v36, v12;
	v42, _, _ =	vpop (xrf2)  }
0xa8: {  	v43 =	vbroadcast v35, $0xF;
	v44 =	vbroadcast v42, $0xF  }
0xa9: {  	v46 =	vmul.f32 v3, v32;
	v0 =	vadd.f32 v41, v0;
	v45 =	vbroadcast v8, $0xF;
	(xrf2) =	vadd.scan.msk.f32 $0xffff, v40  }
0xaa: {  	v48 =	vbroadcast v13, $0xF;
	v50, _, _ =	vpop (xrf2);
	v47 =	vsel vm0, v43, v44  }
0xab: {  	v0 =	vadd.f32 v46, v0;
	v51 =	vbroadcast v50, $0xF;
	v1 =	vsel vm1, v47, v45  }
0xac: {  	v52 =	vbroadcast v18, $0xF;
	v1 =	vsel vm2, v1, v48  }
0xad: {  	v53 =	vbroadcast v26, $0xF;
	v1 =	vsel vm3, v1, v51;
	v54, _, _ =	vpop (xrf2);
	(xrf2) =	vadd.scan.msk.f32 $0xffff, v0  }
0xae: {  	v55 =	vsel vm4, v1, v52;
	v56 =	vbroadcast v54, $0xF  }
0xaf: {  	v57 =	vbroadcast v38, $0xF;
	v0 =	vsel vm5, v55, v53  }
0xb0: {  	v58 =	vbroadcast v31, $0xF;
	v59, _, _ =	vpop (xrf2);
	v0 =	vsel vm6, v0, v56  }
0xb1: {  	v60 =	vbroadcast v59, $0xF;
	v0 =	vsel vm7, v0, v57  }
0xb2: {  	v61 =	vbroadcast v22, $0xF;
	v0 =	vsel vm8, v0, v58  }
0xb3: {  	v62 =	vbroadcast v21, $0xF;
	v63, _, _ =	vpop (xrf2);
	v0 =	vsel vm9, v0, v60  }
0xb4: {  	v3 =	vbroadcast v63, $0xF;
	v0 =	vsel vm10, v0, v61  }
0xb5: {  	v4 =	vbroadcast v49, $0xF;
	v0 =	vsel vm11, v0, v62  }
0xb6: {  	v0 =	vsel vm12, v0, v3  }
0xb7: {  	v0 =	vsel vm13, v0, v4;
	v5, _, _ =	vpop (xrf2)  }
0xb8: {  	v0 =	vsel vm14, v0, v5  }
0xb9: {  	v0 =	vsub.f32 $0.0e+00, v0;
	_ =	sdelay $0x1  }
0xba: {  	v0 =	vmul.f32 $1.442695020e+00, v0;
	_ =	sdelay $0x1  }
0xbb: {  	(erf) = vpow2.f32 v0;
	_ =	sdelay $0x8  }
0xbc: {  	v0 =	vpop (erf)  }
0xbd: {  	v0 =	vadd.f32 $1.000000000e+00, v0;
	_ =	sdelay $0x1  }
0xbe: {  	(erf) = vrcp.f32 v0;
	_ =	sdelay $0x8  }
0xbf: {  	s13 =	sshra.s32 s11, $0x2;
	v0 =	vpop (erf)  }
0xc0: {  	s10 =	sadd.s32 $0x800, s10;
	[tilespmem:s13+$0x10000] =	vst v0  }
0xc1: {  	v0 =	vld [tilespmem:s10+$0x330]  }
0xc2: {  	v21 =	vld [tilespmem:s10+$0x370]  }
0xc3: {  	v6 =	vld [tilespmem:s10+$0x380]  }
0xc4: {  	v7 =	vld [tilespmem:s10+$0x3C0]  }
0xc5: {  	v8 =	vld [tilespmem:s10+$0x390]  }
0xc6: {  	v9 =	vld [tilespmem:s10+$0x3D0]  }
0xc7: {  	v26 =	vld [tilespmem:s10+$0x320]  }
0xc8: {  	v29 =	vld [tilespmem:s10+$0x360]  }
0xc9: {  	v33 =	vld [tilespmem:s10+$0x230]  }
0xca: {  	v35 =	vld [tilespmem:s10+$0x270]  }
0xcb: {  	v10 =	vld [tilespmem:s10+$0x2A0]  }
0xcc: {  	v24 =	vld [tilespmem:s10+$0x300]  }
0xcd: {  	v25 =	vld [tilespmem:s10+$0x340]  }
0xce: {  	v30 =	vld [tilespmem:s10+$0x310]  }
0xcf: {  	v47 =	vld [tilespmem:s10+$0x350]  }
0xd0: {  	v22 =	vld [tilespmem:s10+$0x1B0]  }
0xd1: {  	v34 =	vld [tilespmem:s10+$0x1F0]  }
0xd2: {  	v31 =	vld [tilespmem:s10+$0x220]  }
0xd3: {  	v32 =	vld [tilespmem:s10+$0x260]  }
0xd4: {  	v11 =	vld [tilespmem:s10+$0x280]  }
0xd5: {  	v36 =	vld [tilespmem:s10+$0x2C0]  }
0xd6: {  	v37 =	vld [tilespmem:s10+$0x290]  }
0xd7: {  	v38 =	vld [tilespmem:s10+$0x2D0]  }
0xd8: {  	v41 =	vld [tilespmem:s10+$0x1A0]  }
0xd9: {  	v44 =	vld [tilespmem:s10+$0x1E0]  }
0xda: {  	v53 =	vld [tilespmem:s10+$0x200]  }
0xdb: {  	v54 =	vld [tilespmem:s10+$0x240]  }
0xdc: {  	v55 =	vld [tilespmem:s10+$0x210]  }
0xdd: {  	v56 =	vld [tilespmem:s10+$0x250]  }
0xde: {  	v39 =	vld [tilespmem:s10+$0xB0]  }
0xdf: {  	v40 =	vld [tilespmem:s10+$0x120]  }
0xe0: {  	v57 =	vld [tilespmem:s10+$0x180]  }
0xe1: {  	v58 =	vld [tilespmem:s10+$0x1C0]  }
0xe2: {  	v59 =	vld [tilespmem:s10+$0x190]  }
0xe3: {  	v60 =	vld [tilespmem:s10+$0x1D0]  }
0xe4: {  	v42 =	vld [tilespmem:s10+$0x30]  }
0xe5: {  	v51 =	vld [tilespmem:s10+$0xA0]  }
0xe6: {  	v52 =	vld [tilespmem:s10+$0xE0]  }
0xe7: {  	v43 =	vld [tilespmem:s10+$0x100]  }
0xe8: {  	v45 =	vld [tilespmem:s10+$0x140]  }
0xe9: {  	v46 =	vld [tilespmem:s10+$0x110]  }
0xea: {  	v48 =	vld [tilespmem:s10+$0x150]  }
0xeb: {  	v61 =	vld [tilespmem:s10+$0x80]  }
0xec: {  	v62 =	vld [tilespmem:s10+$0xC0]  }
0xed: {  	v63 =	vld [tilespmem:s10+$0x90]  }
0xee: {  	v49 =	vld [tilespmem:s10+$0xFFFFFFA0]  }
0xef: {  	v1 =	vld [tilespmem:s10+$0x0]  }
0xf0: {  	v2 =	vld [tilespmem:s10+$0x40]  }
0xf1: {  	v3 =	vld [tilespmem:s10+$0x10]  }
0xf2: {  	v4 =	vld [tilespmem:s10+$0x50]  }
0xf3: {  	v50 =	vld [tilespmem:s10+$0xFFFFFEB0]  }
0xf4: {  	v5 =	vld [tilespmem:s10+$0xFFFFFF20]  }
0xf5: {  	v23 =	vld [tilespmem:s10+$0xFFFFFFC0]  }
0xf6: {  	v12 =	vld [tilespmem:s10+$0xFFFFFF50]  }
0xf7: {  	v13 =	vld [tilespmem:s10+$0xFFFFFDB0]  }
0xf8: {  	v19 =	vld [tilespmem:s10+$0xFFFFFE20]  }
0xf9: {  	v14 =	vld [tilespmem:s10+$0xFFFFFEC0]  }
0xfa: {  	v15 =	vld [tilespmem:s10+$0xFFFFFE90]  }
0xfb: {  	v16 =	vld [tilespmem:s10+$0xFFFFFED0]  }
0xfc: {  	v27 =	vld [tilespmem:s10+$0xFFFFFD30]  }
0xfd: {  	v28 =	vld [tilespmem:s10+$0xFFFFFD70]  }
0xfe: {  	v17 =	vld [tilespmem:s10+$0xFFFFFDA0]  }
0xff: {  	v18 =	vld [tilespmem:s10+$0xFFFFFDE0]  }
0x100: {  	[tilespmem:$0x1FE50] =	vst v39;
	v39 =	vld [tilespmem:s10+$0xF0]  }
0x101: {  	[tilespmem:$0x1FF10] =	vst v38;
	v38 =	vld [tilespmem:s10+$0x70]  }
0x102: {  	[tilespmem:$0x1FF60] =	vst v48;
	v48 =	vld [tilespmem:s10+$0x20]  }
0x103: {  	[tilespmem:$0x1FEF0] =	vst v36;
	v36 =	vld [tilespmem:s10+$0x60]  }
0x104: {  	[tilespmem:$0x1FE40] =	vst v0;
	v0 =	vld [tilespmem:s10+$0xD0]  }
0x105: {  	[tilespmem:$0x1FF00] =	vst v37;
	v37 =	vld [tilespmem:s10+$0xFFFFFF30]  }
0x106: {  	[tilespmem:$0x1FF40] =	vst v45;
	v45 =	vld [tilespmem:s10+$0xFFFFFF70]  }
0x107: {  	[tilespmem:$0x1FF20] =	vst v40;
	v40 =	vld [tilespmem:s10+$0xFFFFFEF0]  }
0x108: {  	[tilespmem:$0x1FE90] =	vst v6;
	v6 =	vld [tilespmem:s10+$0xFFFFFF60]  }
0x109: {  	[tilespmem:$0x1FF70] =	vst v49;
	v49 =	vld [tilespmem:s10+$0xFFFFFF80]  }
0x10a: {  	[tilespmem:$0x1FF30] =	vst v43;
	v43 =	vld [tilespmem:s10+$0xFFFFFF90]  }
0x10b: {  	[tilespmem:$0x1FE60] =	vst v42;
	v42 =	vld [tilespmem:s10+$0xFFFFFFD0]  }
0x10c: {  	[tilespmem:$0x1FEA0] =	vst v7;
	v7 =	vld [tilespmem:s10+$0xFFFFFEA0]  }
0x10d: {  	[tilespmem:$0x1FEB0] =	vst v8;
	v8 =	vld [tilespmem:s10+$0xFFFFFEE0]  }
0x10e: {  	[tilespmem:$0x1FEC0] =	vst v9;
	v9 =	vld [tilespmem:s10+$0xFFFFFF00]  }
0x10f: {  	[tilespmem:$0x1FED0] =	vst v10;
	v10 =	vld [tilespmem:s10+$0xFFFFFF40]  }
0x110: {  	[tilespmem:$0x1FEE0] =	vst v11;
	v11 =	vld [tilespmem:s10+$0xFFFFFF10]  }
0x111: {  	[tilespmem:$0x1FF50] =	vst v46;
	v46 =	vld [tilespmem:s10+$0xFFFFFDF0]  }
0x112: {  	[tilespmem:$0x1FE80] =	vst v13;
	v13 =	vld [tilespmem:s10+$0xFFFFFE80]  }
0x113: {  	[tilespmem:$0x1FE70] =	vst v50;
	v50 =	vld [tilespmem:s10+$0xFFFFFE00]  }
0x114: {  	v20 =	vmul.f32 v25, v24;
	v24 =	vld [tilespmem:s10+$0xFFFFFE40]  }
0x115: {  	v30 =	vmul.f32 v47, v30;
	v25 =	vld [tilespmem:s10+$0xFFFFFE10]  }
0x116: {  	v47 =	vmul.f32 v54, v53;
	v53 =	vmul.f32 v32, v31;
	v31 =	vld [tilespmem:s10+$0xFFFFFD20]  }
0x117: {  	v32 =	vld [tilespmem:s10+$0xFFFFFD60]  }
0x118: {  	v58 =	vmul.f32 v58, v57;
	v57 =	vmul.f32 v60, v59;
	v60 =	vld [tilespmem:s10+$0xFFFFFDD0]  }
0x119: {  	v22 =	vmul.f32 v34, v22;
	v34 =	vld [tilespmem:s10+$0xFFFFFC60];
	v20 =	vadd.f32 v30, v20;
	v30 =	vmul.f32 v29, v26  }
0x11a: {  	v41 =	vmul.f32 v44, v41;
	v44 =	vld [tilespmem:s10+$0xFFFFFD40]  }
0x11b: {  	v20 =	vadd.f32 v30, v20;
	v30 =	vld [tilespmem:$0x1FE40]  }
0x11c: {  	v59 =	vmul.f32 v62, v61;
	v61 =	vmul.f32 v52, v51;
	v52 =	vld [tilespmem:s10+$0xFFFFFD50]  }
0x11d: {  	v51 =	vld [tilespmem:$0x1FE60];
	v58 =	vadd.f32 v57, v58  }
0x11e: {  	v56 =	vmul.f32 v56, v55;
	v26 =	vld [tilespmem:s10+$0xFFFFFE50]  }
0x11f: {  	v33 =	vmul.f32 v35, v33;
	v29 =	vld [tilespmem:s10+$0xFFFFFC30];
	v35 =	vadd.f32 v41, v58  }
0x120: {  	v47 =	vadd.f32 v56, v47;
	v41 =	vld [tilespmem:s10+$0xFFFFFC90];
	v21 =	vmul.f32 v21, v30  }
0x121: {  	v0 =	vmul.f32 v0, v63;
	v57 =	vmul.f32 v45, v37;
	v37 =	vld [tilespmem:s10+$0xFFFFFC10];
	v63 =	vadd.f32 v22, v35  }
0x122: {  	v35 =	vld [tilespmem:$0x1FE50];
	v20 =	vadd.f32 v21, v20;
	v21 =	vadd.f32 v53, v47  }
0x123: {  	v1 =	vmul.f32 v2, v1;
	v22 =	vld [tilespmem:s10+$0xFFFFFD00]  }
0x124: {  	v62 =	vmul.f32 v4, v3;
	v2 =	vmul.f32 v38, v51;
	v38 =	vld [tilespmem:s10+$0xFFFFFC80];
	v21 =	vadd.f32 v33, v21  }
0x125: {  	v47 =	vld [tilespmem:s10+$0xFFFFFD80];
	(xrf2) =	vadd.scan.msk.f32 $0xffff, v20  }
0x126: {  	v1 =	vadd.f32 v62, v1;
	v9 =	vmul.f32 v10, v9;
	v62 =	vmul.f32 v12, v11;
	v20 =	vld [tilespmem:s10+$0xFFFFFDC0];
	(xrf2) =	vadd.scan.msk.f32 $0xffff, v21  }
0x127: {  	v0 =	vadd.f32 v0, v59;
	(xrf2) =	vadd.scan.msk.f32 $0xffff, v63;
	v63 =	vld [tilespmem:s10+$0xFFFFFD10]  }
0x128: {  	v55 =	vmul.f32 v16, v15;
	v9 =	vadd.f32 v62, v9;
	v62 =	vmul.f32 v18, v17;
	v53 =	vld [tilespmem:s10+$0xFFFFFD90]  }
0x129: {  	v17 =	vmovc v43;
	v43 =	vld [tilespmem:s10+$0xFFFFFCD0];
	v0 =	vadd.f32 v61, v0;
	v4 =	vmul.f32 v39, v35;
	v39 =	vmul.f32 v36, v48  }
0x12a: {  	v5 =	vmul.f32 v6, v5;
	v54 =	vmul.f32 v14, v13;
	v61 =	vld [tilespmem:$0x1FE70]  }
0x12b: {  	v58 =	vmul.f32 v8, v7;
	v30 =	vld [tilespmem:s10+$0xFFFFFC70];
	v0 =	vadd.f32 v4, v0;
	v1 =	vadd.f32 v39, v1  }
0x12c: {  	p0 =	sne.s32 s12, $0x7C0;
	v56 =	vadd.f32 v5, v9;
	v59 =	vmul.f32 v20, v47;
	v47 =	vmul.f32 v52, v63;
	v63 =	vld [tilespmem:$0x1FE80]  }
.Ltmp0:
0x12d: {  	v35 =	vld [tilespmem:s10+$0xFFFFFC40];
	v1 =	vadd.f32 v2, v1;
	v60 =	vmul.f32 v60, v53;
	(xrf2) =	vadd.scan.msk.f32 $0xffff, v0;
	v0 =	vadd.f32 v55, v54;
	(pc) =	sbr.rel @p0 .LBB2_2-.Ltmp0, $4  }
0x12e: {  	v15 =	vmov v49;
	v36 =	vld [tilespmem:s10+$0xFFFFFC00];
	v2 =	vadd.f32 v57, v56  }
0x12f: {  	v33 =	vld [tilespmem:s10+$0xFFFFFC20];
	v5 =	vmul.f32 v40, v61;
	v0 =	vadd.f32 v58, v0;
	v49, _, _ =	vpop (xrf2);
	(xrf2) =	vadd.scan.msk.f32 $0xffff, v1;
	v1 =	vadd.f32 v60, v59  }
0x130: {  	v16 =	vmov v23;
	v18 =	vmov v42;
	v44 =	vmul.f32 v44, v22;
	v39 =	vld [tilespmem:s10+$0xFFFFFC50];
	v21, _, _ =	vpop (xrf2)  }
0x131: {  	s11 =	smov.u32 s12;
	s12 =	sadd.s32 $0x40, s12;
	v40 =	vld [tilespmem:s10+$0xFFFFFCC0];
	v42 =	vadd.f32 v5, v0;
	(xrf2) =	vadd.scan.msk.f32 $0xffff, v2;
	v45 =	vadd.f32 v62, v1;
	v22, _, _ =	vpop (xrf2);
	v46 =	vmul.f32 v46, v63  }
0x132: {  	v0 =	vld [tilespmem:s10+$0xFFFFFCA0]  }
0x133: {  	v1 =	vld [tilespmem:s10+$0xFFFFFCE0]  }
0x134: {  	v4 =	vld [tilespmem:s10+$0xFFFFFCB0]  }
0x135: {  	v8 =	vld [tilespmem:s10+$0xFFFFFCF0]  }
0x136: {  	v10 =	vld [tilespmem:s10+$0xFFFFFE60]  }
0x137: {  	v12 =	vld [tilespmem:s10+$0xFFFFFE30]  }
0x138: {  	v14 =	vld [tilespmem:s10+$0xFFFFFFE0]  }
0x139: {  	v2 =	vadd.f32 v47, v44;
	v44 =	vld [tilespmem:s10+$0xFFFFFFB0]  }
0x13a: {  	v52 =	vld [tilespmem:s10+$0x130]  }
0x13b: {  	v53 =	vld [tilespmem:$0x1FF70]  }
0x13c: {  	v54 =	vld [tilespmem:s10+$0x170]  }
0x13d: {  	v56 =	vld [tilespmem:$0x1FF30]  }
0x13e: {  	v57 =	vld [tilespmem:$0x1FF40]  }
0x13f: {  	v58 =	vld [tilespmem:$0x1FF50]  }
0x140: {  	v59 =	vld [tilespmem:$0x1FF60]  }
0x141: {  	v60 =	vld [tilespmem:s10+$0x2E0]  }
0x142: {  	v3 =	vmul.f32 v32, v31;
	v9 =	vmul.f32 v43, v41;
	v62 =	vld [tilespmem:s10+$0x2B0]  }
0x143: {  	v11 =	vmul.f32 v28, v27;
	v48 =	vmul.f32 v18, v17;
	v17 =	vld [tilespmem:$0x1FF20]  }
0x144: {  	v18 =	vld [tilespmem:s10+$0x2F0];
	v5 =	vmul.f32 v35, v36;
	v6 =	vmul.f32 v39, v37  }
0x145: {  	v13 =	vmul.f32 v30, v29;
	v20 =	vld [tilespmem:$0x1FEE0];
	v37 =	vmul.f32 v40, v38  }
0x146: {  	v41 =	vmul.f32 v26, v25;
	v23 =	vld [tilespmem:$0x1FEF0];
	v38 =	vmul.f32 v34, v33;
	v5 =	vadd.f32 v6, v5  }
0x147: {  	v2 =	vadd.f32 v3, v2;
	v39 =	vld [tilespmem:s10+$0xFFFFFE70];
	v0 =	vmul.f32 v1, v0;
	v3 =	vadd.f32 v9, v37  }
0x148: {  	v25 =	vld [tilespmem:$0x1FF10];
	v7 =	vadd.f32 v46, v45;
	v40 =	vmul.f32 v24, v50;
	v5 =	vadd.f32 v38, v5  }
0x149: {  	v31 =	vld [tilespmem:$0x1FED0];
	(xrf2) =	vadd.scan.msk.f32 $0xffff, v42;
	v2 =	vadd.f32 v11, v2;
	v43 =	vmul.f32 v8, v4;
	v0 =	vadd.f32 v0, v3  }
0x14a: {  	v46 =	vld [tilespmem:s10+$0xFFFFFFF0];
	(xrf2) =	vadd.scan.msk.f32 $0xffff, v7;
	v45 =	vmul.f32 v10, v19;
	v6 =	vadd.f32 v41, v40;
	v5 =	vadd.f32 v13, v5  }
0x14b: {  	v47 =	vmul.f32 v16, v15;
	v50 =	vld [tilespmem:s10+$0x160];
	(xrf2) =	vadd.scan.msk.f32 $0xffff, v2;
	v0 =	vadd.f32 v43, v0  }
0x14c: {  	v24 =	vld [tilespmem:$0x1FF00];
	v51 =	vadd.f32 v45, v6;
	v1 =	vmul.f32 v39, v12;
	(xrf2) =	vadd.scan.msk.f32 $0xffff, v5  }
0x14d: {  	v35 =	vld [tilespmem:$0x1FEA0];
	v2 =	vadd.f32 v48, v47;
	v3 =	vmul.f32 v14, v53;
	(xrf2) =	vadd.scan.msk.f32 $0xffff, v0  }
0x14e: {  	v34 =	vld [tilespmem:$0x1FE90];
	v55 =	vadd.f32 v1, v51;
	v1 =	vmul.f32 v57, v56;
	v5 =	vmul.f32 v59, v58  }
0x14f: {  	v61 =	vmul.f32 v46, v44;
	v38 =	vld [tilespmem:$0x1FEB0];
	v2 =	vadd.f32 v3, v2  }
0x150: {  	v63, _, _ =	vpop (xrf2);
	v39 =	vld [tilespmem:$0x1FEC0];
	v1 =	vadd.f32 v5, v1;
	v5 =	vmul.f32 v50, v17;
	(xrf2) =	vadd.scan.msk.f32 $0xffff, v55  }
0x151: {  	v26 =	vld [tilespmem:s10+$0x3A0];
	v19, _, _ =	vpop (xrf2);
	v11 =	vmul.f32 v25, v24;
	v3 =	vmul.f32 v23, v20;
	v2 =	vadd.f32 v61, v2  }
0x152: {  	v29 =	vld [tilespmem:s10+$0x3E0];
	v28 =	vmul.f32 v54, v52;
	v27, _, _ =	vpop (xrf2);
	v1 =	vadd.f32 v5, v1  }
0x153: {  	v32 =	vld [tilespmem:s10+$0x3B0];
	v10 =	vmul.f32 v60, v31;
	v30, _, _ =	vpop (xrf2);
	v3 =	vadd.f32 v11, v3;
	(xrf2) =	vadd.scan.msk.f32 $0xffff, v2  }
0x154: {  	v36 =	vld [tilespmem:s10+$0x3F0];
	v4 =	vmul.f32 v18, v62;
	v33, _, _ =	vpop (xrf2);
	v1 =	vadd.f32 v28, v1  }
0x155: {  	v9 =	vmul.f32 v39, v38;
	v3 =	vadd.f32 v10, v3;
	v5 =	vmul.f32 v35, v34;
	v37, _, _ =	vpop (xrf2)  }
0x156: {  	(xrf2) =	vadd.scan.msk.f32 $0xffff, v1;
	v40, _, _ =	vpop (xrf2)  }
0x157: {  	v43 =	vmul.f32 v29, v26;
	v41 =	vadd.f32 v4, v3;
	v42 =	vadd.f32 v9, v5;
	v44, _, _ =	vpop (xrf2)  }
0x158: {  	v45 =	vbroadcast v40, $0xF;
	v5 =	vbroadcast v44, $0xF  }
0x159: {  	v47 =	vmul.f32 v36, v32;
	v46 =	vbroadcast v37, $0xF;
	v3 =	vadd.f32 v43, v42;
	(xrf2) =	vadd.scan.msk.f32 $0xffff, v41  }
0x15a: {  	v2 =	vbroadcast v33, $0xF;
	v50, _, _ =	vpop (xrf2);
	v48 =	vsel vm0, v45, v5  }
0x15b: {  	v3 =	vadd.f32 v47, v3;
	v5 =	vbroadcast v50, $0xF;
	v1 =	vsel vm1, v48, v46  }
0x15c: {  	v51 =	vbroadcast v30, $0xF;
	v1 =	vsel vm2, v1, v2  }
0x15d: {  	v52 =	vbroadcast v27, $0xF;
	(xrf2) =	vadd.scan.msk.f32 $0xffff, v3;
	v53, _, _ =	vpop (xrf2);
	v1 =	vsel vm3, v1, v5  }
0x15e: {  	v54 =	vbroadcast v53, $0xF;
	v1 =	vsel vm4, v1, v51  }
0x15f: {  	v0 =	vbroadcast v19, $0xF;
	v1 =	vsel vm5, v1, v52  }
0x160: {  	v55 =	vbroadcast v63, $0xF;
	v56, _, _ =	vpop (xrf2);
	v1 =	vsel vm6, v1, v54  }
0x161: {  	v57 =	vbroadcast v56, $0xF;
	v0 =	vsel vm7, v1, v0  }
0x162: {  	v58 =	vbroadcast v22, $0xF;
	v0 =	vsel vm8, v0, v55  }
0x163: {  	v59 =	vbroadcast v21, $0xF;
	v60, _, _ =	vpop (xrf2);
	v0 =	vsel vm9, v0, v57  }
0x164: {  	v61 =	vbroadcast v60, $0xF;
	v0 =	vsel vm10, v0, v58  }
0x165: {  	v62 =	vbroadcast v49, $0xF;
	v0 =	vsel vm11, v0, v59  }
0x166: {  	v0 =	vsel vm12, v0, v61  }
0x167: {  	v63, _, _ =	vpop (xrf2);
	v0 =	vsel vm13, v0, v62  }
0x168: {  	v0 =	vsel vm14, v0, v63  }
0x169: {  	v0 =	vsub.f32 $0.0e+00, v0;
	_ =	sdelay $0x1  }
0x16a: {  	v0 =	vmul.f32 $1.442695020e+00, v0;
	_ =	sdelay $0x1  }
0x16b: {  	(erf) = vpow2.f32 v0;
	_ =	sdelay $0x8  }
0x16c: {  	v0 =	vpop (erf)  }
0x16d: {  	v0 =	vadd.f32 $1.000000000e+00, v0;
	_ =	sdelay $0x1  }
0x16e: {  	(erf) = vrcp.f32 v0;
	_ =	sdelay $0x7  }
0x16f: {  	s9 =	sadd.s32 $0x1, s9  }
0x170: {  	s31 =	sshra.s32 s11, $0x2;
	p0 =	sne.s32 s9, s5;
	v0 =	vpop (erf)  }
.Ltmp1:
0x171: {  	[tilespmem:s31+$0x10000] =	vst v0;
	(pc) =	sbr.rel @p0 .LBB2_1-.Ltmp1, $4  }
0x172: {  	[hbm4b:s4+s2] =	stream.linear.scatter [tilespmem:s7], [sflag:$0x2], $0x200, $0x38;
	[tilespmem:$0x10200] =	vst v63  }
0x173: {  	_ =	swait.ge [sflag:s8], $0x200  }
0x174: {  	[sflag:s8] =	ssyncset.done $0x0  }
0x175: {  	[sflag:s8] =	ssyncadd.s32 $0xFFFFFE00  }
0x176: {  	_ =	sfence.sel $0x180000  }
0x177: {  	[bflag:$0x0] =	sbarrier.arrive $0xFFFF  }
0x178: {  	p0 =	sne.s32 s0, $0x0;
	_ =	strace $0x9000004A  }
0x179: {  	s0 =	sadd.s32 @!p0 $0x100000, s1;
	[bflag:$0x2] =	sbarrier.arrive $0xFFFF  }
0x17a: {  	[sflag:s0] =	ssyncadd.tile.s32 @!p0 $0x1;
	_ =	shalt  }
.Lfunc_end2:
_tile_overlayer_lowered:
.L_overlay_start_2:
0x17b: {  	(tag) =	ssettag $0x2  }
0x17c: {  	s0 =	rddreg [dreg:$0x0];
	s2 =	stileid.u32  }
0x17d: {  	s1 =	rddreg [dreg:$0x1];
	p0 =	sne.s32 s2, $0x0  }
0x17e: {  	s3 =	rddreg [dreg:$0x2];
	[bflag:$0x3] =	sbarrier.arrive $0xFFFF;
	s2 =	simm.s32 @!p0 $0x1C02  }
0x17f: {  	[timem:s3], [sflag:s2] =	dma.local @!p0 [hbm:s0], s1  }
0x180: {  	s0 =	simm.s32 @!p0 $0x2  }
0x181: {  	_ =	swait.ge @!p0 [sflag:s0], s1  }
0x182: {  	s1 =	ssub.s32 @!p0 $0x0, s1;
	[sflag:s0] =	ssyncset.done @!p0 $0x0  }
0x183: {  	[sflag:s0] =	ssyncadd.s32 @!p0 s1  }
0x184: {  	[bflag:$0x3] =	sbarrier.arrive $0xFFFF  }
0x185: {  	_ =	shalt  }

</sc_bundles>
